<compile_context>
chip_gen: v7x
topology: tpu7x:2x2x1
jax: 0.10.2.dev20260603
libtpu: 0.0.44.dev20260713+nightly
codegen_flags: <defaults>
</compile_context>

<pallas_src>
import functools

import jax
import jax.numpy as jnp
from jax import lax
from jax.experimental import pallas as pl
from jax.experimental.pallas import tpu as pltpu
from jax.experimental.pallas import tpu_sc as plsc

N = 10000
NP = 10240
E = 320000
D = 128

NC = 2
NS = 16
NW = NC * NS
ECH = E // NW
B = 100
NB = ECH // B
ROWS_S = NP // NS

_mesh = plsc.VectorSubcoreMesh(core_axis_name="c", subcore_axis_name="s")
_sc_params = pltpu.CompilerParams(needs_layout_passes=False)



@functools.partial(
    pl.kernel,
    out_type=jax.ShapeDtypeStruct((NW, NP), jnp.float32),
    mesh=_mesh,
    scratch_types=[
        pltpu.VMEM((NP,), jnp.float32),
        pltpu.VMEM((ECH,), jnp.int32),
        pltpu.VMEM((ECH,), jnp.float32),
    ],
    compiler_params=_sc_params,
)
def _sc_deg(col_hbm, ew_hbm, z_hbm, out_hbm, deg_v, col_v, ew_v):
    c = lax.axis_index("c")
    s = lax.axis_index("s")
    w = c * NS + s
    pltpu.sync_copy(z_hbm, deg_v)
    pltpu.sync_copy(col_hbm.at[w], col_v)
    pltpu.sync_copy(ew_hbm.at[w], ew_v)

    @pl.loop(0, ECH, step=16)
    def _(i):
        plsc.addupdate_scatter(deg_v, [col_v[pl.ds(i, 16)]], ew_v[pl.ds(i, 16)])

    pltpu.sync_copy(deg_v, out_hbm.at[w])


@functools.partial(
    pl.kernel,
    out_type=jax.ShapeDtypeStruct((NC, NP, D), jnp.float32),
    mesh=_mesh,
    scratch_types=[
        pltpu.VMEM((NB, B), jnp.int32),
        pltpu.VMEM((1, B), jnp.int32),
        pltpu.VMEM((1, B), jnp.int32),
        pltpu.VMEM((B,), jnp.float32),
        pltpu.VMEM((B,), jnp.float32),
        pltpu.VMEM((B, D), jnp.float32),
        pltpu.VMEM((B, D), jnp.float32),
        pltpu.SemaphoreType.DMA,
        pltpu.SemaphoreType.DMA,
        pltpu.SemaphoreType.DMA,
        pltpu.SemaphoreType.DMA,
        pltpu.SemaphoreType.DMA,
        pltpu.SemaphoreType.DMA,
        pltpu.SemaphoreType.DMA,
        pltpu.SemaphoreType.DMA,
        pltpu.VMEM_SHARED((NP, D), jnp.float32),
    ],
    compiler_params=_sc_params,
)
def _sc_agg(y_hbm, row_hbm, col_hbm, ew_hbm, z_hbm, out_hbm,
            row_v, colb0, colb1, ewb0, ewb1, rows_v0, rows_v1,
            csem0, csem1, esem0, esem1, gsem0, gsem1, ssem0, ssem1, acc_sh):
    c = lax.axis_index("c")
    s = lax.axis_index("s")
    w = c * NS + s
    rows = (rows_v0, rows_v1)
    colb = (colb0, colb1)
    ewb = (ewb0, ewb1)
    csem = (csem0, csem1)
    esem = (esem0, esem1)
    gsem = (gsem0, gsem1)
    ssem = (ssem0, ssem1)
    pltpu.sync_copy(z_hbm.at[pl.ds(s * ROWS_S, ROWS_S)],
                    acc_sh.at[pl.ds(s * ROWS_S, ROWS_S)])
    pltpu.sync_copy(row_hbm.at[w], row_v)
    plsc.subcore_barrier()

    def scale(b):
        @plsc.parallel_loop(0, B, step=1, unroll=2)
        def _(e):
            b16 = plsc.load_gather(ewb[b], [jnp.full((16,), e, jnp.int32)])
            for k in range(D // 16):
                rows[b][e, pl.ds(k * 16, 16)] = (
                    rows[b][e, pl.ds(k * 16, 16)] * b16)

    def body(j, b, nxt=True, drain=True):
        nb = b ^ 1
        if drain:
            pltpu.make_async_copy(rows[nb], acc_sh.at[colb[nb].at[0]],
                                  ssem[nb]).wait()
        if nxt:
            pltpu.async_copy(y_hbm.at[row_v.at[j + 1]], rows[nb], gsem[nb])
            pltpu.async_copy(col_hbm.at[w, pl.ds(j + 1, 1)], colb[nb],
                             csem[nb])
            pltpu.async_copy(ew_hbm.at[w, j + 1], ewb[nb], esem[nb])
        pltpu.make_async_copy(y_hbm.at[row_v.at[j]], rows[b],
                              gsem[b]).wait()
        pltpu.make_async_copy(ew_hbm.at[w, j], ewb[b], esem[b]).wait()
        scale(b)
        pltpu.make_async_copy(col_hbm.at[w, pl.ds(j, 1)], colb[b],
                              csem[b]).wait()
        pltpu.async_copy(rows[b], acc_sh.at[colb[b].at[0]], ssem[b],
                         add=True)

    pltpu.async_copy(y_hbm.at[row_v.at[0]], rows[0], gsem[0])
    pltpu.async_copy(col_hbm.at[w, pl.ds(0, 1)], colb[0], csem[0])
    pltpu.async_copy(ew_hbm.at[w, 0], ewb[0], esem[0])

    body(0, 0, drain=False)
    body(1, 1)

    @pl.loop(2, NB - 2, step=2)
    def _(j):
        body(j, 0)
        body(j + 1, 1)

    body(NB - 2, 0)
    body(NB - 1, 1, nxt=False)
    pltpu.make_async_copy(rows[1], acc_sh.at[colb[1].at[0]], ssem[1]).wait()

    plsc.subcore_barrier()
    pltpu.sync_copy(acc_sh.at[pl.ds(s * ROWS_S, ROWS_S)],
                    out_hbm.at[c, pl.ds(s * ROWS_S, ROWS_S)])



def _tc1_body(degp_ref, x_ref, w1_ref, dis_ref, y1_ref):
    deg = jnp.sum(degp_ref[:, :N], axis=0) + 1.0
    dis = lax.rsqrt(deg)
    dis_ref[...] = dis
    xw = lax.dot_general(x_ref[...], w1_ref[...], (((1,), (1,)), ((), ())),
                         preferred_element_type=jnp.float32)
    y1_ref[...] = dis[:, None] * xw


def _tc2_body(p_ref, y1_ref, dis_ref, b1_ref, a1_ref, w2_ref, y2_ref):
    dis = dis_ref[...]
    hpre = (dis[:, None] * (p_ref[0, :N] + p_ref[1, :N] + y1_ref[...])
            + b1_ref[...][None, :])
    h = jnp.where(hpre >= 0, hpre, a1_ref[...][None, :] * hpre)
    xw = lax.dot_general(h, w2_ref[...], (((1,), (1,)), ((), ())),
                         preferred_element_type=jnp.float32)
    y2_ref[...] = dis[:, None] * xw


def _tc3_body(p_ref, y2_ref, dis_ref, b2_ref, out_ref):
    out_ref[...] = (dis_ref[...][:, None] * (p_ref[0, :N] + p_ref[1, :N] + y2_ref[...])
                    + b2_ref[...][None, :])


def _vmem_specs(n):
    return [pl.BlockSpec(memory_space=pltpu.VMEM) for _ in range(n)]


_tc1 = pl.pallas_call(
    _tc1_body,
    out_shape=(jax.ShapeDtypeStruct((N,), jnp.float32),
               jax.ShapeDtypeStruct((N, D), jnp.float32)),
    in_specs=_vmem_specs(3),
    out_specs=tuple(_vmem_specs(2)),
)

_tc2 = pl.pallas_call(
    _tc2_body,
    out_shape=jax.ShapeDtypeStruct((N, D), jnp.float32),
    in_specs=_vmem_specs(6),
    out_specs=pl.BlockSpec(memory_space=pltpu.VMEM),
)

_tc3 = pl.pallas_call(
    _tc3_body,
    out_shape=jax.ShapeDtypeStruct((N, D), jnp.float32),
    in_specs=_vmem_specs(4),
    out_specs=pl.BlockSpec(memory_space=pltpu.VMEM),
)



def kernel(x, edge_index, edge_weight, W1, b1, a1, W2, b2):
    row = edge_index[0].astype(jnp.int32).reshape(NW, NB, B)
    col = edge_index[1].astype(jnp.int32).reshape(NW, NB, B)
    colf = edge_index[1].astype(jnp.int32).reshape(NW, ECH)
    ewf = edge_weight.astype(jnp.float32).reshape(NW, ECH)
    ew3 = edge_weight.astype(jnp.float32).reshape(NW, NB, B)
    z1 = jnp.zeros((NP,), jnp.float32)
    znd = jnp.zeros((NP, D), jnp.float32)

    degp = _sc_deg(colf, ewf, z1)
    dis, y1 = _tc1(degp, x, W1)
    p1 = _sc_agg(y1, row, col, ew3, znd)
    y2 = _tc2(p1, y1, dis, b1, a1, W2)
    p2 = _sc_agg(y2, row, col, ew3, znd)
    return _tc3(p2, y2, dis, b2)

# --- scband reference (transcript-rebuilt; emitter-appended) ---
"""Pipeline reference for scband-gcn-encoder-7627861917894 (READ-ONLY COPY).

The authoritative reference and input builder live on the scoring server;
editing this copy changes nothing except your own understanding.
"""

import jax, jax.numpy as jnp
import numpy as np

N_NODES = 10000
N_EDGES = 320000
D = 128


def _gcn_layer(x, row, col, ew, W, b, n_nodes):
    # add self loops with weight 1 (PyG GCNConv default add_self_loops=True)
    loop = jnp.arange(n_nodes)
    row_f = jnp.concatenate([row, loop])
    col_f = jnp.concatenate([col, loop])
    ew_f = jnp.concatenate([ew, jnp.ones((n_nodes,), dtype=x.dtype)])
    # symmetric gcn_norm: deg computed at target (col)
    deg = jnp.zeros((n_nodes,), dtype=x.dtype).at[col_f].add(ew_f)
    dis = jnp.where(deg > 0, deg ** -0.5, 0.0)
    norm = dis[row_f] * ew_f * dis[col_f]
    # linear transform then propagate (scatter-add to target nodes)
    xw = x @ W.T
    msg = norm[:, None] * xw[row_f]
    out = jnp.zeros((n_nodes, W.shape[0]), dtype=x.dtype).at[col_f].add(msg)
    return out + b


def _prelu(x, a):
    return jnp.where(x >= 0, x, a * x)


def setup_inputs(seed: int = 0) -> dict:
    key = jax.random.key(seed)
    k = jax.random.split(key, 8)
    x = jax.random.normal(k[0], (N_NODES, D), dtype=jnp.float32)
    edge_index = jax.random.randint(k[1], (2, N_EDGES), 0, N_NODES, dtype=jnp.int64)
    edge_weight = jax.random.uniform(k[2], (N_EDGES,), dtype=jnp.float32)
    s1 = 1.0 / np.sqrt(D)
    W1 = jax.random.uniform(k[3], (D, D), dtype=jnp.float32, minval=-s1, maxval=s1)
    b1 = jnp.zeros((D,), dtype=jnp.float32)
    a1 = jnp.full((D,), 0.25, dtype=jnp.float32)  # PReLU per-channel slope
    W2 = jax.random.uniform(k[4], (D, D), dtype=jnp.float32, minval=-s1, maxval=s1)
    b2 = jnp.zeros((D,), dtype=jnp.float32)
    return {"x": x, "edge_index": edge_index, "edge_weight": edge_weight,
            "W1": W1, "b1": b1, "a1": a1, "W2": W2, "b2": b2}


def reference(x, edge_index, edge_weight, W1, b1, a1, W2, b2):
    row, col = edge_index[0], edge_index[1]
    h = _gcn_layer(x, row, col, edge_weight, W1, b1, N_NODES)
    h = _prelu(h, a1)
    out = _gcn_layer(h, row, col, edge_weight, W2, b2, N_NODES)
    return out

if __name__ == "__main__":
    import jax
    _d = setup_inputs()
    print(jax.jit(kernel)(*tuple(_d.values())))

</pallas_src>

<mosaic_0001>
#map = affine_map<(d0, d1) -> (0, 0)>
#map1 = affine_map<(d0, d1) -> (0)>
module attributes {stable_mosaic.version = 14 : i64} {
  func.func @_sc_deg(%arg0: i32, %arg1: i32, %arg2: memref<32x10000xi32, #tpu.memory_space<hbm>>, %arg3: memref<32x10000xf32, #tpu.memory_space<hbm>>, %arg4: memref<10240xf32, #tpu.memory_space<hbm>>, %arg5: memref<32x10240xf32, #tpu.memory_space<hbm>>, %arg6: memref<10240xf32, #tpu.memory_space<vmem>>, %arg7: memref<10000xi32, #tpu.memory_space<vmem>>, %arg8: memref<10000xf32, #tpu.memory_space<vmem>>) attributes {dimension_semantics = [#tpu.dimension_semantics<core_parallel>, #tpu.dimension_semantics<subcore_parallel>], iteration_bounds = array<i64: 2, 16>, scalar_prefetch = 0 : i64, scratch_operands = 3 : i64, tpu.core_type = #tpu.core_type<sc_vector_subcore>, window_params = [{transform_indices = #map}, {transform_indices = #map}, {transform_indices = #map1}, {transform_indices = #map}]} {
    %mul3A = arith.constant 16 : i32
    %mul3A_0 = arith.muli %arg0, %mul3A : i32
    %add3A = arith.addi %mul3A_0, %arg1 : i32
    "tpu.region"() ({
      %run_scoped3A = tpu.sem_alloc : memref<!tpu.dma_semaphore, #tpu.memory_space<semaphore_mem>>
      tpu.enqueue_dma source(%arg4 : memref<10240xf32, #tpu.memory_space<hbm>>) target(%arg6 : memref<10240xf32, #tpu.memory_space<vmem>>) target_semaphore(%run_scoped3A : memref<!tpu.dma_semaphore, #tpu.memory_space<semaphore_mem>>)
      tpu.wait_dma2 semaphore(%run_scoped3A : memref<!tpu.dma_semaphore, #tpu.memory_space<semaphore_mem>>) src(%arg4 : memref<10240xf32, #tpu.memory_space<hbm>>) dst(%arg6 : memref<10240xf32, #tpu.memory_space<vmem>>)
      tpu.yield
    }) : () -> ()
    "tpu.region"() ({
      %run_scoped3A = tpu.sem_alloc : memref<!tpu.dma_semaphore, #tpu.memory_space<semaphore_mem>>
      %dma_start3A = arith.constant 0 : i32
      %dma_start3A_5 = tpu.memref_slice %arg2[%add3A, %dma_start3A] : memref<32x10000xi32, #tpu.memory_space<hbm>> -> memref<1x10000xi32, #tpu.memory_space<hbm>>
      %dma_start3A_6 = tpu.memref_squeeze %dma_start3A_5 : memref<1x10000xi32, #tpu.memory_space<hbm>> -> memref<10000xi32, #tpu.memory_space<hbm>>
      %dma_start3A_7 = arith.constant 0 : i32
      %dma_start3A_8 = tpu.memref_slice %arg2[%add3A, %dma_start3A_7] : memref<32x10000xi32, #tpu.memory_space<hbm>> -> memref<1x10000xi32, #tpu.memory_space<hbm>>
      %dma_start3A_9 = tpu.memref_squeeze %dma_start3A_8 : memref<1x10000xi32, #tpu.memory_space<hbm>> -> memref<10000xi32, #tpu.memory_space<hbm>>
      tpu.enqueue_dma source(%dma_start3A_9 : memref<10000xi32, #tpu.memory_space<hbm>>) target(%arg7 : memref<10000xi32, #tpu.memory_space<vmem>>) target_semaphore(%run_scoped3A : memref<!tpu.dma_semaphore, #tpu.memory_space<semaphore_mem>>)
      %dma_wait3A = arith.constant 0 : i32
      %dma_wait3A_10 = tpu.memref_slice %arg2[%add3A, %dma_wait3A] : memref<32x10000xi32, #tpu.memory_space<hbm>> -> memref<1x10000xi32, #tpu.memory_space<hbm>>
      %dma_wait3A_11 = tpu.memref_squeeze %dma_wait3A_10 : memref<1x10000xi32, #tpu.memory_space<hbm>> -> memref<10000xi32, #tpu.memory_space<hbm>>
      %dma_wait3A_12 = arith.constant 0 : i32
      %dma_wait3A_13 = tpu.memref_slice %arg2[%add3A, %dma_wait3A_12] : memref<32x10000xi32, #tpu.memory_space<hbm>> -> memref<1x10000xi32, #tpu.memory_space<hbm>>
      %dma_wait3A_14 = tpu.memref_squeeze %dma_wait3A_13 : memref<1x10000xi32, #tpu.memory_space<hbm>> -> memref<10000xi32, #tpu.memory_space<hbm>>
      tpu.wait_dma2 semaphore(%run_scoped3A : memref<!tpu.dma_semaphore, #tpu.memory_space<semaphore_mem>>) src(%dma_wait3A_14 : memref<10000xi32, #tpu.memory_space<hbm>>) dst(%arg7 : memref<10000xi32, #tpu.memory_space<vmem>>)
      tpu.yield
    }) : () -> ()
    "tpu.region"() ({
      %run_scoped3A = tpu.sem_alloc : memref<!tpu.dma_semaphore, #tpu.memory_space<semaphore_mem>>
      %dma_start3A = arith.constant 0 : i32
      %dma_start3A_5 = tpu.memref_slice %arg3[%add3A, %dma_start3A] : memref<32x10000xf32, #tpu.memory_space<hbm>> -> memref<1x10000xf32, #tpu.memory_space<hbm>>
      %dma_start3A_6 = tpu.memref_squeeze %dma_start3A_5 : memref<1x10000xf32, #tpu.memory_space<hbm>> -> memref<10000xf32, #tpu.memory_space<hbm>>
      %dma_start3A_7 = arith.constant 0 : i32
      %dma_start3A_8 = tpu.memref_slice %arg3[%add3A, %dma_start3A_7] : memref<32x10000xf32, #tpu.memory_space<hbm>> -> memref<1x10000xf32, #tpu.memory_space<hbm>>
      %dma_start3A_9 = tpu.memref_squeeze %dma_start3A_8 : memref<1x10000xf32, #tpu.memory_space<hbm>> -> memref<10000xf32, #tpu.memory_space<hbm>>
      tpu.enqueue_dma source(%dma_start3A_9 : memref<10000xf32, #tpu.memory_space<hbm>>) target(%arg8 : memref<10000xf32, #tpu.memory_space<vmem>>) target_semaphore(%run_scoped3A : memref<!tpu.dma_semaphore, #tpu.memory_space<semaphore_mem>>)
      %dma_wait3A = arith.constant 0 : i32
      %dma_wait3A_10 = tpu.memref_slice %arg3[%add3A, %dma_wait3A] : memref<32x10000xf32, #tpu.memory_space<hbm>> -> memref<1x10000xf32, #tpu.memory_space<hbm>>
      %dma_wait3A_11 = tpu.memref_squeeze %dma_wait3A_10 : memref<1x10000xf32, #tpu.memory_space<hbm>> -> memref<10000xf32, #tpu.memory_space<hbm>>
      %dma_wait3A_12 = arith.constant 0 : i32
      %dma_wait3A_13 = tpu.memref_slice %arg3[%add3A, %dma_wait3A_12] : memref<32x10000xf32, #tpu.memory_space<hbm>> -> memref<1x10000xf32, #tpu.memory_space<hbm>>
      %dma_wait3A_14 = tpu.memref_squeeze %dma_wait3A_13 : memref<1x10000xf32, #tpu.memory_space<hbm>> -> memref<10000xf32, #tpu.memory_space<hbm>>
      tpu.wait_dma2 semaphore(%run_scoped3A : memref<!tpu.dma_semaphore, #tpu.memory_space<semaphore_mem>>) src(%dma_wait3A_14 : memref<10000xf32, #tpu.memory_space<hbm>>) dst(%arg8 : memref<10000xf32, #tpu.memory_space<vmem>>)
      tpu.yield
    }) : () -> ()
    %scan3A = arith.constant 0 : i32
    %scan3A_1 = arith.constant 625 : i32
    %scan3A_2 = arith.addi %scan3A, %scan3A_1 : i32
    %scan3A_3 = arith.constant 1 : i32
    scf.for %scan3A_5 = %scan3A to %scan3A_2 step %scan3A_3  : i32 {
      %mul3A_6 = arith.constant 16 : i32
      %mul3A_7 = arith.muli %scan3A_5, %mul3A_6 : i32
      %add3A_8 = arith.constant 0 : i32
      %add3A_9 = arith.addi %add3A_8, %mul3A_7 : i32
      %get3A = arith.index_cast %add3A_9 : i32 to index
      %get3A_10 = tpu.vector_load %arg7[%get3A] {strides = array<i32>} : memref<10000xi32, #tpu.memory_space<vmem>>, vector<16xi32>,
      %get3A_11 = arith.index_cast %add3A_9 : i32 to index
      %get3A_12 = tpu.vector_load %arg8[%get3A_11] {strides = array<i32>} : memref<10000xf32, #tpu.memory_space<vmem>>, vector<16xf32>,
      tpu.vector_store_idx %arg6[%get3A_10], %get3A_12 {add = true} : memref<10240xf32, #tpu.memory_space<vmem>>[vector<16xi32>], vector<16xf32>,
    }
    %scan3A_4 = arith.constant 625 : i32
    "tpu.region"() ({
      %run_scoped3A = tpu.sem_alloc : memref<!tpu.dma_semaphore, #tpu.memory_space<semaphore_mem>>
      %dma_start3A = arith.constant 0 : i32
      %dma_start3A_5 = tpu.memref_slice %arg5[%add3A, %dma_start3A] : memref<32x10240xf32, #tpu.memory_space<hbm>> -> memref<1x10240xf32, #tpu.memory_space<hbm>>
      %dma_start3A_6 = tpu.memref_squeeze %dma_start3A_5 : memref<1x10240xf32, #tpu.memory_space<hbm>> -> memref<10240xf32, #tpu.memory_space<hbm>>
      %dma_start3A_7 = arith.constant 0 : i32
      %dma_start3A_8 = tpu.memref_slice %arg5[%add3A, %dma_start3A_7] : memref<32x10240xf32, #tpu.memory_space<hbm>> -> memref<1x10240xf32, #tpu.memory_space<hbm>>
      %dma_start3A_9 = tpu.memref_squeeze %dma_start3A_8 : memref<1x10240xf32, #tpu.memory_space<hbm>> -> memref<10240xf32, #tpu.memory_space<hbm>>
      tpu.enqueue_dma source(%arg6 : memref<10240xf32, #tpu.memory_space<vmem>>) target(%dma_start3A_9 : memref<10240xf32, #tpu.memory_space<hbm>>) target_semaphore(%run_scoped3A : memref<!tpu.dma_semaphore, #tpu.memory_space<semaphore_mem>>)
      %dma_wait3A = arith.constant 0 : i32
      %dma_wait3A_10 = tpu.memref_slice %arg5[%add3A, %dma_wait3A] : memref<32x10240xf32, #tpu.memory_space<hbm>> -> memref<1x10240xf32, #tpu.memory_space<hbm>>
      %dma_wait3A_11 = tpu.memref_squeeze %dma_wait3A_10 : memref<1x10240xf32, #tpu.memory_space<hbm>> -> memref<10240xf32, #tpu.memory_space<hbm>>
      %dma_wait3A_12 = arith.constant 0 : i32
      %dma_wait3A_13 = tpu.memref_slice %arg5[%add3A, %dma_wait3A_12] : memref<32x10240xf32, #tpu.memory_space<hbm>> -> memref<1x10240xf32, #tpu.memory_space<hbm>>
      %dma_wait3A_14 = tpu.memref_squeeze %dma_wait3A_13 : memref<1x10240xf32, #tpu.memory_space<hbm>> -> memref<10240xf32, #tpu.memory_space<hbm>>
      tpu.wait_dma2 semaphore(%run_scoped3A : memref<!tpu.dma_semaphore, #tpu.memory_space<semaphore_mem>>) src(%arg6 : memref<10240xf32, #tpu.memory_space<vmem>>) dst(%dma_wait3A_14 : memref<10240xf32, #tpu.memory_space<hbm>>)
      tpu.yield
    }) : () -> ()
    return
  }
}

#map = affine_map<(d0, d1) -> (0, 0)>
#map1 = affine_map<(d0, d1) -> (0, 0, 0)>
module attributes {stable_mosaic.version = 14 : i64} {
  func.func @_sc_agg(%arg0: i32, %arg1: i32, %arg2: memref<10000x128xf32, #tpu.memory_space<hbm>>, %arg3: memref<32x100x100xi32, #tpu.memory_space<hbm>>, %arg4: memref<32x100x100xi32, #tpu.memory_space<hbm>>, %arg5: memref<32x100x100xf32, #tpu.memory_space<hbm>>, %arg6: memref<10240x128xf32, #tpu.memory_space<hbm>>, %arg7: memref<2x10240x128xf32, #tpu.memory_space<hbm>>, %arg8: memref<100x100xi32, #tpu.memory_space<vmem>>, %arg9: memref<1x100xi32, #tpu.memory_space<vmem>>, %arg10: memref<1x100xi32, #tpu.memory_space<vmem>>, %arg11: memref<100xf32, #tpu.memory_space<vmem>>, %arg12: memref<100xf32, #tpu.memory_space<vmem>>, %arg13: memref<100x128xf32, #tpu.memory_space<vmem>>, %arg14: memref<100x128xf32, #tpu.memory_space<vmem>>, %arg15: memref<!tpu.dma_semaphore, #tpu.memory_space<semaphore_mem>>, %arg16: memref<!tpu.dma_semaphore, #tpu.memory_space<semaphore_mem>>, %arg17: memref<!tpu.dma_semaphore, #tpu.memory_space<semaphore_mem>>, %arg18: memref<!tpu.dma_semaphore, #tpu.memory_space<semaphore_mem>>, %arg19: memref<!tpu.dma_semaphore, #tpu.memory_space<semaphore_mem>>, %arg20: memref<!tpu.dma_semaphore, #tpu.memory_space<semaphore_mem>>, %arg21: memref<!tpu.dma_semaphore, #tpu.memory_space<semaphore_mem>>, %arg22: memref<!tpu.dma_semaphore, #tpu.memory_space<semaphore_mem>>, %arg23: memref<10240x128xf32, #tpu.memory_space<vmem_shared>>) attributes {dimension_semantics = [#tpu.dimension_semantics<core_parallel>, #tpu.dimension_semantics<subcore_parallel>], iteration_bounds = array<i64: 2, 16>, scalar_prefetch = 0 : i64, scratch_operands = 16 : i64, tpu.core_type = #tpu.core_type<sc_vector_subcore>, window_params = [{transform_indices = #map}, {transform_indices = #map1}, {transform_indices = #map1}, {transform_indices = #map1}, {transform_indices = #map}, {transform_indices = #map1}]} {
    %mul3A = arith.constant 16 : i32
    %mul3A_0 = arith.muli %arg0, %mul3A : i32
    %add3A = arith.addi %mul3A_0, %arg1 : i32
    %mul3A_1 = arith.constant 640 : i32
    %mul3A_2 = arith.muli %arg1, %mul3A_1 : i32
    %mul3A_3 = arith.constant 640 : i32
    %mul3A_4 = arith.muli %arg1, %mul3A_3 : i32
    "tpu.region"() ({
      %run_scoped3A = tpu.sem_alloc : memref<!tpu.dma_semaphore, #tpu.memory_space<semaphore_mem>>
      %dma_start3A_255 = arith.constant 0 : i32
      %dma_start3A_256 = tpu.memref_slice %arg23[%mul3A_4, %dma_start3A_255] : memref<10240x128xf32, #tpu.memory_space<vmem_shared>> -> memref<640x128xf32, #tpu.memory_space<vmem_shared>>
      %dma_start3A_257 = arith.constant 0 : i32
      %dma_start3A_258 = tpu.memref_slice %arg6[%mul3A_2, %dma_start3A_257] : memref<10240x128xf32, #tpu.memory_space<hbm>> -> memref<640x128xf32, #tpu.memory_space<hbm>>
      tpu.enqueue_dma source(%dma_start3A_258 : memref<640x128xf32, #tpu.memory_space<hbm>>) target(%dma_start3A_256 : memref<640x128xf32, #tpu.memory_space<vmem_shared>>) target_semaphore(%run_scoped3A : memref<!tpu.dma_semaphore, #tpu.memory_space<semaphore_mem>>)
      %dma_wait3A_259 = arith.constant 0 : i32
      %dma_wait3A_260 = tpu.memref_slice %arg23[%mul3A_4, %dma_wait3A_259] : memref<10240x128xf32, #tpu.memory_space<vmem_shared>> -> memref<640x128xf32, #tpu.memory_space<vmem_shared>>
      %dma_wait3A_261 = arith.constant 0 : i32
      %dma_wait3A_262 = tpu.memref_slice %arg6[%mul3A_2, %dma_wait3A_261] : memref<10240x128xf32, #tpu.memory_space<hbm>> -> memref<640x128xf32, #tpu.memory_space<hbm>>
      tpu.wait_dma2 semaphore(%run_scoped3A : memref<!tpu.dma_semaphore, #tpu.memory_space<semaphore_mem>>) src(%dma_wait3A_262 : memref<640x128xf32, #tpu.memory_space<hbm>>) dst(%dma_wait3A_260 : memref<640x128xf32, #tpu.memory_space<vmem_shared>>)
      tpu.yield
    }) : () -> ()
    "tpu.region"() ({
      %run_scoped3A = tpu.sem_alloc : memref<!tpu.dma_semaphore, #tpu.memory_space<semaphore_mem>>
      %dma_start3A_255 = arith.constant 0 : i32
      %dma_start3A_256 = arith.constant 0 : i32
      %dma_start3A_257 = tpu.memref_slice %arg3[%add3A, %dma_start3A_255, %dma_start3A_256] : memref<32x100x100xi32, #tpu.memory_space<hbm>> -> memref<1x100x100xi32, #tpu.memory_space<hbm>>
      %dma_start3A_258 = tpu.memref_squeeze %dma_start3A_257 : memref<1x100x100xi32, #tpu.memory_space<hbm>> -> memref<100x100xi32, #tpu.memory_space<hbm>>
      %dma_start3A_259 = arith.constant 0 : i32
      %dma_start3A_260 = arith.constant 0 : i32
      %dma_start3A_261 = tpu.memref_slice %arg3[%add3A, %dma_start3A_259, %dma_start3A_260] : memref<32x100x100xi32, #tpu.memory_space<hbm>> -> memref<1x100x100xi32, #tpu.memory_space<hbm>>
      %dma_start3A_262 = tpu.memref_squeeze %dma_start3A_261 : memref<1x100x100xi32, #tpu.memory_space<hbm>> -> memref<100x100xi32, #tpu.memory_space<hbm>>
      tpu.enqueue_dma source(%dma_start3A_262 : memref<100x100xi32, #tpu.memory_space<hbm>>) target(%arg8 : memref<100x100xi32, #tpu.memory_space<vmem>>) target_semaphore(%run_scoped3A : memref<!tpu.dma_semaphore, #tpu.memory_space<semaphore_mem>>)
      %dma_wait3A_263 = arith.constant 0 : i32
      %dma_wait3A_264 = arith.constant 0 : i32
      %dma_wait3A_265 = tpu.memref_slice %arg3[%add3A, %dma_wait3A_263, %dma_wait3A_264] : memref<32x100x100xi32, #tpu.memory_space<hbm>> -> memref<1x100x100xi32, #tpu.memory_space<hbm>>
      %dma_wait3A_266 = tpu.memref_squeeze %dma_wait3A_265 : memref<1x100x100xi32, #tpu.memory_space<hbm>> -> memref<100x100xi32, #tpu.memory_space<hbm>>
      %dma_wait3A_267 = arith.constant 0 : i32
      %dma_wait3A_268 = arith.constant 0 : i32
      %dma_wait3A_269 = tpu.memref_slice %arg3[%add3A, %dma_wait3A_267, %dma_wait3A_268] : memref<32x100x100xi32, #tpu.memory_space<hbm>> -> memref<1x100x100xi32, #tpu.memory_space<hbm>>
      %dma_wait3A_270 = tpu.memref_squeeze %dma_wait3A_269 : memref<1x100x100xi32, #tpu.memory_space<hbm>> -> memref<100x100xi32, #tpu.memory_space<hbm>>
      tpu.wait_dma2 semaphore(%run_scoped3A : memref<!tpu.dma_semaphore, #tpu.memory_space<semaphore_mem>>) src(%dma_wait3A_270 : memref<100x100xi32, #tpu.memory_space<hbm>>) dst(%arg8 : memref<100x100xi32, #tpu.memory_space<vmem>>)
      tpu.yield
    }) : () -> ()
    %barrier3A = arith.constant 0 : index
    tpu.barrier barrier_id(%barrier3A)
    %dma_start3A = arith.constant 0 : i32
    %dma_start3A_5 = arith.constant 0 : i32
    %dma_start3A_6 = tpu.memref_slice %arg8[%dma_start3A, %dma_start3A_5] : memref<100x100xi32, #tpu.memory_space<vmem>> -> memref<1x100xi32, #tpu.memory_space<vmem>>
    %dma_start3A_7 = tpu.memref_squeeze %dma_start3A_6 : memref<1x100xi32, #tpu.memory_space<vmem>> -> memref<100xi32, #tpu.memory_space<vmem>>
    %dma_start3A_8 = arith.constant 0 : i32
    %dma_start3A_9 = arith.constant 0 : i32
    %dma_start3A_10 = tpu.memref_slice %arg2[%dma_start3A_8, %dma_start3A_9] : memref<10000x128xf32, #tpu.memory_space<hbm>> -> memref<10000x128xf32, #tpu.memory_space<hbm>>
    tpu.enqueue_indirect_dma source(%dma_start3A_10 : memref<10000x128xf32, #tpu.memory_space<hbm>>) target(%arg13 : memref<100x128xf32, #tpu.memory_space<vmem>>) offsets(%dma_start3A_7 : memref<100xi32, #tpu.memory_space<vmem>>) semaphore(%arg19 : memref<!tpu.dma_semaphore, #tpu.memory_space<semaphore_mem>>)
    %dma_start3A_11 = arith.constant 0 : i32
    %dma_start3A_12 = arith.constant 0 : i32
    %dma_start3A_13 = tpu.memref_slice %arg4[%add3A, %dma_start3A_11, %dma_start3A_12] : memref<32x100x100xi32, #tpu.memory_space<hbm>> -> memref<1x1x100xi32, #tpu.memory_space<hbm>>
    %dma_start3A_14 = tpu.memref_squeeze %dma_start3A_13 : memref<1x1x100xi32, #tpu.memory_space<hbm>> -> memref<1x100xi32, #tpu.memory_space<hbm>>
    %dma_start3A_15 = arith.constant 0 : i32
    %dma_start3A_16 = arith.constant 0 : i32
    %dma_start3A_17 = tpu.memref_slice %arg4[%add3A, %dma_start3A_15, %dma_start3A_16] : memref<32x100x100xi32, #tpu.memory_space<hbm>> -> memref<1x1x100xi32, #tpu.memory_space<hbm>>
    %dma_start3A_18 = tpu.memref_squeeze %dma_start3A_17 : memref<1x1x100xi32, #tpu.memory_space<hbm>> -> memref<1x100xi32, #tpu.memory_space<hbm>>
    tpu.enqueue_dma source(%dma_start3A_18 : memref<1x100xi32, #tpu.memory_space<hbm>>) target(%arg9 : memref<1x100xi32, #tpu.memory_space<vmem>>) target_semaphore(%arg15 : memref<!tpu.dma_semaphore, #tpu.memory_space<semaphore_mem>>)
    %dma_start3A_19 = arith.constant 0 : i32
    %dma_start3A_20 = arith.constant 0 : i32
    %dma_start3A_21 = tpu.memref_slice %arg5[%add3A, %dma_start3A_19, %dma_start3A_20] : memref<32x100x100xf32, #tpu.memory_space<hbm>> -> memref<1x1x100xf32, #tpu.memory_space<hbm>>
    %dma_start3A_22 = tpu.memref_squeeze %dma_start3A_21 : memref<1x1x100xf32, #tpu.memory_space<hbm>> -> memref<100xf32, #tpu.memory_space<hbm>>
    %dma_start3A_23 = arith.constant 0 : i32
    %dma_start3A_24 = tpu.memref_slice %arg5[%add3A, %dma_start3A_19, %dma_start3A_23] : memref<32x100x100xf32, #tpu.memory_space<hbm>> -> memref<1x1x100xf32, #tpu.memory_space<hbm>>
    %dma_start3A_25 = tpu.memref_squeeze %dma_start3A_24 : memref<1x1x100xf32, #tpu.memory_space<hbm>> -> memref<100xf32, #tpu.memory_space<hbm>>
    tpu.enqueue_dma source(%dma_start3A_25 : memref<100xf32, #tpu.memory_space<hbm>>) target(%arg11 : memref<100xf32, #tpu.memory_space<vmem>>) target_semaphore(%arg17 : memref<!tpu.dma_semaphore, #tpu.memory_space<semaphore_mem>>)
    %dma_start3A_26 = arith.constant 1 : i32
    %dma_start3A_27 = arith.constant 0 : i32
    %dma_start3A_28 = tpu.memref_slice %arg8[%dma_start3A_26, %dma_start3A_27] : memref<100x100xi32, #tpu.memory_space<vmem>> -> memref<1x100xi32, #tpu.memory_space<vmem>>
    %dma_start3A_29 = tpu.memref_squeeze %dma_start3A_28 : memref<1x100xi32, #tpu.memory_space<vmem>> -> memref<100xi32, #tpu.memory_space<vmem>>
    %dma_start3A_30 = arith.constant 0 : i32
    %dma_start3A_31 = arith.constant 0 : i32
    %dma_start3A_32 = tpu.memref_slice %arg2[%dma_start3A_30, %dma_start3A_31] : memref<10000x128xf32, #tpu.memory_space<hbm>> -> memref<10000x128xf32, #tpu.memory_space<hbm>>
    tpu.enqueue_indirect_dma source(%dma_start3A_32 : memref<10000x128xf32, #tpu.memory_space<hbm>>) target(%arg14 : memref<100x128xf32, #tpu.memory_space<vmem>>) offsets(%dma_start3A_29 : memref<100xi32, #tpu.memory_space<vmem>>) semaphore(%arg20 : memref<!tpu.dma_semaphore, #tpu.memory_space<semaphore_mem>>)
    %dma_start3A_33 = arith.constant 1 : i32
    %dma_start3A_34 = arith.constant 0 : i32
    %dma_start3A_35 = tpu.memref_slice %arg4[%add3A, %dma_start3A_33, %dma_start3A_34] : memref<32x100x100xi32, #tpu.memory_space<hbm>> -> memref<1x1x100xi32, #tpu.memory_space<hbm>>
    %dma_start3A_36 = tpu.memref_squeeze %dma_start3A_35 : memref<1x1x100xi32, #tpu.memory_space<hbm>> -> memref<1x100xi32, #tpu.memory_space<hbm>>
    %dma_start3A_37 = arith.constant 1 : i32
    %dma_start3A_38 = arith.constant 0 : i32
    %dma_start3A_39 = tpu.memref_slice %arg4[%add3A, %dma_start3A_37, %dma_start3A_38] : memref<32x100x100xi32, #tpu.memory_space<hbm>> -> memref<1x1x100xi32, #tpu.memory_space<hbm>>
    %dma_start3A_40 = tpu.memref_squeeze %dma_start3A_39 : memref<1x1x100xi32, #tpu.memory_space<hbm>> -> memref<1x100xi32, #tpu.memory_space<hbm>>
    tpu.enqueue_dma source(%dma_start3A_40 : memref<1x100xi32, #tpu.memory_space<hbm>>) target(%arg10 : memref<1x100xi32, #tpu.memory_space<vmem>>) target_semaphore(%arg16 : memref<!tpu.dma_semaphore, #tpu.memory_space<semaphore_mem>>)
    %dma_start3A_41 = arith.constant 1 : i32
    %dma_start3A_42 = arith.constant 0 : i32
    %dma_start3A_43 = tpu.memref_slice %arg5[%add3A, %dma_start3A_41, %dma_start3A_42] : memref<32x100x100xf32, #tpu.memory_space<hbm>> -> memref<1x1x100xf32, #tpu.memory_space<hbm>>
    %dma_start3A_44 = tpu.memref_squeeze %dma_start3A_43 : memref<1x1x100xf32, #tpu.memory_space<hbm>> -> memref<100xf32, #tpu.memory_space<hbm>>
    %dma_start3A_45 = arith.constant 0 : i32
    %dma_start3A_46 = tpu.memref_slice %arg5[%add3A, %dma_start3A_41, %dma_start3A_45] : memref<32x100x100xf32, #tpu.memory_space<hbm>> -> memref<1x1x100xf32, #tpu.memory_space<hbm>>
    %dma_start3A_47 = tpu.memref_squeeze %dma_start3A_46 : memref<1x1x100xf32, #tpu.memory_space<hbm>> -> memref<100xf32, #tpu.memory_space<hbm>>
    tpu.enqueue_dma source(%dma_start3A_47 : memref<100xf32, #tpu.memory_space<hbm>>) target(%arg12 : memref<100xf32, #tpu.memory_space<vmem>>) target_semaphore(%arg18 : memref<!tpu.dma_semaphore, #tpu.memory_space<semaphore_mem>>)
    %dma_wait3A = arith.constant 0 : i32
    %dma_wait3A_48 = arith.constant 0 : i32
    %dma_wait3A_49 = tpu.memref_slice %arg8[%dma_wait3A, %dma_wait3A_48] : memref<100x100xi32, #tpu.memory_space<vmem>> -> memref<1x100xi32, #tpu.memory_space<vmem>>
    %dma_wait3A_50 = tpu.memref_squeeze %dma_wait3A_49 : memref<1x100xi32, #tpu.memory_space<vmem>> -> memref<100xi32, #tpu.memory_space<vmem>>
    %dma_wait3A_51 = arith.constant 0 : i32
    %dma_wait3A_52 = arith.constant 0 : i32
    %dma_wait3A_53 = tpu.memref_slice %arg2[%dma_wait3A_51, %dma_wait3A_52] : memref<10000x128xf32, #tpu.memory_space<hbm>> -> memref<10000x128xf32, #tpu.memory_space<hbm>>
    tpu.wait_indirect_dma semaphore(%arg19 : memref<!tpu.dma_semaphore, #tpu.memory_space<semaphore_mem>>) src(%dma_wait3A_53 : memref<10000x128xf32, #tpu.memory_space<hbm>>) dst(%arg13 : memref<100x128xf32, #tpu.memory_space<vmem>>)
    %dma_wait3A_54 = arith.constant 0 : i32
    %dma_wait3A_55 = arith.constant 0 : i32
    %dma_wait3A_56 = tpu.memref_slice %arg5[%add3A, %dma_wait3A_54, %dma_wait3A_55] : memref<32x100x100xf32, #tpu.memory_space<hbm>> -> memref<1x1x100xf32, #tpu.memory_space<hbm>>
    %dma_wait3A_57 = tpu.memref_squeeze %dma_wait3A_56 : memref<1x1x100xf32, #tpu.memory_space<hbm>> -> memref<100xf32, #tpu.memory_space<hbm>>
    %dma_wait3A_58 = arith.constant 0 : i32
    %dma_wait3A_59 = tpu.memref_slice %arg5[%add3A, %dma_wait3A_54, %dma_wait3A_58] : memref<32x100x100xf32, #tpu.memory_space<hbm>> -> memref<1x1x100xf32, #tpu.memory_space<hbm>>
    %dma_wait3A_60 = tpu.memref_squeeze %dma_wait3A_59 : memref<1x1x100xf32, #tpu.memory_space<hbm>> -> memref<100xf32, #tpu.memory_space<hbm>>
    tpu.wait_dma2 semaphore(%arg17 : memref<!tpu.dma_semaphore, #tpu.memory_space<semaphore_mem>>) src(%dma_wait3A_60 : memref<100xf32, #tpu.memory_space<hbm>>) dst(%arg11 : memref<100xf32, #tpu.memory_space<vmem>>)
    %parallel_loop3A = arith.constant 0 : i32
    %parallel_loop3A_61 = arith.constant 100 : i32
    %parallel_loop3A_62 = arith.constant 1 : i32
    scf.for %parallel_loop3A_255 = %parallel_loop3A to %parallel_loop3A_61 step %parallel_loop3A_62  : i32 {
      %parallel_loop3A_256 = vector.broadcast %parallel_loop3A_255 : i32 to vector<16xi32>
      %parallel_loop3A_257 = tpu.vector_load_idx %arg11[%parallel_loop3A_256] : memref<100xf32, #tpu.memory_space<vmem>>[vector<16xi32>], vector<16xf32>,
      %parallel_loop3A_258 = arith.index_cast %parallel_loop3A_255 : i32 to index
      %parallel_loop3A_259 = arith.constant 0 : index
      %parallel_loop3A_260 = tpu.vector_load %arg13[%parallel_loop3A_258, %parallel_loop3A_259] {strides = array<i32>} : memref<100x128xf32, #tpu.memory_space<vmem>>, vector<16xf32>,
      %parallel_loop3A_261 = arith.mulf %parallel_loop3A_260, %parallel_loop3A_257 : vector<16xf32>
      %parallel_loop3A_262 = arith.index_cast %parallel_loop3A_255 : i32 to index
      %parallel_loop3A_263 = arith.constant 0 : index
      %parallel_loop3A_264 = tpu.vector_load %arg13[%parallel_loop3A_262, %parallel_loop3A_263] {strides = array<i32>} : memref<100x128xf32, #tpu.memory_space<vmem>>, vector<16xf32>,
      tpu.vector_store %arg13[%parallel_loop3A_262, %parallel_loop3A_263], %parallel_loop3A_261 {strides = array<i32>} : memref<100x128xf32, #tpu.memory_space<vmem>>, vector<16xf32>,
      %parallel_loop3A_265 = arith.index_cast %parallel_loop3A_255 : i32 to index
      %parallel_loop3A_266 = arith.constant 16 : index
      %parallel_loop3A_267 = tpu.vector_load %arg13[%parallel_loop3A_265, %parallel_loop3A_266] {strides = array<i32>} : memref<100x128xf32, #tpu.memory_space<vmem>>, vector<16xf32>,
      %parallel_loop3A_268 = arith.mulf %parallel_loop3A_267, %parallel_loop3A_257 : vector<16xf32>
      %parallel_loop3A_269 = arith.index_cast %parallel_loop3A_255 : i32 to index
      %parallel_loop3A_270 = arith.constant 16 : index
      %parallel_loop3A_271 = tpu.vector_load %arg13[%parallel_loop3A_269, %parallel_loop3A_270] {strides = array<i32>} : memref<100x128xf32, #tpu.memory_space<vmem>>, vector<16xf32>,
      tpu.vector_store %arg13[%parallel_loop3A_269, %parallel_loop3A_270], %parallel_loop3A_268 {strides = array<i32>} : memref<100x128xf32, #tpu.memory_space<vmem>>, vector<16xf32>,
      %parallel_loop3A_272 = arith.index_cast %parallel_loop3A_255 : i32 to index
      %parallel_loop3A_273 = arith.constant 32 : index
      %parallel_loop3A_274 = tpu.vector_load %arg13[%parallel_loop3A_272, %parallel_loop3A_273] {strides = array<i32>} : memref<100x128xf32, #tpu.memory_space<vmem>>, vector<16xf32>,
      %parallel_loop3A_275 = arith.mulf %parallel_loop3A_274, %parallel_loop3A_257 : vector<16xf32>
      %parallel_loop3A_276 = arith.index_cast %parallel_loop3A_255 : i32 to index
      %parallel_loop3A_277 = arith.constant 32 : index
      %parallel_loop3A_278 = tpu.vector_load %arg13[%parallel_loop3A_276, %parallel_loop3A_277] {strides = array<i32>} : memref<100x128xf32, #tpu.memory_space<vmem>>, vector<16xf32>,
      tpu.vector_store %arg13[%parallel_loop3A_276, %parallel_loop3A_277], %parallel_loop3A_275 {strides = array<i32>} : memref<100x128xf32, #tpu.memory_space<vmem>>, vector<16xf32>,
      %parallel_loop3A_279 = arith.index_cast %parallel_loop3A_255 : i32 to index
      %parallel_loop3A_280 = arith.constant 48 : index
      %parallel_loop3A_281 = tpu.vector_load %arg13[%parallel_loop3A_279, %parallel_loop3A_280] {strides = array<i32>} : memref<100x128xf32, #tpu.memory_space<vmem>>, vector<16xf32>,
      %parallel_loop3A_282 = arith.mulf %parallel_loop3A_281, %parallel_loop3A_257 : vector<16xf32>
      %parallel_loop3A_283 = arith.index_cast %parallel_loop3A_255 : i32 to index
      %parallel_loop3A_284 = arith.constant 48 : index
      %parallel_loop3A_285 = tpu.vector_load %arg13[%parallel_loop3A_283, %parallel_loop3A_284] {strides = array<i32>} : memref<100x128xf32, #tpu.memory_space<vmem>>, vector<16xf32>,
      tpu.vector_store %arg13[%parallel_loop3A_283, %parallel_loop3A_284], %parallel_loop3A_282 {strides = array<i32>} : memref<100x128xf32, #tpu.memory_space<vmem>>, vector<16xf32>,
      %parallel_loop3A_286 = arith.index_cast %parallel_loop3A_255 : i32 to index
      %parallel_loop3A_287 = arith.constant 64 : index
      %parallel_loop3A_288 = tpu.vector_load %arg13[%parallel_loop3A_286, %parallel_loop3A_287] {strides = array<i32>} : memref<100x128xf32, #tpu.memory_space<vmem>>, vector<16xf32>,
      %parallel_loop3A_289 = arith.mulf %parallel_loop3A_288, %parallel_loop3A_257 : vector<16xf32>
      %parallel_loop3A_290 = arith.index_cast %parallel_loop3A_255 : i32 to index
      %parallel_loop3A_291 = arith.constant 64 : index
      %parallel_loop3A_292 = tpu.vector_load %arg13[%parallel_loop3A_290, %parallel_loop3A_291] {strides = array<i32>} : memref<100x128xf32, #tpu.memory_space<vmem>>, vector<16xf32>,
      tpu.vector_store %arg13[%parallel_loop3A_290, %parallel_loop3A_291], %parallel_loop3A_289 {strides = array<i32>} : memref<100x128xf32, #tpu.memory_space<vmem>>, vector<16xf32>,
      %parallel_loop3A_293 = arith.index_cast %parallel_loop3A_255 : i32 to index
      %parallel_loop3A_294 = arith.constant 80 : index
      %parallel_loop3A_295 = tpu.vector_load %arg13[%parallel_loop3A_293, %parallel_loop3A_294] {strides = array<i32>} : memref<100x128xf32, #tpu.memory_space<vmem>>, vector<16xf32>,
      %parallel_loop3A_296 = arith.mulf %parallel_loop3A_295, %parallel_loop3A_257 : vector<16xf32>
      %parallel_loop3A_297 = arith.index_cast %parallel_loop3A_255 : i32 to index
      %parallel_loop3A_298 = arith.constant 80 : index
      %parallel_loop3A_299 = tpu.vector_load %arg13[%parallel_loop3A_297, %parallel_loop3A_298] {strides = array<i32>} : memref<100x128xf32, #tpu.memory_space<vmem>>, vector<16xf32>,
      tpu.vector_store %arg13[%parallel_loop3A_297, %parallel_loop3A_298], %parallel_loop3A_296 {strides = array<i32>} : memref<100x128xf32, #tpu.memory_space<vmem>>, vector<16xf32>,
      %parallel_loop3A_300 = arith.index_cast %parallel_loop3A_255 : i32 to index
      %parallel_loop3A_301 = arith.constant 96 : index
      %parallel_loop3A_302 = tpu.vector_load %arg13[%parallel_loop3A_300, %parallel_loop3A_301] {strides = array<i32>} : memref<100x128xf32, #tpu.memory_space<vmem>>, vector<16xf32>,
      %parallel_loop3A_303 = arith.mulf %parallel_loop3A_302, %parallel_loop3A_257 : vector<16xf32>
      %parallel_loop3A_304 = arith.index_cast %parallel_loop3A_255 : i32 to index
      %parallel_loop3A_305 = arith.constant 96 : index
      %parallel_loop3A_306 = tpu.vector_load %arg13[%parallel_loop3A_304, %parallel_loop3A_305] {strides = array<i32>} : memref<100x128xf32, #tpu.memory_space<vmem>>, vector<16xf32>,
      tpu.vector_store %arg13[%parallel_loop3A_304, %parallel_loop3A_305], %parallel_loop3A_303 {strides = array<i32>} : memref<100x128xf32, #tpu.memory_space<vmem>>, vector<16xf32>,
      %parallel_loop3A_307 = arith.index_cast %parallel_loop3A_255 : i32 to index
      %parallel_loop3A_308 = arith.constant 112 : index
      %parallel_loop3A_309 = tpu.vector_load %arg13[%parallel_loop3A_307, %parallel_loop3A_308] {strides = array<i32>} : memref<100x128xf32, #tpu.memory_space<vmem>>, vector<16xf32>,
      %parallel_loop3A_310 = arith.mulf %parallel_loop3A_309, %parallel_loop3A_257 : vector<16xf32>
      %parallel_loop3A_311 = arith.index_cast %parallel_loop3A_255 : i32 to index
      %parallel_loop3A_312 = arith.constant 112 : index
      %parallel_loop3A_313 = tpu.vector_load %arg13[%parallel_loop3A_311, %parallel_loop3A_312] {strides = array<i32>} : memref<100x128xf32, #tpu.memory_space<vmem>>, vector<16xf32>,
      tpu.vector_store %arg13[%parallel_loop3A_311, %parallel_loop3A_312], %parallel_loop3A_310 {strides = array<i32>} : memref<100x128xf32, #tpu.memory_space<vmem>>, vector<16xf32>,
    } {sc.loop_unroll_factor = 2 : i64, sc.parallel_access}
    %dma_wait3A_63 = arith.constant 0 : i32
    %dma_wait3A_64 = arith.constant 0 : i32
    %dma_wait3A_65 = tpu.memref_slice %arg4[%add3A, %dma_wait3A_63, %dma_wait3A_64] : memref<32x100x100xi32, #tpu.memory_space<hbm>> -> memref<1x1x100xi32, #tpu.memory_space<hbm>>
    %dma_wait3A_66 = tpu.memref_squeeze %dma_wait3A_65 : memref<1x1x100xi32, #tpu.memory_space<hbm>> -> memref<1x100xi32, #tpu.memory_space<hbm>>
    %dma_wait3A_67 = arith.constant 0 : i32
    %dma_wait3A_68 = arith.constant 0 : i32
    %dma_wait3A_69 = tpu.memref_slice %arg4[%add3A, %dma_wait3A_67, %dma_wait3A_68] : memref<32x100x100xi32, #tpu.memory_space<hbm>> -> memref<1x1x100xi32, #tpu.memory_space<hbm>>
    %dma_wait3A_70 = tpu.memref_squeeze %dma_wait3A_69 : memref<1x1x100xi32, #tpu.memory_space<hbm>> -> memref<1x100xi32, #tpu.memory_space<hbm>>
    tpu.wait_dma2 semaphore(%arg15 : memref<!tpu.dma_semaphore, #tpu.memory_space<semaphore_mem>>) src(%dma_wait3A_70 : memref<1x100xi32, #tpu.memory_space<hbm>>) dst(%arg9 : memref<1x100xi32, #tpu.memory_space<vmem>>)
    %dma_start3A_71 = arith.constant 0 : i32
    %dma_start3A_72 = arith.constant 0 : i32
    %dma_start3A_73 = tpu.memref_slice %arg9[%dma_start3A_71, %dma_start3A_72] : memref<1x100xi32, #tpu.memory_space<vmem>> -> memref<1x100xi32, #tpu.memory_space<vmem>>
    %dma_start3A_74 = tpu.memref_squeeze %dma_start3A_73 : memref<1x100xi32, #tpu.memory_space<vmem>> -> memref<100xi32, #tpu.memory_space<vmem>>
    %dma_start3A_75 = arith.constant 0 : i32
    %dma_start3A_76 = arith.constant 0 : i32
    %dma_start3A_77 = tpu.memref_slice %arg23[%dma_start3A_75, %dma_start3A_76] : memref<10240x128xf32, #tpu.memory_space<vmem_shared>> -> memref<10240x128xf32, #tpu.memory_space<vmem_shared>>
    tpu.enqueue_indirect_dma source(%arg13 : memref<100x128xf32, #tpu.memory_space<vmem>>) target(%dma_start3A_77 : memref<10240x128xf32, #tpu.memory_space<vmem_shared>>) offsets(%dma_start3A_74 : memref<100xi32, #tpu.memory_space<vmem>>) semaphore(%arg21 : memref<!tpu.dma_semaphore, #tpu.memory_space<semaphore_mem>>) {add = true}
    %dma_wait3A_78 = arith.constant 0 : i32
    %dma_wait3A_79 = arith.constant 0 : i32
    %dma_wait3A_80 = tpu.memref_slice %arg9[%dma_wait3A_78, %dma_wait3A_79] : memref<1x100xi32, #tpu.memory_space<vmem>> -> memref<1x100xi32, #tpu.memory_space<vmem>>
    %dma_wait3A_81 = tpu.memref_squeeze %dma_wait3A_80 : memref<1x100xi32, #tpu.memory_space<vmem>> -> memref<100xi32, #tpu.memory_space<vmem>>
    %dma_wait3A_82 = arith.constant 0 : i32
    %dma_wait3A_83 = arith.constant 0 : i32
    %dma_wait3A_84 = tpu.memref_slice %arg23[%dma_wait3A_82, %dma_wait3A_83] : memref<10240x128xf32, #tpu.memory_space<vmem_shared>> -> memref<10240x128xf32, #tpu.memory_space<vmem_shared>>
    tpu.wait_indirect_dma semaphore(%arg21 : memref<!tpu.dma_semaphore, #tpu.memory_space<semaphore_mem>>) src(%arg13 : memref<100x128xf32, #tpu.memory_space<vmem>>) dst(%dma_wait3A_84 : memref<10240x128xf32, #tpu.memory_space<vmem_shared>>)
    %dma_start3A_85 = arith.constant 2 : i32
    %dma_start3A_86 = arith.constant 0 : i32
    %dma_start3A_87 = tpu.memref_slice %arg8[%dma_start3A_85, %dma_start3A_86] : memref<100x100xi32, #tpu.memory_space<vmem>> -> memref<1x100xi32, #tpu.memory_space<vmem>>
    %dma_start3A_88 = tpu.memref_squeeze %dma_start3A_87 : memref<1x100xi32, #tpu.memory_space<vmem>> -> memref<100xi32, #tpu.memory_space<vmem>>
    %dma_start3A_89 = arith.constant 0 : i32
    %dma_start3A_90 = arith.constant 0 : i32
    %dma_start3A_91 = tpu.memref_slice %arg2[%dma_start3A_89, %dma_start3A_90] : memref<10000x128xf32, #tpu.memory_space<hbm>> -> memref<10000x128xf32, #tpu.memory_space<hbm>>
    tpu.enqueue_indirect_dma source(%dma_start3A_91 : memref<10000x128xf32, #tpu.memory_space<hbm>>) target(%arg13 : memref<100x128xf32, #tpu.memory_space<vmem>>) offsets(%dma_start3A_88 : memref<100xi32, #tpu.memory_space<vmem>>) semaphore(%arg19 : memref<!tpu.dma_semaphore, #tpu.memory_space<semaphore_mem>>)
    %dma_start3A_92 = arith.constant 2 : i32
    %dma_start3A_93 = arith.constant 0 : i32
    %dma_start3A_94 = tpu.memref_slice %arg4[%add3A, %dma_start3A_92, %dma_start3A_93] : memref<32x100x100xi32, #tpu.memory_space<hbm>> -> memref<1x1x100xi32, #tpu.memory_space<hbm>>
    %dma_start3A_95 = tpu.memref_squeeze %dma_start3A_94 : memref<1x1x100xi32, #tpu.memory_space<hbm>> -> memref<1x100xi32, #tpu.memory_space<hbm>>
    %dma_start3A_96 = arith.constant 2 : i32
    %dma_start3A_97 = arith.constant 0 : i32
    %dma_start3A_98 = tpu.memref_slice %arg4[%add3A, %dma_start3A_96, %dma_start3A_97] : memref<32x100x100xi32, #tpu.memory_space<hbm>> -> memref<1x1x100xi32, #tpu.memory_space<hbm>>
    %dma_start3A_99 = tpu.memref_squeeze %dma_start3A_98 : memref<1x1x100xi32, #tpu.memory_space<hbm>> -> memref<1x100xi32, #tpu.memory_space<hbm>>
    tpu.enqueue_dma source(%dma_start3A_99 : memref<1x100xi32, #tpu.memory_space<hbm>>) target(%arg9 : memref<1x100xi32, #tpu.memory_space<vmem>>) target_semaphore(%arg15 : memref<!tpu.dma_semaphore, #tpu.memory_space<semaphore_mem>>)
    %dma_start3A_100 = arith.constant 2 : i32
    %dma_start3A_101 = arith.constant 0 : i32
    %dma_start3A_102 = tpu.memref_slice %arg5[%add3A, %dma_start3A_100, %dma_start3A_101] : memref<32x100x100xf32, #tpu.memory_space<hbm>> -> memref<1x1x100xf32, #tpu.memory_space<hbm>>
    %dma_start3A_103 = tpu.memref_squeeze %dma_start3A_102 : memref<1x1x100xf32, #tpu.memory_space<hbm>> -> memref<100xf32, #tpu.memory_space<hbm>>
    %dma_start3A_104 = arith.constant 0 : i32
    %dma_start3A_105 = tpu.memref_slice %arg5[%add3A, %dma_start3A_100, %dma_start3A_104] : memref<32x100x100xf32, #tpu.memory_space<hbm>> -> memref<1x1x100xf32, #tpu.memory_space<hbm>>
    %dma_start3A_106 = tpu.memref_squeeze %dma_start3A_105 : memref<1x1x100xf32, #tpu.memory_space<hbm>> -> memref<100xf32, #tpu.memory_space<hbm>>
    tpu.enqueue_dma source(%dma_start3A_106 : memref<100xf32, #tpu.memory_space<hbm>>) target(%arg11 : memref<100xf32, #tpu.memory_space<vmem>>) target_semaphore(%arg17 : memref<!tpu.dma_semaphore, #tpu.memory_space<semaphore_mem>>)
    %dma_wait3A_107 = arith.constant 1 : i32
    %dma_wait3A_108 = arith.constant 0 : i32
    %dma_wait3A_109 = tpu.memref_slice %arg8[%dma_wait3A_107, %dma_wait3A_108] : memref<100x100xi32, #tpu.memory_space<vmem>> -> memref<1x100xi32, #tpu.memory_space<vmem>>
    %dma_wait3A_110 = tpu.memref_squeeze %dma_wait3A_109 : memref<1x100xi32, #tpu.memory_space<vmem>> -> memref<100xi32, #tpu.memory_space<vmem>>
    %dma_wait3A_111 = arith.constant 0 : i32
    %dma_wait3A_112 = arith.constant 0 : i32
    %dma_wait3A_113 = tpu.memref_slice %arg2[%dma_wait3A_111, %dma_wait3A_112] : memref<10000x128xf32, #tpu.memory_space<hbm>> -> memref<10000x128xf32, #tpu.memory_space<hbm>>
    tpu.wait_indirect_dma semaphore(%arg20 : memref<!tpu.dma_semaphore, #tpu.memory_space<semaphore_mem>>) src(%dma_wait3A_113 : memref<10000x128xf32, #tpu.memory_space<hbm>>) dst(%arg14 : memref<100x128xf32, #tpu.memory_space<vmem>>)
    %dma_wait3A_114 = arith.constant 1 : i32
    %dma_wait3A_115 = arith.constant 0 : i32
    %dma_wait3A_116 = tpu.memref_slice %arg5[%add3A, %dma_wait3A_114, %dma_wait3A_115] : memref<32x100x100xf32, #tpu.memory_space<hbm>> -> memref<1x1x100xf32, #tpu.memory_space<hbm>>
    %dma_wait3A_117 = tpu.memref_squeeze %dma_wait3A_116 : memref<1x1x100xf32, #tpu.memory_space<hbm>> -> memref<100xf32, #tpu.memory_space<hbm>>
    %dma_wait3A_118 = arith.constant 0 : i32
    %dma_wait3A_119 = tpu.memref_slice %arg5[%add3A, %dma_wait3A_114, %dma_wait3A_118] : memref<32x100x100xf32, #tpu.memory_space<hbm>> -> memref<1x1x100xf32, #tpu.memory_space<hbm>>
    %dma_wait3A_120 = tpu.memref_squeeze %dma_wait3A_119 : memref<1x1x100xf32, #tpu.memory_space<hbm>> -> memref<100xf32, #tpu.memory_space<hbm>>
    tpu.wait_dma2 semaphore(%arg18 : memref<!tpu.dma_semaphore, #tpu.memory_space<semaphore_mem>>) src(%dma_wait3A_120 : memref<100xf32, #tpu.memory_space<hbm>>) dst(%arg12 : memref<100xf32, #tpu.memory_space<vmem>>)
    %parallel_loop3A_121 = arith.constant 0 : i32
    %parallel_loop3A_122 = arith.constant 100 : i32
    %parallel_loop3A_123 = arith.constant 1 : i32
    scf.for %parallel_loop3A_255 = %parallel_loop3A_121 to %parallel_loop3A_122 step %parallel_loop3A_123  : i32 {
      %parallel_loop3A_256 = vector.broadcast %parallel_loop3A_255 : i32 to vector<16xi32>
      %parallel_loop3A_257 = tpu.vector_load_idx %arg12[%parallel_loop3A_256] : memref<100xf32, #tpu.memory_space<vmem>>[vector<16xi32>], vector<16xf32>,
      %parallel_loop3A_258 = arith.index_cast %parallel_loop3A_255 : i32 to index
      %parallel_loop3A_259 = arith.constant 0 : index
      %parallel_loop3A_260 = tpu.vector_load %arg14[%parallel_loop3A_258, %parallel_loop3A_259] {strides = array<i32>} : memref<100x128xf32, #tpu.memory_space<vmem>>, vector<16xf32>,
      %parallel_loop3A_261 = arith.mulf %parallel_loop3A_260, %parallel_loop3A_257 : vector<16xf32>
      %parallel_loop3A_262 = arith.index_cast %parallel_loop3A_255 : i32 to index
      %parallel_loop3A_263 = arith.constant 0 : index
      %parallel_loop3A_264 = tpu.vector_load %arg14[%parallel_loop3A_262, %parallel_loop3A_263] {strides = array<i32>} : memref<100x128xf32, #tpu.memory_space<vmem>>, vector<16xf32>,
      tpu.vector_store %arg14[%parallel_loop3A_262, %parallel_loop3A_263], %parallel_loop3A_261 {strides = array<i32>} : memref<100x128xf32, #tpu.memory_space<vmem>>, vector<16xf32>,
      %parallel_loop3A_265 = arith.index_cast %parallel_loop3A_255 : i32 to index
      %parallel_loop3A_266 = arith.constant 16 : index
      %parallel_loop3A_267 = tpu.vector_load %arg14[%parallel_loop3A_265, %parallel_loop3A_266] {strides = array<i32>} : memref<100x128xf32, #tpu.memory_space<vmem>>, vector<16xf32>,
      %parallel_loop3A_268 = arith.mulf %parallel_loop3A_267, %parallel_loop3A_257 : vector<16xf32>
      %parallel_loop3A_269 = arith.index_cast %parallel_loop3A_255 : i32 to index
      %parallel_loop3A_270 = arith.constant 16 : index
      %parallel_loop3A_271 = tpu.vector_load %arg14[%parallel_loop3A_269, %parallel_loop3A_270] {strides = array<i32>} : memref<100x128xf32, #tpu.memory_space<vmem>>, vector<16xf32>,
      tpu.vector_store %arg14[%parallel_loop3A_269, %parallel_loop3A_270], %parallel_loop3A_268 {strides = array<i32>} : memref<100x128xf32, #tpu.memory_space<vmem>>, vector<16xf32>,
      %parallel_loop3A_272 = arith.index_cast %parallel_loop3A_255 : i32 to index
      %parallel_loop3A_273 = arith.constant 32 : index
      %parallel_loop3A_274 = tpu.vector_load %arg14[%parallel_loop3A_272, %parallel_loop3A_273] {strides = array<i32>} : memref<100x128xf32, #tpu.memory_space<vmem>>, vector<16xf32>,
      %parallel_loop3A_275 = arith.mulf %parallel_loop3A_274, %parallel_loop3A_257 : vector<16xf32>
      %parallel_loop3A_276 = arith.index_cast %parallel_loop3A_255 : i32 to index
      %parallel_loop3A_277 = arith.constant 32 : index
      %parallel_loop3A_278 = tpu.vector_load %arg14[%parallel_loop3A_276, %parallel_loop3A_277] {strides = array<i32>} : memref<100x128xf32, #tpu.memory_space<vmem>>, vector<16xf32>,
      tpu.vector_store %arg14[%parallel_loop3A_276, %parallel_loop3A_277], %parallel_loop3A_275 {strides = array<i32>} : memref<100x128xf32, #tpu.memory_space<vmem>>, vector<16xf32>,
      %parallel_loop3A_279 = arith.index_cast %parallel_loop3A_255 : i32 to index
      %parallel_loop3A_280 = arith.constant 48 : index
      %parallel_loop3A_281 = tpu.vector_load %arg14[%parallel_loop3A_279, %parallel_loop3A_280] {strides = array<i32>} : memref<100x128xf32, #tpu.memory_space<vmem>>, vector<16xf32>,
      %parallel_loop3A_282 = arith.mulf %parallel_loop3A_281, %parallel_loop3A_257 : vector<16xf32>
      %parallel_loop3A_283 = arith.index_cast %parallel_loop3A_255 : i32 to index
      %parallel_loop3A_284 = arith.constant 48 : index
      %parallel_loop3A_285 = tpu.vector_load %arg14[%parallel_loop3A_283, %parallel_loop3A_284] {strides = array<i32>} : memref<100x128xf32, #tpu.memory_space<vmem>>, vector<16xf32>,
      tpu.vector_store %arg14[%parallel_loop3A_283, %parallel_loop3A_284], %parallel_loop3A_282 {strides = array<i32>} : memref<100x128xf32, #tpu.memory_space<vmem>>, vector<16xf32>,
      %parallel_loop3A_286 = arith.index_cast %parallel_loop3A_255 : i32 to index
      %parallel_loop3A_287 = arith.constant 64 : index
      %parallel_loop3A_288 = tpu.vector_load %arg14[%parallel_loop3A_286, %parallel_loop3A_287] {strides = array<i32>} : memref<100x128xf32, #tpu.memory_space<vmem>>, vector<16xf32>,
      %parallel_loop3A_289 = arith.mulf %parallel_loop3A_288, %parallel_loop3A_257 : vector<16xf32>
      %parallel_loop3A_290 = arith.index_cast %parallel_loop3A_255 : i32 to index
      %parallel_loop3A_291 = arith.constant 64 : index
      %parallel_loop3A_292 = tpu.vector_load %arg14[%parallel_loop3A_290, %parallel_loop3A_291] {strides = array<i32>} : memref<100x128xf32, #tpu.memory_space<vmem>>, vector<16xf32>,
      tpu.vector_store %arg14[%parallel_loop3A_290, %parallel_loop3A_291], %parallel_loop3A_289 {strides = array<i32>} : memref<100x128xf32, #tpu.memory_space<vmem>>, vector<16xf32>,
      %parallel_loop3A_293 = arith.index_cast %parallel_loop3A_255 : i32 to index
      %parallel_loop3A_294 = arith.constant 80 : index
      %parallel_loop3A_295 = tpu.vector_load %arg14[%parallel_loop3A_293, %parallel_loop3A_294] {strides = array<i32>} : memref<100x128xf32, #tpu.memory_space<vmem>>, vector<16xf32>,
      %parallel_loop3A_296 = arith.mulf %parallel_loop3A_295, %parallel_loop3A_257 : vector<16xf32>
      %parallel_loop3A_297 = arith.index_cast %parallel_loop3A_255 : i32 to index
      %parallel_loop3A_298 = arith.constant 80 : index
      %parallel_loop3A_299 = tpu.vector_load %arg14[%parallel_loop3A_297, %parallel_loop3A_298] {strides = array<i32>} : memref<100x128xf32, #tpu.memory_space<vmem>>, vector<16xf32>,
      tpu.vector_store %arg14[%parallel_loop3A_297, %parallel_loop3A_298], %parallel_loop3A_296 {strides = array<i32>} : memref<100x128xf32, #tpu.memory_space<vmem>>, vector<16xf32>,
      %parallel_loop3A_300 = arith.index_cast %parallel_loop3A_255 : i32 to index
      %parallel_loop3A_301 = arith.constant 96 : index
      %parallel_loop3A_302 = tpu.vector_load %arg14[%parallel_loop3A_300, %parallel_loop3A_301] {strides = array<i32>} : memref<100x128xf32, #tpu.memory_space<vmem>>, vector<16xf32>,
      %parallel_loop3A_303 = arith.mulf %parallel_loop3A_302, %parallel_loop3A_257 : vector<16xf32>
      %parallel_loop3A_304 = arith.index_cast %parallel_loop3A_255 : i32 to index
      %parallel_loop3A_305 = arith.constant 96 : index
      %parallel_loop3A_306 = tpu.vector_load %arg14[%parallel_loop3A_304, %parallel_loop3A_305] {strides = array<i32>} : memref<100x128xf32, #tpu.memory_space<vmem>>, vector<16xf32>,
      tpu.vector_store %arg14[%parallel_loop3A_304, %parallel_loop3A_305], %parallel_loop3A_303 {strides = array<i32>} : memref<100x128xf32, #tpu.memory_space<vmem>>, vector<16xf32>,
      %parallel_loop3A_307 = arith.index_cast %parallel_loop3A_255 : i32 to index
      %parallel_loop3A_308 = arith.constant 112 : index
      %parallel_loop3A_309 = tpu.vector_load %arg14[%parallel_loop3A_307, %parallel_loop3A_308] {strides = array<i32>} : memref<100x128xf32, #tpu.memory_space<vmem>>, vector<16xf32>,
      %parallel_loop3A_310 = arith.mulf %parallel_loop3A_309, %parallel_loop3A_257 : vector<16xf32>
      %parallel_loop3A_311 = arith.index_cast %parallel_loop3A_255 : i32 to index
      %parallel_loop3A_312 = arith.constant 112 : index
      %parallel_loop3A_313 = tpu.vector_load %arg14[%parallel_loop3A_311, %parallel_loop3A_312] {strides = array<i32>} : memref<100x128xf32, #tpu.memory_space<vmem>>, vector<16xf32>,
      tpu.vector_store %arg14[%parallel_loop3A_311, %parallel_loop3A_312], %parallel_loop3A_310 {strides = array<i32>} : memref<100x128xf32, #tpu.memory_space<vmem>>, vector<16xf32>,
    } {sc.loop_unroll_factor = 2 : i64, sc.parallel_access}
    %dma_wait3A_124 = arith.constant 1 : i32
    %dma_wait3A_125 = arith.constant 0 : i32
    %dma_wait3A_126 = tpu.memref_slice %arg4[%add3A, %dma_wait3A_124, %dma_wait3A_125] : memref<32x100x100xi32, #tpu.memory_space<hbm>> -> memref<1x1x100xi32, #tpu.memory_space<hbm>>
    %dma_wait3A_127 = tpu.memref_squeeze %dma_wait3A_126 : memref<1x1x100xi32, #tpu.memory_space<hbm>> -> memref<1x100xi32, #tpu.memory_space<hbm>>
    %dma_wait3A_128 = arith.constant 1 : i32
    %dma_wait3A_129 = arith.constant 0 : i32
    %dma_wait3A_130 = tpu.memref_slice %arg4[%add3A, %dma_wait3A_128, %dma_wait3A_129] : memref<32x100x100xi32, #tpu.memory_space<hbm>> -> memref<1x1x100xi32, #tpu.memory_space<hbm>>
    %dma_wait3A_131 = tpu.memref_squeeze %dma_wait3A_130 : memref<1x1x100xi32, #tpu.memory_space<hbm>> -> memref<1x100xi32, #tpu.memory_space<hbm>>
    tpu.wait_dma2 semaphore(%arg16 : memref<!tpu.dma_semaphore, #tpu.memory_space<semaphore_mem>>) src(%dma_wait3A_131 : memref<1x100xi32, #tpu.memory_space<hbm>>) dst(%arg10 : memref<1x100xi32, #tpu.memory_space<vmem>>)
    %dma_start3A_132 = arith.constant 0 : i32
    %dma_start3A_133 = arith.constant 0 : i32
    %dma_start3A_134 = tpu.memref_slice %arg10[%dma_start3A_132, %dma_start3A_133] : memref<1x100xi32, #tpu.memory_space<vmem>> -> memref<1x100xi32, #tpu.memory_space<vmem>>
    %dma_start3A_135 = tpu.memref_squeeze %dma_start3A_134 : memref<1x100xi32, #tpu.memory_space<vmem>> -> memref<100xi32, #tpu.memory_space<vmem>>
    %dma_start3A_136 = arith.constant 0 : i32
    %dma_start3A_137 = arith.constant 0 : i32
    %dma_start3A_138 = tpu.memref_slice %arg23[%dma_start3A_136, %dma_start3A_137] : memref<10240x128xf32, #tpu.memory_space<vmem_shared>> -> memref<10240x128xf32, #tpu.memory_space<vmem_shared>>
    tpu.enqueue_indirect_dma source(%arg14 : memref<100x128xf32, #tpu.memory_space<vmem>>) target(%dma_start3A_138 : memref<10240x128xf32, #tpu.memory_space<vmem_shared>>) offsets(%dma_start3A_135 : memref<100xi32, #tpu.memory_space<vmem>>) semaphore(%arg22 : memref<!tpu.dma_semaphore, #tpu.memory_space<semaphore_mem>>) {add = true}
    %scan3A = arith.constant 0 : i32
    %scan3A_139 = arith.constant 48 : i32
    %scan3A_140 = arith.addi %scan3A, %scan3A_139 : i32
    %scan3A_141 = arith.constant 1 : i32
    scf.for %scan3A_255 = %scan3A to %scan3A_140 step %scan3A_141  : i32 {
      %mul3A_256 = arith.constant 2 : i32
      %mul3A_257 = arith.muli %scan3A_255, %mul3A_256 : i32
      %add3A_258 = arith.constant 2 : i32
      %add3A_259 = arith.addi %add3A_258, %mul3A_257 : i32
      %dma_wait3A_260 = arith.constant 0 : i32
      %dma_wait3A_261 = arith.constant 0 : i32
      %dma_wait3A_262 = tpu.memref_slice %arg10[%dma_wait3A_260, %dma_wait3A_261] : memref<1x100xi32, #tpu.memory_space<vmem>> -> memref<1x100xi32, #tpu.memory_space<vmem>>
      %dma_wait3A_263 = tpu.memref_squeeze %dma_wait3A_262 : memref<1x100xi32, #tpu.memory_space<vmem>> -> memref<100xi32, #tpu.memory_space<vmem>>
      %dma_wait3A_264 = arith.constant 0 : i32
      %dma_wait3A_265 = arith.constant 0 : i32
      %dma_wait3A_266 = tpu.memref_slice %arg23[%dma_wait3A_264, %dma_wait3A_265] : memref<10240x128xf32, #tpu.memory_space<vmem_shared>> -> memref<10240x128xf32, #tpu.memory_space<vmem_shared>>
      tpu.wait_indirect_dma semaphore(%arg22 : memref<!tpu.dma_semaphore, #tpu.memory_space<semaphore_mem>>) src(%arg14 : memref<100x128xf32, #tpu.memory_space<vmem>>) dst(%dma_wait3A_266 : memref<10240x128xf32, #tpu.memory_space<vmem_shared>>)
      %add3A_267 = arith.constant 1 : i32
      %add3A_268 = arith.addi %add3A_259, %add3A_267 : i32
      %dma_start3A_269 = arith.constant 0 : i32
      %dma_start3A_270 = tpu.memref_slice %arg8[%add3A_268, %dma_start3A_269] : memref<100x100xi32, #tpu.memory_space<vmem>> -> memref<1x100xi32, #tpu.memory_space<vmem>>
      %dma_start3A_271 = tpu.memref_squeeze %dma_start3A_270 : memref<1x100xi32, #tpu.memory_space<vmem>> -> memref<100xi32, #tpu.memory_space<vmem>>
      %dma_start3A_272 = arith.constant 0 : i32
      %dma_start3A_273 = arith.constant 0 : i32
      %dma_start3A_274 = tpu.memref_slice %arg2[%dma_start3A_272, %dma_start3A_273] : memref<10000x128xf32, #tpu.memory_space<hbm>> -> memref<10000x128xf32, #tpu.memory_space<hbm>>
      tpu.enqueue_indirect_dma source(%dma_start3A_274 : memref<10000x128xf32, #tpu.memory_space<hbm>>) target(%arg14 : memref<100x128xf32, #tpu.memory_space<vmem>>) offsets(%dma_start3A_271 : memref<100xi32, #tpu.memory_space<vmem>>) semaphore(%arg20 : memref<!tpu.dma_semaphore, #tpu.memory_space<semaphore_mem>>)
      %add3A_275 = arith.constant 1 : i32
      %add3A_276 = arith.addi %add3A_259, %add3A_275 : i32
      %dma_start3A_277 = arith.constant 0 : i32
      %dma_start3A_278 = tpu.memref_slice %arg4[%add3A, %add3A_276, %dma_start3A_277] : memref<32x100x100xi32, #tpu.memory_space<hbm>> -> memref<1x1x100xi32, #tpu.memory_space<hbm>>
      %dma_start3A_279 = tpu.memref_squeeze %dma_start3A_278 : memref<1x1x100xi32, #tpu.memory_space<hbm>> -> memref<1x100xi32, #tpu.memory_space<hbm>>
      %dma_start3A_280 = arith.constant 0 : i32
      %dma_start3A_281 = tpu.memref_slice %arg4[%add3A, %add3A_276, %dma_start3A_280] : memref<32x100x100xi32, #tpu.memory_space<hbm>> -> memref<1x1x100xi32, #tpu.memory_space<hbm>>
      %dma_start3A_282 = tpu.memref_squeeze %dma_start3A_281 : memref<1x1x100xi32, #tpu.memory_space<hbm>> -> memref<1x100xi32, #tpu.memory_space<hbm>>
      tpu.enqueue_dma source(%dma_start3A_282 : memref<1x100xi32, #tpu.memory_space<hbm>>) target(%arg10 : memref<1x100xi32, #tpu.memory_space<vmem>>) target_semaphore(%arg16 : memref<!tpu.dma_semaphore, #tpu.memory_space<semaphore_mem>>)
      %add3A_283 = arith.constant 1 : i32
      %add3A_284 = arith.addi %add3A_259, %add3A_283 : i32
      %dma_start3A_285 = arith.constant 0 : i32
      %dma_start3A_286 = tpu.memref_slice %arg5[%add3A, %add3A_284, %dma_start3A_285] : memref<32x100x100xf32, #tpu.memory_space<hbm>> -> memref<1x1x100xf32, #tpu.memory_space<hbm>>
      %dma_start3A_287 = tpu.memref_squeeze %dma_start3A_286 : memref<1x1x100xf32, #tpu.memory_space<hbm>> -> memref<100xf32, #tpu.memory_space<hbm>>
      %dma_start3A_288 = arith.constant 0 : i32
      %dma_start3A_289 = tpu.memref_slice %arg5[%add3A, %add3A_284, %dma_start3A_288] : memref<32x100x100xf32, #tpu.memory_space<hbm>> -> memref<1x1x100xf32, #tpu.memory_space<hbm>>
      %dma_start3A_290 = tpu.memref_squeeze %dma_start3A_289 : memref<1x1x100xf32, #tpu.memory_space<hbm>> -> memref<100xf32, #tpu.memory_space<hbm>>
      tpu.enqueue_dma source(%dma_start3A_290 : memref<100xf32, #tpu.memory_space<hbm>>) target(%arg12 : memref<100xf32, #tpu.memory_space<vmem>>) target_semaphore(%arg18 : memref<!tpu.dma_semaphore, #tpu.memory_space<semaphore_mem>>)
      %dma_wait3A_291 = arith.constant 0 : i32
      %dma_wait3A_292 = tpu.memref_slice %arg8[%add3A_259, %dma_wait3A_291] : memref<100x100xi32, #tpu.memory_space<vmem>> -> memref<1x100xi32, #tpu.memory_space<vmem>>
      %dma_wait3A_293 = tpu.memref_squeeze %dma_wait3A_292 : memref<1x100xi32, #tpu.memory_space<vmem>> -> memref<100xi32, #tpu.memory_space<vmem>>
      %dma_wait3A_294 = arith.constant 0 : i32
      %dma_wait3A_295 = arith.constant 0 : i32
      %dma_wait3A_296 = tpu.memref_slice %arg2[%dma_wait3A_294, %dma_wait3A_295] : memref<10000x128xf32, #tpu.memory_space<hbm>> -> memref<10000x128xf32, #tpu.memory_space<hbm>>
      tpu.wait_indirect_dma semaphore(%arg19 : memref<!tpu.dma_semaphore, #tpu.memory_space<semaphore_mem>>) src(%dma_wait3A_296 : memref<10000x128xf32, #tpu.memory_space<hbm>>) dst(%arg13 : memref<100x128xf32, #tpu.memory_space<vmem>>)
      %dma_wait3A_297 = arith.constant 0 : i32
      %dma_wait3A_298 = tpu.memref_slice %arg5[%add3A, %add3A_259, %dma_wait3A_297] : memref<32x100x100xf32, #tpu.memory_space<hbm>> -> memref<1x1x100xf32, #tpu.memory_space<hbm>>
      %dma_wait3A_299 = tpu.memref_squeeze %dma_wait3A_298 : memref<1x1x100xf32, #tpu.memory_space<hbm>> -> memref<100xf32, #tpu.memory_space<hbm>>
      %dma_wait3A_300 = arith.constant 0 : i32
      %dma_wait3A_301 = tpu.memref_slice %arg5[%add3A, %add3A_259, %dma_wait3A_300] : memref<32x100x100xf32, #tpu.memory_space<hbm>> -> memref<1x1x100xf32, #tpu.memory_space<hbm>>
      %dma_wait3A_302 = tpu.memref_squeeze %dma_wait3A_301 : memref<1x1x100xf32, #tpu.memory_space<hbm>> -> memref<100xf32, #tpu.memory_space<hbm>>
      tpu.wait_dma2 semaphore(%arg17 : memref<!tpu.dma_semaphore, #tpu.memory_space<semaphore_mem>>) src(%dma_wait3A_302 : memref<100xf32, #tpu.memory_space<hbm>>) dst(%arg11 : memref<100xf32, #tpu.memory_space<vmem>>)
      %parallel_loop3A_303 = arith.constant 0 : i32
      %parallel_loop3A_304 = arith.constant 100 : i32
      %parallel_loop3A_305 = arith.constant 1 : i32
      scf.for %parallel_loop3A_380 = %parallel_loop3A_303 to %parallel_loop3A_304 step %parallel_loop3A_305  : i32 {
        %parallel_loop3A_381 = vector.broadcast %parallel_loop3A_380 : i32 to vector<16xi32>
        %parallel_loop3A_382 = tpu.vector_load_idx %arg11[%parallel_loop3A_381] : memref<100xf32, #tpu.memory_space<vmem>>[vector<16xi32>], vector<16xf32>,
        %parallel_loop3A_383 = arith.index_cast %parallel_loop3A_380 : i32 to index
        %parallel_loop3A_384 = arith.constant 0 : index
        %parallel_loop3A_385 = tpu.vector_load %arg13[%parallel_loop3A_383, %parallel_loop3A_384] {strides = array<i32>} : memref<100x128xf32, #tpu.memory_space<vmem>>, vector<16xf32>,
        %parallel_loop3A_386 = arith.mulf %parallel_loop3A_385, %parallel_loop3A_382 : vector<16xf32>
        %parallel_loop3A_387 = arith.index_cast %parallel_loop3A_380 : i32 to index
        %parallel_loop3A_388 = arith.constant 0 : index
        %parallel_loop3A_389 = tpu.vector_load %arg13[%parallel_loop3A_387, %parallel_loop3A_388] {strides = array<i32>} : memref<100x128xf32, #tpu.memory_space<vmem>>, vector<16xf32>,
        tpu.vector_store %arg13[%parallel_loop3A_387, %parallel_loop3A_388], %parallel_loop3A_386 {strides = array<i32>} : memref<100x128xf32, #tpu.memory_space<vmem>>, vector<16xf32>,
        %parallel_loop3A_390 = arith.index_cast %parallel_loop3A_380 : i32 to index
        %parallel_loop3A_391 = arith.constant 16 : index
        %parallel_loop3A_392 = tpu.vector_load %arg13[%parallel_loop3A_390, %parallel_loop3A_391] {strides = array<i32>} : memref<100x128xf32, #tpu.memory_space<vmem>>, vector<16xf32>,
        %parallel_loop3A_393 = arith.mulf %parallel_loop3A_392, %parallel_loop3A_382 : vector<16xf32>
        %parallel_loop3A_394 = arith.index_cast %parallel_loop3A_380 : i32 to index
        %parallel_loop3A_395 = arith.constant 16 : index
        %parallel_loop3A_396 = tpu.vector_load %arg13[%parallel_loop3A_394, %parallel_loop3A_395] {strides = array<i32>} : memref<100x128xf32, #tpu.memory_space<vmem>>, vector<16xf32>,
        tpu.vector_store %arg13[%parallel_loop3A_394, %parallel_loop3A_395], %parallel_loop3A_393 {strides = array<i32>} : memref<100x128xf32, #tpu.memory_space<vmem>>, vector<16xf32>,
        %parallel_loop3A_397 = arith.index_cast %parallel_loop3A_380 : i32 to index
        %parallel_loop3A_398 = arith.constant 32 : index
        %parallel_loop3A_399 = tpu.vector_load %arg13[%parallel_loop3A_397, %parallel_loop3A_398] {strides = array<i32>} : memref<100x128xf32, #tpu.memory_space<vmem>>, vector<16xf32>,
        %parallel_loop3A_400 = arith.mulf %parallel_loop3A_399, %parallel_loop3A_382 : vector<16xf32>
        %parallel_loop3A_401 = arith.index_cast %parallel_loop3A_380 : i32 to index
        %parallel_loop3A_402 = arith.constant 32 : index
        %parallel_loop3A_403 = tpu.vector_load %arg13[%parallel_loop3A_401, %parallel_loop3A_402] {strides = array<i32>} : memref<100x128xf32, #tpu.memory_space<vmem>>, vector<16xf32>,
        tpu.vector_store %arg13[%parallel_loop3A_401, %parallel_loop3A_402], %parallel_loop3A_400 {strides = array<i32>} : memref<100x128xf32, #tpu.memory_space<vmem>>, vector<16xf32>,
        %parallel_loop3A_404 = arith.index_cast %parallel_loop3A_380 : i32 to index
        %parallel_loop3A_405 = arith.constant 48 : index
        %parallel_loop3A_406 = tpu.vector_load %arg13[%parallel_loop3A_404, %parallel_loop3A_405] {strides = array<i32>} : memref<100x128xf32, #tpu.memory_space<vmem>>, vector<16xf32>,
        %parallel_loop3A_407 = arith.mulf %parallel_loop3A_406, %parallel_loop3A_382 : vector<16xf32>
        %parallel_loop3A_408 = arith.index_cast %parallel_loop3A_380 : i32 to index
        %parallel_loop3A_409 = arith.constant 48 : index
        %parallel_loop3A_410 = tpu.vector_load %arg13[%parallel_loop3A_408, %parallel_loop3A_409] {strides = array<i32>} : memref<100x128xf32, #tpu.memory_space<vmem>>, vector<16xf32>,
        tpu.vector_store %arg13[%parallel_loop3A_408, %parallel_loop3A_409], %parallel_loop3A_407 {strides = array<i32>} : memref<100x128xf32, #tpu.memory_space<vmem>>, vector<16xf32>,
        %parallel_loop3A_411 = arith.index_cast %parallel_loop3A_380 : i32 to index
        %parallel_loop3A_412 = arith.constant 64 : index
        %parallel_loop3A_413 = tpu.vector_load %arg13[%parallel_loop3A_411, %parallel_loop3A_412] {strides = array<i32>} : memref<100x128xf32, #tpu.memory_space<vmem>>, vector<16xf32>,
        %parallel_loop3A_414 = arith.mulf %parallel_loop3A_413, %parallel_loop3A_382 : vector<16xf32>
        %parallel_loop3A_415 = arith.index_cast %parallel_loop3A_380 : i32 to index
        %parallel_loop3A_416 = arith.constant 64 : index
        %parallel_loop3A_417 = tpu.vector_load %arg13[%parallel_loop3A_415, %parallel_loop3A_416] {strides = array<i32>} : memref<100x128xf32, #tpu.memory_space<vmem>>, vector<16xf32>,
        tpu.vector_store %arg13[%parallel_loop3A_415, %parallel_loop3A_416], %parallel_loop3A_414 {strides = array<i32>} : memref<100x128xf32, #tpu.memory_space<vmem>>, vector<16xf32>,
        %parallel_loop3A_418 = arith.index_cast %parallel_loop3A_380 : i32 to index
        %parallel_loop3A_419 = arith.constant 80 : index
        %parallel_loop3A_420 = tpu.vector_load %arg13[%parallel_loop3A_418, %parallel_loop3A_419] {strides = array<i32>} : memref<100x128xf32, #tpu.memory_space<vmem>>, vector<16xf32>,
        %parallel_loop3A_421 = arith.mulf %parallel_loop3A_420, %parallel_loop3A_382 : vector<16xf32>
        %parallel_loop3A_422 = arith.index_cast %parallel_loop3A_380 : i32 to index
        %parallel_loop3A_423 = arith.constant 80 : index
        %parallel_loop3A_424 = tpu.vector_load %arg13[%parallel_loop3A_422, %parallel_loop3A_423] {strides = array<i32>} : memref<100x128xf32, #tpu.memory_space<vmem>>, vector<16xf32>,
        tpu.vector_store %arg13[%parallel_loop3A_422, %parallel_loop3A_423], %parallel_loop3A_421 {strides = array<i32>} : memref<100x128xf32, #tpu.memory_space<vmem>>, vector<16xf32>,
        %parallel_loop3A_425 = arith.index_cast %parallel_loop3A_380 : i32 to index
        %parallel_loop3A_426 = arith.constant 96 : index
        %parallel_loop3A_427 = tpu.vector_load %arg13[%parallel_loop3A_425, %parallel_loop3A_426] {strides = array<i32>} : memref<100x128xf32, #tpu.memory_space<vmem>>, vector<16xf32>,
        %parallel_loop3A_428 = arith.mulf %parallel_loop3A_427, %parallel_loop3A_382 : vector<16xf32>
        %parallel_loop3A_429 = arith.index_cast %parallel_loop3A_380 : i32 to index
        %parallel_loop3A_430 = arith.constant 96 : index
        %parallel_loop3A_431 = tpu.vector_load %arg13[%parallel_loop3A_429, %parallel_loop3A_430] {strides = array<i32>} : memref<100x128xf32, #tpu.memory_space<vmem>>, vector<16xf32>,
        tpu.vector_store %arg13[%parallel_loop3A_429, %parallel_loop3A_430], %parallel_loop3A_428 {strides = array<i32>} : memref<100x128xf32, #tpu.memory_space<vmem>>, vector<16xf32>,
        %parallel_loop3A_432 = arith.index_cast %parallel_loop3A_380 : i32 to index
        %parallel_loop3A_433 = arith.constant 112 : index
        %parallel_loop3A_434 = tpu.vector_load %arg13[%parallel_loop3A_432, %parallel_loop3A_433] {strides = array<i32>} : memref<100x128xf32, #tpu.memory_space<vmem>>, vector<16xf32>,
        %parallel_loop3A_435 = arith.mulf %parallel_loop3A_434, %parallel_loop3A_382 : vector<16xf32>
        %parallel_loop3A_436 = arith.index_cast %parallel_loop3A_380 : i32 to index
        %parallel_loop3A_437 = arith.constant 112 : index
        %parallel_loop3A_438 = tpu.vector_load %arg13[%parallel_loop3A_436, %parallel_loop3A_437] {strides = array<i32>} : memref<100x128xf32, #tpu.memory_space<vmem>>, vector<16xf32>,
        tpu.vector_store %arg13[%parallel_loop3A_436, %parallel_loop3A_437], %parallel_loop3A_435 {strides = array<i32>} : memref<100x128xf32, #tpu.memory_space<vmem>>, vector<16xf32>,
      } {sc.loop_unroll_factor = 2 : i64, sc.parallel_access}
      %dma_wait3A_306 = arith.constant 0 : i32
      %dma_wait3A_307 = tpu.memref_slice %arg4[%add3A, %add3A_259, %dma_wait3A_306] : memref<32x100x100xi32, #tpu.memory_space<hbm>> -> memref<1x1x100xi32, #tpu.memory_space<hbm>>
      %dma_wait3A_308 = tpu.memref_squeeze %dma_wait3A_307 : memref<1x1x100xi32, #tpu.memory_space<hbm>> -> memref<1x100xi32, #tpu.memory_space<hbm>>
      %dma_wait3A_309 = arith.constant 0 : i32
      %dma_wait3A_310 = tpu.memref_slice %arg4[%add3A, %add3A_259, %dma_wait3A_309] : memref<32x100x100xi32, #tpu.memory_space<hbm>> -> memref<1x1x100xi32, #tpu.memory_space<hbm>>
      %dma_wait3A_311 = tpu.memref_squeeze %dma_wait3A_310 : memref<1x1x100xi32, #tpu.memory_space<hbm>> -> memref<1x100xi32, #tpu.memory_space<hbm>>
      tpu.wait_dma2 semaphore(%arg15 : memref<!tpu.dma_semaphore, #tpu.memory_space<semaphore_mem>>) src(%dma_wait3A_311 : memref<1x100xi32, #tpu.memory_space<hbm>>) dst(%arg9 : memref<1x100xi32, #tpu.memory_space<vmem>>)
      %dma_start3A_312 = arith.constant 0 : i32
      %dma_start3A_313 = arith.constant 0 : i32
      %dma_start3A_314 = tpu.memref_slice %arg9[%dma_start3A_312, %dma_start3A_313] : memref<1x100xi32, #tpu.memory_space<vmem>> -> memref<1x100xi32, #tpu.memory_space<vmem>>
      %dma_start3A_315 = tpu.memref_squeeze %dma_start3A_314 : memref<1x100xi32, #tpu.memory_space<vmem>> -> memref<100xi32, #tpu.memory_space<vmem>>
      %dma_start3A_316 = arith.constant 0 : i32
      %dma_start3A_317 = arith.constant 0 : i32
      %dma_start3A_318 = tpu.memref_slice %arg23[%dma_start3A_316, %dma_start3A_317] : memref<10240x128xf32, #tpu.memory_space<vmem_shared>> -> memref<10240x128xf32, #tpu.memory_space<vmem_shared>>
      tpu.enqueue_indirect_dma source(%arg13 : memref<100x128xf32, #tpu.memory_space<vmem>>) target(%dma_start3A_318 : memref<10240x128xf32, #tpu.memory_space<vmem_shared>>) offsets(%dma_start3A_315 : memref<100xi32, #tpu.memory_space<vmem>>) semaphore(%arg21 : memref<!tpu.dma_semaphore, #tpu.memory_space<semaphore_mem>>) {add = true}
      %add3A_319 = arith.constant 1 : i32
      %add3A_320 = arith.addi %add3A_259, %add3A_319 : i32
      %dma_wait3A_321 = arith.constant 0 : i32
      %dma_wait3A_322 = arith.constant 0 : i32
      %dma_wait3A_323 = tpu.memref_slice %arg9[%dma_wait3A_321, %dma_wait3A_322] : memref<1x100xi32, #tpu.memory_space<vmem>> -> memref<1x100xi32, #tpu.memory_space<vmem>>
      %dma_wait3A_324 = tpu.memref_squeeze %dma_wait3A_323 : memref<1x100xi32, #tpu.memory_space<vmem>> -> memref<100xi32, #tpu.memory_space<vmem>>
      %dma_wait3A_325 = arith.constant 0 : i32
      %dma_wait3A_326 = arith.constant 0 : i32
      %dma_wait3A_327 = tpu.memref_slice %arg23[%dma_wait3A_325, %dma_wait3A_326] : memref<10240x128xf32, #tpu.memory_space<vmem_shared>> -> memref<10240x128xf32, #tpu.memory_space<vmem_shared>>
      tpu.wait_indirect_dma semaphore(%arg21 : memref<!tpu.dma_semaphore, #tpu.memory_space<semaphore_mem>>) src(%arg13 : memref<100x128xf32, #tpu.memory_space<vmem>>) dst(%dma_wait3A_327 : memref<10240x128xf32, #tpu.memory_space<vmem_shared>>)
      %add3A_328 = arith.constant 1 : i32
      %add3A_329 = arith.addi %add3A_320, %add3A_328 : i32
      %dma_start3A_330 = arith.constant 0 : i32
      %dma_start3A_331 = tpu.memref_slice %arg8[%add3A_329, %dma_start3A_330] : memref<100x100xi32, #tpu.memory_space<vmem>> -> memref<1x100xi32, #tpu.memory_space<vmem>>
      %dma_start3A_332 = tpu.memref_squeeze %dma_start3A_331 : memref<1x100xi32, #tpu.memory_space<vmem>> -> memref<100xi32, #tpu.memory_space<vmem>>
      %dma_start3A_333 = arith.constant 0 : i32
      %dma_start3A_334 = arith.constant 0 : i32
      %dma_start3A_335 = tpu.memref_slice %arg2[%dma_start3A_333, %dma_start3A_334] : memref<10000x128xf32, #tpu.memory_space<hbm>> -> memref<10000x128xf32, #tpu.memory_space<hbm>>
      tpu.enqueue_indirect_dma source(%dma_start3A_335 : memref<10000x128xf32, #tpu.memory_space<hbm>>) target(%arg13 : memref<100x128xf32, #tpu.memory_space<vmem>>) offsets(%dma_start3A_332 : memref<100xi32, #tpu.memory_space<vmem>>) semaphore(%arg19 : memref<!tpu.dma_semaphore, #tpu.memory_space<semaphore_mem>>)
      %add3A_336 = arith.constant 1 : i32
      %add3A_337 = arith.addi %add3A_320, %add3A_336 : i32
      %dma_start3A_338 = arith.constant 0 : i32
      %dma_start3A_339 = tpu.memref_slice %arg4[%add3A, %add3A_337, %dma_start3A_338] : memref<32x100x100xi32, #tpu.memory_space<hbm>> -> memref<1x1x100xi32, #tpu.memory_space<hbm>>
      %dma_start3A_340 = tpu.memref_squeeze %dma_start3A_339 : memref<1x1x100xi32, #tpu.memory_space<hbm>> -> memref<1x100xi32, #tpu.memory_space<hbm>>
      %dma_start3A_341 = arith.constant 0 : i32
      %dma_start3A_342 = tpu.memref_slice %arg4[%add3A, %add3A_337, %dma_start3A_341] : memref<32x100x100xi32, #tpu.memory_space<hbm>> -> memref<1x1x100xi32, #tpu.memory_space<hbm>>
      %dma_start3A_343 = tpu.memref_squeeze %dma_start3A_342 : memref<1x1x100xi32, #tpu.memory_space<hbm>> -> memref<1x100xi32, #tpu.memory_space<hbm>>
      tpu.enqueue_dma source(%dma_start3A_343 : memref<1x100xi32, #tpu.memory_space<hbm>>) target(%arg9 : memref<1x100xi32, #tpu.memory_space<vmem>>) target_semaphore(%arg15 : memref<!tpu.dma_semaphore, #tpu.memory_space<semaphore_mem>>)
      %add3A_344 = arith.constant 1 : i32
      %add3A_345 = arith.addi %add3A_320, %add3A_344 : i32
      %dma_start3A_346 = arith.constant 0 : i32
      %dma_start3A_347 = tpu.memref_slice %arg5[%add3A, %add3A_345, %dma_start3A_346] : memref<32x100x100xf32, #tpu.memory_space<hbm>> -> memref<1x1x100xf32, #tpu.memory_space<hbm>>
      %dma_start3A_348 = tpu.memref_squeeze %dma_start3A_347 : memref<1x1x100xf32, #tpu.memory_space<hbm>> -> memref<100xf32, #tpu.memory_space<hbm>>
      %dma_start3A_349 = arith.constant 0 : i32
      %dma_start3A_350 = tpu.memref_slice %arg5[%add3A, %add3A_345, %dma_start3A_349] : memref<32x100x100xf32, #tpu.memory_space<hbm>> -> memref<1x1x100xf32, #tpu.memory_space<hbm>>
      %dma_start3A_351 = tpu.memref_squeeze %dma_start3A_350 : memref<1x1x100xf32, #tpu.memory_space<hbm>> -> memref<100xf32, #tpu.memory_space<hbm>>
      tpu.enqueue_dma source(%dma_start3A_351 : memref<100xf32, #tpu.memory_space<hbm>>) target(%arg11 : memref<100xf32, #tpu.memory_space<vmem>>) target_semaphore(%arg17 : memref<!tpu.dma_semaphore, #tpu.memory_space<semaphore_mem>>)
      %dma_wait3A_352 = arith.constant 0 : i32
      %dma_wait3A_353 = tpu.memref_slice %arg8[%add3A_320, %dma_wait3A_352] : memref<100x100xi32, #tpu.memory_space<vmem>> -> memref<1x100xi32, #tpu.memory_space<vmem>>
      %dma_wait3A_354 = tpu.memref_squeeze %dma_wait3A_353 : memref<1x100xi32, #tpu.memory_space<vmem>> -> memref<100xi32, #tpu.memory_space<vmem>>
      %dma_wait3A_355 = arith.constant 0 : i32
      %dma_wait3A_356 = arith.constant 0 : i32
      %dma_wait3A_357 = tpu.memref_slice %arg2[%dma_wait3A_355, %dma_wait3A_356] : memref<10000x128xf32, #tpu.memory_space<hbm>> -> memref<10000x128xf32, #tpu.memory_space<hbm>>
      tpu.wait_indirect_dma semaphore(%arg20 : memref<!tpu.dma_semaphore, #tpu.memory_space<semaphore_mem>>) src(%dma_wait3A_357 : memref<10000x128xf32, #tpu.memory_space<hbm>>) dst(%arg14 : memref<100x128xf32, #tpu.memory_space<vmem>>)
      %dma_wait3A_358 = arith.constant 0 : i32
      %dma_wait3A_359 = tpu.memref_slice %arg5[%add3A, %add3A_320, %dma_wait3A_358] : memref<32x100x100xf32, #tpu.memory_space<hbm>> -> memref<1x1x100xf32, #tpu.memory_space<hbm>>
      %dma_wait3A_360 = tpu.memref_squeeze %dma_wait3A_359 : memref<1x1x100xf32, #tpu.memory_space<hbm>> -> memref<100xf32, #tpu.memory_space<hbm>>
      %dma_wait3A_361 = arith.constant 0 : i32
      %dma_wait3A_362 = tpu.memref_slice %arg5[%add3A, %add3A_320, %dma_wait3A_361] : memref<32x100x100xf32, #tpu.memory_space<hbm>> -> memref<1x1x100xf32, #tpu.memory_space<hbm>>
      %dma_wait3A_363 = tpu.memref_squeeze %dma_wait3A_362 : memref<1x1x100xf32, #tpu.memory_space<hbm>> -> memref<100xf32, #tpu.memory_space<hbm>>
      tpu.wait_dma2 semaphore(%arg18 : memref<!tpu.dma_semaphore, #tpu.memory_space<semaphore_mem>>) src(%dma_wait3A_363 : memref<100xf32, #tpu.memory_space<hbm>>) dst(%arg12 : memref<100xf32, #tpu.memory_space<vmem>>)
      %parallel_loop3A_364 = arith.constant 0 : i32
      %parallel_loop3A_365 = arith.constant 100 : i32
      %parallel_loop3A_366 = arith.constant 1 : i32
      scf.for %parallel_loop3A_380 = %parallel_loop3A_364 to %parallel_loop3A_365 step %parallel_loop3A_366  : i32 {
        %parallel_loop3A_381 = vector.broadcast %parallel_loop3A_380 : i32 to vector<16xi32>
        %parallel_loop3A_382 = tpu.vector_load_idx %arg12[%parallel_loop3A_381] : memref<100xf32, #tpu.memory_space<vmem>>[vector<16xi32>], vector<16xf32>,
        %parallel_loop3A_383 = arith.index_cast %parallel_loop3A_380 : i32 to index
        %parallel_loop3A_384 = arith.constant 0 : index
        %parallel_loop3A_385 = tpu.vector_load %arg14[%parallel_loop3A_383, %parallel_loop3A_384] {strides = array<i32>} : memref<100x128xf32, #tpu.memory_space<vmem>>, vector<16xf32>,
        %parallel_loop3A_386 = arith.mulf %parallel_loop3A_385, %parallel_loop3A_382 : vector<16xf32>
        %parallel_loop3A_387 = arith.index_cast %parallel_loop3A_380 : i32 to index
        %parallel_loop3A_388 = arith.constant 0 : index
        %parallel_loop3A_389 = tpu.vector_load %arg14[%parallel_loop3A_387, %parallel_loop3A_388] {strides = array<i32>} : memref<100x128xf32, #tpu.memory_space<vmem>>, vector<16xf32>,
        tpu.vector_store %arg14[%parallel_loop3A_387, %parallel_loop3A_388], %parallel_loop3A_386 {strides = array<i32>} : memref<100x128xf32, #tpu.memory_space<vmem>>, vector<16xf32>,
        %parallel_loop3A_390 = arith.index_cast %parallel_loop3A_380 : i32 to index
        %parallel_loop3A_391 = arith.constant 16 : index
        %parallel_loop3A_392 = tpu.vector_load %arg14[%parallel_loop3A_390, %parallel_loop3A_391] {strides = array<i32>} : memref<100x128xf32, #tpu.memory_space<vmem>>, vector<16xf32>,
        %parallel_loop3A_393 = arith.mulf %parallel_loop3A_392, %parallel_loop3A_382 : vector<16xf32>
        %parallel_loop3A_394 = arith.index_cast %parallel_loop3A_380 : i32 to index
        %parallel_loop3A_395 = arith.constant 16 : index
        %parallel_loop3A_396 = tpu.vector_load %arg14[%parallel_loop3A_394, %parallel_loop3A_395] {strides = array<i32>} : memref<100x128xf32, #tpu.memory_space<vmem>>, vector<16xf32>,
        tpu.vector_store %arg14[%parallel_loop3A_394, %parallel_loop3A_395], %parallel_loop3A_393 {strides = array<i32>} : memref<100x128xf32, #tpu.memory_space<vmem>>, vector<16xf32>,
        %parallel_loop3A_397 = arith.index_cast %parallel_loop3A_380 : i32 to index
        %parallel_loop3A_398 = arith.constant 32 : index
        %parallel_loop3A_399 = tpu.vector_load %arg14[%parallel_loop3A_397, %parallel_loop3A_398] {strides = array<i32>} : memref<100x128xf32, #tpu.memory_space<vmem>>, vector<16xf32>,
        %parallel_loop3A_400 = arith.mulf %parallel_loop3A_399, %parallel_loop3A_382 : vector<16xf32>
        %parallel_loop3A_401 = arith.index_cast %parallel_loop3A_380 : i32 to index
        %parallel_loop3A_402 = arith.constant 32 : index
        %parallel_loop3A_403 = tpu.vector_load %arg14[%parallel_loop3A_401, %parallel_loop3A_402] {strides = array<i32>} : memref<100x128xf32, #tpu.memory_space<vmem>>, vector<16xf32>,
        tpu.vector_store %arg14[%parallel_loop3A_401, %parallel_loop3A_402], %parallel_loop3A_400 {strides = array<i32>} : memref<100x128xf32, #tpu.memory_space<vmem>>, vector<16xf32>,
        %parallel_loop3A_404 = arith.index_cast %parallel_loop3A_380 : i32 to index
        %parallel_loop3A_405 = arith.constant 48 : index
        %parallel_loop3A_406 = tpu.vector_load %arg14[%parallel_loop3A_404, %parallel_loop3A_405] {strides = array<i32>} : memref<100x128xf32, #tpu.memory_space<vmem>>, vector<16xf32>,
        %parallel_loop3A_407 = arith.mulf %parallel_loop3A_406, %parallel_loop3A_382 : vector<16xf32>
        %parallel_loop3A_408 = arith.index_cast %parallel_loop3A_380 : i32 to index
        %parallel_loop3A_409 = arith.constant 48 : index
        %parallel_loop3A_410 = tpu.vector_load %arg14[%parallel_loop3A_408, %parallel_loop3A_409] {strides = array<i32>} : memref<100x128xf32, #tpu.memory_space<vmem>>, vector<16xf32>,
        tpu.vector_store %arg14[%parallel_loop3A_408, %parallel_loop3A_409], %parallel_loop3A_407 {strides = array<i32>} : memref<100x128xf32, #tpu.memory_space<vmem>>, vector<16xf32>,
        %parallel_loop3A_411 = arith.index_cast %parallel_loop3A_380 : i32 to index
        %parallel_loop3A_412 = arith.constant 64 : index
        %parallel_loop3A_413 = tpu.vector_load %arg14[%parallel_loop3A_411, %parallel_loop3A_412] {strides = array<i32>} : memref<100x128xf32, #tpu.memory_space<vmem>>, vector<16xf32>,
        %parallel_loop3A_414 = arith.mulf %parallel_loop3A_413, %parallel_loop3A_382 : vector<16xf32>
        %parallel_loop3A_415 = arith.index_cast %parallel_loop3A_380 : i32 to index
        %parallel_loop3A_416 = arith.constant 64 : index
        %parallel_loop3A_417 = tpu.vector_load %arg14[%parallel_loop3A_415, %parallel_loop3A_416] {strides = array<i32>} : memref<100x128xf32, #tpu.memory_space<vmem>>, vector<16xf32>,
        tpu.vector_store %arg14[%parallel_loop3A_415, %parallel_loop3A_416], %parallel_loop3A_414 {strides = array<i32>} : memref<100x128xf32, #tpu.memory_space<vmem>>, vector<16xf32>,
        %parallel_loop3A_418 = arith.index_cast %parallel_loop3A_380 : i32 to index
        %parallel_loop3A_419 = arith.constant 80 : index
        %parallel_loop3A_420 = tpu.vector_load %arg14[%parallel_loop3A_418, %parallel_loop3A_419] {strides = array<i32>} : memref<100x128xf32, #tpu.memory_space<vmem>>, vector<16xf32>,
        %parallel_loop3A_421 = arith.mulf %parallel_loop3A_420, %parallel_loop3A_382 : vector<16xf32>
        %parallel_loop3A_422 = arith.index_cast %parallel_loop3A_380 : i32 to index
        %parallel_loop3A_423 = arith.constant 80 : index
        %parallel_loop3A_424 = tpu.vector_load %arg14[%parallel_loop3A_422, %parallel_loop3A_423] {strides = array<i32>} : memref<100x128xf32, #tpu.memory_space<vmem>>, vector<16xf32>,
        tpu.vector_store %arg14[%parallel_loop3A_422, %parallel_loop3A_423], %parallel_loop3A_421 {strides = array<i32>} : memref<100x128xf32, #tpu.memory_space<vmem>>, vector<16xf32>,
        %parallel_loop3A_425 = arith.index_cast %parallel_loop3A_380 : i32 to index
        %parallel_loop3A_426 = arith.constant 96 : index
        %parallel_loop3A_427 = tpu.vector_load %arg14[%parallel_loop3A_425, %parallel_loop3A_426] {strides = array<i32>} : memref<100x128xf32, #tpu.memory_space<vmem>>, vector<16xf32>,
        %parallel_loop3A_428 = arith.mulf %parallel_loop3A_427, %parallel_loop3A_382 : vector<16xf32>
        %parallel_loop3A_429 = arith.index_cast %parallel_loop3A_380 : i32 to index
        %parallel_loop3A_430 = arith.constant 96 : index
        %parallel_loop3A_431 = tpu.vector_load %arg14[%parallel_loop3A_429, %parallel_loop3A_430] {strides = array<i32>} : memref<100x128xf32, #tpu.memory_space<vmem>>, vector<16xf32>,
        tpu.vector_store %arg14[%parallel_loop3A_429, %parallel_loop3A_430], %parallel_loop3A_428 {strides = array<i32>} : memref<100x128xf32, #tpu.memory_space<vmem>>, vector<16xf32>,
        %parallel_loop3A_432 = arith.index_cast %parallel_loop3A_380 : i32 to index
        %parallel_loop3A_433 = arith.constant 112 : index
        %parallel_loop3A_434 = tpu.vector_load %arg14[%parallel_loop3A_432, %parallel_loop3A_433] {strides = array<i32>} : memref<100x128xf32, #tpu.memory_space<vmem>>, vector<16xf32>,
        %parallel_loop3A_435 = arith.mulf %parallel_loop3A_434, %parallel_loop3A_382 : vector<16xf32>
        %parallel_loop3A_436 = arith.index_cast %parallel_loop3A_380 : i32 to index
        %parallel_loop3A_437 = arith.constant 112 : index
        %parallel_loop3A_438 = tpu.vector_load %arg14[%parallel_loop3A_436, %parallel_loop3A_437] {strides = array<i32>} : memref<100x128xf32, #tpu.memory_space<vmem>>, vector<16xf32>,
        tpu.vector_store %arg14[%parallel_loop3A_436, %parallel_loop3A_437], %parallel_loop3A_435 {strides = array<i32>} : memref<100x128xf32, #tpu.memory_space<vmem>>, vector<16xf32>,
      } {sc.loop_unroll_factor = 2 : i64, sc.parallel_access}
      %dma_wait3A_367 = arith.constant 0 : i32
      %dma_wait3A_368 = tpu.memref_slice %arg4[%add3A, %add3A_320, %dma_wait3A_367] : memref<32x100x100xi32, #tpu.memory_space<hbm>> -> memref<1x1x100xi32, #tpu.memory_space<hbm>>
      %dma_wait3A_369 = tpu.memref_squeeze %dma_wait3A_368 : memref<1x1x100xi32, #tpu.memory_space<hbm>> -> memref<1x100xi32, #tpu.memory_space<hbm>>
      %dma_wait3A_370 = arith.constant 0 : i32
      %dma_wait3A_371 = tpu.memref_slice %arg4[%add3A, %add3A_320, %dma_wait3A_370] : memref<32x100x100xi32, #tpu.memory_space<hbm>> -> memref<1x1x100xi32, #tpu.memory_space<hbm>>
      %dma_wait3A_372 = tpu.memref_squeeze %dma_wait3A_371 : memref<1x1x100xi32, #tpu.memory_space<hbm>> -> memref<1x100xi32, #tpu.memory_space<hbm>>
      tpu.wait_dma2 semaphore(%arg16 : memref<!tpu.dma_semaphore, #tpu.memory_space<semaphore_mem>>) src(%dma_wait3A_372 : memref<1x100xi32, #tpu.memory_space<hbm>>) dst(%arg10 : memref<1x100xi32, #tpu.memory_space<vmem>>)
      %dma_start3A_373 = arith.constant 0 : i32
      %dma_start3A_374 = arith.constant 0 : i32
      %dma_start3A_375 = tpu.memref_slice %arg10[%dma_start3A_373, %dma_start3A_374] : memref<1x100xi32, #tpu.memory_space<vmem>> -> memref<1x100xi32, #tpu.memory_space<vmem>>
      %dma_start3A_376 = tpu.memref_squeeze %dma_start3A_375 : memref<1x100xi32, #tpu.memory_space<vmem>> -> memref<100xi32, #tpu.memory_space<vmem>>
      %dma_start3A_377 = arith.constant 0 : i32
      %dma_start3A_378 = arith.constant 0 : i32
      %dma_start3A_379 = tpu.memref_slice %arg23[%dma_start3A_377, %dma_start3A_378] : memref<10240x128xf32, #tpu.memory_space<vmem_shared>> -> memref<10240x128xf32, #tpu.memory_space<vmem_shared>>
      tpu.enqueue_indirect_dma source(%arg14 : memref<100x128xf32, #tpu.memory_space<vmem>>) target(%dma_start3A_379 : memref<10240x128xf32, #tpu.memory_space<vmem_shared>>) offsets(%dma_start3A_376 : memref<100xi32, #tpu.memory_space<vmem>>) semaphore(%arg22 : memref<!tpu.dma_semaphore, #tpu.memory_space<semaphore_mem>>) {add = true}
    }
    %scan3A_142 = arith.constant 48 : i32
    %dma_wait3A_143 = arith.constant 0 : i32
    %dma_wait3A_144 = arith.constant 0 : i32
    %dma_wait3A_145 = tpu.memref_slice %arg10[%dma_wait3A_143, %dma_wait3A_144] : memref<1x100xi32, #tpu.memory_space<vmem>> -> memref<1x100xi32, #tpu.memory_space<vmem>>
    %dma_wait3A_146 = tpu.memref_squeeze %dma_wait3A_145 : memref<1x100xi32, #tpu.memory_space<vmem>> -> memref<100xi32, #tpu.memory_space<vmem>>
    %dma_wait3A_147 = arith.constant 0 : i32
    %dma_wait3A_148 = arith.constant 0 : i32
    %dma_wait3A_149 = tpu.memref_slice %arg23[%dma_wait3A_147, %dma_wait3A_148] : memref<10240x128xf32, #tpu.memory_space<vmem_shared>> -> memref<10240x128xf32, #tpu.memory_space<vmem_shared>>
    tpu.wait_indirect_dma semaphore(%arg22 : memref<!tpu.dma_semaphore, #tpu.memory_space<semaphore_mem>>) src(%arg14 : memref<100x128xf32, #tpu.memory_space<vmem>>) dst(%dma_wait3A_149 : memref<10240x128xf32, #tpu.memory_space<vmem_shared>>)
    %dma_start3A_150 = arith.constant 99 : i32
    %dma_start3A_151 = arith.constant 0 : i32
    %dma_start3A_152 = tpu.memref_slice %arg8[%dma_start3A_150, %dma_start3A_151] : memref<100x100xi32, #tpu.memory_space<vmem>> -> memref<1x100xi32, #tpu.memory_space<vmem>>
    %dma_start3A_153 = tpu.memref_squeeze %dma_start3A_152 : memref<1x100xi32, #tpu.memory_space<vmem>> -> memref<100xi32, #tpu.memory_space<vmem>>
    %dma_start3A_154 = arith.constant 0 : i32
    %dma_start3A_155 = arith.constant 0 : i32
    %dma_start3A_156 = tpu.memref_slice %arg2[%dma_start3A_154, %dma_start3A_155] : memref<10000x128xf32, #tpu.memory_space<hbm>> -> memref<10000x128xf32, #tpu.memory_space<hbm>>
    tpu.enqueue_indirect_dma source(%dma_start3A_156 : memref<10000x128xf32, #tpu.memory_space<hbm>>) target(%arg14 : memref<100x128xf32, #tpu.memory_space<vmem>>) offsets(%dma_start3A_153 : memref<100xi32, #tpu.memory_space<vmem>>) semaphore(%arg20 : memref<!tpu.dma_semaphore, #tpu.memory_space<semaphore_mem>>)
    %dma_start3A_157 = arith.constant 99 : i32
    %dma_start3A_158 = arith.constant 0 : i32
    %dma_start3A_159 = tpu.memref_slice %arg4[%add3A, %dma_start3A_157, %dma_start3A_158] : memref<32x100x100xi32, #tpu.memory_space<hbm>> -> memref<1x1x100xi32, #tpu.memory_space<hbm>>
    %dma_start3A_160 = tpu.memref_squeeze %dma_start3A_159 : memref<1x1x100xi32, #tpu.memory_space<hbm>> -> memref<1x100xi32, #tpu.memory_space<hbm>>
    %dma_start3A_161 = arith.constant 99 : i32
    %dma_start3A_162 = arith.constant 0 : i32
    %dma_start3A_163 = tpu.memref_slice %arg4[%add3A, %dma_start3A_161, %dma_start3A_162] : memref<32x100x100xi32, #tpu.memory_space<hbm>> -> memref<1x1x100xi32, #tpu.memory_space<hbm>>
    %dma_start3A_164 = tpu.memref_squeeze %dma_start3A_163 : memref<1x1x100xi32, #tpu.memory_space<hbm>> -> memref<1x100xi32, #tpu.memory_space<hbm>>
    tpu.enqueue_dma source(%dma_start3A_164 : memref<1x100xi32, #tpu.memory_space<hbm>>) target(%arg10 : memref<1x100xi32, #tpu.memory_space<vmem>>) target_semaphore(%arg16 : memref<!tpu.dma_semaphore, #tpu.memory_space<semaphore_mem>>)
    %dma_start3A_165 = arith.constant 99 : i32
    %dma_start3A_166 = arith.constant 0 : i32
    %dma_start3A_167 = tpu.memref_slice %arg5[%add3A, %dma_start3A_165, %dma_start3A_166] : memref<32x100x100xf32, #tpu.memory_space<hbm>> -> memref<1x1x100xf32, #tpu.memory_space<hbm>>
    %dma_start3A_168 = tpu.memref_squeeze %dma_start3A_167 : memref<1x1x100xf32, #tpu.memory_space<hbm>> -> memref<100xf32, #tpu.memory_space<hbm>>
    %dma_start3A_169 = arith.constant 0 : i32
    %dma_start3A_170 = tpu.memref_slice %arg5[%add3A, %dma_start3A_165, %dma_start3A_169] : memref<32x100x100xf32, #tpu.memory_space<hbm>> -> memref<1x1x100xf32, #tpu.memory_space<hbm>>
    %dma_start3A_171 = tpu.memref_squeeze %dma_start3A_170 : memref<1x1x100xf32, #tpu.memory_space<hbm>> -> memref<100xf32, #tpu.memory_space<hbm>>
    tpu.enqueue_dma source(%dma_start3A_171 : memref<100xf32, #tpu.memory_space<hbm>>) target(%arg12 : memref<100xf32, #tpu.memory_space<vmem>>) target_semaphore(%arg18 : memref<!tpu.dma_semaphore, #tpu.memory_space<semaphore_mem>>)
    %dma_wait3A_172 = arith.constant 98 : i32
    %dma_wait3A_173 = arith.constant 0 : i32
    %dma_wait3A_174 = tpu.memref_slice %arg8[%dma_wait3A_172, %dma_wait3A_173] : memref<100x100xi32, #tpu.memory_space<vmem>> -> memref<1x100xi32, #tpu.memory_space<vmem>>
    %dma_wait3A_175 = tpu.memref_squeeze %dma_wait3A_174 : memref<1x100xi32, #tpu.memory_space<vmem>> -> memref<100xi32, #tpu.memory_space<vmem>>
    %dma_wait3A_176 = arith.constant 0 : i32
    %dma_wait3A_177 = arith.constant 0 : i32
    %dma_wait3A_178 = tpu.memref_slice %arg2[%dma_wait3A_176, %dma_wait3A_177] : memref<10000x128xf32, #tpu.memory_space<hbm>> -> memref<10000x128xf32, #tpu.memory_space<hbm>>
    tpu.wait_indirect_dma semaphore(%arg19 : memref<!tpu.dma_semaphore, #tpu.memory_space<semaphore_mem>>) src(%dma_wait3A_178 : memref<10000x128xf32, #tpu.memory_space<hbm>>) dst(%arg13 : memref<100x128xf32, #tpu.memory_space<vmem>>)
    %dma_wait3A_179 = arith.constant 98 : i32
    %dma_wait3A_180 = arith.constant 0 : i32
    %dma_wait3A_181 = tpu.memref_slice %arg5[%add3A, %dma_wait3A_179, %dma_wait3A_180] : memref<32x100x100xf32, #tpu.memory_space<hbm>> -> memref<1x1x100xf32, #tpu.memory_space<hbm>>
    %dma_wait3A_182 = tpu.memref_squeeze %dma_wait3A_181 : memref<1x1x100xf32, #tpu.memory_space<hbm>> -> memref<100xf32, #tpu.memory_space<hbm>>
    %dma_wait3A_183 = arith.constant 0 : i32
    %dma_wait3A_184 = tpu.memref_slice %arg5[%add3A, %dma_wait3A_179, %dma_wait3A_183] : memref<32x100x100xf32, #tpu.memory_space<hbm>> -> memref<1x1x100xf32, #tpu.memory_space<hbm>>
    %dma_wait3A_185 = tpu.memref_squeeze %dma_wait3A_184 : memref<1x1x100xf32, #tpu.memory_space<hbm>> -> memref<100xf32, #tpu.memory_space<hbm>>
    tpu.wait_dma2 semaphore(%arg17 : memref<!tpu.dma_semaphore, #tpu.memory_space<semaphore_mem>>) src(%dma_wait3A_185 : memref<100xf32, #tpu.memory_space<hbm>>) dst(%arg11 : memref<100xf32, #tpu.memory_space<vmem>>)
    %parallel_loop3A_186 = arith.constant 0 : i32
    %parallel_loop3A_187 = arith.constant 100 : i32
    %parallel_loop3A_188 = arith.constant 1 : i32
    scf.for %parallel_loop3A_255 = %parallel_loop3A_186 to %parallel_loop3A_187 step %parallel_loop3A_188  : i32 {
      %parallel_loop3A_256 = vector.broadcast %parallel_loop3A_255 : i32 to vector<16xi32>
      %parallel_loop3A_257 = tpu.vector_load_idx %arg11[%parallel_loop3A_256] : memref<100xf32, #tpu.memory_space<vmem>>[vector<16xi32>], vector<16xf32>,
      %parallel_loop3A_258 = arith.index_cast %parallel_loop3A_255 : i32 to index
      %parallel_loop3A_259 = arith.constant 0 : index
      %parallel_loop3A_260 = tpu.vector_load %arg13[%parallel_loop3A_258, %parallel_loop3A_259] {strides = array<i32>} : memref<100x128xf32, #tpu.memory_space<vmem>>, vector<16xf32>,
      %parallel_loop3A_261 = arith.mulf %parallel_loop3A_260, %parallel_loop3A_257 : vector<16xf32>
      %parallel_loop3A_262 = arith.index_cast %parallel_loop3A_255 : i32 to index
      %parallel_loop3A_263 = arith.constant 0 : index
      %parallel_loop3A_264 = tpu.vector_load %arg13[%parallel_loop3A_262, %parallel_loop3A_263] {strides = array<i32>} : memref<100x128xf32, #tpu.memory_space<vmem>>, vector<16xf32>,
      tpu.vector_store %arg13[%parallel_loop3A_262, %parallel_loop3A_263], %parallel_loop3A_261 {strides = array<i32>} : memref<100x128xf32, #tpu.memory_space<vmem>>, vector<16xf32>,
      %parallel_loop3A_265 = arith.index_cast %parallel_loop3A_255 : i32 to index
      %parallel_loop3A_266 = arith.constant 16 : index
      %parallel_loop3A_267 = tpu.vector_load %arg13[%parallel_loop3A_265, %parallel_loop3A_266] {strides = array<i32>} : memref<100x128xf32, #tpu.memory_space<vmem>>, vector<16xf32>,
      %parallel_loop3A_268 = arith.mulf %parallel_loop3A_267, %parallel_loop3A_257 : vector<16xf32>
      %parallel_loop3A_269 = arith.index_cast %parallel_loop3A_255 : i32 to index
      %parallel_loop3A_270 = arith.constant 16 : index
      %parallel_loop3A_271 = tpu.vector_load %arg13[%parallel_loop3A_269, %parallel_loop3A_270] {strides = array<i32>} : memref<100x128xf32, #tpu.memory_space<vmem>>, vector<16xf32>,
      tpu.vector_store %arg13[%parallel_loop3A_269, %parallel_loop3A_270], %parallel_loop3A_268 {strides = array<i32>} : memref<100x128xf32, #tpu.memory_space<vmem>>, vector<16xf32>,
      %parallel_loop3A_272 = arith.index_cast %parallel_loop3A_255 : i32 to index
      %parallel_loop3A_273 = arith.constant 32 : index
      %parallel_loop3A_274 = tpu.vector_load %arg13[%parallel_loop3A_272, %parallel_loop3A_273] {strides = array<i32>} : memref<100x128xf32, #tpu.memory_space<vmem>>, vector<16xf32>,
      %parallel_loop3A_275 = arith.mulf %parallel_loop3A_274, %parallel_loop3A_257 : vector<16xf32>
      %parallel_loop3A_276 = arith.index_cast %parallel_loop3A_255 : i32 to index
      %parallel_loop3A_277 = arith.constant 32 : index
      %parallel_loop3A_278 = tpu.vector_load %arg13[%parallel_loop3A_276, %parallel_loop3A_277] {strides = array<i32>} : memref<100x128xf32, #tpu.memory_space<vmem>>, vector<16xf32>,
      tpu.vector_store %arg13[%parallel_loop3A_276, %parallel_loop3A_277], %parallel_loop3A_275 {strides = array<i32>} : memref<100x128xf32, #tpu.memory_space<vmem>>, vector<16xf32>,
      %parallel_loop3A_279 = arith.index_cast %parallel_loop3A_255 : i32 to index
      %parallel_loop3A_280 = arith.constant 48 : index
      %parallel_loop3A_281 = tpu.vector_load %arg13[%parallel_loop3A_279, %parallel_loop3A_280] {strides = array<i32>} : memref<100x128xf32, #tpu.memory_space<vmem>>, vector<16xf32>,
      %parallel_loop3A_282 = arith.mulf %parallel_loop3A_281, %parallel_loop3A_257 : vector<16xf32>
      %parallel_loop3A_283 = arith.index_cast %parallel_loop3A_255 : i32 to index
      %parallel_loop3A_284 = arith.constant 48 : index
      %parallel_loop3A_285 = tpu.vector_load %arg13[%parallel_loop3A_283, %parallel_loop3A_284] {strides = array<i32>} : memref<100x128xf32, #tpu.memory_space<vmem>>, vector<16xf32>,
      tpu.vector_store %arg13[%parallel_loop3A_283, %parallel_loop3A_284], %parallel_loop3A_282 {strides = array<i32>} : memref<100x128xf32, #tpu.memory_space<vmem>>, vector<16xf32>,
      %parallel_loop3A_286 = arith.index_cast %parallel_loop3A_255 : i32 to index
      %parallel_loop3A_287 = arith.constant 64 : index
      %parallel_loop3A_288 = tpu.vector_load %arg13[%parallel_loop3A_286, %parallel_loop3A_287] {strides = array<i32>} : memref<100x128xf32, #tpu.memory_space<vmem>>, vector<16xf32>,
      %parallel_loop3A_289 = arith.mulf %parallel_loop3A_288, %parallel_loop3A_257 : vector<16xf32>
      %parallel_loop3A_290 = arith.index_cast %parallel_loop3A_255 : i32 to index
      %parallel_loop3A_291 = arith.constant 64 : index
      %parallel_loop3A_292 = tpu.vector_load %arg13[%parallel_loop3A_290, %parallel_loop3A_291] {strides = array<i32>} : memref<100x128xf32, #tpu.memory_space<vmem>>, vector<16xf32>,
      tpu.vector_store %arg13[%parallel_loop3A_290, %parallel_loop3A_291], %parallel_loop3A_289 {strides = array<i32>} : memref<100x128xf32, #tpu.memory_space<vmem>>, vector<16xf32>,
      %parallel_loop3A_293 = arith.index_cast %parallel_loop3A_255 : i32 to index
      %parallel_loop3A_294 = arith.constant 80 : index
      %parallel_loop3A_295 = tpu.vector_load %arg13[%parallel_loop3A_293, %parallel_loop3A_294] {strides = array<i32>} : memref<100x128xf32, #tpu.memory_space<vmem>>, vector<16xf32>,
      %parallel_loop3A_296 = arith.mulf %parallel_loop3A_295, %parallel_loop3A_257 : vector<16xf32>
      %parallel_loop3A_297 = arith.index_cast %parallel_loop3A_255 : i32 to index
      %parallel_loop3A_298 = arith.constant 80 : index
      %parallel_loop3A_299 = tpu.vector_load %arg13[%parallel_loop3A_297, %parallel_loop3A_298] {strides = array<i32>} : memref<100x128xf32, #tpu.memory_space<vmem>>, vector<16xf32>,
      tpu.vector_store %arg13[%parallel_loop3A_297, %parallel_loop3A_298], %parallel_loop3A_296 {strides = array<i32>} : memref<100x128xf32, #tpu.memory_space<vmem>>, vector<16xf32>,
      %parallel_loop3A_300 = arith.index_cast %parallel_loop3A_255 : i32 to index
      %parallel_loop3A_301 = arith.constant 96 : index
      %parallel_loop3A_302 = tpu.vector_load %arg13[%parallel_loop3A_300, %parallel_loop3A_301] {strides = array<i32>} : memref<100x128xf32, #tpu.memory_space<vmem>>, vector<16xf32>,
      %parallel_loop3A_303 = arith.mulf %parallel_loop3A_302, %parallel_loop3A_257 : vector<16xf32>
      %parallel_loop3A_304 = arith.index_cast %parallel_loop3A_255 : i32 to index
      %parallel_loop3A_305 = arith.constant 96 : index
      %parallel_loop3A_306 = tpu.vector_load %arg13[%parallel_loop3A_304, %parallel_loop3A_305] {strides = array<i32>} : memref<100x128xf32, #tpu.memory_space<vmem>>, vector<16xf32>,
      tpu.vector_store %arg13[%parallel_loop3A_304, %parallel_loop3A_305], %parallel_loop3A_303 {strides = array<i32>} : memref<100x128xf32, #tpu.memory_space<vmem>>, vector<16xf32>,
      %parallel_loop3A_307 = arith.index_cast %parallel_loop3A_255 : i32 to index
      %parallel_loop3A_308 = arith.constant 112 : index
      %parallel_loop3A_309 = tpu.vector_load %arg13[%parallel_loop3A_307, %parallel_loop3A_308] {strides = array<i32>} : memref<100x128xf32, #tpu.memory_space<vmem>>, vector<16xf32>,
      %parallel_loop3A_310 = arith.mulf %parallel_loop3A_309, %parallel_loop3A_257 : vector<16xf32>
      %parallel_loop3A_311 = arith.index_cast %parallel_loop3A_255 : i32 to index
      %parallel_loop3A_312 = arith.constant 112 : index
      %parallel_loop3A_313 = tpu.vector_load %arg13[%parallel_loop3A_311, %parallel_loop3A_312] {strides = array<i32>} : memref<100x128xf32, #tpu.memory_space<vmem>>, vector<16xf32>,
      tpu.vector_store %arg13[%parallel_loop3A_311, %parallel_loop3A_312], %parallel_loop3A_310 {strides = array<i32>} : memref<100x128xf32, #tpu.memory_space<vmem>>, vector<16xf32>,
    } {sc.loop_unroll_factor = 2 : i64, sc.parallel_access}
    %dma_wait3A_189 = arith.constant 98 : i32
    %dma_wait3A_190 = arith.constant 0 : i32
    %dma_wait3A_191 = tpu.memref_slice %arg4[%add3A, %dma_wait3A_189, %dma_wait3A_190] : memref<32x100x100xi32, #tpu.memory_space<hbm>> -> memref<1x1x100xi32, #tpu.memory_space<hbm>>
    %dma_wait3A_192 = tpu.memref_squeeze %dma_wait3A_191 : memref<1x1x100xi32, #tpu.memory_space<hbm>> -> memref<1x100xi32, #tpu.memory_space<hbm>>
    %dma_wait3A_193 = arith.constant 98 : i32
    %dma_wait3A_194 = arith.constant 0 : i32
    %dma_wait3A_195 = tpu.memref_slice %arg4[%add3A, %dma_wait3A_193, %dma_wait3A_194] : memref<32x100x100xi32, #tpu.memory_space<hbm>> -> memref<1x1x100xi32, #tpu.memory_space<hbm>>
    %dma_wait3A_196 = tpu.memref_squeeze %dma_wait3A_195 : memref<1x1x100xi32, #tpu.memory_space<hbm>> -> memref<1x100xi32, #tpu.memory_space<hbm>>
    tpu.wait_dma2 semaphore(%arg15 : memref<!tpu.dma_semaphore, #tpu.memory_space<semaphore_mem>>) src(%dma_wait3A_196 : memref<1x100xi32, #tpu.memory_space<hbm>>) dst(%arg9 : memref<1x100xi32, #tpu.memory_space<vmem>>)
    %dma_start3A_197 = arith.constant 0 : i32
    %dma_start3A_198 = arith.constant 0 : i32
    %dma_start3A_199 = tpu.memref_slice %arg9[%dma_start3A_197, %dma_start3A_198] : memref<1x100xi32, #tpu.memory_space<vmem>> -> memref<1x100xi32, #tpu.memory_space<vmem>>
    %dma_start3A_200 = tpu.memref_squeeze %dma_start3A_199 : memref<1x100xi32, #tpu.memory_space<vmem>> -> memref<100xi32, #tpu.memory_space<vmem>>
    %dma_start3A_201 = arith.constant 0 : i32
    %dma_start3A_202 = arith.constant 0 : i32
    %dma_start3A_203 = tpu.memref_slice %arg23[%dma_start3A_201, %dma_start3A_202] : memref<10240x128xf32, #tpu.memory_space<vmem_shared>> -> memref<10240x128xf32, #tpu.memory_space<vmem_shared>>
    tpu.enqueue_indirect_dma source(%arg13 : memref<100x128xf32, #tpu.memory_space<vmem>>) target(%dma_start3A_203 : memref<10240x128xf32, #tpu.memory_space<vmem_shared>>) offsets(%dma_start3A_200 : memref<100xi32, #tpu.memory_space<vmem>>) semaphore(%arg21 : memref<!tpu.dma_semaphore, #tpu.memory_space<semaphore_mem>>) {add = true}
    %dma_wait3A_204 = arith.constant 0 : i32
    %dma_wait3A_205 = arith.constant 0 : i32
    %dma_wait3A_206 = tpu.memref_slice %arg9[%dma_wait3A_204, %dma_wait3A_205] : memref<1x100xi32, #tpu.memory_space<vmem>> -> memref<1x100xi32, #tpu.memory_space<vmem>>
    %dma_wait3A_207 = tpu.memref_squeeze %dma_wait3A_206 : memref<1x100xi32, #tpu.memory_space<vmem>> -> memref<100xi32, #tpu.memory_space<vmem>>
    %dma_wait3A_208 = arith.constant 0 : i32
    %dma_wait3A_209 = arith.constant 0 : i32
    %dma_wait3A_210 = tpu.memref_slice %arg23[%dma_wait3A_208, %dma_wait3A_209] : memref<10240x128xf32, #tpu.memory_space<vmem_shared>> -> memref<10240x128xf32, #tpu.memory_space<vmem_shared>>
    tpu.wait_indirect_dma semaphore(%arg21 : memref<!tpu.dma_semaphore, #tpu.memory_space<semaphore_mem>>) src(%arg13 : memref<100x128xf32, #tpu.memory_space<vmem>>) dst(%dma_wait3A_210 : memref<10240x128xf32, #tpu.memory_space<vmem_shared>>)
    %dma_wait3A_211 = arith.constant 99 : i32
    %dma_wait3A_212 = arith.constant 0 : i32
    %dma_wait3A_213 = tpu.memref_slice %arg8[%dma_wait3A_211, %dma_wait3A_212] : memref<100x100xi32, #tpu.memory_space<vmem>> -> memref<1x100xi32, #tpu.memory_space<vmem>>
    %dma_wait3A_214 = tpu.memref_squeeze %dma_wait3A_213 : memref<1x100xi32, #tpu.memory_space<vmem>> -> memref<100xi32, #tpu.memory_space<vmem>>
    %dma_wait3A_215 = arith.constant 0 : i32
    %dma_wait3A_216 = arith.constant 0 : i32
    %dma_wait3A_217 = tpu.memref_slice %arg2[%dma_wait3A_215, %dma_wait3A_216] : memref<10000x128xf32, #tpu.memory_space<hbm>> -> memref<10000x128xf32, #tpu.memory_space<hbm>>
    tpu.wait_indirect_dma semaphore(%arg20 : memref<!tpu.dma_semaphore, #tpu.memory_space<semaphore_mem>>) src(%dma_wait3A_217 : memref<10000x128xf32, #tpu.memory_space<hbm>>) dst(%arg14 : memref<100x128xf32, #tpu.memory_space<vmem>>)
    %dma_wait3A_218 = arith.constant 99 : i32
    %dma_wait3A_219 = arith.constant 0 : i32
    %dma_wait3A_220 = tpu.memref_slice %arg5[%add3A, %dma_wait3A_218, %dma_wait3A_219] : memref<32x100x100xf32, #tpu.memory_space<hbm>> -> memref<1x1x100xf32, #tpu.memory_space<hbm>>
    %dma_wait3A_221 = tpu.memref_squeeze %dma_wait3A_220 : memref<1x1x100xf32, #tpu.memory_space<hbm>> -> memref<100xf32, #tpu.memory_space<hbm>>
    %dma_wait3A_222 = arith.constant 0 : i32
    %dma_wait3A_223 = tpu.memref_slice %arg5[%add3A, %dma_wait3A_218, %dma_wait3A_222] : memref<32x100x100xf32, #tpu.memory_space<hbm>> -> memref<1x1x100xf32, #tpu.memory_space<hbm>>
    %dma_wait3A_224 = tpu.memref_squeeze %dma_wait3A_223 : memref<1x1x100xf32, #tpu.memory_space<hbm>> -> memref<100xf32, #tpu.memory_space<hbm>>
    tpu.wait_dma2 semaphore(%arg18 : memref<!tpu.dma_semaphore, #tpu.memory_space<semaphore_mem>>) src(%dma_wait3A_224 : memref<100xf32, #tpu.memory_space<hbm>>) dst(%arg12 : memref<100xf32, #tpu.memory_space<vmem>>)
    %parallel_loop3A_225 = arith.constant 0 : i32
    %parallel_loop3A_226 = arith.constant 100 : i32
    %parallel_loop3A_227 = arith.constant 1 : i32
    scf.for %parallel_loop3A_255 = %parallel_loop3A_225 to %parallel_loop3A_226 step %parallel_loop3A_227  : i32 {
      %parallel_loop3A_256 = vector.broadcast %parallel_loop3A_255 : i32 to vector<16xi32>
      %parallel_loop3A_257 = tpu.vector_load_idx %arg12[%parallel_loop3A_256] : memref<100xf32, #tpu.memory_space<vmem>>[vector<16xi32>], vector<16xf32>,
      %parallel_loop3A_258 = arith.index_cast %parallel_loop3A_255 : i32 to index
      %parallel_loop3A_259 = arith.constant 0 : index
      %parallel_loop3A_260 = tpu.vector_load %arg14[%parallel_loop3A_258, %parallel_loop3A_259] {strides = array<i32>} : memref<100x128xf32, #tpu.memory_space<vmem>>, vector<16xf32>,
      %parallel_loop3A_261 = arith.mulf %parallel_loop3A_260, %parallel_loop3A_257 : vector<16xf32>
      %parallel_loop3A_262 = arith.index_cast %parallel_loop3A_255 : i32 to index
      %parallel_loop3A_263 = arith.constant 0 : index
      %parallel_loop3A_264 = tpu.vector_load %arg14[%parallel_loop3A_262, %parallel_loop3A_263] {strides = array<i32>} : memref<100x128xf32, #tpu.memory_space<vmem>>, vector<16xf32>,
      tpu.vector_store %arg14[%parallel_loop3A_262, %parallel_loop3A_263], %parallel_loop3A_261 {strides = array<i32>} : memref<100x128xf32, #tpu.memory_space<vmem>>, vector<16xf32>,
      %parallel_loop3A_265 = arith.index_cast %parallel_loop3A_255 : i32 to index
      %parallel_loop3A_266 = arith.constant 16 : index
      %parallel_loop3A_267 = tpu.vector_load %arg14[%parallel_loop3A_265, %parallel_loop3A_266] {strides = array<i32>} : memref<100x128xf32, #tpu.memory_space<vmem>>, vector<16xf32>,
      %parallel_loop3A_268 = arith.mulf %parallel_loop3A_267, %parallel_loop3A_257 : vector<16xf32>
      %parallel_loop3A_269 = arith.index_cast %parallel_loop3A_255 : i32 to index
      %parallel_loop3A_270 = arith.constant 16 : index
      %parallel_loop3A_271 = tpu.vector_load %arg14[%parallel_loop3A_269, %parallel_loop3A_270] {strides = array<i32>} : memref<100x128xf32, #tpu.memory_space<vmem>>, vector<16xf32>,
      tpu.vector_store %arg14[%parallel_loop3A_269, %parallel_loop3A_270], %parallel_loop3A_268 {strides = array<i32>} : memref<100x128xf32, #tpu.memory_space<vmem>>, vector<16xf32>,
      %parallel_loop3A_272 = arith.index_cast %parallel_loop3A_255 : i32 to index
      %parallel_loop3A_273 = arith.constant 32 : index
      %parallel_loop3A_274 = tpu.vector_load %arg14[%parallel_loop3A_272, %parallel_loop3A_273] {strides = array<i32>} : memref<100x128xf32, #tpu.memory_space<vmem>>, vector<16xf32>,
      %parallel_loop3A_275 = arith.mulf %parallel_loop3A_274, %parallel_loop3A_257 : vector<16xf32>
      %parallel_loop3A_276 = arith.index_cast %parallel_loop3A_255 : i32 to index
      %parallel_loop3A_277 = arith.constant 32 : index
      %parallel_loop3A_278 = tpu.vector_load %arg14[%parallel_loop3A_276, %parallel_loop3A_277] {strides = array<i32>} : memref<100x128xf32, #tpu.memory_space<vmem>>, vector<16xf32>,
      tpu.vector_store %arg14[%parallel_loop3A_276, %parallel_loop3A_277], %parallel_loop3A_275 {strides = array<i32>} : memref<100x128xf32, #tpu.memory_space<vmem>>, vector<16xf32>,
      %parallel_loop3A_279 = arith.index_cast %parallel_loop3A_255 : i32 to index
      %parallel_loop3A_280 = arith.constant 48 : index
      %parallel_loop3A_281 = tpu.vector_load %arg14[%parallel_loop3A_279, %parallel_loop3A_280] {strides = array<i32>} : memref<100x128xf32, #tpu.memory_space<vmem>>, vector<16xf32>,
      %parallel_loop3A_282 = arith.mulf %parallel_loop3A_281, %parallel_loop3A_257 : vector<16xf32>
      %parallel_loop3A_283 = arith.index_cast %parallel_loop3A_255 : i32 to index
      %parallel_loop3A_284 = arith.constant 48 : index
      %parallel_loop3A_285 = tpu.vector_load %arg14[%parallel_loop3A_283, %parallel_loop3A_284] {strides = array<i32>} : memref<100x128xf32, #tpu.memory_space<vmem>>, vector<16xf32>,
      tpu.vector_store %arg14[%parallel_loop3A_283, %parallel_loop3A_284], %parallel_loop3A_282 {strides = array<i32>} : memref<100x128xf32, #tpu.memory_space<vmem>>, vector<16xf32>,
      %parallel_loop3A_286 = arith.index_cast %parallel_loop3A_255 : i32 to index
      %parallel_loop3A_287 = arith.constant 64 : index
      %parallel_loop3A_288 = tpu.vector_load %arg14[%parallel_loop3A_286, %parallel_loop3A_287] {strides = array<i32>} : memref<100x128xf32, #tpu.memory_space<vmem>>, vector<16xf32>,
      %parallel_loop3A_289 = arith.mulf %parallel_loop3A_288, %parallel_loop3A_257 : vector<16xf32>
      %parallel_loop3A_290 = arith.index_cast %parallel_loop3A_255 : i32 to index
      %parallel_loop3A_291 = arith.constant 64 : index
      %parallel_loop3A_292 = tpu.vector_load %arg14[%parallel_loop3A_290, %parallel_loop3A_291] {strides = array<i32>} : memref<100x128xf32, #tpu.memory_space<vmem>>, vector<16xf32>,
      tpu.vector_store %arg14[%parallel_loop3A_290, %parallel_loop3A_291], %parallel_loop3A_289 {strides = array<i32>} : memref<100x128xf32, #tpu.memory_space<vmem>>, vector<16xf32>,
      %parallel_loop3A_293 = arith.index_cast %parallel_loop3A_255 : i32 to index
      %parallel_loop3A_294 = arith.constant 80 : index
      %parallel_loop3A_295 = tpu.vector_load %arg14[%parallel_loop3A_293, %parallel_loop3A_294] {strides = array<i32>} : memref<100x128xf32, #tpu.memory_space<vmem>>, vector<16xf32>,
      %parallel_loop3A_296 = arith.mulf %parallel_loop3A_295, %parallel_loop3A_257 : vector<16xf32>
      %parallel_loop3A_297 = arith.index_cast %parallel_loop3A_255 : i32 to index
      %parallel_loop3A_298 = arith.constant 80 : index
      %parallel_loop3A_299 = tpu.vector_load %arg14[%parallel_loop3A_297, %parallel_loop3A_298] {strides = array<i32>} : memref<100x128xf32, #tpu.memory_space<vmem>>, vector<16xf32>,
      tpu.vector_store %arg14[%parallel_loop3A_297, %parallel_loop3A_298], %parallel_loop3A_296 {strides = array<i32>} : memref<100x128xf32, #tpu.memory_space<vmem>>, vector<16xf32>,
      %parallel_loop3A_300 = arith.index_cast %parallel_loop3A_255 : i32 to index
      %parallel_loop3A_301 = arith.constant 96 : index
      %parallel_loop3A_302 = tpu.vector_load %arg14[%parallel_loop3A_300, %parallel_loop3A_301] {strides = array<i32>} : memref<100x128xf32, #tpu.memory_space<vmem>>, vector<16xf32>,
      %parallel_loop3A_303 = arith.mulf %parallel_loop3A_302, %parallel_loop3A_257 : vector<16xf32>
      %parallel_loop3A_304 = arith.index_cast %parallel_loop3A_255 : i32 to index
      %parallel_loop3A_305 = arith.constant 96 : index
      %parallel_loop3A_306 = tpu.vector_load %arg14[%parallel_loop3A_304, %parallel_loop3A_305] {strides = array<i32>} : memref<100x128xf32, #tpu.memory_space<vmem>>, vector<16xf32>,
      tpu.vector_store %arg14[%parallel_loop3A_304, %parallel_loop3A_305], %parallel_loop3A_303 {strides = array<i32>} : memref<100x128xf32, #tpu.memory_space<vmem>>, vector<16xf32>,
      %parallel_loop3A_307 = arith.index_cast %parallel_loop3A_255 : i32 to index
      %parallel_loop3A_308 = arith.constant 112 : index
      %parallel_loop3A_309 = tpu.vector_load %arg14[%parallel_loop3A_307, %parallel_loop3A_308] {strides = array<i32>} : memref<100x128xf32, #tpu.memory_space<vmem>>, vector<16xf32>,
      %parallel_loop3A_310 = arith.mulf %parallel_loop3A_309, %parallel_loop3A_257 : vector<16xf32>
      %parallel_loop3A_311 = arith.index_cast %parallel_loop3A_255 : i32 to index
      %parallel_loop3A_312 = arith.constant 112 : index
      %parallel_loop3A_313 = tpu.vector_load %arg14[%parallel_loop3A_311, %parallel_loop3A_312] {strides = array<i32>} : memref<100x128xf32, #tpu.memory_space<vmem>>, vector<16xf32>,
      tpu.vector_store %arg14[%parallel_loop3A_311, %parallel_loop3A_312], %parallel_loop3A_310 {strides = array<i32>} : memref<100x128xf32, #tpu.memory_space<vmem>>, vector<16xf32>,
    } {sc.loop_unroll_factor = 2 : i64, sc.parallel_access}
    %dma_wait3A_228 = arith.constant 99 : i32
    %dma_wait3A_229 = arith.constant 0 : i32
    %dma_wait3A_230 = tpu.memref_slice %arg4[%add3A, %dma_wait3A_228, %dma_wait3A_229] : memref<32x100x100xi32, #tpu.memory_space<hbm>> -> memref<1x1x100xi32, #tpu.memory_space<hbm>>
    %dma_wait3A_231 = tpu.memref_squeeze %dma_wait3A_230 : memref<1x1x100xi32, #tpu.memory_space<hbm>> -> memref<1x100xi32, #tpu.memory_space<hbm>>
    %dma_wait3A_232 = arith.constant 99 : i32
    %dma_wait3A_233 = arith.constant 0 : i32
    %dma_wait3A_234 = tpu.memref_slice %arg4[%add3A, %dma_wait3A_232, %dma_wait3A_233] : memref<32x100x100xi32, #tpu.memory_space<hbm>> -> memref<1x1x100xi32, #tpu.memory_space<hbm>>
    %dma_wait3A_235 = tpu.memref_squeeze %dma_wait3A_234 : memref<1x1x100xi32, #tpu.memory_space<hbm>> -> memref<1x100xi32, #tpu.memory_space<hbm>>
    tpu.wait_dma2 semaphore(%arg16 : memref<!tpu.dma_semaphore, #tpu.memory_space<semaphore_mem>>) src(%dma_wait3A_235 : memref<1x100xi32, #tpu.memory_space<hbm>>) dst(%arg10 : memref<1x100xi32, #tpu.memory_space<vmem>>)
    %dma_start3A_236 = arith.constant 0 : i32
    %dma_start3A_237 = arith.constant 0 : i32
    %dma_start3A_238 = tpu.memref_slice %arg10[%dma_start3A_236, %dma_start3A_237] : memref<1x100xi32, #tpu.memory_space<vmem>> -> memref<1x100xi32, #tpu.memory_space<vmem>>
    %dma_start3A_239 = tpu.memref_squeeze %dma_start3A_238 : memref<1x100xi32, #tpu.memory_space<vmem>> -> memref<100xi32, #tpu.memory_space<vmem>>
    %dma_start3A_240 = arith.constant 0 : i32
    %dma_start3A_241 = arith.constant 0 : i32
    %dma_start3A_242 = tpu.memref_slice %arg23[%dma_start3A_240, %dma_start3A_241] : memref<10240x128xf32, #tpu.memory_space<vmem_shared>> -> memref<10240x128xf32, #tpu.memory_space<vmem_shared>>
    tpu.enqueue_indirect_dma source(%arg14 : memref<100x128xf32, #tpu.memory_space<vmem>>) target(%dma_start3A_242 : memref<10240x128xf32, #tpu.memory_space<vmem_shared>>) offsets(%dma_start3A_239 : memref<100xi32, #tpu.memory_space<vmem>>) semaphore(%arg22 : memref<!tpu.dma_semaphore, #tpu.memory_space<semaphore_mem>>) {add = true}
    %dma_wait3A_243 = arith.constant 0 : i32
    %dma_wait3A_244 = arith.constant 0 : i32
    %dma_wait3A_245 = tpu.memref_slice %arg10[%dma_wait3A_243, %dma_wait3A_244] : memref<1x100xi32, #tpu.memory_space<vmem>> -> memref<1x100xi32, #tpu.memory_space<vmem>>
    %dma_wait3A_246 = tpu.memref_squeeze %dma_wait3A_245 : memref<1x100xi32, #tpu.memory_space<vmem>> -> memref<100xi32, #tpu.memory_space<vmem>>
    %dma_wait3A_247 = arith.constant 0 : i32
    %dma_wait3A_248 = arith.constant 0 : i32
    %dma_wait3A_249 = tpu.memref_slice %arg23[%dma_wait3A_247, %dma_wait3A_248] : memref<10240x128xf32, #tpu.memory_space<vmem_shared>> -> memref<10240x128xf32, #tpu.memory_space<vmem_shared>>
    tpu.wait_indirect_dma semaphore(%arg22 : memref<!tpu.dma_semaphore, #tpu.memory_space<semaphore_mem>>) src(%arg14 : memref<100x128xf32, #tpu.memory_space<vmem>>) dst(%dma_wait3A_249 : memref<10240x128xf32, #tpu.memory_space<vmem_shared>>)
    %barrier3A_250 = arith.constant 0 : index
    tpu.barrier barrier_id(%barrier3A_250)
    %mul3A_251 = arith.constant 640 : i32
    %mul3A_252 = arith.muli %arg1, %mul3A_251 : i32
    %mul3A_253 = arith.constant 640 : i32
    %mul3A_254 = arith.muli %arg1, %mul3A_253 : i32
    "tpu.region"() ({
      %run_scoped3A = tpu.sem_alloc : memref<!tpu.dma_semaphore, #tpu.memory_space<semaphore_mem>>
      %dma_start3A_255 = arith.constant 0 : i32
      %dma_start3A_256 = tpu.memref_slice %arg7[%arg0, %mul3A_254, %dma_start3A_255] : memref<2x10240x128xf32, #tpu.memory_space<hbm>> -> memref<1x640x128xf32, #tpu.memory_space<hbm>>
      %dma_start3A_257 = tpu.memref_squeeze %dma_start3A_256 : memref<1x640x128xf32, #tpu.memory_space<hbm>> -> memref<640x128xf32, #tpu.memory_space<hbm>>
      %dma_start3A_258 = arith.constant 0 : i32
      %dma_start3A_259 = tpu.memref_slice %arg23[%mul3A_252, %dma_start3A_258] : memref<10240x128xf32, #tpu.memory_space<vmem_shared>> -> memref<640x128xf32, #tpu.memory_space<vmem_shared>>
      tpu.enqueue_dma source(%dma_start3A_259 : memref<640x128xf32, #tpu.memory_space<vmem_shared>>) target(%dma_start3A_257 : memref<640x128xf32, #tpu.memory_space<hbm>>) target_semaphore(%run_scoped3A : memref<!tpu.dma_semaphore, #tpu.memory_space<semaphore_mem>>)
      %dma_wait3A_260 = arith.constant 0 : i32
      %dma_wait3A_261 = tpu.memref_slice %arg7[%arg0, %mul3A_254, %dma_wait3A_260] : memref<2x10240x128xf32, #tpu.memory_space<hbm>> -> memref<1x640x128xf32, #tpu.memory_space<hbm>>
      %dma_wait3A_262 = tpu.memref_squeeze %dma_wait3A_261 : memref<1x640x128xf32, #tpu.memory_space<hbm>> -> memref<640x128xf32, #tpu.memory_space<hbm>>
      %dma_wait3A_263 = arith.constant 0 : i32
      %dma_wait3A_264 = tpu.memref_slice %arg23[%mul3A_252, %dma_wait3A_263] : memref<10240x128xf32, #tpu.memory_space<vmem_shared>> -> memref<640x128xf32, #tpu.memory_space<vmem_shared>>
      tpu.wait_dma2 semaphore(%run_scoped3A : memref<!tpu.dma_semaphore, #tpu.memory_space<semaphore_mem>>) src(%dma_wait3A_264 : memref<640x128xf32, #tpu.memory_space<vmem_shared>>) dst(%dma_wait3A_262 : memref<640x128xf32, #tpu.memory_space<hbm>>)
      tpu.yield
    }) : () -> ()
    return
  }
}

#map = affine_map<(d0, d1) -> (0, 0)>
#map1 = affine_map<(d0, d1) -> (0, 0, 0)>
module attributes {stable_mosaic.version = 14 : i64} {
  func.func @_sc_agg(%arg0: i32, %arg1: i32, %arg2: memref<10000x128xf32, #tpu.memory_space<hbm>>, %arg3: memref<32x100x100xi32, #tpu.memory_space<hbm>>, %arg4: memref<32x100x100xi32, #tpu.memory_space<hbm>>, %arg5: memref<32x100x100xf32, #tpu.memory_space<hbm>>, %arg6: memref<10240x128xf32, #tpu.memory_space<hbm>>, %arg7: memref<2x10240x128xf32, #tpu.memory_space<hbm>>, %arg8: memref<100x100xi32, #tpu.memory_space<vmem>>, %arg9: memref<1x100xi32, #tpu.memory_space<vmem>>, %arg10: memref<1x100xi32, #tpu.memory_space<vmem>>, %arg11: memref<100xf32, #tpu.memory_space<vmem>>, %arg12: memref<100xf32, #tpu.memory_space<vmem>>, %arg13: memref<100x128xf32, #tpu.memory_space<vmem>>, %arg14: memref<100x128xf32, #tpu.memory_space<vmem>>, %arg15: memref<!tpu.dma_semaphore, #tpu.memory_space<semaphore_mem>>, %arg16: memref<!tpu.dma_semaphore, #tpu.memory_space<semaphore_mem>>, %arg17: memref<!tpu.dma_semaphore, #tpu.memory_space<semaphore_mem>>, %arg18: memref<!tpu.dma_semaphore, #tpu.memory_space<semaphore_mem>>, %arg19: memref<!tpu.dma_semaphore, #tpu.memory_space<semaphore_mem>>, %arg20: memref<!tpu.dma_semaphore, #tpu.memory_space<semaphore_mem>>, %arg21: memref<!tpu.dma_semaphore, #tpu.memory_space<semaphore_mem>>, %arg22: memref<!tpu.dma_semaphore, #tpu.memory_space<semaphore_mem>>, %arg23: memref<10240x128xf32, #tpu.memory_space<vmem_shared>>) attributes {dimension_semantics = [#tpu.dimension_semantics<core_parallel>, #tpu.dimension_semantics<subcore_parallel>], iteration_bounds = array<i64: 2, 16>, scalar_prefetch = 0 : i64, scratch_operands = 16 : i64, tpu.core_type = #tpu.core_type<sc_vector_subcore>, window_params = [{transform_indices = #map}, {transform_indices = #map1}, {transform_indices = #map1}, {transform_indices = #map1}, {transform_indices = #map}, {transform_indices = #map1}]} {
    %mul3A = arith.constant 16 : i32
    %mul3A_0 = arith.muli %arg0, %mul3A : i32
    %add3A = arith.addi %mul3A_0, %arg1 : i32
    %mul3A_1 = arith.constant 640 : i32
    %mul3A_2 = arith.muli %arg1, %mul3A_1 : i32
    %mul3A_3 = arith.constant 640 : i32
    %mul3A_4 = arith.muli %arg1, %mul3A_3 : i32
    "tpu.region"() ({
      %run_scoped3A = tpu.sem_alloc : memref<!tpu.dma_semaphore, #tpu.memory_space<semaphore_mem>>
      %dma_start3A_255 = arith.constant 0 : i32
      %dma_start3A_256 = tpu.memref_slice %arg23[%mul3A_4, %dma_start3A_255] : memref<10240x128xf32, #tpu.memory_space<vmem_shared>> -> memref<640x128xf32, #tpu.memory_space<vmem_shared>>
      %dma_start3A_257 = arith.constant 0 : i32
      %dma_start3A_258 = tpu.memref_slice %arg6[%mul3A_2, %dma_start3A_257] : memref<10240x128xf32, #tpu.memory_space<hbm>> -> memref<640x128xf32, #tpu.memory_space<hbm>>
      tpu.enqueue_dma source(%dma_start3A_258 : memref<640x128xf32, #tpu.memory_space<hbm>>) target(%dma_start3A_256 : memref<640x128xf32, #tpu.memory_space<vmem_shared>>) target_semaphore(%run_scoped3A : memref<!tpu.dma_semaphore, #tpu.memory_space<semaphore_mem>>)
      %dma_wait3A_259 = arith.constant 0 : i32
      %dma_wait3A_260 = tpu.memref_slice %arg23[%mul3A_4, %dma_wait3A_259] : memref<10240x128xf32, #tpu.memory_space<vmem_shared>> -> memref<640x128xf32, #tpu.memory_space<vmem_shared>>
      %dma_wait3A_261 = arith.constant 0 : i32
      %dma_wait3A_262 = tpu.memref_slice %arg6[%mul3A_2, %dma_wait3A_261] : memref<10240x128xf32, #tpu.memory_space<hbm>> -> memref<640x128xf32, #tpu.memory_space<hbm>>
      tpu.wait_dma2 semaphore(%run_scoped3A : memref<!tpu.dma_semaphore, #tpu.memory_space<semaphore_mem>>) src(%dma_wait3A_262 : memref<640x128xf32, #tpu.memory_space<hbm>>) dst(%dma_wait3A_260 : memref<640x128xf32, #tpu.memory_space<vmem_shared>>)
      tpu.yield
    }) : () -> ()
    "tpu.region"() ({
      %run_scoped3A = tpu.sem_alloc : memref<!tpu.dma_semaphore, #tpu.memory_space<semaphore_mem>>
      %dma_start3A_255 = arith.constant 0 : i32
      %dma_start3A_256 = arith.constant 0 : i32
      %dma_start3A_257 = tpu.memref_slice %arg3[%add3A, %dma_start3A_255, %dma_start3A_256] : memref<32x100x100xi32, #tpu.memory_space<hbm>> -> memref<1x100x100xi32, #tpu.memory_space<hbm>>
      %dma_start3A_258 = tpu.memref_squeeze %dma_start3A_257 : memref<1x100x100xi32, #tpu.memory_space<hbm>> -> memref<100x100xi32, #tpu.memory_space<hbm>>
      %dma_start3A_259 = arith.constant 0 : i32
      %dma_start3A_260 = arith.constant 0 : i32
      %dma_start3A_261 = tpu.memref_slice %arg3[%add3A, %dma_start3A_259, %dma_start3A_260] : memref<32x100x100xi32, #tpu.memory_space<hbm>> -> memref<1x100x100xi32, #tpu.memory_space<hbm>>
      %dma_start3A_262 = tpu.memref_squeeze %dma_start3A_261 : memref<1x100x100xi32, #tpu.memory_space<hbm>> -> memref<100x100xi32, #tpu.memory_space<hbm>>
      tpu.enqueue_dma source(%dma_start3A_262 : memref<100x100xi32, #tpu.memory_space<hbm>>) target(%arg8 : memref<100x100xi32, #tpu.memory_space<vmem>>) target_semaphore(%run_scoped3A : memref<!tpu.dma_semaphore, #tpu.memory_space<semaphore_mem>>)
      %dma_wait3A_263 = arith.constant 0 : i32
      %dma_wait3A_264 = arith.constant 0 : i32
      %dma_wait3A_265 = tpu.memref_slice %arg3[%add3A, %dma_wait3A_263, %dma_wait3A_264] : memref<32x100x100xi32, #tpu.memory_space<hbm>> -> memref<1x100x100xi32, #tpu.memory_space<hbm>>
      %dma_wait3A_266 = tpu.memref_squeeze %dma_wait3A_265 : memref<1x100x100xi32, #tpu.memory_space<hbm>> -> memref<100x100xi32, #tpu.memory_space<hbm>>
      %dma_wait3A_267 = arith.constant 0 : i32
      %dma_wait3A_268 = arith.constant 0 : i32
      %dma_wait3A_269 = tpu.memref_slice %arg3[%add3A, %dma_wait3A_267, %dma_wait3A_268] : memref<32x100x100xi32, #tpu.memory_space<hbm>> -> memref<1x100x100xi32, #tpu.memory_space<hbm>>
      %dma_wait3A_270 = tpu.memref_squeeze %dma_wait3A_269 : memref<1x100x100xi32, #tpu.memory_space<hbm>> -> memref<100x100xi32, #tpu.memory_space<hbm>>
      tpu.wait_dma2 semaphore(%run_scoped3A : memref<!tpu.dma_semaphore, #tpu.memory_space<semaphore_mem>>) src(%dma_wait3A_270 : memref<100x100xi32, #tpu.memory_space<hbm>>) dst(%arg8 : memref<100x100xi32, #tpu.memory_space<vmem>>)
      tpu.yield
    }) : () -> ()
    %barrier3A = arith.constant 0 : index
    tpu.barrier barrier_id(%barrier3A)
    %dma_start3A = arith.constant 0 : i32
    %dma_start3A_5 = arith.constant 0 : i32
    %dma_start3A_6 = tpu.memref_slice %arg8[%dma_start3A, %dma_start3A_5] : memref<100x100xi32, #tpu.memory_space<vmem>> -> memref<1x100xi32, #tpu.memory_space<vmem>>
    %dma_start3A_7 = tpu.memref_squeeze %dma_start3A_6 : memref<1x100xi32, #tpu.memory_space<vmem>> -> memref<100xi32, #tpu.memory_space<vmem>>
    %dma_start3A_8 = arith.constant 0 : i32
    %dma_start3A_9 = arith.constant 0 : i32
    %dma_start3A_10 = tpu.memref_slice %arg2[%dma_start3A_8, %dma_start3A_9] : memref<10000x128xf32, #tpu.memory_space<hbm>> -> memref<10000x128xf32, #tpu.memory_space<hbm>>
    tpu.enqueue_indirect_dma source(%dma_start3A_10 : memref<10000x128xf32, #tpu.memory_space<hbm>>) target(%arg13 : memref<100x128xf32, #tpu.memory_space<vmem>>) offsets(%dma_start3A_7 : memref<100xi32, #tpu.memory_space<vmem>>) semaphore(%arg19 : memref<!tpu.dma_semaphore, #tpu.memory_space<semaphore_mem>>)
    %dma_start3A_11 = arith.constant 0 : i32
    %dma_start3A_12 = arith.constant 0 : i32
    %dma_start3A_13 = tpu.memref_slice %arg4[%add3A, %dma_start3A_11, %dma_start3A_12] : memref<32x100x100xi32, #tpu.memory_space<hbm>> -> memref<1x1x100xi32, #tpu.memory_space<hbm>>
    %dma_start3A_14 = tpu.memref_squeeze %dma_start3A_13 : memref<1x1x100xi32, #tpu.memory_space<hbm>> -> memref<1x100xi32, #tpu.memory_space<hbm>>
    %dma_start3A_15 = arith.constant 0 : i32
    %dma_start3A_16 = arith.constant 0 : i32
    %dma_start3A_17 = tpu.memref_slice %arg4[%add3A, %dma_start3A_15, %dma_start3A_16] : memref<32x100x100xi32, #tpu.memory_space<hbm>> -> memref<1x1x100xi32, #tpu.memory_space<hbm>>
    %dma_start3A_18 = tpu.memref_squeeze %dma_start3A_17 : memref<1x1x100xi32, #tpu.memory_space<hbm>> -> memref<1x100xi32, #tpu.memory_space<hbm>>
    tpu.enqueue_dma source(%dma_start3A_18 : memref<1x100xi32, #tpu.memory_space<hbm>>) target(%arg9 : memref<1x100xi32, #tpu.memory_space<vmem>>) target_semaphore(%arg15 : memref<!tpu.dma_semaphore, #tpu.memory_space<semaphore_mem>>)
    %dma_start3A_19 = arith.constant 0 : i32
    %dma_start3A_20 = arith.constant 0 : i32
    %dma_start3A_21 = tpu.memref_slice %arg5[%add3A, %dma_start3A_19, %dma_start3A_20] : memref<32x100x100xf32, #tpu.memory_space<hbm>> -> memref<1x1x100xf32, #tpu.memory_space<hbm>>
    %dma_start3A_22 = tpu.memref_squeeze %dma_start3A_21 : memref<1x1x100xf32, #tpu.memory_space<hbm>> -> memref<100xf32, #tpu.memory_space<hbm>>
    %dma_start3A_23 = arith.constant 0 : i32
    %dma_start3A_24 = tpu.memref_slice %arg5[%add3A, %dma_start3A_19, %dma_start3A_23] : memref<32x100x100xf32, #tpu.memory_space<hbm>> -> memref<1x1x100xf32, #tpu.memory_space<hbm>>
    %dma_start3A_25 = tpu.memref_squeeze %dma_start3A_24 : memref<1x1x100xf32, #tpu.memory_space<hbm>> -> memref<100xf32, #tpu.memory_space<hbm>>
    tpu.enqueue_dma source(%dma_start3A_25 : memref<100xf32, #tpu.memory_space<hbm>>) target(%arg11 : memref<100xf32, #tpu.memory_space<vmem>>) target_semaphore(%arg17 : memref<!tpu.dma_semaphore, #tpu.memory_space<semaphore_mem>>)
    %dma_start3A_26 = arith.constant 1 : i32
    %dma_start3A_27 = arith.constant 0 : i32
    %dma_start3A_28 = tpu.memref_slice %arg8[%dma_start3A_26, %dma_start3A_27] : memref<100x100xi32, #tpu.memory_space<vmem>> -> memref<1x100xi32, #tpu.memory_space<vmem>>
    %dma_start3A_29 = tpu.memref_squeeze %dma_start3A_28 : memref<1x100xi32, #tpu.memory_space<vmem>> -> memref<100xi32, #tpu.memory_space<vmem>>
    %dma_start3A_30 = arith.constant 0 : i32
    %dma_start3A_31 = arith.constant 0 : i32
    %dma_start3A_32 = tpu.memref_slice %arg2[%dma_start3A_30, %dma_start3A_31] : memref<10000x128xf32, #tpu.memory_space<hbm>> -> memref<10000x128xf32, #tpu.memory_space<hbm>>
    tpu.enqueue_indirect_dma source(%dma_start3A_32 : memref<10000x128xf32, #tpu.memory_space<hbm>>) target(%arg14 : memref<100x128xf32, #tpu.memory_space<vmem>>) offsets(%dma_start3A_29 : memref<100xi32, #tpu.memory_space<vmem>>) semaphore(%arg20 : memref<!tpu.dma_semaphore, #tpu.memory_space<semaphore_mem>>)
    %dma_start3A_33 = arith.constant 1 : i32
    %dma_start3A_34 = arith.constant 0 : i32
    %dma_start3A_35 = tpu.memref_slice %arg4[%add3A, %dma_start3A_33, %dma_start3A_34] : memref<32x100x100xi32, #tpu.memory_space<hbm>> -> memref<1x1x100xi32, #tpu.memory_space<hbm>>
    %dma_start3A_36 = tpu.memref_squeeze %dma_start3A_35 : memref<1x1x100xi32, #tpu.memory_space<hbm>> -> memref<1x100xi32, #tpu.memory_space<hbm>>
    %dma_start3A_37 = arith.constant 1 : i32
    %dma_start3A_38 = arith.constant 0 : i32
    %dma_start3A_39 = tpu.memref_slice %arg4[%add3A, %dma_start3A_37, %dma_start3A_38] : memref<32x100x100xi32, #tpu.memory_space<hbm>> -> memref<1x1x100xi32, #tpu.memory_space<hbm>>
    %dma_start3A_40 = tpu.memref_squeeze %dma_start3A_39 : memref<1x1x100xi32, #tpu.memory_space<hbm>> -> memref<1x100xi32, #tpu.memory_space<hbm>>
    tpu.enqueue_dma source(%dma_start3A_40 : memref<1x100xi32, #tpu.memory_space<hbm>>) target(%arg10 : memref<1x100xi32, #tpu.memory_space<vmem>>) target_semaphore(%arg16 : memref<!tpu.dma_semaphore, #tpu.memory_space<semaphore_mem>>)
    %dma_start3A_41 = arith.constant 1 : i32
    %dma_start3A_42 = arith.constant 0 : i32
    %dma_start3A_43 = tpu.memref_slice %arg5[%add3A, %dma_start3A_41, %dma_start3A_42] : memref<32x100x100xf32, #tpu.memory_space<hbm>> -> memref<1x1x100xf32, #tpu.memory_space<hbm>>
    %dma_start3A_44 = tpu.memref_squeeze %dma_start3A_43 : memref<1x1x100xf32, #tpu.memory_space<hbm>> -> memref<100xf32, #tpu.memory_space<hbm>>
    %dma_start3A_45 = arith.constant 0 : i32
    %dma_start3A_46 = tpu.memref_slice %arg5[%add3A, %dma_start3A_41, %dma_start3A_45] : memref<32x100x100xf32, #tpu.memory_space<hbm>> -> memref<1x1x100xf32, #tpu.memory_space<hbm>>
    %dma_start3A_47 = tpu.memref_squeeze %dma_start3A_46 : memref<1x1x100xf32, #tpu.memory_space<hbm>> -> memref<100xf32, #tpu.memory_space<hbm>>
    tpu.enqueue_dma source(%dma_start3A_47 : memref<100xf32, #tpu.memory_space<hbm>>) target(%arg12 : memref<100xf32, #tpu.memory_space<vmem>>) target_semaphore(%arg18 : memref<!tpu.dma_semaphore, #tpu.memory_space<semaphore_mem>>)
    %dma_wait3A = arith.constant 0 : i32
    %dma_wait3A_48 = arith.constant 0 : i32
    %dma_wait3A_49 = tpu.memref_slice %arg8[%dma_wait3A, %dma_wait3A_48] : memref<100x100xi32, #tpu.memory_space<vmem>> -> memref<1x100xi32, #tpu.memory_space<vmem>>
    %dma_wait3A_50 = tpu.memref_squeeze %dma_wait3A_49 : memref<1x100xi32, #tpu.memory_space<vmem>> -> memref<100xi32, #tpu.memory_space<vmem>>
    %dma_wait3A_51 = arith.constant 0 : i32
    %dma_wait3A_52 = arith.constant 0 : i32
    %dma_wait3A_53 = tpu.memref_slice %arg2[%dma_wait3A_51, %dma_wait3A_52] : memref<10000x128xf32, #tpu.memory_space<hbm>> -> memref<10000x128xf32, #tpu.memory_space<hbm>>
    tpu.wait_indirect_dma semaphore(%arg19 : memref<!tpu.dma_semaphore, #tpu.memory_space<semaphore_mem>>) src(%dma_wait3A_53 : memref<10000x128xf32, #tpu.memory_space<hbm>>) dst(%arg13 : memref<100x128xf32, #tpu.memory_space<vmem>>)
    %dma_wait3A_54 = arith.constant 0 : i32
    %dma_wait3A_55 = arith.constant 0 : i32
    %dma_wait3A_56 = tpu.memref_slice %arg5[%add3A, %dma_wait3A_54, %dma_wait3A_55] : memref<32x100x100xf32, #tpu.memory_space<hbm>> -> memref<1x1x100xf32, #tpu.memory_space<hbm>>
    %dma_wait3A_57 = tpu.memref_squeeze %dma_wait3A_56 : memref<1x1x100xf32, #tpu.memory_space<hbm>> -> memref<100xf32, #tpu.memory_space<hbm>>
    %dma_wait3A_58 = arith.constant 0 : i32
    %dma_wait3A_59 = tpu.memref_slice %arg5[%add3A, %dma_wait3A_54, %dma_wait3A_58] : memref<32x100x100xf32, #tpu.memory_space<hbm>> -> memref<1x1x100xf32, #tpu.memory_space<hbm>>
    %dma_wait3A_60 = tpu.memref_squeeze %dma_wait3A_59 : memref<1x1x100xf32, #tpu.memory_space<hbm>> -> memref<100xf32, #tpu.memory_space<hbm>>
    tpu.wait_dma2 semaphore(%arg17 : memref<!tpu.dma_semaphore, #tpu.memory_space<semaphore_mem>>) src(%dma_wait3A_60 : memref<100xf32, #tpu.memory_space<hbm>>) dst(%arg11 : memref<100xf32, #tpu.memory_space<vmem>>)
    %parallel_loop3A = arith.constant 0 : i32
    %parallel_loop3A_61 = arith.constant 100 : i32
    %parallel_loop3A_62 = arith.constant 1 : i32
    scf.for %parallel_loop3A_255 = %parallel_loop3A to %parallel_loop3A_61 step %parallel_loop3A_62  : i32 {
      %parallel_loop3A_256 = vector.broadcast %parallel_loop3A_255 : i32 to vector<16xi32>
      %parallel_loop3A_257 = tpu.vector_load_idx %arg11[%parallel_loop3A_256] : memref<100xf32, #tpu.memory_space<vmem>>[vector<16xi32>], vector<16xf32>,
      %parallel_loop3A_258 = arith.index_cast %parallel_loop3A_255 : i32 to index
      %parallel_loop3A_259 = arith.constant 0 : index
      %parallel_loop3A_260 = tpu.vector_load %arg13[%parallel_loop3A_258, %parallel_loop3A_259] {strides = array<i32>} : memref<100x128xf32, #tpu.memory_space<vmem>>, vector<16xf32>,
      %parallel_loop3A_261 = arith.mulf %parallel_loop3A_260, %parallel_loop3A_257 : vector<16xf32>
      %parallel_loop3A_262 = arith.index_cast %parallel_loop3A_255 : i32 to index
      %parallel_loop3A_263 = arith.constant 0 : index
      %parallel_loop3A_264 = tpu.vector_load %arg13[%parallel_loop3A_262, %parallel_loop3A_263] {strides = array<i32>} : memref<100x128xf32, #tpu.memory_space<vmem>>, vector<16xf32>,
      tpu.vector_store %arg13[%parallel_loop3A_262, %parallel_loop3A_263], %parallel_loop3A_261 {strides = array<i32>} : memref<100x128xf32, #tpu.memory_space<vmem>>, vector<16xf32>,
      %parallel_loop3A_265 = arith.index_cast %parallel_loop3A_255 : i32 to index
      %parallel_loop3A_266 = arith.constant 16 : index
      %parallel_loop3A_267 = tpu.vector_load %arg13[%parallel_loop3A_265, %parallel_loop3A_266] {strides = array<i32>} : memref<100x128xf32, #tpu.memory_space<vmem>>, vector<16xf32>,
      %parallel_loop3A_268 = arith.mulf %parallel_loop3A_267, %parallel_loop3A_257 : vector<16xf32>
      %parallel_loop3A_269 = arith.index_cast %parallel_loop3A_255 : i32 to index
      %parallel_loop3A_270 = arith.constant 16 : index
      %parallel_loop3A_271 = tpu.vector_load %arg13[%parallel_loop3A_269, %parallel_loop3A_270] {strides = array<i32>} : memref<100x128xf32, #tpu.memory_space<vmem>>, vector<16xf32>,
      tpu.vector_store %arg13[%parallel_loop3A_269, %parallel_loop3A_270], %parallel_loop3A_268 {strides = array<i32>} : memref<100x128xf32, #tpu.memory_space<vmem>>, vector<16xf32>,
      %parallel_loop3A_272 = arith.index_cast %parallel_loop3A_255 : i32 to index
      %parallel_loop3A_273 = arith.constant 32 : index
      %parallel_loop3A_274 = tpu.vector_load %arg13[%parallel_loop3A_272, %parallel_loop3A_273] {strides = array<i32>} : memref<100x128xf32, #tpu.memory_space<vmem>>, vector<16xf32>,
      %parallel_loop3A_275 = arith.mulf %parallel_loop3A_274, %parallel_loop3A_257 : vector<16xf32>
      %parallel_loop3A_276 = arith.index_cast %parallel_loop3A_255 : i32 to index
      %parallel_loop3A_277 = arith.constant 32 : index
      %parallel_loop3A_278 = tpu.vector_load %arg13[%parallel_loop3A_276, %parallel_loop3A_277] {strides = array<i32>} : memref<100x128xf32, #tpu.memory_space<vmem>>, vector<16xf32>,
      tpu.vector_store %arg13[%parallel_loop3A_276, %parallel_loop3A_277], %parallel_loop3A_275 {strides = array<i32>} : memref<100x128xf32, #tpu.memory_space<vmem>>, vector<16xf32>,
      %parallel_loop3A_279 = arith.index_cast %parallel_loop3A_255 : i32 to index
      %parallel_loop3A_280 = arith.constant 48 : index
      %parallel_loop3A_281 = tpu.vector_load %arg13[%parallel_loop3A_279, %parallel_loop3A_280] {strides = array<i32>} : memref<100x128xf32, #tpu.memory_space<vmem>>, vector<16xf32>,
      %parallel_loop3A_282 = arith.mulf %parallel_loop3A_281, %parallel_loop3A_257 : vector<16xf32>
      %parallel_loop3A_283 = arith.index_cast %parallel_loop3A_255 : i32 to index
      %parallel_loop3A_284 = arith.constant 48 : index
      %parallel_loop3A_285 = tpu.vector_load %arg13[%parallel_loop3A_283, %parallel_loop3A_284] {strides = array<i32>} : memref<100x128xf32, #tpu.memory_space<vmem>>, vector<16xf32>,
      tpu.vector_store %arg13[%parallel_loop3A_283, %parallel_loop3A_284], %parallel_loop3A_282 {strides = array<i32>} : memref<100x128xf32, #tpu.memory_space<vmem>>, vector<16xf32>,
      %parallel_loop3A_286 = arith.index_cast %parallel_loop3A_255 : i32 to index
      %parallel_loop3A_287 = arith.constant 64 : index
      %parallel_loop3A_288 = tpu.vector_load %arg13[%parallel_loop3A_286, %parallel_loop3A_287] {strides = array<i32>} : memref<100x128xf32, #tpu.memory_space<vmem>>, vector<16xf32>,
      %parallel_loop3A_289 = arith.mulf %parallel_loop3A_288, %parallel_loop3A_257 : vector<16xf32>
      %parallel_loop3A_290 = arith.index_cast %parallel_loop3A_255 : i32 to index
      %parallel_loop3A_291 = arith.constant 64 : index
      %parallel_loop3A_292 = tpu.vector_load %arg13[%parallel_loop3A_290, %parallel_loop3A_291] {strides = array<i32>} : memref<100x128xf32, #tpu.memory_space<vmem>>, vector<16xf32>,
      tpu.vector_store %arg13[%parallel_loop3A_290, %parallel_loop3A_291], %parallel_loop3A_289 {strides = array<i32>} : memref<100x128xf32, #tpu.memory_space<vmem>>, vector<16xf32>,
      %parallel_loop3A_293 = arith.index_cast %parallel_loop3A_255 : i32 to index
      %parallel_loop3A_294 = arith.constant 80 : index
      %parallel_loop3A_295 = tpu.vector_load %arg13[%parallel_loop3A_293, %parallel_loop3A_294] {strides = array<i32>} : memref<100x128xf32, #tpu.memory_space<vmem>>, vector<16xf32>,
      %parallel_loop3A_296 = arith.mulf %parallel_loop3A_295, %parallel_loop3A_257 : vector<16xf32>
      %parallel_loop3A_297 = arith.index_cast %parallel_loop3A_255 : i32 to index
      %parallel_loop3A_298 = arith.constant 80 : index
      %parallel_loop3A_299 = tpu.vector_load %arg13[%parallel_loop3A_297, %parallel_loop3A_298] {strides = array<i32>} : memref<100x128xf32, #tpu.memory_space<vmem>>, vector<16xf32>,
      tpu.vector_store %arg13[%parallel_loop3A_297, %parallel_loop3A_298], %parallel_loop3A_296 {strides = array<i32>} : memref<100x128xf32, #tpu.memory_space<vmem>>, vector<16xf32>,
      %parallel_loop3A_300 = arith.index_cast %parallel_loop3A_255 : i32 to index
      %parallel_loop3A_301 = arith.constant 96 : index
      %parallel_loop3A_302 = tpu.vector_load %arg13[%parallel_loop3A_300, %parallel_loop3A_301] {strides = array<i32>} : memref<100x128xf32, #tpu.memory_space<vmem>>, vector<16xf32>,
      %parallel_loop3A_303 = arith.mulf %parallel_loop3A_302, %parallel_loop3A_257 : vector<16xf32>
      %parallel_loop3A_304 = arith.index_cast %parallel_loop3A_255 : i32 to index
      %parallel_loop3A_305 = arith.constant 96 : index
      %parallel_loop3A_306 = tpu.vector_load %arg13[%parallel_loop3A_304, %parallel_loop3A_305] {strides = array<i32>} : memref<100x128xf32, #tpu.memory_space<vmem>>, vector<16xf32>,
      tpu.vector_store %arg13[%parallel_loop3A_304, %parallel_loop3A_305], %parallel_loop3A_303 {strides = array<i32>} : memref<100x128xf32, #tpu.memory_space<vmem>>, vector<16xf32>,
      %parallel_loop3A_307 = arith.index_cast %parallel_loop3A_255 : i32 to index
      %parallel_loop3A_308 = arith.constant 112 : index
      %parallel_loop3A_309 = tpu.vector_load %arg13[%parallel_loop3A_307, %parallel_loop3A_308] {strides = array<i32>} : memref<100x128xf32, #tpu.memory_space<vmem>>, vector<16xf32>,
      %parallel_loop3A_310 = arith.mulf %parallel_loop3A_309, %parallel_loop3A_257 : vector<16xf32>
      %parallel_loop3A_311 = arith.index_cast %parallel_loop3A_255 : i32 to index
      %parallel_loop3A_312 = arith.constant 112 : index
      %parallel_loop3A_313 = tpu.vector_load %arg13[%parallel_loop3A_311, %parallel_loop3A_312] {strides = array<i32>} : memref<100x128xf32, #tpu.memory_space<vmem>>, vector<16xf32>,
      tpu.vector_store %arg13[%parallel_loop3A_311, %parallel_loop3A_312], %parallel_loop3A_310 {strides = array<i32>} : memref<100x128xf32, #tpu.memory_space<vmem>>, vector<16xf32>,
    } {sc.loop_unroll_factor = 2 : i64, sc.parallel_access}
    %dma_wait3A_63 = arith.constant 0 : i32
    %dma_wait3A_64 = arith.constant 0 : i32
    %dma_wait3A_65 = tpu.memref_slice %arg4[%add3A, %dma_wait3A_63, %dma_wait3A_64] : memref<32x100x100xi32, #tpu.memory_space<hbm>> -> memref<1x1x100xi32, #tpu.memory_space<hbm>>
    %dma_wait3A_66 = tpu.memref_squeeze %dma_wait3A_65 : memref<1x1x100xi32, #tpu.memory_space<hbm>> -> memref<1x100xi32, #tpu.memory_space<hbm>>
    %dma_wait3A_67 = arith.constant 0 : i32
    %dma_wait3A_68 = arith.constant 0 : i32
    %dma_wait3A_69 = tpu.memref_slice %arg4[%add3A, %dma_wait3A_67, %dma_wait3A_68] : memref<32x100x100xi32, #tpu.memory_space<hbm>> -> memref<1x1x100xi32, #tpu.memory_space<hbm>>
    %dma_wait3A_70 = tpu.memref_squeeze %dma_wait3A_69 : memref<1x1x100xi32, #tpu.memory_space<hbm>> -> memref<1x100xi32, #tpu.memory_space<hbm>>
    tpu.wait_dma2 semaphore(%arg15 : memref<!tpu.dma_semaphore, #tpu.memory_space<semaphore_mem>>) src(%dma_wait3A_70 : memref<1x100xi32, #tpu.memory_space<hbm>>) dst(%arg9 : memref<1x100xi32, #tpu.memory_space<vmem>>)
    %dma_start3A_71 = arith.constant 0 : i32
    %dma_start3A_72 = arith.constant 0 : i32
    %dma_start3A_73 = tpu.memref_slice %arg9[%dma_start3A_71, %dma_start3A_72] : memref<1x100xi32, #tpu.memory_space<vmem>> -> memref<1x100xi32, #tpu.memory_space<vmem>>
    %dma_start3A_74 = tpu.memref_squeeze %dma_start3A_73 : memref<1x100xi32, #tpu.memory_space<vmem>> -> memref<100xi32, #tpu.memory_space<vmem>>
    %dma_start3A_75 = arith.constant 0 : i32
    %dma_start3A_76 = arith.constant 0 : i32
    %dma_start3A_77 = tpu.memref_slice %arg23[%dma_start3A_75, %dma_start3A_76] : memref<10240x128xf32, #tpu.memory_space<vmem_shared>> -> memref<10240x128xf32, #tpu.memory_space<vmem_shared>>
    tpu.enqueue_indirect_dma source(%arg13 : memref<100x128xf32, #tpu.memory_space<vmem>>) target(%dma_start3A_77 : memref<10240x128xf32, #tpu.memory_space<vmem_shared>>) offsets(%dma_start3A_74 : memref<100xi32, #tpu.memory_space<vmem>>) semaphore(%arg21 : memref<!tpu.dma_semaphore, #tpu.memory_space<semaphore_mem>>) {add = true}
    %dma_wait3A_78 = arith.constant 0 : i32
    %dma_wait3A_79 = arith.constant 0 : i32
    %dma_wait3A_80 = tpu.memref_slice %arg9[%dma_wait3A_78, %dma_wait3A_79] : memref<1x100xi32, #tpu.memory_space<vmem>> -> memref<1x100xi32, #tpu.memory_space<vmem>>
    %dma_wait3A_81 = tpu.memref_squeeze %dma_wait3A_80 : memref<1x100xi32, #tpu.memory_space<vmem>> -> memref<100xi32, #tpu.memory_space<vmem>>
    %dma_wait3A_82 = arith.constant 0 : i32
    %dma_wait3A_83 = arith.constant 0 : i32
    %dma_wait3A_84 = tpu.memref_slice %arg23[%dma_wait3A_82, %dma_wait3A_83] : memref<10240x128xf32, #tpu.memory_space<vmem_shared>> -> memref<10240x128xf32, #tpu.memory_space<vmem_shared>>
    tpu.wait_indirect_dma semaphore(%arg21 : memref<!tpu.dma_semaphore, #tpu.memory_space<semaphore_mem>>) src(%arg13 : memref<100x128xf32, #tpu.memory_space<vmem>>) dst(%dma_wait3A_84 : memref<10240x128xf32, #tpu.memory_space<vmem_shared>>)
    %dma_start3A_85 = arith.constant 2 : i32
    %dma_start3A_86 = arith.constant 0 : i32
    %dma_start3A_87 = tpu.memref_slice %arg8[%dma_start3A_85, %dma_start3A_86] : memref<100x100xi32, #tpu.memory_space<vmem>> -> memref<1x100xi32, #tpu.memory_space<vmem>>
    %dma_start3A_88 = tpu.memref_squeeze %dma_start3A_87 : memref<1x100xi32, #tpu.memory_space<vmem>> -> memref<100xi32, #tpu.memory_space<vmem>>
    %dma_start3A_89 = arith.constant 0 : i32
    %dma_start3A_90 = arith.constant 0 : i32
    %dma_start3A_91 = tpu.memref_slice %arg2[%dma_start3A_89, %dma_start3A_90] : memref<10000x128xf32, #tpu.memory_space<hbm>> -> memref<10000x128xf32, #tpu.memory_space<hbm>>
    tpu.enqueue_indirect_dma source(%dma_start3A_91 : memref<10000x128xf32, #tpu.memory_space<hbm>>) target(%arg13 : memref<100x128xf32, #tpu.memory_space<vmem>>) offsets(%dma_start3A_88 : memref<100xi32, #tpu.memory_space<vmem>>) semaphore(%arg19 : memref<!tpu.dma_semaphore, #tpu.memory_space<semaphore_mem>>)
    %dma_start3A_92 = arith.constant 2 : i32
    %dma_start3A_93 = arith.constant 0 : i32
    %dma_start3A_94 = tpu.memref_slice %arg4[%add3A, %dma_start3A_92, %dma_start3A_93] : memref<32x100x100xi32, #tpu.memory_space<hbm>> -> memref<1x1x100xi32, #tpu.memory_space<hbm>>
    %dma_start3A_95 = tpu.memref_squeeze %dma_start3A_94 : memref<1x1x100xi32, #tpu.memory_space<hbm>> -> memref<1x100xi32, #tpu.memory_space<hbm>>
    %dma_start3A_96 = arith.constant 2 : i32
    %dma_start3A_97 = arith.constant 0 : i32
    %dma_start3A_98 = tpu.memref_slice %arg4[%add3A, %dma_start3A_96, %dma_start3A_97] : memref<32x100x100xi32, #tpu.memory_space<hbm>> -> memref<1x1x100xi32, #tpu.memory_space<hbm>>
    %dma_start3A_99 = tpu.memref_squeeze %dma_start3A_98 : memref<1x1x100xi32, #tpu.memory_space<hbm>> -> memref<1x100xi32, #tpu.memory_space<hbm>>
    tpu.enqueue_dma source(%dma_start3A_99 : memref<1x100xi32, #tpu.memory_space<hbm>>) target(%arg9 : memref<1x100xi32, #tpu.memory_space<vmem>>) target_semaphore(%arg15 : memref<!tpu.dma_semaphore, #tpu.memory_space<semaphore_mem>>)
    %dma_start3A_100 = arith.constant 2 : i32
    %dma_start3A_101 = arith.constant 0 : i32
    %dma_start3A_102 = tpu.memref_slice %arg5[%add3A, %dma_start3A_100, %dma_start3A_101] : memref<32x100x100xf32, #tpu.memory_space<hbm>> -> memref<1x1x100xf32, #tpu.memory_space<hbm>>
    %dma_start3A_103 = tpu.memref_squeeze %dma_start3A_102 : memref<1x1x100xf32, #tpu.memory_space<hbm>> -> memref<100xf32, #tpu.memory_space<hbm>>
    %dma_start3A_104 = arith.constant 0 : i32
    %dma_start3A_105 = tpu.memref_slice %arg5[%add3A, %dma_start3A_100, %dma_start3A_104] : memref<32x100x100xf32, #tpu.memory_space<hbm>> -> memref<1x1x100xf32, #tpu.memory_space<hbm>>
    %dma_start3A_106 = tpu.memref_squeeze %dma_start3A_105 : memref<1x1x100xf32, #tpu.memory_space<hbm>> -> memref<100xf32, #tpu.memory_space<hbm>>
    tpu.enqueue_dma source(%dma_start3A_106 : memref<100xf32, #tpu.memory_space<hbm>>) target(%arg11 : memref<100xf32, #tpu.memory_space<vmem>>) target_semaphore(%arg17 : memref<!tpu.dma_semaphore, #tpu.memory_space<semaphore_mem>>)
    %dma_wait3A_107 = arith.constant 1 : i32
    %dma_wait3A_108 = arith.constant 0 : i32
    %dma_wait3A_109 = tpu.memref_slice %arg8[%dma_wait3A_107, %dma_wait3A_108] : memref<100x100xi32, #tpu.memory_space<vmem>> -> memref<1x100xi32, #tpu.memory_space<vmem>>
    %dma_wait3A_110 = tpu.memref_squeeze %dma_wait3A_109 : memref<1x100xi32, #tpu.memory_space<vmem>> -> memref<100xi32, #tpu.memory_space<vmem>>
    %dma_wait3A_111 = arith.constant 0 : i32
    %dma_wait3A_112 = arith.constant 0 : i32
    %dma_wait3A_113 = tpu.memref_slice %arg2[%dma_wait3A_111, %dma_wait3A_112] : memref<10000x128xf32, #tpu.memory_space<hbm>> -> memref<10000x128xf32, #tpu.memory_space<hbm>>
    tpu.wait_indirect_dma semaphore(%arg20 : memref<!tpu.dma_semaphore, #tpu.memory_space<semaphore_mem>>) src(%dma_wait3A_113 : memref<10000x128xf32, #tpu.memory_space<hbm>>) dst(%arg14 : memref<100x128xf32, #tpu.memory_space<vmem>>)
    %dma_wait3A_114 = arith.constant 1 : i32
    %dma_wait3A_115 = arith.constant 0 : i32
    %dma_wait3A_116 = tpu.memref_slice %arg5[%add3A, %dma_wait3A_114, %dma_wait3A_115] : memref<32x100x100xf32, #tpu.memory_space<hbm>> -> memref<1x1x100xf32, #tpu.memory_space<hbm>>
    %dma_wait3A_117 = tpu.memref_squeeze %dma_wait3A_116 : memref<1x1x100xf32, #tpu.memory_space<hbm>> -> memref<100xf32, #tpu.memory_space<hbm>>
    %dma_wait3A_118 = arith.constant 0 : i32
    %dma_wait3A_119 = tpu.memref_slice %arg5[%add3A, %dma_wait3A_114, %dma_wait3A_118] : memref<32x100x100xf32, #tpu.memory_space<hbm>> -> memref<1x1x100xf32, #tpu.memory_space<hbm>>
    %dma_wait3A_120 = tpu.memref_squeeze %dma_wait3A_119 : memref<1x1x100xf32, #tpu.memory_space<hbm>> -> memref<100xf32, #tpu.memory_space<hbm>>
    tpu.wait_dma2 semaphore(%arg18 : memref<!tpu.dma_semaphore, #tpu.memory_space<semaphore_mem>>) src(%dma_wait3A_120 : memref<100xf32, #tpu.memory_space<hbm>>) dst(%arg12 : memref<100xf32, #tpu.memory_space<vmem>>)
    %parallel_loop3A_121 = arith.constant 0 : i32
    %parallel_loop3A_122 = arith.constant 100 : i32
    %parallel_loop3A_123 = arith.constant 1 : i32
    scf.for %parallel_loop3A_255 = %parallel_loop3A_121 to %parallel_loop3A_122 step %parallel_loop3A_123  : i32 {
      %parallel_loop3A_256 = vector.broadcast %parallel_loop3A_255 : i32 to vector<16xi32>
      %parallel_loop3A_257 = tpu.vector_load_idx %arg12[%parallel_loop3A_256] : memref<100xf32, #tpu.memory_space<vmem>>[vector<16xi32>], vector<16xf32>,
      %parallel_loop3A_258 = arith.index_cast %parallel_loop3A_255 : i32 to index
      %parallel_loop3A_259 = arith.constant 0 : index
      %parallel_loop3A_260 = tpu.vector_load %arg14[%parallel_loop3A_258, %parallel_loop3A_259] {strides = array<i32>} : memref<100x128xf32, #tpu.memory_space<vmem>>, vector<16xf32>,
      %parallel_loop3A_261 = arith.mulf %parallel_loop3A_260, %parallel_loop3A_257 : vector<16xf32>
      %parallel_loop3A_262 = arith.index_cast %parallel_loop3A_255 : i32 to index
      %parallel_loop3A_263 = arith.constant 0 : index
      %parallel_loop3A_264 = tpu.vector_load %arg14[%parallel_loop3A_262, %parallel_loop3A_263] {strides = array<i32>} : memref<100x128xf32, #tpu.memory_space<vmem>>, vector<16xf32>,
      tpu.vector_store %arg14[%parallel_loop3A_262, %parallel_loop3A_263], %parallel_loop3A_261 {strides = array<i32>} : memref<100x128xf32, #tpu.memory_space<vmem>>, vector<16xf32>,
      %parallel_loop3A_265 = arith.index_cast %parallel_loop3A_255 : i32 to index
      %parallel_loop3A_266 = arith.constant 16 : index
      %parallel_loop3A_267 = tpu.vector_load %arg14[%parallel_loop3A_265, %parallel_loop3A_266] {strides = array<i32>} : memref<100x128xf32, #tpu.memory_space<vmem>>, vector<16xf32>,
      %parallel_loop3A_268 = arith.mulf %parallel_loop3A_267, %parallel_loop3A_257 : vector<16xf32>
      %parallel_loop3A_269 = arith.index_cast %parallel_loop3A_255 : i32 to index
      %parallel_loop3A_270 = arith.constant 16 : index
      %parallel_loop3A_271 = tpu.vector_load %arg14[%parallel_loop3A_269, %parallel_loop3A_270] {strides = array<i32>} : memref<100x128xf32, #tpu.memory_space<vmem>>, vector<16xf32>,
      tpu.vector_store %arg14[%parallel_loop3A_269, %parallel_loop3A_270], %parallel_loop3A_268 {strides = array<i32>} : memref<100x128xf32, #tpu.memory_space<vmem>>, vector<16xf32>,
      %parallel_loop3A_272 = arith.index_cast %parallel_loop3A_255 : i32 to index
      %parallel_loop3A_273 = arith.constant 32 : index
      %parallel_loop3A_274 = tpu.vector_load %arg14[%parallel_loop3A_272, %parallel_loop3A_273] {strides = array<i32>} : memref<100x128xf32, #tpu.memory_space<vmem>>, vector<16xf32>,
      %parallel_loop3A_275 = arith.mulf %parallel_loop3A_274, %parallel_loop3A_257 : vector<16xf32>
      %parallel_loop3A_276 = arith.index_cast %parallel_loop3A_255 : i32 to index
      %parallel_loop3A_277 = arith.constant 32 : index
      %parallel_loop3A_278 = tpu.vector_load %arg14[%parallel_loop3A_276, %parallel_loop3A_277] {strides = array<i32>} : memref<100x128xf32, #tpu.memory_space<vmem>>, vector<16xf32>,
      tpu.vector_store %arg14[%parallel_loop3A_276, %parallel_loop3A_277], %parallel_loop3A_275 {strides = array<i32>} : memref<100x128xf32, #tpu.memory_space<vmem>>, vector<16xf32>,
      %parallel_loop3A_279 = arith.index_cast %parallel_loop3A_255 : i32 to index
      %parallel_loop3A_280 = arith.constant 48 : index
      %parallel_loop3A_281 = tpu.vector_load %arg14[%parallel_loop3A_279, %parallel_loop3A_280] {strides = array<i32>} : memref<100x128xf32, #tpu.memory_space<vmem>>, vector<16xf32>,
      %parallel_loop3A_282 = arith.mulf %parallel_loop3A_281, %parallel_loop3A_257 : vector<16xf32>
      %parallel_loop3A_283 = arith.index_cast %parallel_loop3A_255 : i32 to index
      %parallel_loop3A_284 = arith.constant 48 : index
      %parallel_loop3A_285 = tpu.vector_load %arg14[%parallel_loop3A_283, %parallel_loop3A_284] {strides = array<i32>} : memref<100x128xf32, #tpu.memory_space<vmem>>, vector<16xf32>,
      tpu.vector_store %arg14[%parallel_loop3A_283, %parallel_loop3A_284], %parallel_loop3A_282 {strides = array<i32>} : memref<100x128xf32, #tpu.memory_space<vmem>>, vector<16xf32>,
      %parallel_loop3A_286 = arith.index_cast %parallel_loop3A_255 : i32 to index
      %parallel_loop3A_287 = arith.constant 64 : index
      %parallel_loop3A_288 = tpu.vector_load %arg14[%parallel_loop3A_286, %parallel_loop3A_287] {strides = array<i32>} : memref<100x128xf32, #tpu.memory_space<vmem>>, vector<16xf32>,
      %parallel_loop3A_289 = arith.mulf %parallel_loop3A_288, %parallel_loop3A_257 : vector<16xf32>
      %parallel_loop3A_290 = arith.index_cast %parallel_loop3A_255 : i32 to index
      %parallel_loop3A_291 = arith.constant 64 : index
      %parallel_loop3A_292 = tpu.vector_load %arg14[%parallel_loop3A_290, %parallel_loop3A_291] {strides = array<i32>} : memref<100x128xf32, #tpu.memory_space<vmem>>, vector<16xf32>,
      tpu.vector_store %arg14[%parallel_loop3A_290, %parallel_loop3A_291], %parallel_loop3A_289 {strides = array<i32>} : memref<100x128xf32, #tpu.memory_space<vmem>>, vector<16xf32>,
      %parallel_loop3A_293 = arith.index_cast %parallel_loop3A_255 : i32 to index
      %parallel_loop3A_294 = arith.constant 80 : index
      %parallel_loop3A_295 = tpu.vector_load %arg14[%parallel_loop3A_293, %parallel_loop3A_294] {strides = array<i32>} : memref<100x128xf32, #tpu.memory_space<vmem>>, vector<16xf32>,
      %parallel_loop3A_296 = arith.mulf %parallel_loop3A_295, %parallel_loop3A_257 : vector<16xf32>
      %parallel_loop3A_297 = arith.index_cast %parallel_loop3A_255 : i32 to index
      %parallel_loop3A_298 = arith.constant 80 : index
      %parallel_loop3A_299 = tpu.vector_load %arg14[%parallel_loop3A_297, %parallel_loop3A_298] {strides = array<i32>} : memref<100x128xf32, #tpu.memory_space<vmem>>, vector<16xf32>,
      tpu.vector_store %arg14[%parallel_loop3A_297, %parallel_loop3A_298], %parallel_loop3A_296 {strides = array<i32>} : memref<100x128xf32, #tpu.memory_space<vmem>>, vector<16xf32>,
      %parallel_loop3A_300 = arith.index_cast %parallel_loop3A_255 : i32 to index
      %parallel_loop3A_301 = arith.constant 96 : index
      %parallel_loop3A_302 = tpu.vector_load %arg14[%parallel_loop3A_300, %parallel_loop3A_301] {strides = array<i32>} : memref<100x128xf32, #tpu.memory_space<vmem>>, vector<16xf32>,
      %parallel_loop3A_303 = arith.mulf %parallel_loop3A_302, %parallel_loop3A_257 : vector<16xf32>
      %parallel_loop3A_304 = arith.index_cast %parallel_loop3A_255 : i32 to index
      %parallel_loop3A_305 = arith.constant 96 : index
      %parallel_loop3A_306 = tpu.vector_load %arg14[%parallel_loop3A_304, %parallel_loop3A_305] {strides = array<i32>} : memref<100x128xf32, #tpu.memory_space<vmem>>, vector<16xf32>,
      tpu.vector_store %arg14[%parallel_loop3A_304, %parallel_loop3A_305], %parallel_loop3A_303 {strides = array<i32>} : memref<100x128xf32, #tpu.memory_space<vmem>>, vector<16xf32>,
      %parallel_loop3A_307 = arith.index_cast %parallel_loop3A_255 : i32 to index
      %parallel_loop3A_308 = arith.constant 112 : index
      %parallel_loop3A_309 = tpu.vector_load %arg14[%parallel_loop3A_307, %parallel_loop3A_308] {strides = array<i32>} : memref<100x128xf32, #tpu.memory_space<vmem>>, vector<16xf32>,
      %parallel_loop3A_310 = arith.mulf %parallel_loop3A_309, %parallel_loop3A_257 : vector<16xf32>
      %parallel_loop3A_311 = arith.index_cast %parallel_loop3A_255 : i32 to index
      %parallel_loop3A_312 = arith.constant 112 : index
      %parallel_loop3A_313 = tpu.vector_load %arg14[%parallel_loop3A_311, %parallel_loop3A_312] {strides = array<i32>} : memref<100x128xf32, #tpu.memory_space<vmem>>, vector<16xf32>,
      tpu.vector_store %arg14[%parallel_loop3A_311, %parallel_loop3A_312], %parallel_loop3A_310 {strides = array<i32>} : memref<100x128xf32, #tpu.memory_space<vmem>>, vector<16xf32>,
    } {sc.loop_unroll_factor = 2 : i64, sc.parallel_access}
    %dma_wait3A_124 = arith.constant 1 : i32
    %dma_wait3A_125 = arith.constant 0 : i32
    %dma_wait3A_126 = tpu.memref_slice %arg4[%add3A, %dma_wait3A_124, %dma_wait3A_125] : memref<32x100x100xi32, #tpu.memory_space<hbm>> -> memref<1x1x100xi32, #tpu.memory_space<hbm>>
    %dma_wait3A_127 = tpu.memref_squeeze %dma_wait3A_126 : memref<1x1x100xi32, #tpu.memory_space<hbm>> -> memref<1x100xi32, #tpu.memory_space<hbm>>
    %dma_wait3A_128 = arith.constant 1 : i32
    %dma_wait3A_129 = arith.constant 0 : i32
    %dma_wait3A_130 = tpu.memref_slice %arg4[%add3A, %dma_wait3A_128, %dma_wait3A_129] : memref<32x100x100xi32, #tpu.memory_space<hbm>> -> memref<1x1x100xi32, #tpu.memory_space<hbm>>
    %dma_wait3A_131 = tpu.memref_squeeze %dma_wait3A_130 : memref<1x1x100xi32, #tpu.memory_space<hbm>> -> memref<1x100xi32, #tpu.memory_space<hbm>>
    tpu.wait_dma2 semaphore(%arg16 : memref<!tpu.dma_semaphore, #tpu.memory_space<semaphore_mem>>) src(%dma_wait3A_131 : memref<1x100xi32, #tpu.memory_space<hbm>>) dst(%arg10 : memref<1x100xi32, #tpu.memory_space<vmem>>)
    %dma_start3A_132 = arith.constant 0 : i32
    %dma_start3A_133 = arith.constant 0 : i32
    %dma_start3A_134 = tpu.memref_slice %arg10[%dma_start3A_132, %dma_start3A_133] : memref<1x100xi32, #tpu.memory_space<vmem>> -> memref<1x100xi32, #tpu.memory_space<vmem>>
    %dma_start3A_135 = tpu.memref_squeeze %dma_start3A_134 : memref<1x100xi32, #tpu.memory_space<vmem>> -> memref<100xi32, #tpu.memory_space<vmem>>
    %dma_start3A_136 = arith.constant 0 : i32
    %dma_start3A_137 = arith.constant 0 : i32
    %dma_start3A_138 = tpu.memref_slice %arg23[%dma_start3A_136, %dma_start3A_137] : memref<10240x128xf32, #tpu.memory_space<vmem_shared>> -> memref<10240x128xf32, #tpu.memory_space<vmem_shared>>
    tpu.enqueue_indirect_dma source(%arg14 : memref<100x128xf32, #tpu.memory_space<vmem>>) target(%dma_start3A_138 : memref<10240x128xf32, #tpu.memory_space<vmem_shared>>) offsets(%dma_start3A_135 : memref<100xi32, #tpu.memory_space<vmem>>) semaphore(%arg22 : memref<!tpu.dma_semaphore, #tpu.memory_space<semaphore_mem>>) {add = true}
    %scan3A = arith.constant 0 : i32
    %scan3A_139 = arith.constant 48 : i32
    %scan3A_140 = arith.addi %scan3A, %scan3A_139 : i32
    %scan3A_141 = arith.constant 1 : i32
    scf.for %scan3A_255 = %scan3A to %scan3A_140 step %scan3A_141  : i32 {
      %mul3A_256 = arith.constant 2 : i32
      %mul3A_257 = arith.muli %scan3A_255, %mul3A_256 : i32
      %add3A_258 = arith.constant 2 : i32
      %add3A_259 = arith.addi %add3A_258, %mul3A_257 : i32
      %dma_wait3A_260 = arith.constant 0 : i32
      %dma_wait3A_261 = arith.constant 0 : i32
      %dma_wait3A_262 = tpu.memref_slice %arg10[%dma_wait3A_260, %dma_wait3A_261] : memref<1x100xi32, #tpu.memory_space<vmem>> -> memref<1x100xi32, #tpu.memory_space<vmem>>
      %dma_wait3A_263 = tpu.memref_squeeze %dma_wait3A_262 : memref<1x100xi32, #tpu.memory_space<vmem>> -> memref<100xi32, #tpu.memory_space<vmem>>
      %dma_wait3A_264 = arith.constant 0 : i32
      %dma_wait3A_265 = arith.constant 0 : i32
      %dma_wait3A_266 = tpu.memref_slice %arg23[%dma_wait3A_264, %dma_wait3A_265] : memref<10240x128xf32, #tpu.memory_space<vmem_shared>> -> memref<10240x128xf32, #tpu.memory_space<vmem_shared>>
      tpu.wait_indirect_dma semaphore(%arg22 : memref<!tpu.dma_semaphore, #tpu.memory_space<semaphore_mem>>) src(%arg14 : memref<100x128xf32, #tpu.memory_space<vmem>>) dst(%dma_wait3A_266 : memref<10240x128xf32, #tpu.memory_space<vmem_shared>>)
      %add3A_267 = arith.constant 1 : i32
      %add3A_268 = arith.addi %add3A_259, %add3A_267 : i32
      %dma_start3A_269 = arith.constant 0 : i32
      %dma_start3A_270 = tpu.memref_slice %arg8[%add3A_268, %dma_start3A_269] : memref<100x100xi32, #tpu.memory_space<vmem>> -> memref<1x100xi32, #tpu.memory_space<vmem>>
      %dma_start3A_271 = tpu.memref_squeeze %dma_start3A_270 : memref<1x100xi32, #tpu.memory_space<vmem>> -> memref<100xi32, #tpu.memory_space<vmem>>
      %dma_start3A_272 = arith.constant 0 : i32
      %dma_start3A_273 = arith.constant 0 : i32
      %dma_start3A_274 = tpu.memref_slice %arg2[%dma_start3A_272, %dma_start3A_273] : memref<10000x128xf32, #tpu.memory_space<hbm>> -> memref<10000x128xf32, #tpu.memory_space<hbm>>
      tpu.enqueue_indirect_dma source(%dma_start3A_274 : memref<10000x128xf32, #tpu.memory_space<hbm>>) target(%arg14 : memref<100x128xf32, #tpu.memory_space<vmem>>) offsets(%dma_start3A_271 : memref<100xi32, #tpu.memory_space<vmem>>) semaphore(%arg20 : memref<!tpu.dma_semaphore, #tpu.memory_space<semaphore_mem>>)
      %add3A_275 = arith.constant 1 : i32
      %add3A_276 = arith.addi %add3A_259, %add3A_275 : i32
      %dma_start3A_277 = arith.constant 0 : i32
      %dma_start3A_278 = tpu.memref_slice %arg4[%add3A, %add3A_276, %dma_start3A_277] : memref<32x100x100xi32, #tpu.memory_space<hbm>> -> memref<1x1x100xi32, #tpu.memory_space<hbm>>
      %dma_start3A_279 = tpu.memref_squeeze %dma_start3A_278 : memref<1x1x100xi32, #tpu.memory_space<hbm>> -> memref<1x100xi32, #tpu.memory_space<hbm>>
      %dma_start3A_280 = arith.constant 0 : i32
      %dma_start3A_281 = tpu.memref_slice %arg4[%add3A, %add3A_276, %dma_start3A_280] : memref<32x100x100xi32, #tpu.memory_space<hbm>> -> memref<1x1x100xi32, #tpu.memory_space<hbm>>
      %dma_start3A_282 = tpu.memref_squeeze %dma_start3A_281 : memref<1x1x100xi32, #tpu.memory_space<hbm>> -> memref<1x100xi32, #tpu.memory_space<hbm>>
      tpu.enqueue_dma source(%dma_start3A_282 : memref<1x100xi32, #tpu.memory_space<hbm>>) target(%arg10 : memref<1x100xi32, #tpu.memory_space<vmem>>) target_semaphore(%arg16 : memref<!tpu.dma_semaphore, #tpu.memory_space<semaphore_mem>>)
      %add3A_283 = arith.constant 1 : i32
      %add3A_284 = arith.addi %add3A_259, %add3A_283 : i32
      %dma_start3A_285 = arith.constant 0 : i32
      %dma_start3A_286 = tpu.memref_slice %arg5[%add3A, %add3A_284, %dma_start3A_285] : memref<32x100x100xf32, #tpu.memory_space<hbm>> -> memref<1x1x100xf32, #tpu.memory_space<hbm>>
      %dma_start3A_287 = tpu.memref_squeeze %dma_start3A_286 : memref<1x1x100xf32, #tpu.memory_space<hbm>> -> memref<100xf32, #tpu.memory_space<hbm>>
      %dma_start3A_288 = arith.constant 0 : i32
      %dma_start3A_289 = tpu.memref_slice %arg5[%add3A, %add3A_284, %dma_start3A_288] : memref<32x100x100xf32, #tpu.memory_space<hbm>> -> memref<1x1x100xf32, #tpu.memory_space<hbm>>
      %dma_start3A_290 = tpu.memref_squeeze %dma_start3A_289 : memref<1x1x100xf32, #tpu.memory_space<hbm>> -> memref<100xf32, #tpu.memory_space<hbm>>
      tpu.enqueue_dma source(%dma_start3A_290 : memref<100xf32, #tpu.memory_space<hbm>>) target(%arg12 : memref<100xf32, #tpu.memory_space<vmem>>) target_semaphore(%arg18 : memref<!tpu.dma_semaphore, #tpu.memory_space<semaphore_mem>>)
      %dma_wait3A_291 = arith.constant 0 : i32
      %dma_wait3A_292 = tpu.memref_slice %arg8[%add3A_259, %dma_wait3A_291] : memref<100x100xi32, #tpu.memory_space<vmem>> -> memref<1x100xi32, #tpu.memory_space<vmem>>
      %dma_wait3A_293 = tpu.memref_squeeze %dma_wait3A_292 : memref<1x100xi32, #tpu.memory_space<vmem>> -> memref<100xi32, #tpu.memory_space<vmem>>
      %dma_wait3A_294 = arith.constant 0 : i32
      %dma_wait3A_295 = arith.constant 0 : i32
      %dma_wait3A_296 = tpu.memref_slice %arg2[%dma_wait3A_294, %dma_wait3A_295] : memref<10000x128xf32, #tpu.memory_space<hbm>> -> memref<10000x128xf32, #tpu.memory_space<hbm>>
      tpu.wait_indirect_dma semaphore(%arg19 : memref<!tpu.dma_semaphore, #tpu.memory_space<semaphore_mem>>) src(%dma_wait3A_296 : memref<10000x128xf32, #tpu.memory_space<hbm>>) dst(%arg13 : memref<100x128xf32, #tpu.memory_space<vmem>>)
      %dma_wait3A_297 = arith.constant 0 : i32
      %dma_wait3A_298 = tpu.memref_slice %arg5[%add3A, %add3A_259, %dma_wait3A_297] : memref<32x100x100xf32, #tpu.memory_space<hbm>> -> memref<1x1x100xf32, #tpu.memory_space<hbm>>
      %dma_wait3A_299 = tpu.memref_squeeze %dma_wait3A_298 : memref<1x1x100xf32, #tpu.memory_space<hbm>> -> memref<100xf32, #tpu.memory_space<hbm>>
      %dma_wait3A_300 = arith.constant 0 : i32
      %dma_wait3A_301 = tpu.memref_slice %arg5[%add3A, %add3A_259, %dma_wait3A_300] : memref<32x100x100xf32, #tpu.memory_space<hbm>> -> memref<1x1x100xf32, #tpu.memory_space<hbm>>
      %dma_wait3A_302 = tpu.memref_squeeze %dma_wait3A_301 : memref<1x1x100xf32, #tpu.memory_space<hbm>> -> memref<100xf32, #tpu.memory_space<hbm>>
      tpu.wait_dma2 semaphore(%arg17 : memref<!tpu.dma_semaphore, #tpu.memory_space<semaphore_mem>>) src(%dma_wait3A_302 : memref<100xf32, #tpu.memory_space<hbm>>) dst(%arg11 : memref<100xf32, #tpu.memory_space<vmem>>)
      %parallel_loop3A_303 = arith.constant 0 : i32
      %parallel_loop3A_304 = arith.constant 100 : i32
      %parallel_loop3A_305 = arith.constant 1 : i32
      scf.for %parallel_loop3A_380 = %parallel_loop3A_303 to %parallel_loop3A_304 step %parallel_loop3A_305  : i32 {
        %parallel_loop3A_381 = vector.broadcast %parallel_loop3A_380 : i32 to vector<16xi32>
        %parallel_loop3A_382 = tpu.vector_load_idx %arg11[%parallel_loop3A_381] : memref<100xf32, #tpu.memory_space<vmem>>[vector<16xi32>], vector<16xf32>,
        %parallel_loop3A_383 = arith.index_cast %parallel_loop3A_380 : i32 to index
        %parallel_loop3A_384 = arith.constant 0 : index
        %parallel_loop3A_385 = tpu.vector_load %arg13[%parallel_loop3A_383, %parallel_loop3A_384] {strides = array<i32>} : memref<100x128xf32, #tpu.memory_space<vmem>>, vector<16xf32>,
        %parallel_loop3A_386 = arith.mulf %parallel_loop3A_385, %parallel_loop3A_382 : vector<16xf32>
        %parallel_loop3A_387 = arith.index_cast %parallel_loop3A_380 : i32 to index
        %parallel_loop3A_388 = arith.constant 0 : index
        %parallel_loop3A_389 = tpu.vector_load %arg13[%parallel_loop3A_387, %parallel_loop3A_388] {strides = array<i32>} : memref<100x128xf32, #tpu.memory_space<vmem>>, vector<16xf32>,
        tpu.vector_store %arg13[%parallel_loop3A_387, %parallel_loop3A_388], %parallel_loop3A_386 {strides = array<i32>} : memref<100x128xf32, #tpu.memory_space<vmem>>, vector<16xf32>,
        %parallel_loop3A_390 = arith.index_cast %parallel_loop3A_380 : i32 to index
        %parallel_loop3A_391 = arith.constant 16 : index
        %parallel_loop3A_392 = tpu.vector_load %arg13[%parallel_loop3A_390, %parallel_loop3A_391] {strides = array<i32>} : memref<100x128xf32, #tpu.memory_space<vmem>>, vector<16xf32>,
        %parallel_loop3A_393 = arith.mulf %parallel_loop3A_392, %parallel_loop3A_382 : vector<16xf32>
        %parallel_loop3A_394 = arith.index_cast %parallel_loop3A_380 : i32 to index
        %parallel_loop3A_395 = arith.constant 16 : index
        %parallel_loop3A_396 = tpu.vector_load %arg13[%parallel_loop3A_394, %parallel_loop3A_395] {strides = array<i32>} : memref<100x128xf32, #tpu.memory_space<vmem>>, vector<16xf32>,
        tpu.vector_store %arg13[%parallel_loop3A_394, %parallel_loop3A_395], %parallel_loop3A_393 {strides = array<i32>} : memref<100x128xf32, #tpu.memory_space<vmem>>, vector<16xf32>,
        %parallel_loop3A_397 = arith.index_cast %parallel_loop3A_380 : i32 to index
        %parallel_loop3A_398 = arith.constant 32 : index
        %parallel_loop3A_399 = tpu.vector_load %arg13[%parallel_loop3A_397, %parallel_loop3A_398] {strides = array<i32>} : memref<100x128xf32, #tpu.memory_space<vmem>>, vector<16xf32>,
        %parallel_loop3A_400 = arith.mulf %parallel_loop3A_399, %parallel_loop3A_382 : vector<16xf32>
        %parallel_loop3A_401 = arith.index_cast %parallel_loop3A_380 : i32 to index
        %parallel_loop3A_402 = arith.constant 32 : index
        %parallel_loop3A_403 = tpu.vector_load %arg13[%parallel_loop3A_401, %parallel_loop3A_402] {strides = array<i32>} : memref<100x128xf32, #tpu.memory_space<vmem>>, vector<16xf32>,
        tpu.vector_store %arg13[%parallel_loop3A_401, %parallel_loop3A_402], %parallel_loop3A_400 {strides = array<i32>} : memref<100x128xf32, #tpu.memory_space<vmem>>, vector<16xf32>,
        %parallel_loop3A_404 = arith.index_cast %parallel_loop3A_380 : i32 to index
        %parallel_loop3A_405 = arith.constant 48 : index
        %parallel_loop3A_406 = tpu.vector_load %arg13[%parallel_loop3A_404, %parallel_loop3A_405] {strides = array<i32>} : memref<100x128xf32, #tpu.memory_space<vmem>>, vector<16xf32>,
        %parallel_loop3A_407 = arith.mulf %parallel_loop3A_406, %parallel_loop3A_382 : vector<16xf32>
        %parallel_loop3A_408 = arith.index_cast %parallel_loop3A_380 : i32 to index
        %parallel_loop3A_409 = arith.constant 48 : index
        %parallel_loop3A_410 = tpu.vector_load %arg13[%parallel_loop3A_408, %parallel_loop3A_409] {strides = array<i32>} : memref<100x128xf32, #tpu.memory_space<vmem>>, vector<16xf32>,
        tpu.vector_store %arg13[%parallel_loop3A_408, %parallel_loop3A_409], %parallel_loop3A_407 {strides = array<i32>} : memref<100x128xf32, #tpu.memory_space<vmem>>, vector<16xf32>,
        %parallel_loop3A_411 = arith.index_cast %parallel_loop3A_380 : i32 to index
        %parallel_loop3A_412 = arith.constant 64 : index
        %parallel_loop3A_413 = tpu.vector_load %arg13[%parallel_loop3A_411, %parallel_loop3A_412] {strides = array<i32>} : memref<100x128xf32, #tpu.memory_space<vmem>>, vector<16xf32>,
        %parallel_loop3A_414 = arith.mulf %parallel_loop3A_413, %parallel_loop3A_382 : vector<16xf32>
        %parallel_loop3A_415 = arith.index_cast %parallel_loop3A_380 : i32 to index
        %parallel_loop3A_416 = arith.constant 64 : index
        %parallel_loop3A_417 = tpu.vector_load %arg13[%parallel_loop3A_415, %parallel_loop3A_416] {strides = array<i32>} : memref<100x128xf32, #tpu.memory_space<vmem>>, vector<16xf32>,
        tpu.vector_store %arg13[%parallel_loop3A_415, %parallel_loop3A_416], %parallel_loop3A_414 {strides = array<i32>} : memref<100x128xf32, #tpu.memory_space<vmem>>, vector<16xf32>,
        %parallel_loop3A_418 = arith.index_cast %parallel_loop3A_380 : i32 to index
        %parallel_loop3A_419 = arith.constant 80 : index
        %parallel_loop3A_420 = tpu.vector_load %arg13[%parallel_loop3A_418, %parallel_loop3A_419] {strides = array<i32>} : memref<100x128xf32, #tpu.memory_space<vmem>>, vector<16xf32>,
        %parallel_loop3A_421 = arith.mulf %parallel_loop3A_420, %parallel_loop3A_382 : vector<16xf32>
        %parallel_loop3A_422 = arith.index_cast %parallel_loop3A_380 : i32 to index
        %parallel_loop3A_423 = arith.constant 80 : index
        %parallel_loop3A_424 = tpu.vector_load %arg13[%parallel_loop3A_422, %parallel_loop3A_423] {strides = array<i32>} : memref<100x128xf32, #tpu.memory_space<vmem>>, vector<16xf32>,
        tpu.vector_store %arg13[%parallel_loop3A_422, %parallel_loop3A_423], %parallel_loop3A_421 {strides = array<i32>} : memref<100x128xf32, #tpu.memory_space<vmem>>, vector<16xf32>,
        %parallel_loop3A_425 = arith.index_cast %parallel_loop3A_380 : i32 to index
        %parallel_loop3A_426 = arith.constant 96 : index
        %parallel_loop3A_427 = tpu.vector_load %arg13[%parallel_loop3A_425, %parallel_loop3A_426] {strides = array<i32>} : memref<100x128xf32, #tpu.memory_space<vmem>>, vector<16xf32>,
        %parallel_loop3A_428 = arith.mulf %parallel_loop3A_427, %parallel_loop3A_382 : vector<16xf32>
        %parallel_loop3A_429 = arith.index_cast %parallel_loop3A_380 : i32 to index
        %parallel_loop3A_430 = arith.constant 96 : index
        %parallel_loop3A_431 = tpu.vector_load %arg13[%parallel_loop3A_429, %parallel_loop3A_430] {strides = array<i32>} : memref<100x128xf32, #tpu.memory_space<vmem>>, vector<16xf32>,
        tpu.vector_store %arg13[%parallel_loop3A_429, %parallel_loop3A_430], %parallel_loop3A_428 {strides = array<i32>} : memref<100x128xf32, #tpu.memory_space<vmem>>, vector<16xf32>,
        %parallel_loop3A_432 = arith.index_cast %parallel_loop3A_380 : i32 to index
        %parallel_loop3A_433 = arith.constant 112 : index
        %parallel_loop3A_434 = tpu.vector_load %arg13[%parallel_loop3A_432, %parallel_loop3A_433] {strides = array<i32>} : memref<100x128xf32, #tpu.memory_space<vmem>>, vector<16xf32>,
        %parallel_loop3A_435 = arith.mulf %parallel_loop3A_434, %parallel_loop3A_382 : vector<16xf32>
        %parallel_loop3A_436 = arith.index_cast %parallel_loop3A_380 : i32 to index
        %parallel_loop3A_437 = arith.constant 112 : index
        %parallel_loop3A_438 = tpu.vector_load %arg13[%parallel_loop3A_436, %parallel_loop3A_437] {strides = array<i32>} : memref<100x128xf32, #tpu.memory_space<vmem>>, vector<16xf32>,
        tpu.vector_store %arg13[%parallel_loop3A_436, %parallel_loop3A_437], %parallel_loop3A_435 {strides = array<i32>} : memref<100x128xf32, #tpu.memory_space<vmem>>, vector<16xf32>,
      } {sc.loop_unroll_factor = 2 : i64, sc.parallel_access}
      %dma_wait3A_306 = arith.constant 0 : i32
      %dma_wait3A_307 = tpu.memref_slice %arg4[%add3A, %add3A_259, %dma_wait3A_306] : memref<32x100x100xi32, #tpu.memory_space<hbm>> -> memref<1x1x100xi32, #tpu.memory_space<hbm>>
      %dma_wait3A_308 = tpu.memref_squeeze %dma_wait3A_307 : memref<1x1x100xi32, #tpu.memory_space<hbm>> -> memref<1x100xi32, #tpu.memory_space<hbm>>
      %dma_wait3A_309 = arith.constant 0 : i32
      %dma_wait3A_310 = tpu.memref_slice %arg4[%add3A, %add3A_259, %dma_wait3A_309] : memref<32x100x100xi32, #tpu.memory_space<hbm>> -> memref<1x1x100xi32, #tpu.memory_space<hbm>>
      %dma_wait3A_311 = tpu.memref_squeeze %dma_wait3A_310 : memref<1x1x100xi32, #tpu.memory_space<hbm>> -> memref<1x100xi32, #tpu.memory_space<hbm>>
      tpu.wait_dma2 semaphore(%arg15 : memref<!tpu.dma_semaphore, #tpu.memory_space<semaphore_mem>>) src(%dma_wait3A_311 : memref<1x100xi32, #tpu.memory_space<hbm>>) dst(%arg9 : memref<1x100xi32, #tpu.memory_space<vmem>>)
      %dma_start3A_312 = arith.constant 0 : i32
      %dma_start3A_313 = arith.constant 0 : i32
      %dma_start3A_314 = tpu.memref_slice %arg9[%dma_start3A_312, %dma_start3A_313] : memref<1x100xi32, #tpu.memory_space<vmem>> -> memref<1x100xi32, #tpu.memory_space<vmem>>
      %dma_start3A_315 = tpu.memref_squeeze %dma_start3A_314 : memref<1x100xi32, #tpu.memory_space<vmem>> -> memref<100xi32, #tpu.memory_space<vmem>>
      %dma_start3A_316 = arith.constant 0 : i32
      %dma_start3A_317 = arith.constant 0 : i32
      %dma_start3A_318 = tpu.memref_slice %arg23[%dma_start3A_316, %dma_start3A_317] : memref<10240x128xf32, #tpu.memory_space<vmem_shared>> -> memref<10240x128xf32, #tpu.memory_space<vmem_shared>>
      tpu.enqueue_indirect_dma source(%arg13 : memref<100x128xf32, #tpu.memory_space<vmem>>) target(%dma_start3A_318 : memref<10240x128xf32, #tpu.memory_space<vmem_shared>>) offsets(%dma_start3A_315 : memref<100xi32, #tpu.memory_space<vmem>>) semaphore(%arg21 : memref<!tpu.dma_semaphore, #tpu.memory_space<semaphore_mem>>) {add = true}
      %add3A_319 = arith.constant 1 : i32
      %add3A_320 = arith.addi %add3A_259, %add3A_319 : i32
      %dma_wait3A_321 = arith.constant 0 : i32
      %dma_wait3A_322 = arith.constant 0 : i32
      %dma_wait3A_323 = tpu.memref_slice %arg9[%dma_wait3A_321, %dma_wait3A_322] : memref<1x100xi32, #tpu.memory_space<vmem>> -> memref<1x100xi32, #tpu.memory_space<vmem>>
      %dma_wait3A_324 = tpu.memref_squeeze %dma_wait3A_323 : memref<1x100xi32, #tpu.memory_space<vmem>> -> memref<100xi32, #tpu.memory_space<vmem>>
      %dma_wait3A_325 = arith.constant 0 : i32
      %dma_wait3A_326 = arith.constant 0 : i32
      %dma_wait3A_327 = tpu.memref_slice %arg23[%dma_wait3A_325, %dma_wait3A_326] : memref<10240x128xf32, #tpu.memory_space<vmem_shared>> -> memref<10240x128xf32, #tpu.memory_space<vmem_shared>>
      tpu.wait_indirect_dma semaphore(%arg21 : memref<!tpu.dma_semaphore, #tpu.memory_space<semaphore_mem>>) src(%arg13 : memref<100x128xf32, #tpu.memory_space<vmem>>) dst(%dma_wait3A_327 : memref<10240x128xf32, #tpu.memory_space<vmem_shared>>)
      %add3A_328 = arith.constant 1 : i32
      %add3A_329 = arith.addi %add3A_320, %add3A_328 : i32
      %dma_start3A_330 = arith.constant 0 : i32
      %dma_start3A_331 = tpu.memref_slice %arg8[%add3A_329, %dma_start3A_330] : memref<100x100xi32, #tpu.memory_space<vmem>> -> memref<1x100xi32, #tpu.memory_space<vmem>>
      %dma_start3A_332 = tpu.memref_squeeze %dma_start3A_331 : memref<1x100xi32, #tpu.memory_space<vmem>> -> memref<100xi32, #tpu.memory_space<vmem>>
      %dma_start3A_333 = arith.constant 0 : i32
      %dma_start3A_334 = arith.constant 0 : i32
      %dma_start3A_335 = tpu.memref_slice %arg2[%dma_start3A_333, %dma_start3A_334] : memref<10000x128xf32, #tpu.memory_space<hbm>> -> memref<10000x128xf32, #tpu.memory_space<hbm>>
      tpu.enqueue_indirect_dma source(%dma_start3A_335 : memref<10000x128xf32, #tpu.memory_space<hbm>>) target(%arg13 : memref<100x128xf32, #tpu.memory_space<vmem>>) offsets(%dma_start3A_332 : memref<100xi32, #tpu.memory_space<vmem>>) semaphore(%arg19 : memref<!tpu.dma_semaphore, #tpu.memory_space<semaphore_mem>>)
      %add3A_336 = arith.constant 1 : i32
      %add3A_337 = arith.addi %add3A_320, %add3A_336 : i32
      %dma_start3A_338 = arith.constant 0 : i32
      %dma_start3A_339 = tpu.memref_slice %arg4[%add3A, %add3A_337, %dma_start3A_338] : memref<32x100x100xi32, #tpu.memory_space<hbm>> -> memref<1x1x100xi32, #tpu.memory_space<hbm>>
      %dma_start3A_340 = tpu.memref_squeeze %dma_start3A_339 : memref<1x1x100xi32, #tpu.memory_space<hbm>> -> memref<1x100xi32, #tpu.memory_space<hbm>>
      %dma_start3A_341 = arith.constant 0 : i32
      %dma_start3A_342 = tpu.memref_slice %arg4[%add3A, %add3A_337, %dma_start3A_341] : memref<32x100x100xi32, #tpu.memory_space<hbm>> -> memref<1x1x100xi32, #tpu.memory_space<hbm>>
      %dma_start3A_343 = tpu.memref_squeeze %dma_start3A_342 : memref<1x1x100xi32, #tpu.memory_space<hbm>> -> memref<1x100xi32, #tpu.memory_space<hbm>>
      tpu.enqueue_dma source(%dma_start3A_343 : memref<1x100xi32, #tpu.memory_space<hbm>>) target(%arg9 : memref<1x100xi32, #tpu.memory_space<vmem>>) target_semaphore(%arg15 : memref<!tpu.dma_semaphore, #tpu.memory_space<semaphore_mem>>)
      %add3A_344 = arith.constant 1 : i32
      %add3A_345 = arith.addi %add3A_320, %add3A_344 : i32
      %dma_start3A_346 = arith.constant 0 : i32
      %dma_start3A_347 = tpu.memref_slice %arg5[%add3A, %add3A_345, %dma_start3A_346] : memref<32x100x100xf32, #tpu.memory_space<hbm>> -> memref<1x1x100xf32, #tpu.memory_space<hbm>>
      %dma_start3A_348 = tpu.memref_squeeze %dma_start3A_347 : memref<1x1x100xf32, #tpu.memory_space<hbm>> -> memref<100xf32, #tpu.memory_space<hbm>>
      %dma_start3A_349 = arith.constant 0 : i32
      %dma_start3A_350 = tpu.memref_slice %arg5[%add3A, %add3A_345, %dma_start3A_349] : memref<32x100x100xf32, #tpu.memory_space<hbm>> -> memref<1x1x100xf32, #tpu.memory_space<hbm>>
      %dma_start3A_351 = tpu.memref_squeeze %dma_start3A_350 : memref<1x1x100xf32, #tpu.memory_space<hbm>> -> memref<100xf32, #tpu.memory_space<hbm>>
      tpu.enqueue_dma source(%dma_start3A_351 : memref<100xf32, #tpu.memory_space<hbm>>) target(%arg11 : memref<100xf32, #tpu.memory_space<vmem>>) target_semaphore(%arg17 : memref<!tpu.dma_semaphore, #tpu.memory_space<semaphore_mem>>)
      %dma_wait3A_352 = arith.constant 0 : i32
      %dma_wait3A_353 = tpu.memref_slice %arg8[%add3A_320, %dma_wait3A_352] : memref<100x100xi32, #tpu.memory_space<vmem>> -> memref<1x100xi32, #tpu.memory_space<vmem>>
      %dma_wait3A_354 = tpu.memref_squeeze %dma_wait3A_353 : memref<1x100xi32, #tpu.memory_space<vmem>> -> memref<100xi32, #tpu.memory_space<vmem>>
      %dma_wait3A_355 = arith.constant 0 : i32
      %dma_wait3A_356 = arith.constant 0 : i32
      %dma_wait3A_357 = tpu.memref_slice %arg2[%dma_wait3A_355, %dma_wait3A_356] : memref<10000x128xf32, #tpu.memory_space<hbm>> -> memref<10000x128xf32, #tpu.memory_space<hbm>>
      tpu.wait_indirect_dma semaphore(%arg20 : memref<!tpu.dma_semaphore, #tpu.memory_space<semaphore_mem>>) src(%dma_wait3A_357 : memref<10000x128xf32, #tpu.memory_space<hbm>>) dst(%arg14 : memref<100x128xf32, #tpu.memory_space<vmem>>)
      %dma_wait3A_358 = arith.constant 0 : i32
      %dma_wait3A_359 = tpu.memref_slice %arg5[%add3A, %add3A_320, %dma_wait3A_358] : memref<32x100x100xf32, #tpu.memory_space<hbm>> -> memref<1x1x100xf32, #tpu.memory_space<hbm>>
      %dma_wait3A_360 = tpu.memref_squeeze %dma_wait3A_359 : memref<1x1x100xf32, #tpu.memory_space<hbm>> -> memref<100xf32, #tpu.memory_space<hbm>>
      %dma_wait3A_361 = arith.constant 0 : i32
      %dma_wait3A_362 = tpu.memref_slice %arg5[%add3A, %add3A_320, %dma_wait3A_361] : memref<32x100x100xf32, #tpu.memory_space<hbm>> -> memref<1x1x100xf32, #tpu.memory_space<hbm>>
      %dma_wait3A_363 = tpu.memref_squeeze %dma_wait3A_362 : memref<1x1x100xf32, #tpu.memory_space<hbm>> -> memref<100xf32, #tpu.memory_space<hbm>>
      tpu.wait_dma2 semaphore(%arg18 : memref<!tpu.dma_semaphore, #tpu.memory_space<semaphore_mem>>) src(%dma_wait3A_363 : memref<100xf32, #tpu.memory_space<hbm>>) dst(%arg12 : memref<100xf32, #tpu.memory_space<vmem>>)
      %parallel_loop3A_364 = arith.constant 0 : i32
      %parallel_loop3A_365 = arith.constant 100 : i32
      %parallel_loop3A_366 = arith.constant 1 : i32
      scf.for %parallel_loop3A_380 = %parallel_loop3A_364 to %parallel_loop3A_365 step %parallel_loop3A_366  : i32 {
        %parallel_loop3A_381 = vector.broadcast %parallel_loop3A_380 : i32 to vector<16xi32>
        %parallel_loop3A_382 = tpu.vector_load_idx %arg12[%parallel_loop3A_381] : memref<100xf32, #tpu.memory_space<vmem>>[vector<16xi32>], vector<16xf32>,
        %parallel_loop3A_383 = arith.index_cast %parallel_loop3A_380 : i32 to index
        %parallel_loop3A_384 = arith.constant 0 : index
        %parallel_loop3A_385 = tpu.vector_load %arg14[%parallel_loop3A_383, %parallel_loop3A_384] {strides = array<i32>} : memref<100x128xf32, #tpu.memory_space<vmem>>, vector<16xf32>,
        %parallel_loop3A_386 = arith.mulf %parallel_loop3A_385, %parallel_loop3A_382 : vector<16xf32>
        %parallel_loop3A_387 = arith.index_cast %parallel_loop3A_380 : i32 to index
        %parallel_loop3A_388 = arith.constant 0 : index
        %parallel_loop3A_389 = tpu.vector_load %arg14[%parallel_loop3A_387, %parallel_loop3A_388] {strides = array<i32>} : memref<100x128xf32, #tpu.memory_space<vmem>>, vector<16xf32>,
        tpu.vector_store %arg14[%parallel_loop3A_387, %parallel_loop3A_388], %parallel_loop3A_386 {strides = array<i32>} : memref<100x128xf32, #tpu.memory_space<vmem>>, vector<16xf32>,
        %parallel_loop3A_390 = arith.index_cast %parallel_loop3A_380 : i32 to index
        %parallel_loop3A_391 = arith.constant 16 : index
        %parallel_loop3A_392 = tpu.vector_load %arg14[%parallel_loop3A_390, %parallel_loop3A_391] {strides = array<i32>} : memref<100x128xf32, #tpu.memory_space<vmem>>, vector<16xf32>,
        %parallel_loop3A_393 = arith.mulf %parallel_loop3A_392, %parallel_loop3A_382 : vector<16xf32>
        %parallel_loop3A_394 = arith.index_cast %parallel_loop3A_380 : i32 to index
        %parallel_loop3A_395 = arith.constant 16 : index
        %parallel_loop3A_396 = tpu.vector_load %arg14[%parallel_loop3A_394, %parallel_loop3A_395] {strides = array<i32>} : memref<100x128xf32, #tpu.memory_space<vmem>>, vector<16xf32>,
        tpu.vector_store %arg14[%parallel_loop3A_394, %parallel_loop3A_395], %parallel_loop3A_393 {strides = array<i32>} : memref<100x128xf32, #tpu.memory_space<vmem>>, vector<16xf32>,
        %parallel_loop3A_397 = arith.index_cast %parallel_loop3A_380 : i32 to index
        %parallel_loop3A_398 = arith.constant 32 : index
        %parallel_loop3A_399 = tpu.vector_load %arg14[%parallel_loop3A_397, %parallel_loop3A_398] {strides = array<i32>} : memref<100x128xf32, #tpu.memory_space<vmem>>, vector<16xf32>,
        %parallel_loop3A_400 = arith.mulf %parallel_loop3A_399, %parallel_loop3A_382 : vector<16xf32>
        %parallel_loop3A_401 = arith.index_cast %parallel_loop3A_380 : i32 to index
        %parallel_loop3A_402 = arith.constant 32 : index
        %parallel_loop3A_403 = tpu.vector_load %arg14[%parallel_loop3A_401, %parallel_loop3A_402] {strides = array<i32>} : memref<100x128xf32, #tpu.memory_space<vmem>>, vector<16xf32>,
        tpu.vector_store %arg14[%parallel_loop3A_401, %parallel_loop3A_402], %parallel_loop3A_400 {strides = array<i32>} : memref<100x128xf32, #tpu.memory_space<vmem>>, vector<16xf32>,
        %parallel_loop3A_404 = arith.index_cast %parallel_loop3A_380 : i32 to index
        %parallel_loop3A_405 = arith.constant 48 : index
        %parallel_loop3A_406 = tpu.vector_load %arg14[%parallel_loop3A_404, %parallel_loop3A_405] {strides = array<i32>} : memref<100x128xf32, #tpu.memory_space<vmem>>, vector<16xf32>,
        %parallel_loop3A_407 = arith.mulf %parallel_loop3A_406, %parallel_loop3A_382 : vector<16xf32>
        %parallel_loop3A_408 = arith.index_cast %parallel_loop3A_380 : i32 to index
        %parallel_loop3A_409 = arith.constant 48 : index
        %parallel_loop3A_410 = tpu.vector_load %arg14[%parallel_loop3A_408, %parallel_loop3A_409] {strides = array<i32>} : memref<100x128xf32, #tpu.memory_space<vmem>>, vector<16xf32>,
        tpu.vector_store %arg14[%parallel_loop3A_408, %parallel_loop3A_409], %parallel_loop3A_407 {strides = array<i32>} : memref<100x128xf32, #tpu.memory_space<vmem>>, vector<16xf32>,
        %parallel_loop3A_411 = arith.index_cast %parallel_loop3A_380 : i32 to index
        %parallel_loop3A_412 = arith.constant 64 : index
        %parallel_loop3A_413 = tpu.vector_load %arg14[%parallel_loop3A_411, %parallel_loop3A_412] {strides = array<i32>} : memref<100x128xf32, #tpu.memory_space<vmem>>, vector<16xf32>,
        %parallel_loop3A_414 = arith.mulf %parallel_loop3A_413, %parallel_loop3A_382 : vector<16xf32>
        %parallel_loop3A_415 = arith.index_cast %parallel_loop3A_380 : i32 to index
        %parallel_loop3A_416 = arith.constant 64 : index
        %parallel_loop3A_417 = tpu.vector_load %arg14[%parallel_loop3A_415, %parallel_loop3A_416] {strides = array<i32>} : memref<100x128xf32, #tpu.memory_space<vmem>>, vector<16xf32>,
        tpu.vector_store %arg14[%parallel_loop3A_415, %parallel_loop3A_416], %parallel_loop3A_414 {strides = array<i32>} : memref<100x128xf32, #tpu.memory_space<vmem>>, vector<16xf32>,
        %parallel_loop3A_418 = arith.index_cast %parallel_loop3A_380 : i32 to index
        %parallel_loop3A_419 = arith.constant 80 : index
        %parallel_loop3A_420 = tpu.vector_load %arg14[%parallel_loop3A_418, %parallel_loop3A_419] {strides = array<i32>} : memref<100x128xf32, #tpu.memory_space<vmem>>, vector<16xf32>,
        %parallel_loop3A_421 = arith.mulf %parallel_loop3A_420, %parallel_loop3A_382 : vector<16xf32>
        %parallel_loop3A_422 = arith.index_cast %parallel_loop3A_380 : i32 to index
        %parallel_loop3A_423 = arith.constant 80 : index
        %parallel_loop3A_424 = tpu.vector_load %arg14[%parallel_loop3A_422, %parallel_loop3A_423] {strides = array<i32>} : memref<100x128xf32, #tpu.memory_space<vmem>>, vector<16xf32>,
        tpu.vector_store %arg14[%parallel_loop3A_422, %parallel_loop3A_423], %parallel_loop3A_421 {strides = array<i32>} : memref<100x128xf32, #tpu.memory_space<vmem>>, vector<16xf32>,
        %parallel_loop3A_425 = arith.index_cast %parallel_loop3A_380 : i32 to index
        %parallel_loop3A_426 = arith.constant 96 : index
        %parallel_loop3A_427 = tpu.vector_load %arg14[%parallel_loop3A_425, %parallel_loop3A_426] {strides = array<i32>} : memref<100x128xf32, #tpu.memory_space<vmem>>, vector<16xf32>,
        %parallel_loop3A_428 = arith.mulf %parallel_loop3A_427, %parallel_loop3A_382 : vector<16xf32>
        %parallel_loop3A_429 = arith.index_cast %parallel_loop3A_380 : i32 to index
        %parallel_loop3A_430 = arith.constant 96 : index
        %parallel_loop3A_431 = tpu.vector_load %arg14[%parallel_loop3A_429, %parallel_loop3A_430] {strides = array<i32>} : memref<100x128xf32, #tpu.memory_space<vmem>>, vector<16xf32>,
        tpu.vector_store %arg14[%parallel_loop3A_429, %parallel_loop3A_430], %parallel_loop3A_428 {strides = array<i32>} : memref<100x128xf32, #tpu.memory_space<vmem>>, vector<16xf32>,
        %parallel_loop3A_432 = arith.index_cast %parallel_loop3A_380 : i32 to index
        %parallel_loop3A_433 = arith.constant 112 : index
        %parallel_loop3A_434 = tpu.vector_load %arg14[%parallel_loop3A_432, %parallel_loop3A_433] {strides = array<i32>} : memref<100x128xf32, #tpu.memory_space<vmem>>, vector<16xf32>,
        %parallel_loop3A_435 = arith.mulf %parallel_loop3A_434, %parallel_loop3A_382 : vector<16xf32>
        %parallel_loop3A_436 = arith.index_cast %parallel_loop3A_380 : i32 to index
        %parallel_loop3A_437 = arith.constant 112 : index
        %parallel_loop3A_438 = tpu.vector_load %arg14[%parallel_loop3A_436, %parallel_loop3A_437] {strides = array<i32>} : memref<100x128xf32, #tpu.memory_space<vmem>>, vector<16xf32>,
        tpu.vector_store %arg14[%parallel_loop3A_436, %parallel_loop3A_437], %parallel_loop3A_435 {strides = array<i32>} : memref<100x128xf32, #tpu.memory_space<vmem>>, vector<16xf32>,
      } {sc.loop_unroll_factor = 2 : i64, sc.parallel_access}
      %dma_wait3A_367 = arith.constant 0 : i32
      %dma_wait3A_368 = tpu.memref_slice %arg4[%add3A, %add3A_320, %dma_wait3A_367] : memref<32x100x100xi32, #tpu.memory_space<hbm>> -> memref<1x1x100xi32, #tpu.memory_space<hbm>>
      %dma_wait3A_369 = tpu.memref_squeeze %dma_wait3A_368 : memref<1x1x100xi32, #tpu.memory_space<hbm>> -> memref<1x100xi32, #tpu.memory_space<hbm>>
      %dma_wait3A_370 = arith.constant 0 : i32
      %dma_wait3A_371 = tpu.memref_slice %arg4[%add3A, %add3A_320, %dma_wait3A_370] : memref<32x100x100xi32, #tpu.memory_space<hbm>> -> memref<1x1x100xi32, #tpu.memory_space<hbm>>
      %dma_wait3A_372 = tpu.memref_squeeze %dma_wait3A_371 : memref<1x1x100xi32, #tpu.memory_space<hbm>> -> memref<1x100xi32, #tpu.memory_space<hbm>>
      tpu.wait_dma2 semaphore(%arg16 : memref<!tpu.dma_semaphore, #tpu.memory_space<semaphore_mem>>) src(%dma_wait3A_372 : memref<1x100xi32, #tpu.memory_space<hbm>>) dst(%arg10 : memref<1x100xi32, #tpu.memory_space<vmem>>)
      %dma_start3A_373 = arith.constant 0 : i32
      %dma_start3A_374 = arith.constant 0 : i32
      %dma_start3A_375 = tpu.memref_slice %arg10[%dma_start3A_373, %dma_start3A_374] : memref<1x100xi32, #tpu.memory_space<vmem>> -> memref<1x100xi32, #tpu.memory_space<vmem>>
      %dma_start3A_376 = tpu.memref_squeeze %dma_start3A_375 : memref<1x100xi32, #tpu.memory_space<vmem>> -> memref<100xi32, #tpu.memory_space<vmem>>
      %dma_start3A_377 = arith.constant 0 : i32
      %dma_start3A_378 = arith.constant 0 : i32
      %dma_start3A_379 = tpu.memref_slice %arg23[%dma_start3A_377, %dma_start3A_378] : memref<10240x128xf32, #tpu.memory_space<vmem_shared>> -> memref<10240x128xf32, #tpu.memory_space<vmem_shared>>
      tpu.enqueue_indirect_dma source(%arg14 : memref<100x128xf32, #tpu.memory_space<vmem>>) target(%dma_start3A_379 : memref<10240x128xf32, #tpu.memory_space<vmem_shared>>) offsets(%dma_start3A_376 : memref<100xi32, #tpu.memory_space<vmem>>) semaphore(%arg22 : memref<!tpu.dma_semaphore, #tpu.memory_space<semaphore_mem>>) {add = true}
    }
    %scan3A_142 = arith.constant 48 : i32
    %dma_wait3A_143 = arith.constant 0 : i32
    %dma_wait3A_144 = arith.constant 0 : i32
    %dma_wait3A_145 = tpu.memref_slice %arg10[%dma_wait3A_143, %dma_wait3A_144] : memref<1x100xi32, #tpu.memory_space<vmem>> -> memref<1x100xi32, #tpu.memory_space<vmem>>
    %dma_wait3A_146 = tpu.memref_squeeze %dma_wait3A_145 : memref<1x100xi32, #tpu.memory_space<vmem>> -> memref<100xi32, #tpu.memory_space<vmem>>
    %dma_wait3A_147 = arith.constant 0 : i32
    %dma_wait3A_148 = arith.constant 0 : i32
    %dma_wait3A_149 = tpu.memref_slice %arg23[%dma_wait3A_147, %dma_wait3A_148] : memref<10240x128xf32, #tpu.memory_space<vmem_shared>> -> memref<10240x128xf32, #tpu.memory_space<vmem_shared>>
    tpu.wait_indirect_dma semaphore(%arg22 : memref<!tpu.dma_semaphore, #tpu.memory_space<semaphore_mem>>) src(%arg14 : memref<100x128xf32, #tpu.memory_space<vmem>>) dst(%dma_wait3A_149 : memref<10240x128xf32, #tpu.memory_space<vmem_shared>>)
    %dma_start3A_150 = arith.constant 99 : i32
    %dma_start3A_151 = arith.constant 0 : i32
    %dma_start3A_152 = tpu.memref_slice %arg8[%dma_start3A_150, %dma_start3A_151] : memref<100x100xi32, #tpu.memory_space<vmem>> -> memref<1x100xi32, #tpu.memory_space<vmem>>
    %dma_start3A_153 = tpu.memref_squeeze %dma_start3A_152 : memref<1x100xi32, #tpu.memory_space<vmem>> -> memref<100xi32, #tpu.memory_space<vmem>>
    %dma_start3A_154 = arith.constant 0 : i32
    %dma_start3A_155 = arith.constant 0 : i32
    %dma_start3A_156 = tpu.memref_slice %arg2[%dma_start3A_154, %dma_start3A_155] : memref<10000x128xf32, #tpu.memory_space<hbm>> -> memref<10000x128xf32, #tpu.memory_space<hbm>>
    tpu.enqueue_indirect_dma source(%dma_start3A_156 : memref<10000x128xf32, #tpu.memory_space<hbm>>) target(%arg14 : memref<100x128xf32, #tpu.memory_space<vmem>>) offsets(%dma_start3A_153 : memref<100xi32, #tpu.memory_space<vmem>>) semaphore(%arg20 : memref<!tpu.dma_semaphore, #tpu.memory_space<semaphore_mem>>)
    %dma_start3A_157 = arith.constant 99 : i32
    %dma_start3A_158 = arith.constant 0 : i32
    %dma_start3A_159 = tpu.memref_slice %arg4[%add3A, %dma_start3A_157, %dma_start3A_158] : memref<32x100x100xi32, #tpu.memory_space<hbm>> -> memref<1x1x100xi32, #tpu.memory_space<hbm>>
    %dma_start3A_160 = tpu.memref_squeeze %dma_start3A_159 : memref<1x1x100xi32, #tpu.memory_space<hbm>> -> memref<1x100xi32, #tpu.memory_space<hbm>>
    %dma_start3A_161 = arith.constant 99 : i32
    %dma_start3A_162 = arith.constant 0 : i32
    %dma_start3A_163 = tpu.memref_slice %arg4[%add3A, %dma_start3A_161, %dma_start3A_162] : memref<32x100x100xi32, #tpu.memory_space<hbm>> -> memref<1x1x100xi32, #tpu.memory_space<hbm>>
    %dma_start3A_164 = tpu.memref_squeeze %dma_start3A_163 : memref<1x1x100xi32, #tpu.memory_space<hbm>> -> memref<1x100xi32, #tpu.memory_space<hbm>>
    tpu.enqueue_dma source(%dma_start3A_164 : memref<1x100xi32, #tpu.memory_space<hbm>>) target(%arg10 : memref<1x100xi32, #tpu.memory_space<vmem>>) target_semaphore(%arg16 : memref<!tpu.dma_semaphore, #tpu.memory_space<semaphore_mem>>)
    %dma_start3A_165 = arith.constant 99 : i32
    %dma_start3A_166 = arith.constant 0 : i32
    %dma_start3A_167 = tpu.memref_slice %arg5[%add3A, %dma_start3A_165, %dma_start3A_166] : memref<32x100x100xf32, #tpu.memory_space<hbm>> -> memref<1x1x100xf32, #tpu.memory_space<hbm>>
    %dma_start3A_168 = tpu.memref_squeeze %dma_start3A_167 : memref<1x1x100xf32, #tpu.memory_space<hbm>> -> memref<100xf32, #tpu.memory_space<hbm>>
    %dma_start3A_169 = arith.constant 0 : i32
    %dma_start3A_170 = tpu.memref_slice %arg5[%add3A, %dma_start3A_165, %dma_start3A_169] : memref<32x100x100xf32, #tpu.memory_space<hbm>> -> memref<1x1x100xf32, #tpu.memory_space<hbm>>
    %dma_start3A_171 = tpu.memref_squeeze %dma_start3A_170 : memref<1x1x100xf32, #tpu.memory_space<hbm>> -> memref<100xf32, #tpu.memory_space<hbm>>
    tpu.enqueue_dma source(%dma_start3A_171 : memref<100xf32, #tpu.memory_space<hbm>>) target(%arg12 : memref<100xf32, #tpu.memory_space<vmem>>) target_semaphore(%arg18 : memref<!tpu.dma_semaphore, #tpu.memory_space<semaphore_mem>>)
    %dma_wait3A_172 = arith.constant 98 : i32
    %dma_wait3A_173 = arith.constant 0 : i32
    %dma_wait3A_174 = tpu.memref_slice %arg8[%dma_wait3A_172, %dma_wait3A_173] : memref<100x100xi32, #tpu.memory_space<vmem>> -> memref<1x100xi32, #tpu.memory_space<vmem>>
    %dma_wait3A_175 = tpu.memref_squeeze %dma_wait3A_174 : memref<1x100xi32, #tpu.memory_space<vmem>> -> memref<100xi32, #tpu.memory_space<vmem>>
    %dma_wait3A_176 = arith.constant 0 : i32
    %dma_wait3A_177 = arith.constant 0 : i32
    %dma_wait3A_178 = tpu.memref_slice %arg2[%dma_wait3A_176, %dma_wait3A_177] : memref<10000x128xf32, #tpu.memory_space<hbm>> -> memref<10000x128xf32, #tpu.memory_space<hbm>>
    tpu.wait_indirect_dma semaphore(%arg19 : memref<!tpu.dma_semaphore, #tpu.memory_space<semaphore_mem>>) src(%dma_wait3A_178 : memref<10000x128xf32, #tpu.memory_space<hbm>>) dst(%arg13 : memref<100x128xf32, #tpu.memory_space<vmem>>)
    %dma_wait3A_179 = arith.constant 98 : i32
    %dma_wait3A_180 = arith.constant 0 : i32
    %dma_wait3A_181 = tpu.memref_slice %arg5[%add3A, %dma_wait3A_179, %dma_wait3A_180] : memref<32x100x100xf32, #tpu.memory_space<hbm>> -> memref<1x1x100xf32, #tpu.memory_space<hbm>>
    %dma_wait3A_182 = tpu.memref_squeeze %dma_wait3A_181 : memref<1x1x100xf32, #tpu.memory_space<hbm>> -> memref<100xf32, #tpu.memory_space<hbm>>
    %dma_wait3A_183 = arith.constant 0 : i32
    %dma_wait3A_184 = tpu.memref_slice %arg5[%add3A, %dma_wait3A_179, %dma_wait3A_183] : memref<32x100x100xf32, #tpu.memory_space<hbm>> -> memref<1x1x100xf32, #tpu.memory_space<hbm>>
    %dma_wait3A_185 = tpu.memref_squeeze %dma_wait3A_184 : memref<1x1x100xf32, #tpu.memory_space<hbm>> -> memref<100xf32, #tpu.memory_space<hbm>>
    tpu.wait_dma2 semaphore(%arg17 : memref<!tpu.dma_semaphore, #tpu.memory_space<semaphore_mem>>) src(%dma_wait3A_185 : memref<100xf32, #tpu.memory_space<hbm>>) dst(%arg11 : memref<100xf32, #tpu.memory_space<vmem>>)
    %parallel_loop3A_186 = arith.constant 0 : i32
    %parallel_loop3A_187 = arith.constant 100 : i32
    %parallel_loop3A_188 = arith.constant 1 : i32
    scf.for %parallel_loop3A_255 = %parallel_loop3A_186 to %parallel_loop3A_187 step %parallel_loop3A_188  : i32 {
      %parallel_loop3A_256 = vector.broadcast %parallel_loop3A_255 : i32 to vector<16xi32>
      %parallel_loop3A_257 = tpu.vector_load_idx %arg11[%parallel_loop3A_256] : memref<100xf32, #tpu.memory_space<vmem>>[vector<16xi32>], vector<16xf32>,
      %parallel_loop3A_258 = arith.index_cast %parallel_loop3A_255 : i32 to index
      %parallel_loop3A_259 = arith.constant 0 : index
      %parallel_loop3A_260 = tpu.vector_load %arg13[%parallel_loop3A_258, %parallel_loop3A_259] {strides = array<i32>} : memref<100x128xf32, #tpu.memory_space<vmem>>, vector<16xf32>,
      %parallel_loop3A_261 = arith.mulf %parallel_loop3A_260, %parallel_loop3A_257 : vector<16xf32>
      %parallel_loop3A_262 = arith.index_cast %parallel_loop3A_255 : i32 to index
      %parallel_loop3A_263 = arith.constant 0 : index
      %parallel_loop3A_264 = tpu.vector_load %arg13[%parallel_loop3A_262, %parallel_loop3A_263] {strides = array<i32>} : memref<100x128xf32, #tpu.memory_space<vmem>>, vector<16xf32>,
      tpu.vector_store %arg13[%parallel_loop3A_262, %parallel_loop3A_263], %parallel_loop3A_261 {strides = array<i32>} : memref<100x128xf32, #tpu.memory_space<vmem>>, vector<16xf32>,
      %parallel_loop3A_265 = arith.index_cast %parallel_loop3A_255 : i32 to index
      %parallel_loop3A_266 = arith.constant 16 : index
      %parallel_loop3A_267 = tpu.vector_load %arg13[%parallel_loop3A_265, %parallel_loop3A_266] {strides = array<i32>} : memref<100x128xf32, #tpu.memory_space<vmem>>, vector<16xf32>,
      %parallel_loop3A_268 = arith.mulf %parallel_loop3A_267, %parallel_loop3A_257 : vector<16xf32>
      %parallel_loop3A_269 = arith.index_cast %parallel_loop3A_255 : i32 to index
      %parallel_loop3A_270 = arith.constant 16 : index
      %parallel_loop3A_271 = tpu.vector_load %arg13[%parallel_loop3A_269, %parallel_loop3A_270] {strides = array<i32>} : memref<100x128xf32, #tpu.memory_space<vmem>>, vector<16xf32>,
      tpu.vector_store %arg13[%parallel_loop3A_269, %parallel_loop3A_270], %parallel_loop3A_268 {strides = array<i32>} : memref<100x128xf32, #tpu.memory_space<vmem>>, vector<16xf32>,
      %parallel_loop3A_272 = arith.index_cast %parallel_loop3A_255 : i32 to index
      %parallel_loop3A_273 = arith.constant 32 : index
      %parallel_loop3A_274 = tpu.vector_load %arg13[%parallel_loop3A_272, %parallel_loop3A_273] {strides = array<i32>} : memref<100x128xf32, #tpu.memory_space<vmem>>, vector<16xf32>,
      %parallel_loop3A_275 = arith.mulf %parallel_loop3A_274, %parallel_loop3A_257 : vector<16xf32>
      %parallel_loop3A_276 = arith.index_cast %parallel_loop3A_255 : i32 to index
      %parallel_loop3A_277 = arith.constant 32 : index
      %parallel_loop3A_278 = tpu.vector_load %arg13[%parallel_loop3A_276, %parallel_loop3A_277] {strides = array<i32>} : memref<100x128xf32, #tpu.memory_space<vmem>>, vector<16xf32>,
      tpu.vector_store %arg13[%parallel_loop3A_276, %parallel_loop3A_277], %parallel_loop3A_275 {strides = array<i32>} : memref<100x128xf32, #tpu.memory_space<vmem>>, vector<16xf32>,
      %parallel_loop3A_279 = arith.index_cast %parallel_loop3A_255 : i32 to index
      %parallel_loop3A_280 = arith.constant 48 : index
      %parallel_loop3A_281 = tpu.vector_load %arg13[%parallel_loop3A_279, %parallel_loop3A_280] {strides = array<i32>} : memref<100x128xf32, #tpu.memory_space<vmem>>, vector<16xf32>,
      %parallel_loop3A_282 = arith.mulf %parallel_loop3A_281, %parallel_loop3A_257 : vector<16xf32>
      %parallel_loop3A_283 = arith.index_cast %parallel_loop3A_255 : i32 to index
      %parallel_loop3A_284 = arith.constant 48 : index
      %parallel_loop3A_285 = tpu.vector_load %arg13[%parallel_loop3A_283, %parallel_loop3A_284] {strides = array<i32>} : memref<100x128xf32, #tpu.memory_space<vmem>>, vector<16xf32>,
      tpu.vector_store %arg13[%parallel_loop3A_283, %parallel_loop3A_284], %parallel_loop3A_282 {strides = array<i32>} : memref<100x128xf32, #tpu.memory_space<vmem>>, vector<16xf32>,
      %parallel_loop3A_286 = arith.index_cast %parallel_loop3A_255 : i32 to index
      %parallel_loop3A_287 = arith.constant 64 : index
      %parallel_loop3A_288 = tpu.vector_load %arg13[%parallel_loop3A_286, %parallel_loop3A_287] {strides = array<i32>} : memref<100x128xf32, #tpu.memory_space<vmem>>, vector<16xf32>,
      %parallel_loop3A_289 = arith.mulf %parallel_loop3A_288, %parallel_loop3A_257 : vector<16xf32>
      %parallel_loop3A_290 = arith.index_cast %parallel_loop3A_255 : i32 to index
      %parallel_loop3A_291 = arith.constant 64 : index
      %parallel_loop3A_292 = tpu.vector_load %arg13[%parallel_loop3A_290, %parallel_loop3A_291] {strides = array<i32>} : memref<100x128xf32, #tpu.memory_space<vmem>>, vector<16xf32>,
      tpu.vector_store %arg13[%parallel_loop3A_290, %parallel_loop3A_291], %parallel_loop3A_289 {strides = array<i32>} : memref<100x128xf32, #tpu.memory_space<vmem>>, vector<16xf32>,
      %parallel_loop3A_293 = arith.index_cast %parallel_loop3A_255 : i32 to index
      %parallel_loop3A_294 = arith.constant 80 : index
      %parallel_loop3A_295 = tpu.vector_load %arg13[%parallel_loop3A_293, %parallel_loop3A_294] {strides = array<i32>} : memref<100x128xf32, #tpu.memory_space<vmem>>, vector<16xf32>,
      %parallel_loop3A_296 = arith.mulf %parallel_loop3A_295, %parallel_loop3A_257 : vector<16xf32>
      %parallel_loop3A_297 = arith.index_cast %parallel_loop3A_255 : i32 to index
      %parallel_loop3A_298 = arith.constant 80 : index
      %parallel_loop3A_299 = tpu.vector_load %arg13[%parallel_loop3A_297, %parallel_loop3A_298] {strides = array<i32>} : memref<100x128xf32, #tpu.memory_space<vmem>>, vector<16xf32>,
      tpu.vector_store %arg13[%parallel_loop3A_297, %parallel_loop3A_298], %parallel_loop3A_296 {strides = array<i32>} : memref<100x128xf32, #tpu.memory_space<vmem>>, vector<16xf32>,
      %parallel_loop3A_300 = arith.index_cast %parallel_loop3A_255 : i32 to index
      %parallel_loop3A_301 = arith.constant 96 : index
      %parallel_loop3A_302 = tpu.vector_load %arg13[%parallel_loop3A_300, %parallel_loop3A_301] {strides = array<i32>} : memref<100x128xf32, #tpu.memory_space<vmem>>, vector<16xf32>,
      %parallel_loop3A_303 = arith.mulf %parallel_loop3A_302, %parallel_loop3A_257 : vector<16xf32>
      %parallel_loop3A_304 = arith.index_cast %parallel_loop3A_255 : i32 to index
      %parallel_loop3A_305 = arith.constant 96 : index
      %parallel_loop3A_306 = tpu.vector_load %arg13[%parallel_loop3A_304, %parallel_loop3A_305] {strides = array<i32>} : memref<100x128xf32, #tpu.memory_space<vmem>>, vector<16xf32>,
      tpu.vector_store %arg13[%parallel_loop3A_304, %parallel_loop3A_305], %parallel_loop3A_303 {strides = array<i32>} : memref<100x128xf32, #tpu.memory_space<vmem>>, vector<16xf32>,
      %parallel_loop3A_307 = arith.index_cast %parallel_loop3A_255 : i32 to index
      %parallel_loop3A_308 = arith.constant 112 : index
      %parallel_loop3A_309 = tpu.vector_load %arg13[%parallel_loop3A_307, %parallel_loop3A_308] {strides = array<i32>} : memref<100x128xf32, #tpu.memory_space<vmem>>, vector<16xf32>,
      %parallel_loop3A_310 = arith.mulf %parallel_loop3A_309, %parallel_loop3A_257 : vector<16xf32>
      %parallel_loop3A_311 = arith.index_cast %parallel_loop3A_255 : i32 to index
      %parallel_loop3A_312 = arith.constant 112 : index
      %parallel_loop3A_313 = tpu.vector_load %arg13[%parallel_loop3A_311, %parallel_loop3A_312] {strides = array<i32>} : memref<100x128xf32, #tpu.memory_space<vmem>>, vector<16xf32>,
      tpu.vector_store %arg13[%parallel_loop3A_311, %parallel_loop3A_312], %parallel_loop3A_310 {strides = array<i32>} : memref<100x128xf32, #tpu.memory_space<vmem>>, vector<16xf32>,
    } {sc.loop_unroll_factor = 2 : i64, sc.parallel_access}
    %dma_wait3A_189 = arith.constant 98 : i32
    %dma_wait3A_190 = arith.constant 0 : i32
    %dma_wait3A_191 = tpu.memref_slice %arg4[%add3A, %dma_wait3A_189, %dma_wait3A_190] : memref<32x100x100xi32, #tpu.memory_space<hbm>> -> memref<1x1x100xi32, #tpu.memory_space<hbm>>
    %dma_wait3A_192 = tpu.memref_squeeze %dma_wait3A_191 : memref<1x1x100xi32, #tpu.memory_space<hbm>> -> memref<1x100xi32, #tpu.memory_space<hbm>>
    %dma_wait3A_193 = arith.constant 98 : i32
    %dma_wait3A_194 = arith.constant 0 : i32
    %dma_wait3A_195 = tpu.memref_slice %arg4[%add3A, %dma_wait3A_193, %dma_wait3A_194] : memref<32x100x100xi32, #tpu.memory_space<hbm>> -> memref<1x1x100xi32, #tpu.memory_space<hbm>>
    %dma_wait3A_196 = tpu.memref_squeeze %dma_wait3A_195 : memref<1x1x100xi32, #tpu.memory_space<hbm>> -> memref<1x100xi32, #tpu.memory_space<hbm>>
    tpu.wait_dma2 semaphore(%arg15 : memref<!tpu.dma_semaphore, #tpu.memory_space<semaphore_mem>>) src(%dma_wait3A_196 : memref<1x100xi32, #tpu.memory_space<hbm>>) dst(%arg9 : memref<1x100xi32, #tpu.memory_space<vmem>>)
    %dma_start3A_197 = arith.constant 0 : i32
    %dma_start3A_198 = arith.constant 0 : i32
    %dma_start3A_199 = tpu.memref_slice %arg9[%dma_start3A_197, %dma_start3A_198] : memref<1x100xi32, #tpu.memory_space<vmem>> -> memref<1x100xi32, #tpu.memory_space<vmem>>
    %dma_start3A_200 = tpu.memref_squeeze %dma_start3A_199 : memref<1x100xi32, #tpu.memory_space<vmem>> -> memref<100xi32, #tpu.memory_space<vmem>>
    %dma_start3A_201 = arith.constant 0 : i32
    %dma_start3A_202 = arith.constant 0 : i32
    %dma_start3A_203 = tpu.memref_slice %arg23[%dma_start3A_201, %dma_start3A_202] : memref<10240x128xf32, #tpu.memory_space<vmem_shared>> -> memref<10240x128xf32, #tpu.memory_space<vmem_shared>>
    tpu.enqueue_indirect_dma source(%arg13 : memref<100x128xf32, #tpu.memory_space<vmem>>) target(%dma_start3A_203 : memref<10240x128xf32, #tpu.memory_space<vmem_shared>>) offsets(%dma_start3A_200 : memref<100xi32, #tpu.memory_space<vmem>>) semaphore(%arg21 : memref<!tpu.dma_semaphore, #tpu.memory_space<semaphore_mem>>) {add = true}
    %dma_wait3A_204 = arith.constant 0 : i32
    %dma_wait3A_205 = arith.constant 0 : i32
    %dma_wait3A_206 = tpu.memref_slice %arg9[%dma_wait3A_204, %dma_wait3A_205] : memref<1x100xi32, #tpu.memory_space<vmem>> -> memref<1x100xi32, #tpu.memory_space<vmem>>
    %dma_wait3A_207 = tpu.memref_squeeze %dma_wait3A_206 : memref<1x100xi32, #tpu.memory_space<vmem>> -> memref<100xi32, #tpu.memory_space<vmem>>
    %dma_wait3A_208 = arith.constant 0 : i32
    %dma_wait3A_209 = arith.constant 0 : i32
    %dma_wait3A_210 = tpu.memref_slice %arg23[%dma_wait3A_208, %dma_wait3A_209] : memref<10240x128xf32, #tpu.memory_space<vmem_shared>> -> memref<10240x128xf32, #tpu.memory_space<vmem_shared>>
    tpu.wait_indirect_dma semaphore(%arg21 : memref<!tpu.dma_semaphore, #tpu.memory_space<semaphore_mem>>) src(%arg13 : memref<100x128xf32, #tpu.memory_space<vmem>>) dst(%dma_wait3A_210 : memref<10240x128xf32, #tpu.memory_space<vmem_shared>>)
    %dma_wait3A_211 = arith.constant 99 : i32
    %dma_wait3A_212 = arith.constant 0 : i32
    %dma_wait3A_213 = tpu.memref_slice %arg8[%dma_wait3A_211, %dma_wait3A_212] : memref<100x100xi32, #tpu.memory_space<vmem>> -> memref<1x100xi32, #tpu.memory_space<vmem>>
    %dma_wait3A_214 = tpu.memref_squeeze %dma_wait3A_213 : memref<1x100xi32, #tpu.memory_space<vmem>> -> memref<100xi32, #tpu.memory_space<vmem>>
    %dma_wait3A_215 = arith.constant 0 : i32
    %dma_wait3A_216 = arith.constant 0 : i32
    %dma_wait3A_217 = tpu.memref_slice %arg2[%dma_wait3A_215, %dma_wait3A_216] : memref<10000x128xf32, #tpu.memory_space<hbm>> -> memref<10000x128xf32, #tpu.memory_space<hbm>>
    tpu.wait_indirect_dma semaphore(%arg20 : memref<!tpu.dma_semaphore, #tpu.memory_space<semaphore_mem>>) src(%dma_wait3A_217 : memref<10000x128xf32, #tpu.memory_space<hbm>>) dst(%arg14 : memref<100x128xf32, #tpu.memory_space<vmem>>)
    %dma_wait3A_218 = arith.constant 99 : i32
    %dma_wait3A_219 = arith.constant 0 : i32
    %dma_wait3A_220 = tpu.memref_slice %arg5[%add3A, %dma_wait3A_218, %dma_wait3A_219] : memref<32x100x100xf32, #tpu.memory_space<hbm>> -> memref<1x1x100xf32, #tpu.memory_space<hbm>>
    %dma_wait3A_221 = tpu.memref_squeeze %dma_wait3A_220 : memref<1x1x100xf32, #tpu.memory_space<hbm>> -> memref<100xf32, #tpu.memory_space<hbm>>
    %dma_wait3A_222 = arith.constant 0 : i32
    %dma_wait3A_223 = tpu.memref_slice %arg5[%add3A, %dma_wait3A_218, %dma_wait3A_222] : memref<32x100x100xf32, #tpu.memory_space<hbm>> -> memref<1x1x100xf32, #tpu.memory_space<hbm>>
    %dma_wait3A_224 = tpu.memref_squeeze %dma_wait3A_223 : memref<1x1x100xf32, #tpu.memory_space<hbm>> -> memref<100xf32, #tpu.memory_space<hbm>>
    tpu.wait_dma2 semaphore(%arg18 : memref<!tpu.dma_semaphore, #tpu.memory_space<semaphore_mem>>) src(%dma_wait3A_224 : memref<100xf32, #tpu.memory_space<hbm>>) dst(%arg12 : memref<100xf32, #tpu.memory_space<vmem>>)
    %parallel_loop3A_225 = arith.constant 0 : i32
    %parallel_loop3A_226 = arith.constant 100 : i32
    %parallel_loop3A_227 = arith.constant 1 : i32
    scf.for %parallel_loop3A_255 = %parallel_loop3A_225 to %parallel_loop3A_226 step %parallel_loop3A_227  : i32 {
      %parallel_loop3A_256 = vector.broadcast %parallel_loop3A_255 : i32 to vector<16xi32>
      %parallel_loop3A_257 = tpu.vector_load_idx %arg12[%parallel_loop3A_256] : memref<100xf32, #tpu.memory_space<vmem>>[vector<16xi32>], vector<16xf32>,
      %parallel_loop3A_258 = arith.index_cast %parallel_loop3A_255 : i32 to index
      %parallel_loop3A_259 = arith.constant 0 : index
      %parallel_loop3A_260 = tpu.vector_load %arg14[%parallel_loop3A_258, %parallel_loop3A_259] {strides = array<i32>} : memref<100x128xf32, #tpu.memory_space<vmem>>, vector<16xf32>,
      %parallel_loop3A_261 = arith.mulf %parallel_loop3A_260, %parallel_loop3A_257 : vector<16xf32>
      %parallel_loop3A_262 = arith.index_cast %parallel_loop3A_255 : i32 to index
      %parallel_loop3A_263 = arith.constant 0 : index
      %parallel_loop3A_264 = tpu.vector_load %arg14[%parallel_loop3A_262, %parallel_loop3A_263] {strides = array<i32>} : memref<100x128xf32, #tpu.memory_space<vmem>>, vector<16xf32>,
      tpu.vector_store %arg14[%parallel_loop3A_262, %parallel_loop3A_263], %parallel_loop3A_261 {strides = array<i32>} : memref<100x128xf32, #tpu.memory_space<vmem>>, vector<16xf32>,
      %parallel_loop3A_265 = arith.index_cast %parallel_loop3A_255 : i32 to index
      %parallel_loop3A_266 = arith.constant 16 : index
      %parallel_loop3A_267 = tpu.vector_load %arg14[%parallel_loop3A_265, %parallel_loop3A_266] {strides = array<i32>} : memref<100x128xf32, #tpu.memory_space<vmem>>, vector<16xf32>,
      %parallel_loop3A_268 = arith.mulf %parallel_loop3A_267, %parallel_loop3A_257 : vector<16xf32>
      %parallel_loop3A_269 = arith.index_cast %parallel_loop3A_255 : i32 to index
      %parallel_loop3A_270 = arith.constant 16 : index
      %parallel_loop3A_271 = tpu.vector_load %arg14[%parallel_loop3A_269, %parallel_loop3A_270] {strides = array<i32>} : memref<100x128xf32, #tpu.memory_space<vmem>>, vector<16xf32>,
      tpu.vector_store %arg14[%parallel_loop3A_269, %parallel_loop3A_270], %parallel_loop3A_268 {strides = array<i32>} : memref<100x128xf32, #tpu.memory_space<vmem>>, vector<16xf32>,
      %parallel_loop3A_272 = arith.index_cast %parallel_loop3A_255 : i32 to index
      %parallel_loop3A_273 = arith.constant 32 : index
      %parallel_loop3A_274 = tpu.vector_load %arg14[%parallel_loop3A_272, %parallel_loop3A_273] {strides = array<i32>} : memref<100x128xf32, #tpu.memory_space<vmem>>, vector<16xf32>,
      %parallel_loop3A_275 = arith.mulf %parallel_loop3A_274, %parallel_loop3A_257 : vector<16xf32>
      %parallel_loop3A_276 = arith.index_cast %parallel_loop3A_255 : i32 to index
      %parallel_loop3A_277 = arith.constant 32 : index
      %parallel_loop3A_278 = tpu.vector_load %arg14[%parallel_loop3A_276, %parallel_loop3A_277] {strides = array<i32>} : memref<100x128xf32, #tpu.memory_space<vmem>>, vector<16xf32>,
      tpu.vector_store %arg14[%parallel_loop3A_276, %parallel_loop3A_277], %parallel_loop3A_275 {strides = array<i32>} : memref<100x128xf32, #tpu.memory_space<vmem>>, vector<16xf32>,
      %parallel_loop3A_279 = arith.index_cast %parallel_loop3A_255 : i32 to index
      %parallel_loop3A_280 = arith.constant 48 : index
      %parallel_loop3A_281 = tpu.vector_load %arg14[%parallel_loop3A_279, %parallel_loop3A_280] {strides = array<i32>} : memref<100x128xf32, #tpu.memory_space<vmem>>, vector<16xf32>,
      %parallel_loop3A_282 = arith.mulf %parallel_loop3A_281, %parallel_loop3A_257 : vector<16xf32>
      %parallel_loop3A_283 = arith.index_cast %parallel_loop3A_255 : i32 to index
      %parallel_loop3A_284 = arith.constant 48 : index
      %parallel_loop3A_285 = tpu.vector_load %arg14[%parallel_loop3A_283, %parallel_loop3A_284] {strides = array<i32>} : memref<100x128xf32, #tpu.memory_space<vmem>>, vector<16xf32>,
      tpu.vector_store %arg14[%parallel_loop3A_283, %parallel_loop3A_284], %parallel_loop3A_282 {strides = array<i32>} : memref<100x128xf32, #tpu.memory_space<vmem>>, vector<16xf32>,
      %parallel_loop3A_286 = arith.index_cast %parallel_loop3A_255 : i32 to index
      %parallel_loop3A_287 = arith.constant 64 : index
      %parallel_loop3A_288 = tpu.vector_load %arg14[%parallel_loop3A_286, %parallel_loop3A_287] {strides = array<i32>} : memref<100x128xf32, #tpu.memory_space<vmem>>, vector<16xf32>,
      %parallel_loop3A_289 = arith.mulf %parallel_loop3A_288, %parallel_loop3A_257 : vector<16xf32>
      %parallel_loop3A_290 = arith.index_cast %parallel_loop3A_255 : i32 to index
      %parallel_loop3A_291 = arith.constant 64 : index
      %parallel_loop3A_292 = tpu.vector_load %arg14[%parallel_loop3A_290, %parallel_loop3A_291] {strides = array<i32>} : memref<100x128xf32, #tpu.memory_space<vmem>>, vector<16xf32>,
      tpu.vector_store %arg14[%parallel_loop3A_290, %parallel_loop3A_291], %parallel_loop3A_289 {strides = array<i32>} : memref<100x128xf32, #tpu.memory_space<vmem>>, vector<16xf32>,
      %parallel_loop3A_293 = arith.index_cast %parallel_loop3A_255 : i32 to index
      %parallel_loop3A_294 = arith.constant 80 : index
      %parallel_loop3A_295 = tpu.vector_load %arg14[%parallel_loop3A_293, %parallel_loop3A_294] {strides = array<i32>} : memref<100x128xf32, #tpu.memory_space<vmem>>, vector<16xf32>,
      %parallel_loop3A_296 = arith.mulf %parallel_loop3A_295, %parallel_loop3A_257 : vector<16xf32>
      %parallel_loop3A_297 = arith.index_cast %parallel_loop3A_255 : i32 to index
      %parallel_loop3A_298 = arith.constant 80 : index
      %parallel_loop3A_299 = tpu.vector_load %arg14[%parallel_loop3A_297, %parallel_loop3A_298] {strides = array<i32>} : memref<100x128xf32, #tpu.memory_space<vmem>>, vector<16xf32>,
      tpu.vector_store %arg14[%parallel_loop3A_297, %parallel_loop3A_298], %parallel_loop3A_296 {strides = array<i32>} : memref<100x128xf32, #tpu.memory_space<vmem>>, vector<16xf32>,
      %parallel_loop3A_300 = arith.index_cast %parallel_loop3A_255 : i32 to index
      %parallel_loop3A_301 = arith.constant 96 : index
      %parallel_loop3A_302 = tpu.vector_load %arg14[%parallel_loop3A_300, %parallel_loop3A_301] {strides = array<i32>} : memref<100x128xf32, #tpu.memory_space<vmem>>, vector<16xf32>,
      %parallel_loop3A_303 = arith.mulf %parallel_loop3A_302, %parallel_loop3A_257 : vector<16xf32>
      %parallel_loop3A_304 = arith.index_cast %parallel_loop3A_255 : i32 to index
      %parallel_loop3A_305 = arith.constant 96 : index
      %parallel_loop3A_306 = tpu.vector_load %arg14[%parallel_loop3A_304, %parallel_loop3A_305] {strides = array<i32>} : memref<100x128xf32, #tpu.memory_space<vmem>>, vector<16xf32>,
      tpu.vector_store %arg14[%parallel_loop3A_304, %parallel_loop3A_305], %parallel_loop3A_303 {strides = array<i32>} : memref<100x128xf32, #tpu.memory_space<vmem>>, vector<16xf32>,
      %parallel_loop3A_307 = arith.index_cast %parallel_loop3A_255 : i32 to index
      %parallel_loop3A_308 = arith.constant 112 : index
      %parallel_loop3A_309 = tpu.vector_load %arg14[%parallel_loop3A_307, %parallel_loop3A_308] {strides = array<i32>} : memref<100x128xf32, #tpu.memory_space<vmem>>, vector<16xf32>,
      %parallel_loop3A_310 = arith.mulf %parallel_loop3A_309, %parallel_loop3A_257 : vector<16xf32>
      %parallel_loop3A_311 = arith.index_cast %parallel_loop3A_255 : i32 to index
      %parallel_loop3A_312 = arith.constant 112 : index
      %parallel_loop3A_313 = tpu.vector_load %arg14[%parallel_loop3A_311, %parallel_loop3A_312] {strides = array<i32>} : memref<100x128xf32, #tpu.memory_space<vmem>>, vector<16xf32>,
      tpu.vector_store %arg14[%parallel_loop3A_311, %parallel_loop3A_312], %parallel_loop3A_310 {strides = array<i32>} : memref<100x128xf32, #tpu.memory_space<vmem>>, vector<16xf32>,
    } {sc.loop_unroll_factor = 2 : i64, sc.parallel_access}
    %dma_wait3A_228 = arith.constant 99 : i32
    %dma_wait3A_229 = arith.constant 0 : i32
    %dma_wait3A_230 = tpu.memref_slice %arg4[%add3A, %dma_wait3A_228, %dma_wait3A_229] : memref<32x100x100xi32, #tpu.memory_space<hbm>> -> memref<1x1x100xi32, #tpu.memory_space<hbm>>
    %dma_wait3A_231 = tpu.memref_squeeze %dma_wait3A_230 : memref<1x1x100xi32, #tpu.memory_space<hbm>> -> memref<1x100xi32, #tpu.memory_space<hbm>>
    %dma_wait3A_232 = arith.constant 99 : i32
    %dma_wait3A_233 = arith.constant 0 : i32
    %dma_wait3A_234 = tpu.memref_slice %arg4[%add3A, %dma_wait3A_232, %dma_wait3A_233] : memref<32x100x100xi32, #tpu.memory_space<hbm>> -> memref<1x1x100xi32, #tpu.memory_space<hbm>>
    %dma_wait3A_235 = tpu.memref_squeeze %dma_wait3A_234 : memref<1x1x100xi32, #tpu.memory_space<hbm>> -> memref<1x100xi32, #tpu.memory_space<hbm>>
    tpu.wait_dma2 semaphore(%arg16 : memref<!tpu.dma_semaphore, #tpu.memory_space<semaphore_mem>>) src(%dma_wait3A_235 : memref<1x100xi32, #tpu.memory_space<hbm>>) dst(%arg10 : memref<1x100xi32, #tpu.memory_space<vmem>>)
    %dma_start3A_236 = arith.constant 0 : i32
    %dma_start3A_237 = arith.constant 0 : i32
    %dma_start3A_238 = tpu.memref_slice %arg10[%dma_start3A_236, %dma_start3A_237] : memref<1x100xi32, #tpu.memory_space<vmem>> -> memref<1x100xi32, #tpu.memory_space<vmem>>
    %dma_start3A_239 = tpu.memref_squeeze %dma_start3A_238 : memref<1x100xi32, #tpu.memory_space<vmem>> -> memref<100xi32, #tpu.memory_space<vmem>>
    %dma_start3A_240 = arith.constant 0 : i32
    %dma_start3A_241 = arith.constant 0 : i32
    %dma_start3A_242 = tpu.memref_slice %arg23[%dma_start3A_240, %dma_start3A_241] : memref<10240x128xf32, #tpu.memory_space<vmem_shared>> -> memref<10240x128xf32, #tpu.memory_space<vmem_shared>>
    tpu.enqueue_indirect_dma source(%arg14 : memref<100x128xf32, #tpu.memory_space<vmem>>) target(%dma_start3A_242 : memref<10240x128xf32, #tpu.memory_space<vmem_shared>>) offsets(%dma_start3A_239 : memref<100xi32, #tpu.memory_space<vmem>>) semaphore(%arg22 : memref<!tpu.dma_semaphore, #tpu.memory_space<semaphore_mem>>) {add = true}
    %dma_wait3A_243 = arith.constant 0 : i32
    %dma_wait3A_244 = arith.constant 0 : i32
    %dma_wait3A_245 = tpu.memref_slice %arg10[%dma_wait3A_243, %dma_wait3A_244] : memref<1x100xi32, #tpu.memory_space<vmem>> -> memref<1x100xi32, #tpu.memory_space<vmem>>
    %dma_wait3A_246 = tpu.memref_squeeze %dma_wait3A_245 : memref<1x100xi32, #tpu.memory_space<vmem>> -> memref<100xi32, #tpu.memory_space<vmem>>
    %dma_wait3A_247 = arith.constant 0 : i32
    %dma_wait3A_248 = arith.constant 0 : i32
    %dma_wait3A_249 = tpu.memref_slice %arg23[%dma_wait3A_247, %dma_wait3A_248] : memref<10240x128xf32, #tpu.memory_space<vmem_shared>> -> memref<10240x128xf32, #tpu.memory_space<vmem_shared>>
    tpu.wait_indirect_dma semaphore(%arg22 : memref<!tpu.dma_semaphore, #tpu.memory_space<semaphore_mem>>) src(%arg14 : memref<100x128xf32, #tpu.memory_space<vmem>>) dst(%dma_wait3A_249 : memref<10240x128xf32, #tpu.memory_space<vmem_shared>>)
    %barrier3A_250 = arith.constant 0 : index
    tpu.barrier barrier_id(%barrier3A_250)
    %mul3A_251 = arith.constant 640 : i32
    %mul3A_252 = arith.muli %arg1, %mul3A_251 : i32
    %mul3A_253 = arith.constant 640 : i32
    %mul3A_254 = arith.muli %arg1, %mul3A_253 : i32
    "tpu.region"() ({
      %run_scoped3A = tpu.sem_alloc : memref<!tpu.dma_semaphore, #tpu.memory_space<semaphore_mem>>
      %dma_start3A_255 = arith.constant 0 : i32
      %dma_start3A_256 = tpu.memref_slice %arg7[%arg0, %mul3A_254, %dma_start3A_255] : memref<2x10240x128xf32, #tpu.memory_space<hbm>> -> memref<1x640x128xf32, #tpu.memory_space<hbm>>
      %dma_start3A_257 = tpu.memref_squeeze %dma_start3A_256 : memref<1x640x128xf32, #tpu.memory_space<hbm>> -> memref<640x128xf32, #tpu.memory_space<hbm>>
      %dma_start3A_258 = arith.constant 0 : i32
      %dma_start3A_259 = tpu.memref_slice %arg23[%mul3A_252, %dma_start3A_258] : memref<10240x128xf32, #tpu.memory_space<vmem_shared>> -> memref<640x128xf32, #tpu.memory_space<vmem_shared>>
      tpu.enqueue_dma source(%dma_start3A_259 : memref<640x128xf32, #tpu.memory_space<vmem_shared>>) target(%dma_start3A_257 : memref<640x128xf32, #tpu.memory_space<hbm>>) target_semaphore(%run_scoped3A : memref<!tpu.dma_semaphore, #tpu.memory_space<semaphore_mem>>)
      %dma_wait3A_260 = arith.constant 0 : i32
      %dma_wait3A_261 = tpu.memref_slice %arg7[%arg0, %mul3A_254, %dma_wait3A_260] : memref<2x10240x128xf32, #tpu.memory_space<hbm>> -> memref<1x640x128xf32, #tpu.memory_space<hbm>>
      %dma_wait3A_262 = tpu.memref_squeeze %dma_wait3A_261 : memref<1x640x128xf32, #tpu.memory_space<hbm>> -> memref<640x128xf32, #tpu.memory_space<hbm>>
      %dma_wait3A_263 = arith.constant 0 : i32
      %dma_wait3A_264 = tpu.memref_slice %arg23[%mul3A_252, %dma_wait3A_263] : memref<10240x128xf32, #tpu.memory_space<vmem_shared>> -> memref<640x128xf32, #tpu.memory_space<vmem_shared>>
      tpu.wait_dma2 semaphore(%run_scoped3A : memref<!tpu.dma_semaphore, #tpu.memory_space<semaphore_mem>>) src(%dma_wait3A_264 : memref<640x128xf32, #tpu.memory_space<vmem_shared>>) dst(%dma_wait3A_262 : memref<640x128xf32, #tpu.memory_space<hbm>>)
      tpu.yield
    }) : () -> ()
    return
  }
}

module attributes {stable_mosaic.version = 14 : i64} {
  func.func @_tc1_body(%arg0: memref<32x10240xf32, #tpu.memory_space<vmem>>, %arg1: memref<10000x128xf32, #tpu.memory_space<vmem>>, %arg2: memref<128x128xf32, #tpu.memory_space<vmem>>, %arg3: memref<10000xf32, #tpu.memory_space<vmem>>, %arg4: memref<10000x128xf32, #tpu.memory_space<vmem>>) attributes {dimension_semantics = [], scalar_prefetch = 0 : i64, scratch_operands = 0 : i64, tpu.core_type = #tpu.core_type<tc>} {
    %get3A = arith.constant 0 : index
    %get3A_0 = arith.constant 0 : index
    %get3A_1 = vector.load %arg0[%get3A, %get3A_0] : memref<32x10240xf32, #tpu.memory_space<vmem>>, vector<32x10000xf32>
    %reduce_sum3A = arith.constant dense<0.000000e+00> : vector<10000xf32>
    %reduce_sum3A_2 = vector.multi_reduction <add>, %get3A_1, %reduce_sum3A [0] : vector<32x10000xf32> to vector<10000xf32>
    %add3A = arith.constant 1.000000e+00 : f32
    %add3A_3 = vector.broadcast %add3A : f32 to vector<10000xf32>
    %add3A_4 = arith.addf %reduce_sum3A_2, %add3A_3 : vector<10000xf32>
    %rsqrt3A = math.rsqrt %add3A_4 : vector<10000xf32>
    %swap3A = arith.constant 0 : index
    %swap3A_5 = vector.load %arg3[%swap3A] : memref<10000xf32, #tpu.memory_space<vmem>>, vector<10000xf32>
    tpu.vector_store %arg3[%swap3A], %rsqrt3A {strides = array<i32>} : memref<10000xf32, #tpu.memory_space<vmem>>, vector<10000xf32>,
    %get3A_6 = arith.constant 0 : index
    %get3A_7 = arith.constant 0 : index
    %get3A_8 = vector.load %arg1[%get3A_6, %get3A_7] : memref<10000x128xf32, #tpu.memory_space<vmem>>, vector<10000x128xf32>
    %get3A_9 = arith.constant 0 : index
    %get3A_10 = arith.constant 0 : index
    %get3A_11 = vector.load %arg2[%get3A_9, %get3A_10] : memref<128x128xf32, #tpu.memory_space<vmem>>, vector<128x128xf32>
    %dot_general3A = arith.constant dense<0.000000e+00> : vector<10000x128xf32>
    %dot_general3A_12 = tpu.matmul %get3A_8, %get3A_11, %dot_general3A {dimension_numbers = #tpu.dot_dimension_numbers<[1], [1], [0], [0], [0, 0, 1, 0], [], []>, transpose_lhs_hint = false} : vector<10000x128xf32>, vector<128x128xf32>, vector<10000x128xf32> -> vector<10000x128xf32>
    %broadcast_in_dim3A = vector.shape_cast %rsqrt3A : vector<10000xf32> to vector<10000x1xf32>
    %mul3A = vector.broadcast %broadcast_in_dim3A : vector<10000x1xf32> to vector<10000x128xf32>
    %mul3A_13 = arith.mulf %mul3A, %dot_general3A_12 : vector<10000x128xf32>
    %swap3A_14 = arith.constant 0 : index
    %swap3A_15 = arith.constant 0 : index
    %swap3A_16 = vector.load %arg4[%swap3A_14, %swap3A_15] : memref<10000x128xf32, #tpu.memory_space<vmem>>, vector<10000x128xf32>
    tpu.vector_store %arg4[%swap3A_14, %swap3A_15], %mul3A_13 {strides = array<i32>} : memref<10000x128xf32, #tpu.memory_space<vmem>>, vector<10000x128xf32>,
    return
  }
}

module attributes {stable_mosaic.version = 14 : i64} {
  func.func @_tc2_body(%arg0: memref<2x10240x128xf32, #tpu.memory_space<vmem>>, %arg1: memref<10000x128xf32, #tpu.memory_space<vmem>>, %arg2: memref<10000xf32, #tpu.memory_space<vmem>>, %arg3: memref<128xf32, #tpu.memory_space<vmem>>, %arg4: memref<128xf32, #tpu.memory_space<vmem>>, %arg5: memref<128x128xf32, #tpu.memory_space<vmem>>, %arg6: memref<10000x128xf32, #tpu.memory_space<vmem>>) attributes {dimension_semantics = [], scalar_prefetch = 0 : i64, scratch_operands = 0 : i64, tpu.core_type = #tpu.core_type<tc>} {
    %get3A = arith.constant 0 : index
    %get3A_0 = vector.load %arg2[%get3A] : memref<10000xf32, #tpu.memory_space<vmem>>, vector<10000xf32>
    %broadcast_in_dim3A = vector.shape_cast %get3A_0 : vector<10000xf32> to vector<10000x1xf32>
    %get3A_1 = arith.constant 0 : index
    %get3A_2 = arith.constant 0 : index
    %get3A_3 = arith.constant 0 : index
    %get3A_4 = vector.load %arg0[%get3A_1, %get3A_2, %get3A_3] : memref<2x10240x128xf32, #tpu.memory_space<vmem>>, vector<1x10000x128xf32>
    %get3A_5 = vector.shape_cast %get3A_4 : vector<1x10000x128xf32> to vector<10000x128xf32>
    %get3A_6 = arith.constant 1 : index
    %get3A_7 = arith.constant 0 : index
    %get3A_8 = arith.constant 0 : index
    %get3A_9 = vector.load %arg0[%get3A_6, %get3A_7, %get3A_8] : memref<2x10240x128xf32, #tpu.memory_space<vmem>>, vector<1x10000x128xf32>
    %get3A_10 = vector.shape_cast %get3A_9 : vector<1x10000x128xf32> to vector<10000x128xf32>
    %add3A = arith.addf %get3A_5, %get3A_10 : vector<10000x128xf32>
    %get3A_11 = arith.constant 0 : index
    %get3A_12 = arith.constant 0 : index
    %get3A_13 = vector.load %arg1[%get3A_11, %get3A_12] : memref<10000x128xf32, #tpu.memory_space<vmem>>, vector<10000x128xf32>
    %add3A_14 = arith.addf %add3A, %get3A_13 : vector<10000x128xf32>
    %mul3A = vector.broadcast %broadcast_in_dim3A : vector<10000x1xf32> to vector<10000x128xf32>
    %mul3A_15 = arith.mulf %mul3A, %add3A_14 : vector<10000x128xf32>
    %get3A_16 = arith.constant 0 : index
    %get3A_17 = vector.load %arg3[%get3A_16] : memref<128xf32, #tpu.memory_space<vmem>>, vector<128xf32>
    %broadcast_in_dim3A_18 = vector.shape_cast %get3A_17 : vector<128xf32> to vector<1x128xf32>
    %add3A_19 = vector.broadcast %broadcast_in_dim3A_18 : vector<1x128xf32> to vector<10000x128xf32>
    %add3A_20 = arith.addf %mul3A_15, %add3A_19 : vector<10000x128xf32>
    %ge3A = arith.constant 0.000000e+00 : f32
    %ge3A_21 = vector.broadcast %ge3A : f32 to vector<10000x128xf32>
    %ge3A_22 = arith.cmpf oge, %add3A_20, %ge3A_21 : vector<10000x128xf32>
    %get3A_23 = arith.constant 0 : index
    %get3A_24 = vector.load %arg4[%get3A_23] : memref<128xf32, #tpu.memory_space<vmem>>, vector<128xf32>
    %broadcast_in_dim3A_25 = vector.shape_cast %get3A_24 : vector<128xf32> to vector<1x128xf32>
    %mul3A_26 = vector.broadcast %broadcast_in_dim3A_25 : vector<1x128xf32> to vector<10000x128xf32>
    %mul3A_27 = arith.mulf %mul3A_26, %add3A_20 : vector<10000x128xf32>
    %select_n3A = arith.select %ge3A_22, %add3A_20, %mul3A_27 : vector<10000x128xi1>, vector<10000x128xf32>
    %get3A_28 = arith.constant 0 : index
    %get3A_29 = arith.constant 0 : index
    %get3A_30 = vector.load %arg5[%get3A_28, %get3A_29] : memref<128x128xf32, #tpu.memory_space<vmem>>, vector<128x128xf32>
    %dot_general3A = arith.constant dense<0.000000e+00> : vector<10000x128xf32>
    %dot_general3A_31 = tpu.matmul %select_n3A, %get3A_30, %dot_general3A {dimension_numbers = #tpu.dot_dimension_numbers<[1], [1], [0], [0], [0, 0, 1, 0], [], []>, transpose_lhs_hint = false} : vector<10000x128xf32>, vector<128x128xf32>, vector<10000x128xf32> -> vector<10000x128xf32>
    %broadcast_in_dim3A_32 = vector.shape_cast %get3A_0 : vector<10000xf32> to vector<10000x1xf32>
    %mul3A_33 = vector.broadcast %broadcast_in_dim3A_32 : vector<10000x1xf32> to vector<10000x128xf32>
    %mul3A_34 = arith.mulf %mul3A_33, %dot_general3A_31 : vector<10000x128xf32>
    %swap3A = arith.constant 0 : index
    %swap3A_35 = arith.constant 0 : index
    %swap3A_36 = vector.load %arg6[%swap3A, %swap3A_35] : memref<10000x128xf32, #tpu.memory_space<vmem>>, vector<10000x128xf32>
    tpu.vector_store %arg6[%swap3A, %swap3A_35], %mul3A_34 {strides = array<i32>} : memref<10000x128xf32, #tpu.memory_space<vmem>>, vector<10000x128xf32>,
    return
  }
}

module attributes {stable_mosaic.version = 14 : i64} {
  func.func @_tc3_body(%arg0: memref<2x10240x128xf32, #tpu.memory_space<vmem>>, %arg1: memref<10000x128xf32, #tpu.memory_space<vmem>>, %arg2: memref<10000xf32, #tpu.memory_space<vmem>>, %arg3: memref<128xf32, #tpu.memory_space<vmem>>, %arg4: memref<10000x128xf32, #tpu.memory_space<vmem>>) attributes {dimension_semantics = [], scalar_prefetch = 0 : i64, scratch_operands = 0 : i64, tpu.core_type = #tpu.core_type<tc>} {
    %get3A = arith.constant 0 : index
    %get3A_0 = vector.load %arg2[%get3A] : memref<10000xf32, #tpu.memory_space<vmem>>, vector<10000xf32>
    %broadcast_in_dim3A = vector.shape_cast %get3A_0 : vector<10000xf32> to vector<10000x1xf32>
    %get3A_1 = arith.constant 0 : index
    %get3A_2 = arith.constant 0 : index
    %get3A_3 = arith.constant 0 : index
    %get3A_4 = vector.load %arg0[%get3A_1, %get3A_2, %get3A_3] : memref<2x10240x128xf32, #tpu.memory_space<vmem>>, vector<1x10000x128xf32>
    %get3A_5 = vector.shape_cast %get3A_4 : vector<1x10000x128xf32> to vector<10000x128xf32>
    %get3A_6 = arith.constant 1 : index
    %get3A_7 = arith.constant 0 : index
    %get3A_8 = arith.constant 0 : index
    %get3A_9 = vector.load %arg0[%get3A_6, %get3A_7, %get3A_8] : memref<2x10240x128xf32, #tpu.memory_space<vmem>>, vector<1x10000x128xf32>
    %get3A_10 = vector.shape_cast %get3A_9 : vector<1x10000x128xf32> to vector<10000x128xf32>
    %add3A = arith.addf %get3A_5, %get3A_10 : vector<10000x128xf32>
    %get3A_11 = arith.constant 0 : index
    %get3A_12 = arith.constant 0 : index
    %get3A_13 = vector.load %arg1[%get3A_11, %get3A_12] : memref<10000x128xf32, #tpu.memory_space<vmem>>, vector<10000x128xf32>
    %add3A_14 = arith.addf %add3A, %get3A_13 : vector<10000x128xf32>
    %mul3A = vector.broadcast %broadcast_in_dim3A : vector<10000x1xf32> to vector<10000x128xf32>
    %mul3A_15 = arith.mulf %mul3A, %add3A_14 : vector<10000x128xf32>
    %get3A_16 = arith.constant 0 : index
    %get3A_17 = vector.load %arg3[%get3A_16] : memref<128xf32, #tpu.memory_space<vmem>>, vector<128xf32>
    %broadcast_in_dim3A_18 = vector.shape_cast %get3A_17 : vector<128xf32> to vector<1x128xf32>
    %add3A_19 = vector.broadcast %broadcast_in_dim3A_18 : vector<1x128xf32> to vector<10000x128xf32>
    %add3A_20 = arith.addf %mul3A_15, %add3A_19 : vector<10000x128xf32>
    %swap3A = arith.constant 0 : index
    %swap3A_21 = arith.constant 0 : index
    %swap3A_22 = vector.load %arg4[%swap3A, %swap3A_21] : memref<10000x128xf32, #tpu.memory_space<vmem>>, vector<10000x128xf32>
    tpu.vector_store %arg4[%swap3A, %swap3A_21], %add3A_20 {strides = array<i32>} : memref<10000x128xf32, #tpu.memory_space<vmem>>, vector<10000x128xf32>,
    return
  }
}

</mosaic_0001>

<sc_bundles>
// kernel: kernel.11.cloned.1.call-start
scs
__scs_entry_jumppad:
0x0: {  	(pc) =	sbr.rel $0x88, $3  }
0x1: {  	(tag) =	ssettag $0x0;
	lr =	simm.s32 $0x1  }
0x2: {  	[smem:$0x3F99] =	sst lr;
	_ =	strace $0xD0000000  }
0x3: {  	_ = 	snop  }
0x4: {  	_ = 	snop  }
0x5: {  	_ = 	snop  }
0x6: {  	_ = 	snop  }
0x7: {  	_ = 	snop  }
__scs_overlays_trampoline_lowered:
0x8: {  	[smem:$0x3FA8] =	sst s0  }
0x9: {  	[smem:$0x3FA9] =	sst s1  }
0xa: {  	[smem:$0x3FAA] =	sst s2  }
0xb: {  	[smem:$0x3FAB] =	sst s3  }
0xc: {  	[smem:$0x3FAC] =	sst s4  }
0xd: {  	[smem:$0x3FAD] =	sst s5  }
0xe: {  	[smem:$0x3FAE] =	sst s6  }
0xf: {  	[smem:$0x3FAF] =	sst s7  }
0x10: {  	[smem:$0x3FB0] =	sst s8  }
0x11: {  	[smem:$0x3FB1] =	sst s9;
	s0 =	simm.s32 @!p0 $0x0  }
0x12: {  	s1 =	sld [smem:$0x3F97];
	s0 =	simm.s32 @p0 $0x1  }
0x13: {  	[smem:$0x3FB2] =	sst s0;
	s0 =	simm.s32 @!p1 $0x0  }
0x14: {  	s2 =	sld [smem:$0x3F96];
	s0 =	simm.s32 @p1 $0x1  }
0x15: {  	[smem:$0x3FB3] =	sst s0;
	s0 =	simm.s32 @!p2 $0x0  }
0x16: {  	s3 =	sld [smem:$0x3FDB];
	s0 =	simm.s32 @p2 $0x1  }
0x17: {  	s4 =	simm.s32 $0x1BF5;
	[smem:$0x3FB5] =	sst s0  }
0x18: {  	s0 =	sld [smem:$0x3F98];
	_ =	swait.ge [sflag:s4], $0x0  }
0x19: {  	s7 =	sld [smem:$0x3F99]  }
0x1a: {  	s8 =	sadd.s32 $0xFFFFE003, lr  }
0x1b: {  	s9 =	sadd.s32 $0xFFFFFEF7, lr;
	s5 =	simm.s32 $0xFFFFFFFF;
	p2 =	slt.u32 s8, $0xFFFFF086  }
0x1c: {  	p1 =	slt.u32 s9, $0xF7A;
	s5 =	simm.s32 @!p2 $0x0  }
0x1d: {  	s5 =	simm.s32 @p1 $0x1;
	p0 =	seq.s32 s7, s2  }
0x1e: {  	s7 =	smul.u32 @!p0 $0xF7A, s2;
	p2 =	seq.s32 @!p0 s5, $0x0  }
0x1f: {  	s9 =	smul.u32 $0xF7A, s1;
	s8 =	simm.s32 @!p0 $0x1BF5;
	p2 =	por !p2, p0  }
0x20: {  	[sflag:s8] =	ssyncset.s32 @!p0 $0xFFFFF086;
	s6 =	sadd.s32 @!p0 s3, s7;
	s7 =	simm.s32 @!p0 $0x108  }
0x21: {  	s3 =	sadd.s32 s3, s9;
	s6 =	sadd.s32 @!p0 $0x88, s6;
	s7 =	simm.s32 @p2 $0x1082  }
0x22: {  	[simem:s7], [sflag:s8] =	dma.local @!p0 [hbm:s6], $0xF7A  }
0x23: {  	s9 =	sor.u32 $0xD0000000, s2;
	s6 =	simm.s32 $0x108;
	_ =	swait.ge @!p0 [sflag:s8], $0x0  }
0x24: {  	s3 =	sadd.s32 $0x88, s3;
	s6 =	simm.s32 @!p1 $0x1082;
	[sflag:s4] =	ssyncset.s32 $0xFFFFF086  }
0x25: {  	[simem:s6], [sflag:s4] =	dma.local [hbm:s3], $0xF7A  }
0x26: {  	[smem:$0x3F99] =	sst s1;
	(tag) =	ssettag s2;
	_ =	strace s9  }
0x27: {  	s1 =	sld [smem:$0x3FA9]  }
0x28: {  	s2 =	sld [smem:$0x3FAA]  }
0x29: {  	s4 =	sld [smem:$0x3FAC]  }
0x2a: {  	p0 =	seq.s32 s5, $0x0;
	s5 =	sld [smem:$0x3FAD]  }
0x2b: {  	s6 =	sld [smem:$0x3FAE]  }
0x2c: {  	s7 =	sld [smem:$0x3FAF]  }
0x2d: {  	s3 =	simm.s32 $0x108;
	s8 =	sld [smem:$0x3FB0]  }
0x2e: {  	s3 =	simm.s32 @!p0 $0x1082;
	s9 =	sld [smem:$0x3FB1]  }
0x2f: {  	lr =	sadd.s32 s0, s3;
	s0 =	sld [smem:$0x3FA8]  }
0x30: {  	s3 =	sld [smem:$0x3FAB]  }
0x31: {  	[smem:$0x3FB4] =	sst s10  }
0x32: {  	s10 =	sld [smem:$0x3FB2];
	_ =	sdelay $0x3  }
0x33: {  	p0 =	seq.s32 s10, $0x1;
	s10 =	sld [smem:$0x3FB4];
	_ =	sdelay $0x3  }
0x34: {  	[smem:$0x3FB4] =	sst s10  }
0x35: {  	s10 =	sld [smem:$0x3FB3];
	_ =	sdelay $0x3  }
0x36: {  	p1 =	seq.s32 s10, $0x1;
	s10 =	sld [smem:$0x3FB4];
	_ =	sdelay $0x3  }
0x37: {  	[smem:$0x3FB4] =	sst s10  }
0x38: {  	s10 =	sld [smem:$0x3FB5]  }
0x39: {  	_ = 	snop;
	(pc) =	sbr.ind lr, $3  }
0x3a: {  	_ = 	snop  }
0x3b: {  	_ = 	snop  }
0x3c: {  	p2 =	seq.s32 s10, $0x1;
	s10 =	sld [smem:$0x3FB4]  }
0x3d: {  	_ =	shalt  }
0x3e: {  	_ =	shalt  }
0x3f: {  	_ =	shalt  }
0x40: {  	_ =	shalt  }
0x41: {  	_ =	shalt  }
0x42: {  	_ =	shalt  }
0x43: {  	_ =	shalt  }
0x44: {  	_ =	shalt  }
0x45: {  	_ =	shalt  }
0x46: {  	_ =	shalt  }
0x47: {  	_ =	shalt  }
0x48: {  	_ =	shalt  }
0x49: {  	_ =	shalt  }
0x4a: {  	_ =	shalt  }
0x4b: {  	_ =	shalt  }
0x4c: {  	_ =	shalt  }
0x4d: {  	_ =	shalt  }
0x4e: {  	_ =	shalt  }
0x4f: {  	_ =	shalt  }
0x50: {  	_ =	shalt  }
0x51: {  	_ =	shalt  }
0x52: {  	_ =	shalt  }
0x53: {  	_ =	shalt  }
0x54: {  	_ =	shalt  }
0x55: {  	_ =	shalt  }
0x56: {  	_ =	shalt  }
0x57: {  	_ =	shalt  }
0x58: {  	_ =	shalt  }
0x59: {  	_ =	shalt  }
0x5a: {  	_ =	shalt  }
0x5b: {  	_ =	shalt  }
0x5c: {  	_ =	shalt  }
0x5d: {  	_ =	shalt  }
0x5e: {  	_ =	shalt  }
0x5f: {  	_ =	shalt  }
0x60: {  	_ =	shalt  }
0x61: {  	_ =	shalt  }
0x62: {  	_ =	shalt  }
0x63: {  	_ =	shalt  }
0x64: {  	_ =	shalt  }
0x65: {  	_ =	shalt  }
0x66: {  	_ =	shalt  }
0x67: {  	_ =	shalt  }
0x68: {  	_ =	shalt  }
0x69: {  	_ =	shalt  }
0x6a: {  	_ =	shalt  }
0x6b: {  	_ =	shalt  }
0x6c: {  	_ =	shalt  }
0x6d: {  	_ =	shalt  }
0x6e: {  	_ =	shalt  }
0x6f: {  	_ =	shalt  }
0x70: {  	_ =	shalt  }
0x71: {  	_ =	shalt  }
0x72: {  	_ =	shalt  }
0x73: {  	_ =	shalt  }
0x74: {  	_ =	shalt  }
0x75: {  	_ =	shalt  }
0x76: {  	_ =	shalt  }
0x77: {  	_ =	shalt  }
0x78: {  	_ =	shalt  }
0x79: {  	_ =	shalt  }
0x7a: {  	_ =	shalt  }
0x7b: {  	_ =	shalt  }
0x7c: {  	_ =	shalt  }
0x7d: {  	_ =	shalt  }
0x7e: {  	_ =	shalt  }
0x7f: {  	_ =	shalt  }
0x80: {  	_ =	shalt  }
0x81: {  	_ =	shalt  }
0x82: {  	_ =	shalt  }
0x83: {  	_ =	shalt  }
0x84: {  	_ =	shalt  }
0x85: {  	_ =	shalt  }
0x86: {  	_ =	shalt  }
0x87: {  	_ =	shalt  }
.Lfunc_end0:
.L_simem_size_0:
called_computation.1_lowered:
.L_overlay_start_0:
0x88: {  	s2 =	sld [smem:$0x3FD9]  }
0x89: {  	s3 =	sld [smem:$0x3FFE];
	_ =	sdelay $0x1  }
0x8a: {  	s1 =	srdreg.scid  }
0x8b: {  	s0 =	sand.u32 $0x1, s1  }
0x8c: {  	s17 =	sshll.u32 s0, $0xA;
	s2 =	sadd.s32 s3, s2  }
0x8d: {  	s2 =	sadd.s32 s2, s17  }
0x8e: {  	[smem:$0x3FC0] =	sst s2  }
0x8f: {  	_ = 	snop  }
0x90: {  	s2 =	sld [smem:$0x3FD0];
	(tm) =	ssettm $0x1  }
0x91: {  	s18 =	sld [smem:$0x3FFB];
	_ =	sdelay $0x3  }
0x92: {  	_ =	strace s18  }
0x93: {  	s3 =	sld [smem:$0x3FFC];
	_ =	sdelay $0x3  }
0x94: {  	_ =	strace s3  }
0x95: {  	s3 =	sld [smem:$0x3FFD];
	_ =	sdelay $0x3  }
0x96: {  	_ =	strace s3  }
0x97: {  	_ =	strace $0x8FFFFFFF  }
0x98: {  	s19 =	sld [smem:$0x3FDB];
	_ =	sdelay $0x1  }
0x99: {  	s4 =	simm.s32 $_scs_section_size  }
0x9a: {  	s5 =	simm.s32 $_size__tile_overlayer_lowered;
	s6 =	simm.s32 $_tile_overlayer_lowered  }
0x9b: {  	s22 =	simm.s32 $0x1BFF;
	s21 =	sshll.u32 s6, $0x1;
	s3 =	sadd.s32 s4, s19  }
0x9c: {  	s7 =	simm.s32 $0x0;
	s20 =	sshll.u32 s5, $0x1;
	s5 =	sadd.s32 s21, s3  }
0x9d: {  	[timem:s7], [sflag:s22] =	dma.local [hbm:s5], s20  }
0x9e: {  	_ =	swait.ge [sflag:s22], s20  }
0x9f: {  	s4 =	ssub.s32 $0x0, s20;
	[sflag:s22] =	ssyncset.done $0x0  }
0xa0: {  	[sflag:s22] =	ssyncadd.s32 s4;
	_ =	sdelay $0x1  }
0xa1: {  	s23 =	simm.s32 $0x1B8B  }
0xa2: {  	_ =	swait.ge [sflag:s23], $0x1  }
0xa3: {  	[sflag:s23] =	ssyncset.done $0x0  }
0xa4: {  	s25 =	simm.s32 $0x1B8E;
	s24 =	sld [smem:$0x3FFE];
	[sflag:s23] =	ssyncadd.s32 $0xFFFFFFFF  }
0xa5: {  	s26 =	simm.s32 $execute0_lowered;
	[smem:$0x3FD2] =	sst s25  }
0xa6: {  	s5 =	sshll.u32 s26, $0x1;
	_ =	strace $0x80000049;
	[dreg:$0x1] =	wrdreg $0xFFFFFFFF  }
0xa7: {  	s28 =	simm.s32 $_size_execute0_lowered;
	s3 =	sadd.s32 s3, s5;
	[dreg:$0x0] =	wrdreg $0x0  }
0xa8: {  	s5 =	sshll.u32 s28, $0x1;
	[dreg:$0x2] =	wrdreg s3  }
0xa9: {  	[dreg:$0x3] =	wrdreg s5  }
0xaa: {  	[dreg:$0x4] =	wrdreg $0xC0  }
0xab: {  	_ =	task [dreg:s7], $0x5FFFF  }
0xac: {  	[dreg:$0x1] =	wrdreg $0xFFFFFFFF  }
0xad: {  	[dreg:$0x0] =	wrdreg $0x60  }
0xae: {  	[dreg:$0x2] =	wrdreg s2  }
0xaf: {  	[dreg:$0x3] =	wrdreg s24  }
0xb0: {  	[dreg:$0x4] =	wrdreg $0x9E000  }
0xb1: {  	[dreg:$0x5] =	wrdreg $0x9  }
0xb2: {  	_ =	task.clear_ibuf [dreg:s7], $0x6FFFF;
	_ =	strace $0x90000049  }
0xb3: {  	s29 =	simm.s32 $0x9;
	_ =	strace $0x8000004B  }
0xb4: {  	_ =	swait.ge [sflag:s29], $0x1  }
0xb5: {  	[sflag:s29] =	ssyncadd.s32 $0xFFFFFFFF  }
0xb6: {  	_ =	strace $0x9000004B  }
0xb7: {  	_ =	sfence  }
0xb8: {  	s30 =	sld [smem:$0x0];
	_ =	sdelay $0x2  }
0xb9: {  	s31 =	sshll.u32 s1, $0xD;
	s1 =	sshrl.u32 s1, $0x2  }
0xba: {  	s3 =	sand.u32 $0x4000, s31;
	s1 =	sadd.s32 s1, s30  }
0xbb: {  	s0 =	sor.u32 s3, s0;
	s1 =	sshll.u32 s1, $0x11  }
0xbc: {  	s0 =	sor.u32 s1, s0  }
0xbd: {  	s0 =	sadd.s32 $0x8F2B, s0  }
0xbe: {  	[sflag:s0] =	ssyncadd.remote.s32 $0x1  }
0xbf: {  	_ =	sfence.sel $0xFFFF  }
0xc0: {  	[dreg:$0x0] =	wrdreg $0xFFFFFFFF;
	(pc) =	sbr.abs _section_cstart, $3  }
0xc1: {  	[dreg:$0x1] =	wrdreg $0xFFFFFFFF  }
0xc2: {  	_ =	task.clear_ibuf [dreg:s7], $0x2FFFF;
	_ =	strace $0x9FFFFFFF  }
0xc3: {  	(tm) =	ssettm $0x7FFFFFFF  }
tec
execute0_lowered:
.L_overlay_start_1:
0x0: {  	(tag) =	ssettag $0x1  }
0x1: {  	s1 =	rddreg [dreg:$0x0]  }
0x2: {  	s0 =	srdreg.scid;
	s8 =	rddreg [dreg:$0x1]  }
0x3: {  	s14 =	stileid.u32;
	s3 =	rddreg [dreg:$0x2];
	s5 =	simm.s32 $0x0  }
0x4: {  	s29 =	simm.s32 $0x6A00;
	s30 =	simm.s32 $0x3480;
	s31 =	simm.s32 $0x3580  }
0x5: {  	s28 =	simm.s32 $0x1;
	s0 =	sand.u32 $0x1, s0;
	[smem:$0x7FF] =	sst s5  }
0x6: {  	s9 =	smul.u32 $0x14000, s14;
	s6 =	sadd.s32 $0x23C00, s8;
	s7 =	sadd.s32 $0x16C00, s8  }
0x7: {  	s15 =	smul.u32 $0x50000, s14;
	s18 =	sshll.u32 s14, $0x6;
	s2 =	sshll.u32 s0, $0x4  }
0x8: {  	_ =	strace $0x8000004A;
	s11 =	smul.u32 $0x140000, s0;
	s0 =	ssub.s32 $0x2, s0  }
0x9: {  	s2 =	sor.u32 s14, s2;
	s12 =	sshrl.u32 s9, $0x3;
	s13 =	sshrl.u32 s0, $0x1  }
0xa: {  	s16 =	sshrl.u32 s15, $0x2;
	s15 =	sor.u32 $0x1C09, s18;
	s14 =	simm.s32 $0x0  }
0xb: {  	s4 =	smul.u32 $0x3400, s2;
	s9 =	sadd.s32 s9, s11;
	s12 =	sadd.s32 s12, s8  }
0xc: {  	s0 =	ssub.s32 s0, s13;
	s11 =	simm.s32 $0x4;
	s13 =	simm.s32 $0x8  }
0xd: {  	[dreg:$0x5] =	wrdreg s15;
	s9 =	sshrl.u32 s9, $0x3;
	s17 =	sadd.s32 $0x3DC00, s12  }
0xe: {  	s0 =	smax.u32 s0, $0x1;
	s12 =	simm.s32 $0x2;
	[dreg:$0x4] =	wrdreg s17  }
0xf: {  	s2 =	sshrl.u32 s4, $0x3;
	[dreg:$0x10] =	wrdreg s0;
	s0 =	simm.s32 $0x3  }
0x10: {  	s10 =	sadd.s32 s2, s8;
	s8 =	sadd.s32 s9, s8;
	s20 =	sadd.s32 s6, s2  }
0x11: {  	s9 =	sadd.s32 s16, s3;
	s21 =	sadd.s32 s7, s2;
	[dreg:$0x7] =	wrdreg s20  }
0x12: {  	s19 =	sor.u32 $0x10, s2;
	s10 =	sadd.s32 $0x30C00, s10;
	[dreg:$0x8] =	wrdreg s21  }
0x13: {  	s23 =	sor.u32 $0x20, s2;
	s22 =	sadd.s32 s6, s19;
	[dreg:$0x6] =	wrdreg s10  }
0x14: {  	s2 =	sadd.s32 $0x630, s2;
	s24 =	sadd.s32 s6, s23;
	[dreg:$0x9] =	wrdreg s22  }
0x15: {  	s25 =	sadd.s32 s6, s2;
	s2 =	sadd.s32 s7, s2;
	[dreg:$0xb] =	wrdreg s24  }
0x16: {  	s26 =	sadd.s32 $0x65C00, s8;
	s16 =	sshrl.u32 s9, $0x3;
	[dreg:$0xd] =	wrdreg s25  }
0x17: {  	s8 =	simm.s32 $0x7;
	s10 =	sadd.s32 s7, s19;
	[dreg:$0xe] =	wrdreg s2  }
0x18: {  	[dreg:$0xf] =	wrdreg s26;
	s22 =	simm.s32 $0x9;
	s24 =	simm.s32 $0x3600  }
0x19: {  	s25 =	simm.s32 $0x3400;
	s26 =	simm.s32 $0x3500;
	[dreg:$0x11] =	wrdreg s16  }
0x1a: {  	s2 =	simm.s32 $0x5;
	[dreg:$0xa] =	wrdreg s10;
	s10 =	sadd.s32 s7, s23  }
0x1b: {  	s23 =	simm.s32 $0x64;
	[dreg:$0xc] =	wrdreg s10;
	s10 =	simm.s32 $0x6  }
.LBB2_1:
0x1c: {  	s9 =	rddreg [dreg:$0x4]  }
0x1d: {  	[spmem:s16], [sflag:s15] =	dma.local [hbm:s9], $0x2800  }
0x1e: {  	_ =	swait.ge [sflag:s22], $0x2800  }
0x1f: {  	[sflag:s22] =	ssyncset.done $0x0  }
0x20: {  	s15 =	rddreg [dreg:$0x6];
	[sflag:s22] =	ssyncadd.s32 $0xFFFFD800  }
0x21: {  	[tilespmem:s5], [sflag:$0x9] =	stream.linear.gather [hbm4b:s15+s5], $0x3200, $0x38;
	[tilespmem:$0x1DE00] =	vst v63  }
0x22: {  	_ =	swait.ge [sflag:s22], $0x3200  }
0x23: {  	[sflag:s22] =	ssyncset.done $0x0  }
0x24: {  	[sflag:s22] =	ssyncadd.s32 $0xFFFFCE00  }
0x25: {  	[bflag:$0x0] =	sbarrier.arrive $0xFFFF  }
0x26: {  	[tilespmem:s24], [sflag:$0x5] =	stream.indirect.gather [hbm4b:s1+s23], $0x80, s5, s23, $0xb8;
	[tilespmem:$0x1DE00] =	vst v63  }
0x27: {  	s16 =	rddreg [dreg:$0x7]  }
0x28: {  	[tilespmem:s25], [sflag:$0x1] =	stream.linear.gather [hbm4b:s16+s5], $0x80, $0x38;
	[tilespmem:$0x1DE00] =	vst v63  }
0x29: {  	s17 =	rddreg [dreg:$0x8]  }
0x2a: {  	[tilespmem:s26], [sflag:$0x3] =	stream.linear.gather [hbm4b:s17+s5], $0x80, $0x38;
	[tilespmem:$0x1DE00] =	vst v63  }
0x2b: {  	s18 =	simm.s32 $0x80  }
0x2c: {  	[tilespmem:s29], [sflag:$0x6] =	stream.indirect.gather [hbm4b:s1+s23], $0x80, s18, s23, $0xb8;
	[tilespmem:$0x1DE00] =	vst v63  }
0x2d: {  	s19 =	rddreg [dreg:$0x9]  }
0x2e: {  	[tilespmem:s30], [sflag:$0x2] =	stream.linear.gather [hbm4b:s19+s5], $0x80, $0x38;
	[tilespmem:$0x1DE00] =	vst v63  }
0x2f: {  	v0 =	vmov s5;
	s20 =	rddreg [dreg:$0xa]  }
0x30: {  	v0 =	vand.u32 $0xFFFFFFFE, v0;
	[tilespmem:s31], [sflag:$0x4] =	stream.linear.gather [hbm4b:s20+s5], $0x80, $0x38;
	[tilespmem:$0x1DE00] =	vst v63  }
0x31: {  	v0 =	vbroadcast v0, $0x0;
	_ =	swait.ge [sflag:s2], $0x3200  }
0x32: {  	[sflag:s2] =	ssyncset.done $0x0  }
0x33: {  	[sflag:s2] =	ssyncadd.s32 $0xFFFFCE00  }
0x34: {  	_ =	swait.ge [sflag:s0], $0x80  }
0x35: {  	[sflag:s0] =	ssyncset.done $0x0  }
0x36: {  	[sflag:s0] =	ssyncadd.s32 $0xFFFFFF80  }
0x37: {  	s15 =	simm.s32 $0x3680;
	v1 =	vld.idx.msk [tilespmem:v0+s26+$0x0], $0xffff  }
0x38: {  	v0 =	vld [tilespmem:s15+$0xFFFFFFF0]  }
0x39: {  	v2 =	vld [tilespmem:s15+$0xFFFFFF80]  }
0x3a: {  	s21 =	simm.s32 $0x1;
	v5 =	vld [tilespmem:s15+$0xFFFFFF90]  }
0x3b: {  	v6 =	vmov s21;
	v7 =	vld [tilespmem:s15+$0xFFFFFFA0]  }
0x3c: {  	v10 =	vld [tilespmem:s15+$0xFFFFFFB0]  }
0x3d: {  	v4 =	vld [tilespmem:s15+$0xFFFFFFC0]  }
0x3e: {  	v3 =	vld [tilespmem:s15+$0xFFFFFFD0];
	v8 =	vmul.f32 v0, v1  }
0x3f: {  	v9 =	vmul.f32 v2, v1;
	v2 =	vld [tilespmem:s15+$0xFFFFFFE0]  }
0x40: {  	v0 =	vld.idx.msk [tilespmem:v6+s26+$0x0], $0xffff;
	v5 =	vmul.f32 v5, v1;
	[tilespmem:s15+$0xFFFFFFF0] =	vst v8  }
0x41: {  	s17 =	simm.s32 $0x2;
	v6 =	vld [tilespmem:s15+$0x0];
	[tilespmem:s15+$0xFFFFFF80] =	vst v9;
	v8 =	vmul.f32 v7, v1  }
0x42: {  	s16 =	simm.s32 $0x3680;
	s18 =	simm.s32 $0x4;
	v9 =	vmov s17;
	[tilespmem:s15+$0xFFFFFF90] =	vst v5;
	v7 =	vmul.f32 v10, v1;
	v5 =	vld [tilespmem:s15+$0x10]  }
.LBB2_2:
0x43: {  	p0 =	slt.u32 s18, $0x62;
	v9 =	vand.u32 $0xFFFFFFFE, v9;
	s9 =	sadd.s32 $0x1, s17;
	[tilespmem:s15+$0xFFFFFFA0] =	vst v8;
	v4 =	vmul.f32 v4, v1;
	v8 =	vld [tilespmem:s15+$0x20];
	s17 =	smov.u32 s18  }
0x44: {  	v9 =	vbroadcast v9, $0x0;
	v10 =	vmov s9;
	[tilespmem:s15+$0xFFFFFFB0] =	vst v7;
	v3 =	vmul.f32 v3, v1;
	v7 =	vld [tilespmem:s15+$0x30]  }
0x45: {  	[tilespmem:s15+$0xFFFFFFC0] =	vst v4;
	v1 =	vmul.f32 v2, v1;
	v2 =	vld [tilespmem:s15+$0x40]  }
0x46: {  	[tilespmem:s15+$0xFFFFFFD0] =	vst v3;
	v3 =	vmul.f32 v6, v0;
	v4 =	vld [tilespmem:s15+$0x50]  }
0x47: {  	[tilespmem:s15+$0xFFFFFFE0] =	vst v1;
	v1 =	vmul.f32 v5, v0;
	v5 =	vld [tilespmem:s15+$0x60]  }
0x48: {  	[tilespmem:s15+$0x0] =	vst v3;
	v3 =	vmul.f32 v8, v0;
	v6 =	vld [tilespmem:s15+$0x70]  }
0x49: {  	v8 =	vld.idx.msk [tilespmem:v10+s26+$0x0], $0xffff;
	[tilespmem:s15+$0x10] =	vst v1;
	v7 =	vmul.f32 v7, v0  }
0x4a: {  	s15 =	sadd.s32 $0x100, s15;
	v1 =	vld.idx.msk [tilespmem:v9+s26+$0x0], $0xffff;
	[tilespmem:s16+$0x20] =	vst v3;
	v2 =	vmul.f32 v2, v0  }
0x4b: {  	v3 =	vld [tilespmem:s15+$0xFFFFFFF0];
	[tilespmem:s16+$0x30] =	vst v7;
	v4 =	vmul.f32 v4, v0  }
0x4c: {  	v7 =	vld [tilespmem:s15+$0xFFFFFF80];
	[tilespmem:s16+$0x40] =	vst v2;
	v2 =	vmul.f32 v5, v0  }
0x4d: {  	v5 =	vld [tilespmem:s15+$0xFFFFFF90];
	[tilespmem:s16+$0x50] =	vst v4;
	v4 =	vmul.f32 v6, v0  }
0x4e: {  	v6 =	vld [tilespmem:s15+$0xFFFFFFA0];
	[tilespmem:s16+$0x60] =	vst v2  }
0x4f: {  	v0 =	vmov v8;
	v10 =	vld [tilespmem:s15+$0xFFFFFFB0];
	[tilespmem:s16+$0x70] =	vst v4;
	s16 =	smov.u32 s15  }
.Ltmp0:
0x50: {  	v4 =	vld [tilespmem:s15+$0xFFFFFFC0];
	v8 =	vmul.f32 v3, v1;
	(pc) =	sbr.rel @p0 .LBB2_2-.Ltmp0, $4  }
0x51: {  	v7 =	vmul.f32 v7, v1;
	v3 =	vld [tilespmem:s15+$0xFFFFFFD0]  }
0x52: {  	v5 =	vmul.f32 v5, v1;
	v2 =	vld [tilespmem:s15+$0xFFFFFFE0];
	[tilespmem:s15+$0xFFFFFFF0] =	vst v8  }
0x53: {  	[tilespmem:s15+$0xFFFFFF80] =	vst v7;
	v8 =	vmul.f32 v6, v1;
	v6 =	vld [tilespmem:s15+$0x0]  }
0x54: {  	s18 =	sadd.s32 $0x2, s18;
	v9 =	vmov s17;
	[tilespmem:s15+$0xFFFFFF90] =	vst v5;
	v7 =	vmul.f32 v10, v1;
	v5 =	vld [tilespmem:s15+$0x10]  }
0x55: {  	v10 =	vld [tilespmem:s15+$0x20]  }
0x56: {  	v9 =	vand.u32 $0xFFFFFFFE, v9;
	s9 =	sadd.s32 $0x1, s17;
	v11 =	vld [tilespmem:s15+$0x30]  }
0x57: {  	v13 =	vld [tilespmem:s15+$0x40];
	[tilespmem:s15+$0xFFFFFFA0] =	vst v8;
	v4 =	vmul.f32 v4, v1;
	v9 =	vbroadcast v9, $0x0;
	v12 =	vmov s9  }
0x58: {  	v8 =	vld [tilespmem:s15+$0x50];
	[tilespmem:s15+$0xFFFFFFB0] =	vst v7;
	v3 =	vmul.f32 v3, v1  }
0x59: {  	v7 =	vld [tilespmem:s15+$0x60];
	[tilespmem:s15+$0xFFFFFFC0] =	vst v4;
	v6 =	vmul.f32 v6, v0  }
0x5a: {  	s21 =	sadd.s32 $0x100, s15;
	v1 =	vmul.f32 v2, v1;
	v2 =	vld [tilespmem:s15+$0x70];
	[tilespmem:s15+$0xFFFFFFD0] =	vst v3  }
0x5b: {  	v3 =	vmul.f32 v5, v0;
	[tilespmem:s15+$0x0] =	vst v6;
	v6 =	vld [tilespmem:s21+$0xFFFFFFF0]  }
0x5c: {  	[tilespmem:s15+$0xFFFFFFE0] =	vst v1;
	v1 =	vmul.f32 v10, v0;
	v4 =	vld.idx.msk [tilespmem:v12+s26+$0x0], $0xffff  }
0x5d: {  	[tilespmem:s15+$0x10] =	vst v3;
	v3 =	vmul.f32 v11, v0;
	v5 =	vld.idx.msk [tilespmem:v9+s26+$0x0], $0xffff  }
0x5e: {  	[tilespmem:s16+$0x20] =	vst v1;
	v1 =	vmul.f32 v13, v0;
	v9 =	vld [tilespmem:s21+$0xFFFFFF80]  }
0x5f: {  	[tilespmem:s16+$0x30] =	vst v3;
	v3 =	vmul.f32 v8, v0;
	v8 =	vld [tilespmem:s21+$0xFFFFFF90]  }
0x60: {  	[tilespmem:s16+$0x40] =	vst v1;
	v1 =	vmul.f32 v7, v0;
	v7 =	vld [tilespmem:s21+$0xFFFFFFA0]  }
0x61: {  	v0 =	vmul.f32 v2, v0;
	v2 =	vld [tilespmem:s21+$0xFFFFFFB0];
	[tilespmem:s16+$0x50] =	vst v3  }
0x62: {  	[tilespmem:s16+$0x60] =	vst v1;
	v1 =	vld [tilespmem:s21+$0xFFFFFFC0];
	v3 =	vmul.f32 v6, v5  }
0x63: {  	[tilespmem:s16+$0x70] =	vst v0;
	v0 =	vmul.f32 v9, v5;
	v6 =	vld [tilespmem:s21+$0xFFFFFFD0]  }
0x64: {  	v9 =	vld [tilespmem:s21+$0xFFFFFFE0];
	v8 =	vmul.f32 v8, v5;
	[tilespmem:s21+$0xFFFFFFF0] =	vst v3  }
0x65: {  	[tilespmem:s21+$0xFFFFFF80] =	vst v0;
	v0 =	vmul.f32 v7, v5;
	v3 =	vld [tilespmem:s21+$0x0]  }
0x66: {  	v2 =	vmul.f32 v2, v5;
	v7 =	vld [tilespmem:s21+$0x10];
	[tilespmem:s21+$0xFFFFFF90] =	vst v8  }
0x67: {  	[tilespmem:s21+$0xFFFFFFA0] =	vst v0;
	v0 =	vmul.f32 v1, v5;
	v1 =	vld [tilespmem:s21+$0x20]  }
0x68: {  	[tilespmem:s21+$0xFFFFFFB0] =	vst v2;
	v2 =	vmul.f32 v6, v5;
	v6 =	vld [tilespmem:s21+$0x30]  }
0x69: {  	[tilespmem:s21+$0xFFFFFFC0] =	vst v0;
	v0 =	vmul.f32 v9, v5;
	v5 =	vld [tilespmem:s21+$0x40]  }
0x6a: {  	[tilespmem:s21+$0xFFFFFFD0] =	vst v2;
	v2 =	vmul.f32 v3, v4;
	v3 =	vld [tilespmem:s21+$0x50]  }
0x6b: {  	[tilespmem:s21+$0xFFFFFFE0] =	vst v0;
	v0 =	vmul.f32 v7, v4;
	v7 =	vld [tilespmem:s21+$0x60]  }
0x6c: {  	[tilespmem:s21+$0x0] =	vst v2;
	v1 =	vmul.f32 v1, v4;
	v2 =	vld [tilespmem:s21+$0x70]  }
0x6d: {  	[tilespmem:s21+$0x10] =	vst v0;
	v0 =	vmul.f32 v6, v4  }
0x6e: {  	[tilespmem:s21+$0x20] =	vst v1;
	v1 =	vmul.f32 v5, v4  }
0x6f: {  	[tilespmem:s21+$0x30] =	vst v0;
	v0 =	vmul.f32 v3, v4  }
0x70: {  	[tilespmem:s21+$0x40] =	vst v1;
	v1 =	vmul.f32 v7, v4  }
0x71: {  	[tilespmem:s21+$0x50] =	vst v0;
	v0 =	vmul.f32 v2, v4  }
0x72: {  	[tilespmem:s21+$0x60] =	vst v1  }
0x73: {  	[tilespmem:s21+$0x70] =	vst v0  }
0x74: {  	_ =	swait.ge [sflag:s28], $0x80  }
0x75: {  	[sflag:s28] =	ssyncset.done $0x0  }
0x76: {  	[sflag:s28] =	ssyncadd.s32 $0xFFFFFF80  }
0x77: {  	[spmem:s3] =	stream.indirect.scatter.add.f32 [tilespmem:s24], [sflag:$0x7], $0x80, s25, s23, $0xb8;
	[tilespmem:$0x1DE00] =	vst v63  }
0x78: {  	_ =	swait.ge [sflag:s8], $0x3200  }
0x79: {  	[sflag:s8] =	ssyncset.done $0x0  }
0x7a: {  	s17 =	simm.s32 $0x100;
	[sflag:s8] =	ssyncadd.s32 $0xFFFFCE00  }
0x7b: {  	[tilespmem:s24], [sflag:$0x5] =	stream.indirect.gather [hbm4b:s1+s23], $0x80, s17, s23, $0xb8;
	[tilespmem:$0x1DE00] =	vst v63  }
0x7c: {  	s18 =	simm.s32 $0x0;
	s19 =	rddreg [dreg:$0xb]  }
0x7d: {  	[tilespmem:s25], [sflag:$0x1] =	stream.linear.gather [hbm4b:s19+s18], $0x80, $0x38;
	[tilespmem:$0x1DE00] =	vst v63  }
0x7e: {  	v0 =	vmov s18;
	s20 =	rddreg [dreg:$0xc]  }
0x7f: {  	v0 =	vand.u32 $0xFFFFFFFE, v0;
	[tilespmem:s26], [sflag:$0x3] =	stream.linear.gather [hbm4b:s20+s18], $0x80, $0x38;
	[tilespmem:$0x1DE00] =	vst v63  }
0x80: {  	v0 =	vbroadcast v0, $0x0;
	_ =	swait.ge [sflag:s10], $0x3200  }
0x81: {  	[sflag:s10] =	ssyncset.done $0x0  }
0x82: {  	[sflag:s10] =	ssyncadd.s32 $0xFFFFCE00  }
0x83: {  	_ =	swait.ge [sflag:s11], $0x80  }
0x84: {  	[sflag:s11] =	ssyncset.done $0x0  }
0x85: {  	[sflag:s11] =	ssyncadd.s32 $0xFFFFFF80  }
0x86: {  	s15 =	simm.s32 $0x6A80;
	v1 =	vld.idx.msk [tilespmem:v0+s31+$0x0], $0xffff  }
0x87: {  	v0 =	vld [tilespmem:s15+$0xFFFFFFF0]  }
0x88: {  	v2 =	vld [tilespmem:s15+$0xFFFFFF80]  }
0x89: {  	s21 =	simm.s32 $0x1;
	v5 =	vld [tilespmem:s15+$0xFFFFFF90]  }
0x8a: {  	v6 =	vmov s21;
	v7 =	vld [tilespmem:s15+$0xFFFFFFA0]  }
0x8b: {  	v10 =	vld [tilespmem:s15+$0xFFFFFFB0]  }
0x8c: {  	v4 =	vld [tilespmem:s15+$0xFFFFFFC0]  }
0x8d: {  	v3 =	vld [tilespmem:s15+$0xFFFFFFD0];
	v8 =	vmul.f32 v0, v1  }
0x8e: {  	v9 =	vmul.f32 v2, v1;
	v2 =	vld [tilespmem:s15+$0xFFFFFFE0]  }
0x8f: {  	v0 =	vld.idx.msk [tilespmem:v6+s31+$0x0], $0xffff;
	v5 =	vmul.f32 v5, v1;
	[tilespmem:s15+$0xFFFFFFF0] =	vst v8  }
0x90: {  	s17 =	simm.s32 $0x2;
	v6 =	vld [tilespmem:s15+$0x0];
	[tilespmem:s15+$0xFFFFFF80] =	vst v9;
	v8 =	vmul.f32 v7, v1  }
0x91: {  	s16 =	simm.s32 $0x6A80;
	s18 =	simm.s32 $0x4;
	v9 =	vmov s17;
	[tilespmem:s15+$0xFFFFFF90] =	vst v5;
	v7 =	vmul.f32 v10, v1;
	v5 =	vld [tilespmem:s15+$0x10]  }
.LBB2_4:
0x92: {  	p0 =	slt.u32 s18, $0x62;
	v9 =	vand.u32 $0xFFFFFFFE, v9;
	s9 =	sadd.s32 $0x1, s17;
	[tilespmem:s15+$0xFFFFFFA0] =	vst v8;
	v4 =	vmul.f32 v4, v1;
	v8 =	vld [tilespmem:s15+$0x20];
	s17 =	smov.u32 s18  }
0x93: {  	v9 =	vbroadcast v9, $0x0;
	v10 =	vmov s9;
	[tilespmem:s15+$0xFFFFFFB0] =	vst v7;
	v3 =	vmul.f32 v3, v1;
	v7 =	vld [tilespmem:s15+$0x30]  }
0x94: {  	[tilespmem:s15+$0xFFFFFFC0] =	vst v4;
	v1 =	vmul.f32 v2, v1;
	v2 =	vld [tilespmem:s15+$0x40]  }
0x95: {  	[tilespmem:s15+$0xFFFFFFD0] =	vst v3;
	v3 =	vmul.f32 v6, v0;
	v4 =	vld [tilespmem:s15+$0x50]  }
0x96: {  	[tilespmem:s15+$0xFFFFFFE0] =	vst v1;
	v1 =	vmul.f32 v5, v0;
	v5 =	vld [tilespmem:s15+$0x60]  }
0x97: {  	[tilespmem:s15+$0x0] =	vst v3;
	v3 =	vmul.f32 v8, v0;
	v6 =	vld [tilespmem:s15+$0x70]  }
0x98: {  	v8 =	vld.idx.msk [tilespmem:v10+s31+$0x0], $0xffff;
	[tilespmem:s15+$0x10] =	vst v1;
	v7 =	vmul.f32 v7, v0  }
0x99: {  	s15 =	sadd.s32 $0x100, s15;
	v1 =	vld.idx.msk [tilespmem:v9+s31+$0x0], $0xffff;
	[tilespmem:s16+$0x20] =	vst v3;
	v2 =	vmul.f32 v2, v0  }
0x9a: {  	v3 =	vld [tilespmem:s15+$0xFFFFFFF0];
	[tilespmem:s16+$0x30] =	vst v7;
	v4 =	vmul.f32 v4, v0  }
0x9b: {  	v7 =	vld [tilespmem:s15+$0xFFFFFF80];
	[tilespmem:s16+$0x40] =	vst v2;
	v2 =	vmul.f32 v5, v0  }
0x9c: {  	v5 =	vld [tilespmem:s15+$0xFFFFFF90];
	[tilespmem:s16+$0x50] =	vst v4;
	v4 =	vmul.f32 v6, v0  }
0x9d: {  	v6 =	vld [tilespmem:s15+$0xFFFFFFA0];
	[tilespmem:s16+$0x60] =	vst v2  }
0x9e: {  	v0 =	vmov v8;
	v10 =	vld [tilespmem:s15+$0xFFFFFFB0];
	[tilespmem:s16+$0x70] =	vst v4;
	s16 =	smov.u32 s15  }
.Ltmp1:
0x9f: {  	v4 =	vld [tilespmem:s15+$0xFFFFFFC0];
	v8 =	vmul.f32 v3, v1;
	(pc) =	sbr.rel @p0 .LBB2_4-.Ltmp1, $4  }
0xa0: {  	v7 =	vmul.f32 v7, v1;
	v3 =	vld [tilespmem:s15+$0xFFFFFFD0]  }
0xa1: {  	v5 =	vmul.f32 v5, v1;
	v2 =	vld [tilespmem:s15+$0xFFFFFFE0];
	[tilespmem:s15+$0xFFFFFFF0] =	vst v8  }
0xa2: {  	[tilespmem:s15+$0xFFFFFF80] =	vst v7;
	v8 =	vmul.f32 v6, v1;
	v6 =	vld [tilespmem:s15+$0x0]  }
0xa3: {  	s18 =	sadd.s32 $0x2, s18;
	v9 =	vmov s17;
	[tilespmem:s15+$0xFFFFFF90] =	vst v5;
	v7 =	vmul.f32 v10, v1;
	v5 =	vld [tilespmem:s15+$0x10]  }
0xa4: {  	v10 =	vld [tilespmem:s15+$0x20]  }
0xa5: {  	v11 =	vld [tilespmem:s15+$0x30]  }
0xa6: {  	s9 =	sadd.s32 $0x1, s17;
	v13 =	vld [tilespmem:s15+$0x40];
	[tilespmem:s15+$0xFFFFFFA0] =	vst v8;
	v4 =	vmul.f32 v4, v1  }
0xa7: {  	v22 =	vld [tilespmem:s15+$0x50];
	v12 =	vmov s9;
	[tilespmem:s15+$0xFFFFFFB0] =	vst v7;
	v3 =	vmul.f32 v3, v1  }
0xa8: {  	v23 =	vld [tilespmem:s15+$0x60];
	[tilespmem:s15+$0xFFFFFFC0] =	vst v4;
	v24 =	vmul.f32 v2, v1  }
0xa9: {  	v25 =	vld [tilespmem:s15+$0x70];
	s21 =	sadd.s32 $0x100, s15;
	v6 =	vmul.f32 v6, v0;
	[tilespmem:s15+$0xFFFFFFD0] =	vst v3  }
0xaa: {  	v31 =	vld [tilespmem:s21+$0xFFFFFFF0];
	v26 =	vmul.f32 v5, v0;
	[tilespmem:s15+$0xFFFFFFE0] =	vst v24  }
0xab: {  	v46 =	vld [tilespmem:s21+$0x0];
	[tilespmem:s15+$0x0] =	vst v6;
	v28 =	vmul.f32 v10, v0  }
0xac: {  	v30 =	vmul.f32 v11, v0;
	v27 =	vld.idx.msk [tilespmem:v12+s31+$0x0], $0xffff;
	[tilespmem:s15+$0x10] =	vst v26  }
0xad: {  	v9 =	vand.u32 $0xFFFFFFFE, v9;
	v47 =	vld [tilespmem:s21+$0x10];
	v32 =	vmul.f32 v13, v0;
	[tilespmem:s16+$0x20] =	vst v28  }
0xae: {  	v9 =	vbroadcast v9, $0x0;
	v49 =	vld [tilespmem:s21+$0x20];
	v34 =	vmul.f32 v22, v0;
	[tilespmem:s16+$0x30] =	vst v30  }
0xaf: {  	v51 =	vld [tilespmem:s21+$0x30];
	v36 =	vmul.f32 v23, v0;
	[tilespmem:s16+$0x40] =	vst v32  }
0xb0: {  	v53 =	vld [tilespmem:s21+$0x40];
	v38 =	vmul.f32 v25, v0;
	[tilespmem:s16+$0x50] =	vst v34  }
0xb1: {  	v55 =	vld [tilespmem:s21+$0x50];
	[tilespmem:s16+$0x60] =	vst v36;
	v54 =	vmul.f32 v46, v27  }
0xb2: {  	v57 =	vld [tilespmem:s21+$0x60];
	[tilespmem:s16+$0x70] =	vst v38;
	v56 =	vmul.f32 v47, v27  }
0xb3: {  	v58 =	vld [tilespmem:s21+$0x70];
	v1 =	vmul.f32 v49, v27;
	[tilespmem:s21+$0x0] =	vst v54  }
0xb4: {  	v29 =	vld.idx.msk [tilespmem:v9+s31+$0x0], $0xffff;
	v59 =	vmul.f32 v51, v27;
	[tilespmem:s21+$0x10] =	vst v56  }
0xb5: {  	v33 =	vld [tilespmem:s21+$0xFFFFFF80];
	v60 =	vmul.f32 v53, v27;
	[tilespmem:s21+$0x20] =	vst v1  }
0xb6: {  	v35 =	vld [tilespmem:s21+$0xFFFFFF90];
	v61 =	vmul.f32 v55, v27;
	[tilespmem:s21+$0x30] =	vst v59  }
0xb7: {  	v37 =	vld [tilespmem:s21+$0xFFFFFFA0];
	v62 =	vmul.f32 v57, v27;
	[tilespmem:s21+$0x40] =	vst v60  }
0xb8: {  	v39 =	vld [tilespmem:s21+$0xFFFFFFB0];
	v63 =	vmul.f32 v58, v27;
	[tilespmem:s21+$0x50] =	vst v61  }
0xb9: {  	v40 =	vld [tilespmem:s21+$0xFFFFFFC0];
	v41 =	vmul.f32 v31, v29;
	[tilespmem:s21+$0x60] =	vst v62  }
0xba: {  	v43 =	vld [tilespmem:s21+$0xFFFFFFD0];
	v42 =	vmul.f32 v33, v29;
	[tilespmem:s21+$0x70] =	vst v63  }
0xbb: {  	v44 =	vld [tilespmem:s21+$0xFFFFFFE0];
	v8 =	vmul.f32 v35, v29;
	[tilespmem:s21+$0xFFFFFFF0] =	vst v41  }
0xbc: {  	v45 =	vmul.f32 v37, v29;
	[tilespmem:s21+$0xFFFFFF80] =	vst v42  }
0xbd: {  	v2 =	vmul.f32 v39, v29;
	[tilespmem:s21+$0xFFFFFF90] =	vst v8  }
0xbe: {  	v48 =	vmul.f32 v40, v29;
	[tilespmem:s21+$0xFFFFFFA0] =	vst v45  }
0xbf: {  	v50 =	vmul.f32 v43, v29;
	[tilespmem:s21+$0xFFFFFFB0] =	vst v2  }
0xc0: {  	v52 =	vmul.f32 v44, v29;
	[tilespmem:s21+$0xFFFFFFC0] =	vst v48  }
0xc1: {  	[tilespmem:s21+$0xFFFFFFD0] =	vst v50  }
0xc2: {  	[tilespmem:s21+$0xFFFFFFE0] =	vst v52  }
0xc3: {  	_ =	swait.ge [sflag:s12], $0x80  }
0xc4: {  	[sflag:s12] =	ssyncset.done $0x0  }
0xc5: {  	s15 =	simm.s32 $0x0;
	s16 =	simm.s32 $0x0;
	[sflag:s12] =	ssyncadd.s32 $0xFFFFFF80  }
0xc6: {  	[spmem:s3] =	stream.indirect.scatter.add.f32 [tilespmem:s29], [sflag:$0x8], $0x80, s30, s23, $0xb8;
	[tilespmem:$0x1DE00] =	vst v63  }
.LBB2_6:
0xc7: {  	_ =	swait.ge [sflag:s13], $0x3200;
	s9 =	sshll.u32 s16, $0x8  }
0xc8: {  	[sflag:s13] =	ssyncset.done $0x0;
	s9 =	sadd.s32 $0x180, s9  }
0xc9: {  	[sflag:s13] =	ssyncadd.s32 $0xFFFFCE00;
	s17 =	sand.u32 $0x3FFFFF80, s9;
	s19 =	sand.u32 $0x7C00, s9  }
0xca: {  	[tilespmem:s29], [sflag:$0x6] =	stream.indirect.gather [hbm4b:s1+s23], $0x80, s17, s23, $0xb8;
	[tilespmem:$0x1DE00] =	vst v63  }
0xcb: {  	s9 =	sand.u32 $0x380, s9;
	s17 =	sadd.s32 s4, s19  }
0xcc: {  	s9 =	sor.u32 s9, s17  }
0xcd: {  	s9 =	sshrl.u32 s9, $0x3  }
0xce: {  	s20 =	sadd.s32 s6, s9  }
0xcf: {  	[tilespmem:s30], [sflag:$0x2] =	stream.linear.gather [hbm4b:s20+s15], $0x80, $0x38;
	[tilespmem:$0x1DE00] =	vst v63  }
0xd0: {  	v0 =	vmov s15;
	s9 =	sadd.s32 s7, s9  }
0xd1: {  	v0 =	vand.u32 $0xFFFFFFFE, v0;
	[tilespmem:s31], [sflag:$0x4] =	stream.linear.gather [hbm4b:s9+s15], $0x80, $0x38;
	[tilespmem:$0x1DE00] =	vst v63  }
0xd2: {  	v0 =	vbroadcast v0, $0x0;
	_ =	swait.ge [sflag:s2], $0x3200  }
0xd3: {  	[sflag:s2] =	ssyncset.done $0x0  }
0xd4: {  	[sflag:s2] =	ssyncadd.s32 $0xFFFFCE00  }
0xd5: {  	_ =	swait.ge [sflag:s0], $0x80  }
0xd6: {  	[sflag:s0] =	ssyncset.done $0x0  }
0xd7: {  	[sflag:s0] =	ssyncadd.s32 $0xFFFFFF80  }
0xd8: {  	s18 =	simm.s32 $0x3680;
	v1 =	vld.idx.msk [tilespmem:v0+s26+$0x0], $0xffff  }
0xd9: {  	v0 =	vld [tilespmem:s18+$0xFFFFFFF0]  }
0xda: {  	v2 =	vld [tilespmem:s18+$0xFFFFFF80]  }
0xdb: {  	s21 =	simm.s32 $0x1;
	v5 =	vld [tilespmem:s18+$0xFFFFFF90]  }
0xdc: {  	v6 =	vmov s21;
	v7 =	vld [tilespmem:s18+$0xFFFFFFA0]  }
0xdd: {  	v10 =	vld [tilespmem:s18+$0xFFFFFFB0]  }
0xde: {  	v4 =	vld [tilespmem:s18+$0xFFFFFFC0]  }
0xdf: {  	v3 =	vld [tilespmem:s18+$0xFFFFFFD0];
	v8 =	vmul.f32 v0, v1  }
0xe0: {  	v9 =	vmul.f32 v2, v1;
	v2 =	vld [tilespmem:s18+$0xFFFFFFE0]  }
0xe1: {  	v0 =	vld.idx.msk [tilespmem:v6+s26+$0x0], $0xffff;
	v5 =	vmul.f32 v5, v1;
	[tilespmem:s18+$0xFFFFFFF0] =	vst v8  }
0xe2: {  	s20 =	simm.s32 $0x2;
	v6 =	vld [tilespmem:s18+$0x0];
	[tilespmem:s18+$0xFFFFFF80] =	vst v9;
	v8 =	vmul.f32 v7, v1  }
0xe3: {  	s19 =	simm.s32 $0x3680;
	s17 =	sshll.u32 s16, $0x1;
	s9 =	simm.s32 $0x4;
	v9 =	vmov s20;
	[tilespmem:s18+$0xFFFFFF90] =	vst v5;
	v7 =	vmul.f32 v10, v1;
	v5 =	vld [tilespmem:s18+$0x10]  }
.LBB2_7:
0xe4: {  	p0 =	slt.u32 s9, $0x62;
	v9 =	vand.u32 $0xFFFFFFFE, v9;
	s21 =	sadd.s32 $0x1, s20;
	[tilespmem:s18+$0xFFFFFFA0] =	vst v8;
	v4 =	vmul.f32 v4, v1;
	v8 =	vld [tilespmem:s18+$0x20];
	s20 =	smov.u32 s9  }
0xe5: {  	v9 =	vbroadcast v9, $0x0;
	v10 =	vmov s21;
	[tilespmem:s18+$0xFFFFFFB0] =	vst v7;
	v3 =	vmul.f32 v3, v1;
	v7 =	vld [tilespmem:s18+$0x30]  }
0xe6: {  	[tilespmem:s18+$0xFFFFFFC0] =	vst v4;
	v1 =	vmul.f32 v2, v1;
	v2 =	vld [tilespmem:s18+$0x40]  }
0xe7: {  	[tilespmem:s18+$0xFFFFFFD0] =	vst v3;
	v3 =	vmul.f32 v6, v0;
	v4 =	vld [tilespmem:s18+$0x50]  }
0xe8: {  	[tilespmem:s18+$0xFFFFFFE0] =	vst v1;
	v1 =	vmul.f32 v5, v0;
	v5 =	vld [tilespmem:s18+$0x60]  }
0xe9: {  	[tilespmem:s18+$0x0] =	vst v3;
	v3 =	vmul.f32 v8, v0;
	v6 =	vld [tilespmem:s18+$0x70]  }
0xea: {  	v8 =	vld.idx.msk [tilespmem:v10+s26+$0x0], $0xffff;
	[tilespmem:s18+$0x10] =	vst v1;
	v7 =	vmul.f32 v7, v0  }
0xeb: {  	s18 =	sadd.s32 $0x100, s18;
	v1 =	vld.idx.msk [tilespmem:v9+s26+$0x0], $0xffff;
	[tilespmem:s19+$0x20] =	vst v3;
	v2 =	vmul.f32 v2, v0  }
0xec: {  	v3 =	vld [tilespmem:s18+$0xFFFFFFF0];
	[tilespmem:s19+$0x30] =	vst v7;
	v4 =	vmul.f32 v4, v0  }
0xed: {  	v7 =	vld [tilespmem:s18+$0xFFFFFF80];
	[tilespmem:s19+$0x40] =	vst v2;
	v2 =	vmul.f32 v5, v0  }
0xee: {  	v5 =	vld [tilespmem:s18+$0xFFFFFF90];
	[tilespmem:s19+$0x50] =	vst v4;
	v4 =	vmul.f32 v6, v0  }
0xef: {  	v6 =	vld [tilespmem:s18+$0xFFFFFFA0];
	[tilespmem:s19+$0x60] =	vst v2  }
0xf0: {  	v0 =	vmov v8;
	v10 =	vld [tilespmem:s18+$0xFFFFFFB0];
	[tilespmem:s19+$0x70] =	vst v4;
	s19 =	smov.u32 s18  }
.Ltmp2:
0xf1: {  	v4 =	vld [tilespmem:s18+$0xFFFFFFC0];
	v8 =	vmul.f32 v3, v1;
	(pc) =	sbr.rel @p0 .LBB2_7-.Ltmp2, $4  }
0xf2: {  	v7 =	vmul.f32 v7, v1;
	v3 =	vld [tilespmem:s18+$0xFFFFFFD0]  }
0xf3: {  	v5 =	vmul.f32 v5, v1;
	v2 =	vld [tilespmem:s18+$0xFFFFFFE0];
	[tilespmem:s18+$0xFFFFFFF0] =	vst v8  }
0xf4: {  	[tilespmem:s18+$0xFFFFFF80] =	vst v7;
	v8 =	vmul.f32 v6, v1;
	v6 =	vld [tilespmem:s18+$0x0]  }
0xf5: {  	s9 =	sadd.s32 $0x2, s9;
	v9 =	vmov s20;
	[tilespmem:s18+$0xFFFFFF90] =	vst v5;
	v7 =	vmul.f32 v10, v1;
	v5 =	vld [tilespmem:s18+$0x10]  }
0xf6: {  	v10 =	vld [tilespmem:s18+$0x20]  }
0xf7: {  	v9 =	vand.u32 $0xFFFFFFFE, v9;
	s9 =	sadd.s32 $0x1, s20;
	v11 =	vld [tilespmem:s18+$0x30]  }
0xf8: {  	v13 =	vld [tilespmem:s18+$0x40];
	[tilespmem:s18+$0xFFFFFFA0] =	vst v8;
	v4 =	vmul.f32 v4, v1;
	v9 =	vbroadcast v9, $0x0;
	v12 =	vmov s9  }
0xf9: {  	v8 =	vld [tilespmem:s18+$0x50];
	[tilespmem:s18+$0xFFFFFFB0] =	vst v7;
	v3 =	vmul.f32 v3, v1  }
0xfa: {  	v7 =	vld [tilespmem:s18+$0x60];
	[tilespmem:s18+$0xFFFFFFC0] =	vst v4;
	v6 =	vmul.f32 v6, v0  }
0xfb: {  	s21 =	sadd.s32 $0x100, s18;
	v1 =	vmul.f32 v2, v1;
	v2 =	vld [tilespmem:s18+$0x70];
	[tilespmem:s18+$0xFFFFFFD0] =	vst v3  }
0xfc: {  	v3 =	vmul.f32 v5, v0;
	[tilespmem:s18+$0x0] =	vst v6;
	v6 =	vld [tilespmem:s21+$0xFFFFFFF0]  }
0xfd: {  	[tilespmem:s18+$0xFFFFFFE0] =	vst v1;
	v1 =	vmul.f32 v10, v0;
	v4 =	vld.idx.msk [tilespmem:v12+s26+$0x0], $0xffff  }
0xfe: {  	[tilespmem:s18+$0x10] =	vst v3;
	v3 =	vmul.f32 v11, v0;
	v5 =	vld.idx.msk [tilespmem:v9+s26+$0x0], $0xffff  }
0xff: {  	[tilespmem:s19+$0x20] =	vst v1;
	v1 =	vmul.f32 v13, v0;
	v9 =	vld [tilespmem:s21+$0xFFFFFF80]  }
0x100: {  	[tilespmem:s19+$0x30] =	vst v3;
	v3 =	vmul.f32 v8, v0;
	v8 =	vld [tilespmem:s21+$0xFFFFFF90]  }
0x101: {  	[tilespmem:s19+$0x40] =	vst v1;
	v1 =	vmul.f32 v7, v0;
	v7 =	vld [tilespmem:s21+$0xFFFFFFA0]  }
0x102: {  	v0 =	vmul.f32 v2, v0;
	v2 =	vld [tilespmem:s21+$0xFFFFFFB0];
	[tilespmem:s19+$0x50] =	vst v3  }
0x103: {  	[tilespmem:s19+$0x60] =	vst v1;
	v1 =	vld [tilespmem:s21+$0xFFFFFFC0];
	v3 =	vmul.f32 v6, v5  }
0x104: {  	[tilespmem:s19+$0x70] =	vst v0;
	v0 =	vmul.f32 v9, v5;
	v6 =	vld [tilespmem:s21+$0xFFFFFFD0]  }
0x105: {  	v9 =	vld [tilespmem:s21+$0xFFFFFFE0];
	v8 =	vmul.f32 v8, v5;
	[tilespmem:s21+$0xFFFFFFF0] =	vst v3  }
0x106: {  	[tilespmem:s21+$0xFFFFFF80] =	vst v0;
	v0 =	vmul.f32 v7, v5;
	v3 =	vld [tilespmem:s21+$0x0]  }
0x107: {  	v2 =	vmul.f32 v2, v5;
	v7 =	vld [tilespmem:s21+$0x10];
	[tilespmem:s21+$0xFFFFFF90] =	vst v8  }
0x108: {  	[tilespmem:s21+$0xFFFFFFA0] =	vst v0;
	v0 =	vmul.f32 v1, v5;
	v1 =	vld [tilespmem:s21+$0x20]  }
0x109: {  	[tilespmem:s21+$0xFFFFFFB0] =	vst v2;
	v2 =	vmul.f32 v6, v5;
	v6 =	vld [tilespmem:s21+$0x30]  }
0x10a: {  	[tilespmem:s21+$0xFFFFFFC0] =	vst v0;
	v0 =	vmul.f32 v9, v5;
	v5 =	vld [tilespmem:s21+$0x40]  }
0x10b: {  	[tilespmem:s21+$0xFFFFFFD0] =	vst v2;
	v2 =	vmul.f32 v3, v4;
	v3 =	vld [tilespmem:s21+$0x50]  }
0x10c: {  	[tilespmem:s21+$0xFFFFFFE0] =	vst v0;
	v0 =	vmul.f32 v7, v4;
	v7 =	vld [tilespmem:s21+$0x60]  }
0x10d: {  	[tilespmem:s21+$0x0] =	vst v2;
	v1 =	vmul.f32 v1, v4;
	v2 =	vld [tilespmem:s21+$0x70]  }
0x10e: {  	[tilespmem:s21+$0x10] =	vst v0;
	v0 =	vmul.f32 v6, v4  }
0x10f: {  	[tilespmem:s21+$0x20] =	vst v1;
	v1 =	vmul.f32 v5, v4  }
0x110: {  	[tilespmem:s21+$0x30] =	vst v0;
	v0 =	vmul.f32 v3, v4  }
0x111: {  	[tilespmem:s21+$0x40] =	vst v1;
	v1 =	vmul.f32 v7, v4  }
0x112: {  	[tilespmem:s21+$0x50] =	vst v0;
	v0 =	vmul.f32 v2, v4  }
0x113: {  	[tilespmem:s21+$0x60] =	vst v1  }
0x114: {  	s20 =	sshll.u32 s17, $0x7;
	[tilespmem:s21+$0x70] =	vst v0  }
0x115: {  	s9 =	sadd.s32 $0x200, s20;
	_ =	swait.ge [sflag:s28], $0x80  }
0x116: {  	s18 =	sand.u32 $0x7C00, s9;
	[sflag:s28] =	ssyncset.done $0x0  }
0x117: {  	s17 =	sadd.s32 s4, s18;
	[sflag:s28] =	ssyncadd.s32 $0xFFFFFF80  }
0x118: {  	[spmem:s3] =	stream.indirect.scatter.add.f32 [tilespmem:s24], [sflag:$0x7], $0x80, s25, s23, $0xb8;
	[tilespmem:$0x1DE00] =	vst v63  }
0x119: {  	s21 =	sand.u32 $0x3FFFFF80, s9;
	s9 =	sand.u32 $0x300, s9;
	_ =	swait.ge [sflag:s8], $0x3200  }
0x11a: {  	s9 =	sor.u32 s9, s17;
	[sflag:s8] =	ssyncset.done $0x0  }
0x11b: {  	s9 =	sshrl.u32 s9, $0x3;
	[sflag:s8] =	ssyncadd.s32 $0xFFFFCE00  }
0x11c: {  	[tilespmem:s24], [sflag:$0x5] =	stream.indirect.gather [hbm4b:s1+s23], $0x80, s21, s23, $0xb8;
	[tilespmem:$0x1DE00] =	vst v63  }
0x11d: {  	s20 =	simm.s32 $0x0;
	s19 =	sadd.s32 s6, s9  }
0x11e: {  	[tilespmem:s25], [sflag:$0x1] =	stream.linear.gather [hbm4b:s19+s20], $0x80, $0x38;
	[tilespmem:$0x1DE00] =	vst v63  }
0x11f: {  	v0 =	vmov s20;
	s9 =	sadd.s32 s7, s9  }
0x120: {  	v0 =	vand.u32 $0xFFFFFFFE, v0;
	[tilespmem:s26], [sflag:$0x3] =	stream.linear.gather [hbm4b:s9+s20], $0x80, $0x38;
	[tilespmem:$0x1DE00] =	vst v63  }
0x121: {  	v0 =	vbroadcast v0, $0x0;
	_ =	swait.ge [sflag:s10], $0x3200  }
0x122: {  	[sflag:s10] =	ssyncset.done $0x0  }
0x123: {  	[sflag:s10] =	ssyncadd.s32 $0xFFFFCE00  }
0x124: {  	_ =	swait.ge [sflag:s11], $0x80  }
0x125: {  	[sflag:s11] =	ssyncset.done $0x0  }
0x126: {  	[sflag:s11] =	ssyncadd.s32 $0xFFFFFF80  }
0x127: {  	s17 =	simm.s32 $0x6A80;
	v1 =	vld.idx.msk [tilespmem:v0+s31+$0x0], $0xffff  }
0x128: {  	v0 =	vld [tilespmem:s17+$0xFFFFFFF0]  }
0x129: {  	v2 =	vld [tilespmem:s17+$0xFFFFFF80]  }
0x12a: {  	s21 =	simm.s32 $0x1;
	v5 =	vld [tilespmem:s17+$0xFFFFFF90]  }
0x12b: {  	v6 =	vmov s21;
	v7 =	vld [tilespmem:s17+$0xFFFFFFA0]  }
0x12c: {  	v10 =	vld [tilespmem:s17+$0xFFFFFFB0]  }
0x12d: {  	v4 =	vld [tilespmem:s17+$0xFFFFFFC0]  }
0x12e: {  	v3 =	vld [tilespmem:s17+$0xFFFFFFD0];
	v8 =	vmul.f32 v0, v1  }
0x12f: {  	v9 =	vmul.f32 v2, v1;
	v2 =	vld [tilespmem:s17+$0xFFFFFFE0]  }
0x130: {  	v0 =	vld.idx.msk [tilespmem:v6+s31+$0x0], $0xffff;
	v5 =	vmul.f32 v5, v1;
	[tilespmem:s17+$0xFFFFFFF0] =	vst v8  }
0x131: {  	s19 =	simm.s32 $0x2;
	v6 =	vld [tilespmem:s17+$0x0];
	[tilespmem:s17+$0xFFFFFF80] =	vst v9;
	v8 =	vmul.f32 v7, v1  }
0x132: {  	s18 =	simm.s32 $0x6A80;
	s9 =	simm.s32 $0x4;
	v9 =	vmov s19;
	[tilespmem:s17+$0xFFFFFF90] =	vst v5;
	v7 =	vmul.f32 v10, v1;
	v5 =	vld [tilespmem:s17+$0x10]  }
.LBB2_9:
0x133: {  	p0 =	slt.u32 s9, $0x62;
	v9 =	vand.u32 $0xFFFFFFFE, v9;
	s20 =	sadd.s32 $0x1, s19;
	[tilespmem:s17+$0xFFFFFFA0] =	vst v8;
	v4 =	vmul.f32 v4, v1;
	v8 =	vld [tilespmem:s17+$0x20];
	s19 =	smov.u32 s9  }
0x134: {  	v9 =	vbroadcast v9, $0x0;
	v10 =	vmov s20;
	[tilespmem:s17+$0xFFFFFFB0] =	vst v7;
	v3 =	vmul.f32 v3, v1;
	v7 =	vld [tilespmem:s17+$0x30]  }
0x135: {  	[tilespmem:s17+$0xFFFFFFC0] =	vst v4;
	v1 =	vmul.f32 v2, v1;
	v2 =	vld [tilespmem:s17+$0x40]  }
0x136: {  	[tilespmem:s17+$0xFFFFFFD0] =	vst v3;
	v3 =	vmul.f32 v6, v0;
	v4 =	vld [tilespmem:s17+$0x50]  }
0x137: {  	[tilespmem:s17+$0xFFFFFFE0] =	vst v1;
	v1 =	vmul.f32 v5, v0;
	v5 =	vld [tilespmem:s17+$0x60]  }
0x138: {  	[tilespmem:s17+$0x0] =	vst v3;
	v3 =	vmul.f32 v8, v0;
	v6 =	vld [tilespmem:s17+$0x70]  }
0x139: {  	v8 =	vld.idx.msk [tilespmem:v10+s31+$0x0], $0xffff;
	[tilespmem:s17+$0x10] =	vst v1;
	v7 =	vmul.f32 v7, v0  }
0x13a: {  	s17 =	sadd.s32 $0x100, s17;
	v1 =	vld.idx.msk [tilespmem:v9+s31+$0x0], $0xffff;
	[tilespmem:s18+$0x20] =	vst v3;
	v2 =	vmul.f32 v2, v0  }
0x13b: {  	v3 =	vld [tilespmem:s17+$0xFFFFFFF0];
	[tilespmem:s18+$0x30] =	vst v7;
	v4 =	vmul.f32 v4, v0  }
0x13c: {  	v7 =	vld [tilespmem:s17+$0xFFFFFF80];
	[tilespmem:s18+$0x40] =	vst v2;
	v2 =	vmul.f32 v5, v0  }
0x13d: {  	v5 =	vld [tilespmem:s17+$0xFFFFFF90];
	[tilespmem:s18+$0x50] =	vst v4;
	v4 =	vmul.f32 v6, v0  }
0x13e: {  	v6 =	vld [tilespmem:s17+$0xFFFFFFA0];
	[tilespmem:s18+$0x60] =	vst v2  }
0x13f: {  	v0 =	vmov v8;
	v10 =	vld [tilespmem:s17+$0xFFFFFFB0];
	[tilespmem:s18+$0x70] =	vst v4;
	s18 =	smov.u32 s17  }
.Ltmp3:
0x140: {  	v4 =	vld [tilespmem:s17+$0xFFFFFFC0];
	v8 =	vmul.f32 v3, v1;
	(pc) =	sbr.rel @p0 .LBB2_9-.Ltmp3, $4  }
0x141: {  	v7 =	vmul.f32 v7, v1;
	v3 =	vld [tilespmem:s17+$0xFFFFFFD0]  }
0x142: {  	v5 =	vmul.f32 v5, v1;
	v2 =	vld [tilespmem:s17+$0xFFFFFFE0];
	[tilespmem:s17+$0xFFFFFFF0] =	vst v8  }
0x143: {  	[tilespmem:s17+$0xFFFFFF80] =	vst v7;
	v8 =	vmul.f32 v6, v1;
	v6 =	vld [tilespmem:s17+$0x0]  }
0x144: {  	s9 =	sadd.s32 $0x2, s9;
	v9 =	vmov s19;
	[tilespmem:s17+$0xFFFFFF90] =	vst v5;
	v7 =	vmul.f32 v10, v1;
	v5 =	vld [tilespmem:s17+$0x10]  }
0x145: {  	v10 =	vld [tilespmem:s17+$0x20]  }
0x146: {  	v11 =	vld [tilespmem:s17+$0x30]  }
0x147: {  	s9 =	sadd.s32 $0x1, s19;
	v13 =	vld [tilespmem:s17+$0x40];
	[tilespmem:s17+$0xFFFFFFA0] =	vst v8;
	v4 =	vmul.f32 v4, v1  }
0x148: {  	v22 =	vld [tilespmem:s17+$0x50];
	v12 =	vmov s9;
	[tilespmem:s17+$0xFFFFFFB0] =	vst v7;
	v3 =	vmul.f32 v3, v1  }
0x149: {  	v23 =	vld [tilespmem:s17+$0x60];
	[tilespmem:s17+$0xFFFFFFC0] =	vst v4;
	v24 =	vmul.f32 v2, v1  }
0x14a: {  	v25 =	vld [tilespmem:s17+$0x70];
	s21 =	sadd.s32 $0x100, s17;
	v6 =	vmul.f32 v6, v0;
	[tilespmem:s17+$0xFFFFFFD0] =	vst v3  }
0x14b: {  	v31 =	vld [tilespmem:s21+$0xFFFFFFF0];
	v26 =	vmul.f32 v5, v0;
	[tilespmem:s17+$0xFFFFFFE0] =	vst v24  }
0x14c: {  	v46 =	vld [tilespmem:s21+$0x0];
	[tilespmem:s17+$0x0] =	vst v6;
	v28 =	vmul.f32 v10, v0  }
0x14d: {  	v30 =	vmul.f32 v11, v0;
	v27 =	vld.idx.msk [tilespmem:v12+s31+$0x0], $0xffff;
	[tilespmem:s17+$0x10] =	vst v26  }
0x14e: {  	v9 =	vand.u32 $0xFFFFFFFE, v9;
	v47 =	vld [tilespmem:s21+$0x10];
	v32 =	vmul.f32 v13, v0;
	[tilespmem:s18+$0x20] =	vst v28  }
0x14f: {  	v9 =	vbroadcast v9, $0x0;
	v49 =	vld [tilespmem:s21+$0x20];
	v34 =	vmul.f32 v22, v0;
	[tilespmem:s18+$0x30] =	vst v30  }
0x150: {  	v51 =	vld [tilespmem:s21+$0x30];
	v36 =	vmul.f32 v23, v0;
	[tilespmem:s18+$0x40] =	vst v32  }
0x151: {  	v53 =	vld [tilespmem:s21+$0x40];
	v38 =	vmul.f32 v25, v0;
	[tilespmem:s18+$0x50] =	vst v34  }
0x152: {  	v55 =	vld [tilespmem:s21+$0x50];
	[tilespmem:s18+$0x60] =	vst v36;
	v54 =	vmul.f32 v46, v27  }
0x153: {  	v57 =	vld [tilespmem:s21+$0x60];
	[tilespmem:s18+$0x70] =	vst v38;
	v56 =	vmul.f32 v47, v27  }
0x154: {  	v58 =	vld [tilespmem:s21+$0x70];
	v1 =	vmul.f32 v49, v27;
	[tilespmem:s21+$0x0] =	vst v54  }
0x155: {  	v29 =	vld.idx.msk [tilespmem:v9+s31+$0x0], $0xffff;
	v59 =	vmul.f32 v51, v27;
	[tilespmem:s21+$0x10] =	vst v56  }
0x156: {  	v33 =	vld [tilespmem:s21+$0xFFFFFF80];
	v60 =	vmul.f32 v53, v27;
	[tilespmem:s21+$0x20] =	vst v1  }
0x157: {  	v35 =	vld [tilespmem:s21+$0xFFFFFF90];
	v61 =	vmul.f32 v55, v27;
	[tilespmem:s21+$0x30] =	vst v59  }
0x158: {  	v37 =	vld [tilespmem:s21+$0xFFFFFFA0];
	v62 =	vmul.f32 v57, v27;
	[tilespmem:s21+$0x40] =	vst v60  }
0x159: {  	v39 =	vld [tilespmem:s21+$0xFFFFFFB0];
	v63 =	vmul.f32 v58, v27;
	[tilespmem:s21+$0x50] =	vst v61  }
0x15a: {  	v40 =	vld [tilespmem:s21+$0xFFFFFFC0];
	v41 =	vmul.f32 v31, v29;
	[tilespmem:s21+$0x60] =	vst v62  }
0x15b: {  	v43 =	vld [tilespmem:s21+$0xFFFFFFD0];
	v42 =	vmul.f32 v33, v29;
	[tilespmem:s21+$0x70] =	vst v63  }
0x15c: {  	v44 =	vld [tilespmem:s21+$0xFFFFFFE0];
	v8 =	vmul.f32 v35, v29;
	[tilespmem:s21+$0xFFFFFFF0] =	vst v41  }
0x15d: {  	v45 =	vmul.f32 v37, v29;
	[tilespmem:s21+$0xFFFFFF80] =	vst v42  }
0x15e: {  	v2 =	vmul.f32 v39, v29;
	[tilespmem:s21+$0xFFFFFF90] =	vst v8  }
0x15f: {  	v48 =	vmul.f32 v40, v29;
	[tilespmem:s21+$0xFFFFFFA0] =	vst v45  }
0x160: {  	v50 =	vmul.f32 v43, v29;
	[tilespmem:s21+$0xFFFFFFB0] =	vst v2  }
0x161: {  	s16 =	sadd.s32 $0x1, s16;
	v52 =	vmul.f32 v44, v29;
	[tilespmem:s21+$0xFFFFFFC0] =	vst v48  }
0x162: {  	p0 =	sne.s32 s16, $0x30;
	[tilespmem:s21+$0xFFFFFFD0] =	vst v50  }
.Ltmp4:
0x163: {  	[tilespmem:s21+$0xFFFFFFE0] =	vst v52;
	(pc) =	sbr.rel @p0 .LBB2_6-.Ltmp4, $4  }
0x164: {  	_ =	swait.ge [sflag:s12], $0x80  }
0x165: {  	[sflag:s12] =	ssyncset.done $0x0  }
0x166: {  	[sflag:s12] =	ssyncadd.s32 $0xFFFFFF80  }
0x167: {  	[spmem:s3] =	stream.indirect.scatter.add.f32 [tilespmem:s29], [sflag:$0x8], $0x80, s30, s23, $0xb8;
	[tilespmem:$0x1DE00] =	vst v63  }
0x168: {  	_ =	swait.ge [sflag:s13], $0x3200  }
0x169: {  	[sflag:s13] =	ssyncset.done $0x0  }
0x16a: {  	s9 =	simm.s32 $0x3180;
	[sflag:s13] =	ssyncadd.s32 $0xFFFFCE00  }
0x16b: {  	[tilespmem:s29], [sflag:$0x6] =	stream.indirect.gather [hbm4b:s1+s23], $0x80, s9, s23, $0xb8;
	[tilespmem:$0x1DE00] =	vst v63  }
0x16c: {  	s19 =	simm.s32 $0x0;
	s15 =	rddreg [dreg:$0xd]  }
0x16d: {  	[tilespmem:s30], [sflag:$0x2] =	stream.linear.gather [hbm4b:s15+s19], $0x80, $0x38;
	[tilespmem:$0x1DE00] =	vst v63  }
0x16e: {  	v0 =	vmov s19;
	s20 =	rddreg [dreg:$0xe]  }
0x16f: {  	v0 =	vand.u32 $0xFFFFFFFE, v0;
	[tilespmem:s31], [sflag:$0x4] =	stream.linear.gather [hbm4b:s20+s19], $0x80, $0x38;
	[tilespmem:$0x1DE00] =	vst v63  }
0x170: {  	v0 =	vbroadcast v0, $0x0;
	_ =	swait.ge [sflag:s2], $0x3200  }
0x171: {  	[sflag:s2] =	ssyncset.done $0x0  }
0x172: {  	[sflag:s2] =	ssyncadd.s32 $0xFFFFCE00  }
0x173: {  	_ =	swait.ge [sflag:s0], $0x80  }
0x174: {  	[sflag:s0] =	ssyncset.done $0x0  }
0x175: {  	[sflag:s0] =	ssyncadd.s32 $0xFFFFFF80  }
0x176: {  	s15 =	simm.s32 $0x3680;
	v1 =	vld.idx.msk [tilespmem:v0+s26+$0x0], $0xffff  }
0x177: {  	v0 =	vld [tilespmem:s15+$0xFFFFFFF0]  }
0x178: {  	v2 =	vld [tilespmem:s15+$0xFFFFFF80]  }
0x179: {  	s21 =	simm.s32 $0x1;
	v5 =	vld [tilespmem:s15+$0xFFFFFF90]  }
0x17a: {  	v6 =	vmov s21;
	v7 =	vld [tilespmem:s15+$0xFFFFFFA0]  }
0x17b: {  	v10 =	vld [tilespmem:s15+$0xFFFFFFB0]  }
0x17c: {  	v4 =	vld [tilespmem:s15+$0xFFFFFFC0]  }
0x17d: {  	v3 =	vld [tilespmem:s15+$0xFFFFFFD0];
	v8 =	vmul.f32 v0, v1  }
0x17e: {  	v9 =	vmul.f32 v2, v1;
	v2 =	vld [tilespmem:s15+$0xFFFFFFE0]  }
0x17f: {  	v0 =	vld.idx.msk [tilespmem:v6+s26+$0x0], $0xffff;
	v5 =	vmul.f32 v5, v1;
	[tilespmem:s15+$0xFFFFFFF0] =	vst v8  }
0x180: {  	s17 =	simm.s32 $0x2;
	v6 =	vld [tilespmem:s15+$0x0];
	[tilespmem:s15+$0xFFFFFF80] =	vst v9;
	v8 =	vmul.f32 v7, v1  }
0x181: {  	s16 =	simm.s32 $0x3680;
	s9 =	simm.s32 $0x4;
	v9 =	vmov s17;
	[tilespmem:s15+$0xFFFFFF90] =	vst v5;
	v7 =	vmul.f32 v10, v1;
	v5 =	vld [tilespmem:s15+$0x10]  }
.LBB2_12:
0x182: {  	p0 =	slt.u32 s9, $0x62;
	v9 =	vand.u32 $0xFFFFFFFE, v9;
	s18 =	sadd.s32 $0x1, s17;
	[tilespmem:s15+$0xFFFFFFA0] =	vst v8;
	v4 =	vmul.f32 v4, v1;
	v8 =	vld [tilespmem:s15+$0x20];
	s17 =	smov.u32 s9  }
0x183: {  	v9 =	vbroadcast v9, $0x0;
	v10 =	vmov s18;
	[tilespmem:s15+$0xFFFFFFB0] =	vst v7;
	v3 =	vmul.f32 v3, v1;
	v7 =	vld [tilespmem:s15+$0x30]  }
0x184: {  	[tilespmem:s15+$0xFFFFFFC0] =	vst v4;
	v1 =	vmul.f32 v2, v1;
	v2 =	vld [tilespmem:s15+$0x40]  }
0x185: {  	[tilespmem:s15+$0xFFFFFFD0] =	vst v3;
	v3 =	vmul.f32 v6, v0;
	v4 =	vld [tilespmem:s15+$0x50]  }
0x186: {  	[tilespmem:s15+$0xFFFFFFE0] =	vst v1;
	v1 =	vmul.f32 v5, v0;
	v5 =	vld [tilespmem:s15+$0x60]  }
0x187: {  	[tilespmem:s15+$0x0] =	vst v3;
	v3 =	vmul.f32 v8, v0;
	v6 =	vld [tilespmem:s15+$0x70]  }
0x188: {  	v8 =	vld.idx.msk [tilespmem:v10+s26+$0x0], $0xffff;
	[tilespmem:s15+$0x10] =	vst v1;
	v7 =	vmul.f32 v7, v0  }
0x189: {  	s15 =	sadd.s32 $0x100, s15;
	v1 =	vld.idx.msk [tilespmem:v9+s26+$0x0], $0xffff;
	[tilespmem:s16+$0x20] =	vst v3;
	v2 =	vmul.f32 v2, v0  }
0x18a: {  	v3 =	vld [tilespmem:s15+$0xFFFFFFF0];
	[tilespmem:s16+$0x30] =	vst v7;
	v4 =	vmul.f32 v4, v0  }
0x18b: {  	v7 =	vld [tilespmem:s15+$0xFFFFFF80];
	[tilespmem:s16+$0x40] =	vst v2;
	v2 =	vmul.f32 v5, v0  }
0x18c: {  	v5 =	vld [tilespmem:s15+$0xFFFFFF90];
	[tilespmem:s16+$0x50] =	vst v4;
	v4 =	vmul.f32 v6, v0  }
0x18d: {  	v6 =	vld [tilespmem:s15+$0xFFFFFFA0];
	[tilespmem:s16+$0x60] =	vst v2  }
0x18e: {  	v0 =	vmov v8;
	v10 =	vld [tilespmem:s15+$0xFFFFFFB0];
	[tilespmem:s16+$0x70] =	vst v4;
	s16 =	smov.u32 s15  }
.Ltmp5:
0x18f: {  	v4 =	vld [tilespmem:s15+$0xFFFFFFC0];
	v8 =	vmul.f32 v3, v1;
	(pc) =	sbr.rel @p0 .LBB2_12-.Ltmp5, $4  }
0x190: {  	v7 =	vmul.f32 v7, v1;
	v3 =	vld [tilespmem:s15+$0xFFFFFFD0]  }
0x191: {  	v5 =	vmul.f32 v5, v1;
	v2 =	vld [tilespmem:s15+$0xFFFFFFE0];
	[tilespmem:s15+$0xFFFFFFF0] =	vst v8  }
0x192: {  	[tilespmem:s15+$0xFFFFFF80] =	vst v7;
	v8 =	vmul.f32 v6, v1;
	v6 =	vld [tilespmem:s15+$0x0]  }
0x193: {  	s9 =	sadd.s32 $0x2, s9;
	v9 =	vmov s17;
	[tilespmem:s15+$0xFFFFFF90] =	vst v5;
	v7 =	vmul.f32 v10, v1;
	v5 =	vld [tilespmem:s15+$0x10]  }
0x194: {  	v10 =	vld [tilespmem:s15+$0x20]  }
0x195: {  	v9 =	vand.u32 $0xFFFFFFFE, v9;
	s9 =	sadd.s32 $0x1, s17;
	v11 =	vld [tilespmem:s15+$0x30]  }
0x196: {  	v13 =	vld [tilespmem:s15+$0x40];
	[tilespmem:s15+$0xFFFFFFA0] =	vst v8;
	v4 =	vmul.f32 v4, v1;
	v9 =	vbroadcast v9, $0x0;
	v12 =	vmov s9  }
0x197: {  	v8 =	vld [tilespmem:s15+$0x50];
	[tilespmem:s15+$0xFFFFFFB0] =	vst v7;
	v3 =	vmul.f32 v3, v1  }
0x198: {  	v7 =	vld [tilespmem:s15+$0x60];
	[tilespmem:s15+$0xFFFFFFC0] =	vst v4;
	v6 =	vmul.f32 v6, v0  }
0x199: {  	s19 =	sadd.s32 $0x100, s15;
	v1 =	vmul.f32 v2, v1;
	v2 =	vld [tilespmem:s15+$0x70];
	[tilespmem:s15+$0xFFFFFFD0] =	vst v3  }
0x19a: {  	v3 =	vmul.f32 v5, v0;
	[tilespmem:s15+$0x0] =	vst v6;
	v6 =	vld [tilespmem:s19+$0xFFFFFFF0]  }
0x19b: {  	[tilespmem:s15+$0xFFFFFFE0] =	vst v1;
	v1 =	vmul.f32 v10, v0;
	v4 =	vld.idx.msk [tilespmem:v12+s26+$0x0], $0xffff  }
0x19c: {  	[tilespmem:s15+$0x10] =	vst v3;
	v3 =	vmul.f32 v11, v0;
	v5 =	vld.idx.msk [tilespmem:v9+s26+$0x0], $0xffff  }
0x19d: {  	[tilespmem:s16+$0x20] =	vst v1;
	v1 =	vmul.f32 v13, v0;
	v9 =	vld [tilespmem:s19+$0xFFFFFF80]  }
0x19e: {  	[tilespmem:s16+$0x30] =	vst v3;
	v3 =	vmul.f32 v8, v0;
	v8 =	vld [tilespmem:s19+$0xFFFFFF90]  }
0x19f: {  	[tilespmem:s16+$0x40] =	vst v1;
	v1 =	vmul.f32 v7, v0;
	v7 =	vld [tilespmem:s19+$0xFFFFFFA0]  }
0x1a0: {  	v0 =	vmul.f32 v2, v0;
	v2 =	vld [tilespmem:s19+$0xFFFFFFB0];
	[tilespmem:s16+$0x50] =	vst v3  }
0x1a1: {  	[tilespmem:s16+$0x60] =	vst v1;
	v1 =	vld [tilespmem:s19+$0xFFFFFFC0];
	v3 =	vmul.f32 v6, v5  }
0x1a2: {  	[tilespmem:s16+$0x70] =	vst v0;
	v0 =	vmul.f32 v9, v5;
	v6 =	vld [tilespmem:s19+$0xFFFFFFD0]  }
0x1a3: {  	v9 =	vld [tilespmem:s19+$0xFFFFFFE0];
	v8 =	vmul.f32 v8, v5;
	[tilespmem:s19+$0xFFFFFFF0] =	vst v3  }
0x1a4: {  	[tilespmem:s19+$0xFFFFFF80] =	vst v0;
	v0 =	vmul.f32 v7, v5;
	v3 =	vld [tilespmem:s19+$0x0]  }
0x1a5: {  	v2 =	vmul.f32 v2, v5;
	v7 =	vld [tilespmem:s19+$0x10];
	[tilespmem:s19+$0xFFFFFF90] =	vst v8  }
0x1a6: {  	[tilespmem:s19+$0xFFFFFFA0] =	vst v0;
	v0 =	vmul.f32 v1, v5;
	v1 =	vld [tilespmem:s19+$0x20]  }
0x1a7: {  	[tilespmem:s19+$0xFFFFFFB0] =	vst v2;
	v2 =	vmul.f32 v6, v5;
	v6 =	vld [tilespmem:s19+$0x30]  }
0x1a8: {  	[tilespmem:s19+$0xFFFFFFC0] =	vst v0;
	v0 =	vmul.f32 v9, v5;
	v5 =	vld [tilespmem:s19+$0x40]  }
0x1a9: {  	[tilespmem:s19+$0xFFFFFFD0] =	vst v2;
	v2 =	vmul.f32 v3, v4;
	v3 =	vld [tilespmem:s19+$0x50]  }
0x1aa: {  	[tilespmem:s19+$0xFFFFFFE0] =	vst v0;
	v0 =	vmul.f32 v7, v4;
	v7 =	vld [tilespmem:s19+$0x60]  }
0x1ab: {  	[tilespmem:s19+$0x0] =	vst v2;
	v1 =	vmul.f32 v1, v4;
	v2 =	vld [tilespmem:s19+$0x70]  }
0x1ac: {  	[tilespmem:s19+$0x10] =	vst v0;
	v0 =	vmul.f32 v6, v4  }
0x1ad: {  	[tilespmem:s19+$0x20] =	vst v1;
	v1 =	vmul.f32 v5, v4  }
0x1ae: {  	[tilespmem:s19+$0x30] =	vst v0;
	v0 =	vmul.f32 v3, v4  }
0x1af: {  	[tilespmem:s19+$0x40] =	vst v1;
	v1 =	vmul.f32 v7, v4  }
0x1b0: {  	[tilespmem:s19+$0x50] =	vst v0;
	v0 =	vmul.f32 v2, v4  }
0x1b1: {  	[tilespmem:s19+$0x60] =	vst v1  }
0x1b2: {  	[tilespmem:s19+$0x70] =	vst v0  }
0x1b3: {  	_ =	swait.ge [sflag:s28], $0x80  }
0x1b4: {  	[sflag:s28] =	ssyncset.done $0x0  }
0x1b5: {  	[sflag:s28] =	ssyncadd.s32 $0xFFFFFF80  }
0x1b6: {  	[spmem:s3] =	stream.indirect.scatter.add.f32 [tilespmem:s24], [sflag:$0x7], $0x80, s25, s23, $0xb8;
	[tilespmem:$0x1DE00] =	vst v63  }
0x1b7: {  	s20 =	simm.s32 $0x0;
	_ =	swait.ge [sflag:s8], $0x3200  }
0x1b8: {  	v0 =	vmov s20;
	[sflag:s8] =	ssyncset.done $0x0  }
0x1b9: {  	v0 =	vand.u32 $0xFFFFFFFE, v0;
	[sflag:s8] =	ssyncadd.s32 $0xFFFFCE00  }
0x1ba: {  	v0 =	vbroadcast v0, $0x0;
	_ =	swait.ge [sflag:s10], $0x3200  }
0x1bb: {  	[sflag:s10] =	ssyncset.done $0x0  }
0x1bc: {  	[sflag:s10] =	ssyncadd.s32 $0xFFFFCE00  }
0x1bd: {  	_ =	swait.ge [sflag:s11], $0x80  }
0x1be: {  	[sflag:s11] =	ssyncset.done $0x0  }
0x1bf: {  	[sflag:s11] =	ssyncadd.s32 $0xFFFFFF80  }
0x1c0: {  	s15 =	simm.s32 $0x6A80;
	v1 =	vld.idx.msk [tilespmem:v0+s31+$0x0], $0xffff  }
0x1c1: {  	v0 =	vld [tilespmem:s15+$0xFFFFFFF0]  }
0x1c2: {  	v2 =	vld [tilespmem:s15+$0xFFFFFF80]  }
0x1c3: {  	s21 =	simm.s32 $0x1;
	v5 =	vld [tilespmem:s15+$0xFFFFFF90]  }
0x1c4: {  	v6 =	vmov s21;
	v7 =	vld [tilespmem:s15+$0xFFFFFFA0]  }
0x1c5: {  	v10 =	vld [tilespmem:s15+$0xFFFFFFB0]  }
0x1c6: {  	v4 =	vld [tilespmem:s15+$0xFFFFFFC0]  }
0x1c7: {  	v3 =	vld [tilespmem:s15+$0xFFFFFFD0];
	v8 =	vmul.f32 v0, v1  }
0x1c8: {  	v9 =	vmul.f32 v2, v1;
	v2 =	vld [tilespmem:s15+$0xFFFFFFE0]  }
0x1c9: {  	v0 =	vld.idx.msk [tilespmem:v6+s31+$0x0], $0xffff;
	v5 =	vmul.f32 v5, v1;
	[tilespmem:s15+$0xFFFFFFF0] =	vst v8  }
0x1ca: {  	s17 =	simm.s32 $0x2;
	v6 =	vld [tilespmem:s15+$0x0];
	[tilespmem:s15+$0xFFFFFF80] =	vst v9;
	v8 =	vmul.f32 v7, v1  }
0x1cb: {  	s9 =	simm.s32 $0x4;
	s16 =	simm.s32 $0x6A80;
	v9 =	vmov s17;
	[tilespmem:s15+$0xFFFFFF90] =	vst v5;
	v7 =	vmul.f32 v10, v1;
	v5 =	vld [tilespmem:s15+$0x10]  }
.LBB2_14:
0x1cc: {  	p0 =	slt.u32 s9, $0x62;
	v9 =	vand.u32 $0xFFFFFFFE, v9;
	s18 =	sadd.s32 $0x1, s17;
	[tilespmem:s15+$0xFFFFFFA0] =	vst v8;
	v4 =	vmul.f32 v4, v1;
	v8 =	vld [tilespmem:s15+$0x20];
	s17 =	smov.u32 s9  }
0x1cd: {  	v9 =	vbroadcast v9, $0x0;
	v10 =	vmov s18;
	[tilespmem:s15+$0xFFFFFFB0] =	vst v7;
	v3 =	vmul.f32 v3, v1;
	v7 =	vld [tilespmem:s15+$0x30]  }
0x1ce: {  	[tilespmem:s15+$0xFFFFFFC0] =	vst v4;
	v1 =	vmul.f32 v2, v1;
	v2 =	vld [tilespmem:s15+$0x40]  }
0x1cf: {  	[tilespmem:s15+$0xFFFFFFD0] =	vst v3;
	v3 =	vmul.f32 v6, v0;
	v4 =	vld [tilespmem:s15+$0x50]  }
0x1d0: {  	[tilespmem:s15+$0xFFFFFFE0] =	vst v1;
	v1 =	vmul.f32 v5, v0;
	v5 =	vld [tilespmem:s15+$0x60]  }
0x1d1: {  	[tilespmem:s15+$0x0] =	vst v3;
	v3 =	vmul.f32 v8, v0;
	v6 =	vld [tilespmem:s15+$0x70]  }
0x1d2: {  	v8 =	vld.idx.msk [tilespmem:v10+s31+$0x0], $0xffff;
	[tilespmem:s15+$0x10] =	vst v1;
	v7 =	vmul.f32 v7, v0  }
0x1d3: {  	s15 =	sadd.s32 $0x100, s15;
	v1 =	vld.idx.msk [tilespmem:v9+s31+$0x0], $0xffff;
	[tilespmem:s16+$0x20] =	vst v3;
	v2 =	vmul.f32 v2, v0  }
0x1d4: {  	v3 =	vld [tilespmem:s15+$0xFFFFFFF0];
	[tilespmem:s16+$0x30] =	vst v7;
	v4 =	vmul.f32 v4, v0  }
0x1d5: {  	v7 =	vld [tilespmem:s15+$0xFFFFFF80];
	[tilespmem:s16+$0x40] =	vst v2;
	v2 =	vmul.f32 v5, v0  }
0x1d6: {  	v5 =	vld [tilespmem:s15+$0xFFFFFF90];
	[tilespmem:s16+$0x50] =	vst v4;
	v4 =	vmul.f32 v6, v0  }
0x1d7: {  	v6 =	vld [tilespmem:s15+$0xFFFFFFA0];
	[tilespmem:s16+$0x60] =	vst v2  }
0x1d8: {  	v0 =	vmov v8;
	v10 =	vld [tilespmem:s15+$0xFFFFFFB0];
	[tilespmem:s16+$0x70] =	vst v4;
	s16 =	smov.u32 s15  }
.Ltmp6:
0x1d9: {  	v4 =	vld [tilespmem:s15+$0xFFFFFFC0];
	v8 =	vmul.f32 v3, v1;
	(pc) =	sbr.rel @p0 .LBB2_14-.Ltmp6, $4  }
0x1da: {  	v7 =	vmul.f32 v7, v1;
	v3 =	vld [tilespmem:s15+$0xFFFFFFD0]  }
0x1db: {  	v5 =	vmul.f32 v5, v1;
	v2 =	vld [tilespmem:s15+$0xFFFFFFE0];
	[tilespmem:s15+$0xFFFFFFF0] =	vst v8  }
0x1dc: {  	[tilespmem:s15+$0xFFFFFF80] =	vst v7;
	v8 =	vmul.f32 v6, v1;
	v6 =	vld [tilespmem:s15+$0x0]  }
0x1dd: {  	s9 =	sadd.s32 $0x2, s9;
	v9 =	vmov s17;
	[tilespmem:s15+$0xFFFFFF90] =	vst v5;
	v7 =	vmul.f32 v10, v1;
	v5 =	vld [tilespmem:s15+$0x10]  }
0x1de: {  	v10 =	vld [tilespmem:s15+$0x20]  }
0x1df: {  	v11 =	vld [tilespmem:s15+$0x30]  }
0x1e0: {  	s9 =	sadd.s32 $0x1, s17;
	v13 =	vld [tilespmem:s15+$0x40];
	[tilespmem:s15+$0xFFFFFFA0] =	vst v8;
	v4 =	vmul.f32 v4, v1  }
0x1e1: {  	v22 =	vld [tilespmem:s15+$0x50];
	v12 =	vmov s9;
	[tilespmem:s15+$0xFFFFFFB0] =	vst v7;
	v3 =	vmul.f32 v3, v1  }
0x1e2: {  	v23 =	vld [tilespmem:s15+$0x60];
	[tilespmem:s15+$0xFFFFFFC0] =	vst v4;
	v24 =	vmul.f32 v2, v1  }
0x1e3: {  	v25 =	vld [tilespmem:s15+$0x70];
	s19 =	sadd.s32 $0x100, s15;
	v6 =	vmul.f32 v6, v0;
	[tilespmem:s15+$0xFFFFFFD0] =	vst v3  }
0x1e4: {  	v31 =	vld [tilespmem:s19+$0xFFFFFFF0];
	v26 =	vmul.f32 v5, v0;
	[tilespmem:s15+$0xFFFFFFE0] =	vst v24  }
0x1e5: {  	v46 =	vld [tilespmem:s19+$0x0];
	[tilespmem:s15+$0x0] =	vst v6;
	v28 =	vmul.f32 v10, v0  }
0x1e6: {  	v30 =	vmul.f32 v11, v0;
	v27 =	vld.idx.msk [tilespmem:v12+s31+$0x0], $0xffff;
	[tilespmem:s15+$0x10] =	vst v26  }
0x1e7: {  	v9 =	vand.u32 $0xFFFFFFFE, v9;
	v47 =	vld [tilespmem:s19+$0x10];
	v32 =	vmul.f32 v13, v0;
	[tilespmem:s16+$0x20] =	vst v28  }
0x1e8: {  	v9 =	vbroadcast v9, $0x0;
	v49 =	vld [tilespmem:s19+$0x20];
	v34 =	vmul.f32 v22, v0;
	[tilespmem:s16+$0x30] =	vst v30  }
0x1e9: {  	v51 =	vld [tilespmem:s19+$0x30];
	v36 =	vmul.f32 v23, v0;
	[tilespmem:s16+$0x40] =	vst v32  }
0x1ea: {  	v53 =	vld [tilespmem:s19+$0x40];
	v38 =	vmul.f32 v25, v0;
	[tilespmem:s16+$0x50] =	vst v34  }
0x1eb: {  	v55 =	vld [tilespmem:s19+$0x50];
	[tilespmem:s16+$0x60] =	vst v36;
	v54 =	vmul.f32 v46, v27  }
0x1ec: {  	v57 =	vld [tilespmem:s19+$0x60];
	[tilespmem:s16+$0x70] =	vst v38;
	v56 =	vmul.f32 v47, v27  }
0x1ed: {  	v58 =	vld [tilespmem:s19+$0x70];
	v1 =	vmul.f32 v49, v27;
	[tilespmem:s19+$0x0] =	vst v54  }
0x1ee: {  	v29 =	vld.idx.msk [tilespmem:v9+s31+$0x0], $0xffff;
	v59 =	vmul.f32 v51, v27;
	[tilespmem:s19+$0x10] =	vst v56  }
0x1ef: {  	v33 =	vld [tilespmem:s19+$0xFFFFFF80];
	v60 =	vmul.f32 v53, v27;
	[tilespmem:s19+$0x20] =	vst v1  }
0x1f0: {  	v35 =	vld [tilespmem:s19+$0xFFFFFF90];
	v61 =	vmul.f32 v55, v27;
	[tilespmem:s19+$0x30] =	vst v59  }
0x1f1: {  	v37 =	vld [tilespmem:s19+$0xFFFFFFA0];
	v62 =	vmul.f32 v57, v27;
	[tilespmem:s19+$0x40] =	vst v60  }
0x1f2: {  	v39 =	vld [tilespmem:s19+$0xFFFFFFB0];
	v63 =	vmul.f32 v58, v27;
	[tilespmem:s19+$0x50] =	vst v61  }
0x1f3: {  	v40 =	vld [tilespmem:s19+$0xFFFFFFC0];
	v41 =	vmul.f32 v31, v29;
	[tilespmem:s19+$0x60] =	vst v62  }
0x1f4: {  	v43 =	vld [tilespmem:s19+$0xFFFFFFD0];
	v42 =	vmul.f32 v33, v29;
	[tilespmem:s19+$0x70] =	vst v63  }
0x1f5: {  	v44 =	vld [tilespmem:s19+$0xFFFFFFE0];
	v8 =	vmul.f32 v35, v29;
	[tilespmem:s19+$0xFFFFFFF0] =	vst v41  }
0x1f6: {  	v45 =	vmul.f32 v37, v29;
	[tilespmem:s19+$0xFFFFFF80] =	vst v42  }
0x1f7: {  	v2 =	vmul.f32 v39, v29;
	[tilespmem:s19+$0xFFFFFF90] =	vst v8  }
0x1f8: {  	v48 =	vmul.f32 v40, v29;
	[tilespmem:s19+$0xFFFFFFA0] =	vst v45  }
0x1f9: {  	v50 =	vmul.f32 v43, v29;
	[tilespmem:s19+$0xFFFFFFB0] =	vst v2  }
0x1fa: {  	v52 =	vmul.f32 v44, v29;
	[tilespmem:s19+$0xFFFFFFC0] =	vst v48  }
0x1fb: {  	[tilespmem:s19+$0xFFFFFFD0] =	vst v50  }
0x1fc: {  	[tilespmem:s19+$0xFFFFFFE0] =	vst v52  }
0x1fd: {  	_ =	swait.ge [sflag:s12], $0x80  }
0x1fe: {  	[sflag:s12] =	ssyncset.done $0x0  }
0x1ff: {  	[sflag:s12] =	ssyncadd.s32 $0xFFFFFF80  }
0x200: {  	[spmem:s3] =	stream.indirect.scatter.add.f32 [tilespmem:s29], [sflag:$0x8], $0x80, s30, s23, $0xb8;
	[tilespmem:$0x1DE00] =	vst v63  }
0x201: {  	_ =	swait.ge [sflag:s13], $0x3200  }
0x202: {  	[sflag:s13] =	ssyncset.done $0x0  }
0x203: {  	[sflag:s13] =	ssyncadd.s32 $0xFFFFCE00  }
0x204: {  	[bflag:$0x0] =	sbarrier.arrive $0xFFFF  }
0x205: {  	s15 =	rddreg [dreg:$0x5]  }
0x206: {  	s20 =	rddreg [dreg:$0xf]  }
0x207: {  	s16 =	rddreg [dreg:$0x11]  }
0x208: {  	[hbm:s20], [sflag:s15] =	dma.local [spmem:s16], $0x2800  }
0x209: {  	_ =	swait.ge [sflag:s22], $0x2800  }
0x20a: {  	s14 =	sadd.s32 $0x1, s14;
	s21 =	rddreg [dreg:$0x10]  }
0x20b: {  	p0 =	sne.s32 s14, s21  }
.Ltmp7:
0x20c: {  	_ = 	snop;
	(pc) =	sbr.rel @p0 .LBB2_1-.Ltmp7, $3  }
0x20d: {  	_ =	sdelay $0x1  }
0x20e: {  	[sflag:s22] =	ssyncset.done $0x0  }
0x20f: {  	[sflag:s22] =	ssyncadd.s32 $0xFFFFD800  }
0x210: {  	_ =	sfence.sel $0x180000  }
0x211: {  	[bflag:$0x0] =	sbarrier.arrive $0xFFFF  }
0x212: {  	_ =	strace $0x9000004A  }
0x213: {  	s0 =	stileid.u32;
	[bflag:$0x2] =	sbarrier.arrive $0xFFFF  }
0x214: {  	p0 =	sne.s32 s0, $0x0;
	s0 =	rddreg [dreg:$0x3]  }
0x215: {  	s0 =	sadd.s32 @!p0 $0x100000, s0  }
0x216: {  	[sflag:s0] =	ssyncadd.tile.s32 @!p0 $0x1;
	_ =	shalt  }
.Lfunc_end2:
_tile_overlayer_lowered:
.L_overlay_start_2:
0x217: {  	(tag) =	ssettag $0x2  }
0x218: {  	s0 =	rddreg [dreg:$0x0];
	s2 =	stileid.u32  }
0x219: {  	s1 =	rddreg [dreg:$0x1];
	p0 =	sne.s32 s2, $0x0  }
0x21a: {  	s3 =	rddreg [dreg:$0x2];
	[bflag:$0x3] =	sbarrier.arrive $0xFFFF;
	s2 =	simm.s32 @!p0 $0x1C09  }
0x21b: {  	[timem:s3], [sflag:s2] =	dma.local @!p0 [hbm:s0], s1  }
0x21c: {  	s0 =	simm.s32 @!p0 $0x9  }
0x21d: {  	_ =	swait.ge @!p0 [sflag:s0], s1  }
0x21e: {  	s1 =	ssub.s32 @!p0 $0x0, s1;
	[sflag:s0] =	ssyncset.done @!p0 $0x0  }
0x21f: {  	[sflag:s0] =	ssyncadd.s32 @!p0 s1  }
0x220: {  	[bflag:$0x3] =	sbarrier.arrive $0xFFFF  }
0x221: {  	_ =	shalt  }

// kernel: kernel.14.cloned.1.call-start
scs
__scs_entry_jumppad:
0x0: {  	(pc) =	sbr.rel $0x88, $3  }
0x1: {  	(tag) =	ssettag $0x0;
	lr =	simm.s32 $0x1  }
0x2: {  	[smem:$0x3F99] =	sst lr;
	_ =	strace $0xD0000000  }
0x3: {  	_ = 	snop  }
0x4: {  	_ = 	snop  }
0x5: {  	_ = 	snop  }
0x6: {  	_ = 	snop  }
0x7: {  	_ = 	snop  }
__scs_overlays_trampoline_lowered:
0x8: {  	[smem:$0x3FA8] =	sst s0  }
0x9: {  	[smem:$0x3FA9] =	sst s1  }
0xa: {  	[smem:$0x3FAA] =	sst s2  }
0xb: {  	[smem:$0x3FAB] =	sst s3  }
0xc: {  	[smem:$0x3FAC] =	sst s4  }
0xd: {  	[smem:$0x3FAD] =	sst s5  }
0xe: {  	[smem:$0x3FAE] =	sst s6  }
0xf: {  	[smem:$0x3FAF] =	sst s7  }
0x10: {  	[smem:$0x3FB0] =	sst s8  }
0x11: {  	[smem:$0x3FB1] =	sst s9;
	s0 =	simm.s32 @!p0 $0x0  }
0x12: {  	s1 =	sld [smem:$0x3F97];
	s0 =	simm.s32 @p0 $0x1  }
0x13: {  	[smem:$0x3FB2] =	sst s0;
	s0 =	simm.s32 @!p1 $0x0  }
0x14: {  	s2 =	sld [smem:$0x3F96];
	s0 =	simm.s32 @p1 $0x1  }
0x15: {  	[smem:$0x3FB3] =	sst s0;
	s0 =	simm.s32 @!p2 $0x0  }
0x16: {  	s3 =	sld [smem:$0x3FDB];
	s0 =	simm.s32 @p2 $0x1  }
0x17: {  	s4 =	simm.s32 $0x1BF5;
	[smem:$0x3FB5] =	sst s0  }
0x18: {  	s0 =	sld [smem:$0x3F98];
	_ =	swait.ge [sflag:s4], $0x0  }
0x19: {  	s7 =	sld [smem:$0x3F99]  }
0x1a: {  	s8 =	sadd.s32 $0xFFFFE003, lr  }
0x1b: {  	s9 =	sadd.s32 $0xFFFFFEF7, lr;
	s5 =	simm.s32 $0xFFFFFFFF;
	p2 =	slt.u32 s8, $0xFFFFF086  }
0x1c: {  	p1 =	slt.u32 s9, $0xF7A;
	s5 =	simm.s32 @!p2 $0x0  }
0x1d: {  	s5 =	simm.s32 @p1 $0x1;
	p0 =	seq.s32 s7, s2  }
0x1e: {  	s7 =	smul.u32 @!p0 $0xF7A, s2;
	p2 =	seq.s32 @!p0 s5, $0x0  }
0x1f: {  	s9 =	smul.u32 $0xF7A, s1;
	s8 =	simm.s32 @!p0 $0x1BF5;
	p2 =	por !p2, p0  }
0x20: {  	[sflag:s8] =	ssyncset.s32 @!p0 $0xFFFFF086;
	s6 =	sadd.s32 @!p0 s3, s7;
	s7 =	simm.s32 @!p0 $0x108  }
0x21: {  	s3 =	sadd.s32 s3, s9;
	s6 =	sadd.s32 @!p0 $0x88, s6;
	s7 =	simm.s32 @p2 $0x1082  }
0x22: {  	[simem:s7], [sflag:s8] =	dma.local @!p0 [hbm:s6], $0xF7A  }
0x23: {  	s9 =	sor.u32 $0xD0000000, s2;
	s6 =	simm.s32 $0x108;
	_ =	swait.ge @!p0 [sflag:s8], $0x0  }
0x24: {  	s3 =	sadd.s32 $0x88, s3;
	s6 =	simm.s32 @!p1 $0x1082;
	[sflag:s4] =	ssyncset.s32 $0xFFFFF086  }
0x25: {  	[simem:s6], [sflag:s4] =	dma.local [hbm:s3], $0xF7A  }
0x26: {  	[smem:$0x3F99] =	sst s1;
	(tag) =	ssettag s2;
	_ =	strace s9  }
0x27: {  	s1 =	sld [smem:$0x3FA9]  }
0x28: {  	s2 =	sld [smem:$0x3FAA]  }
0x29: {  	s4 =	sld [smem:$0x3FAC]  }
0x2a: {  	p0 =	seq.s32 s5, $0x0;
	s5 =	sld [smem:$0x3FAD]  }
0x2b: {  	s6 =	sld [smem:$0x3FAE]  }
0x2c: {  	s7 =	sld [smem:$0x3FAF]  }
0x2d: {  	s3 =	simm.s32 $0x108;
	s8 =	sld [smem:$0x3FB0]  }
0x2e: {  	s3 =	simm.s32 @!p0 $0x1082;
	s9 =	sld [smem:$0x3FB1]  }
0x2f: {  	lr =	sadd.s32 s0, s3;
	s0 =	sld [smem:$0x3FA8]  }
0x30: {  	s3 =	sld [smem:$0x3FAB]  }
0x31: {  	[smem:$0x3FB4] =	sst s10  }
0x32: {  	s10 =	sld [smem:$0x3FB2];
	_ =	sdelay $0x3  }
0x33: {  	p0 =	seq.s32 s10, $0x1;
	s10 =	sld [smem:$0x3FB4];
	_ =	sdelay $0x3  }
0x34: {  	[smem:$0x3FB4] =	sst s10  }
0x35: {  	s10 =	sld [smem:$0x3FB3];
	_ =	sdelay $0x3  }
0x36: {  	p1 =	seq.s32 s10, $0x1;
	s10 =	sld [smem:$0x3FB4];
	_ =	sdelay $0x3  }
0x37: {  	[smem:$0x3FB4] =	sst s10  }
0x38: {  	s10 =	sld [smem:$0x3FB5]  }
0x39: {  	_ = 	snop;
	(pc) =	sbr.ind lr, $3  }
0x3a: {  	_ = 	snop  }
0x3b: {  	_ = 	snop  }
0x3c: {  	p2 =	seq.s32 s10, $0x1;
	s10 =	sld [smem:$0x3FB4]  }
0x3d: {  	_ =	shalt  }
0x3e: {  	_ =	shalt  }
0x3f: {  	_ =	shalt  }
0x40: {  	_ =	shalt  }
0x41: {  	_ =	shalt  }
0x42: {  	_ =	shalt  }
0x43: {  	_ =	shalt  }
0x44: {  	_ =	shalt  }
0x45: {  	_ =	shalt  }
0x46: {  	_ =	shalt  }
0x47: {  	_ =	shalt  }
0x48: {  	_ =	shalt  }
0x49: {  	_ =	shalt  }
0x4a: {  	_ =	shalt  }
0x4b: {  	_ =	shalt  }
0x4c: {  	_ =	shalt  }
0x4d: {  	_ =	shalt  }
0x4e: {  	_ =	shalt  }
0x4f: {  	_ =	shalt  }
0x50: {  	_ =	shalt  }
0x51: {  	_ =	shalt  }
0x52: {  	_ =	shalt  }
0x53: {  	_ =	shalt  }
0x54: {  	_ =	shalt  }
0x55: {  	_ =	shalt  }
0x56: {  	_ =	shalt  }
0x57: {  	_ =	shalt  }
0x58: {  	_ =	shalt  }
0x59: {  	_ =	shalt  }
0x5a: {  	_ =	shalt  }
0x5b: {  	_ =	shalt  }
0x5c: {  	_ =	shalt  }
0x5d: {  	_ =	shalt  }
0x5e: {  	_ =	shalt  }
0x5f: {  	_ =	shalt  }
0x60: {  	_ =	shalt  }
0x61: {  	_ =	shalt  }
0x62: {  	_ =	shalt  }
0x63: {  	_ =	shalt  }
0x64: {  	_ =	shalt  }
0x65: {  	_ =	shalt  }
0x66: {  	_ =	shalt  }
0x67: {  	_ =	shalt  }
0x68: {  	_ =	shalt  }
0x69: {  	_ =	shalt  }
0x6a: {  	_ =	shalt  }
0x6b: {  	_ =	shalt  }
0x6c: {  	_ =	shalt  }
0x6d: {  	_ =	shalt  }
0x6e: {  	_ =	shalt  }
0x6f: {  	_ =	shalt  }
0x70: {  	_ =	shalt  }
0x71: {  	_ =	shalt  }
0x72: {  	_ =	shalt  }
0x73: {  	_ =	shalt  }
0x74: {  	_ =	shalt  }
0x75: {  	_ =	shalt  }
0x76: {  	_ =	shalt  }
0x77: {  	_ =	shalt  }
0x78: {  	_ =	shalt  }
0x79: {  	_ =	shalt  }
0x7a: {  	_ =	shalt  }
0x7b: {  	_ =	shalt  }
0x7c: {  	_ =	shalt  }
0x7d: {  	_ =	shalt  }
0x7e: {  	_ =	shalt  }
0x7f: {  	_ =	shalt  }
0x80: {  	_ =	shalt  }
0x81: {  	_ =	shalt  }
0x82: {  	_ =	shalt  }
0x83: {  	_ =	shalt  }
0x84: {  	_ =	shalt  }
0x85: {  	_ =	shalt  }
0x86: {  	_ =	shalt  }
0x87: {  	_ =	shalt  }
.Lfunc_end0:
.L_simem_size_0:
called_computation.2_lowered:
.L_overlay_start_0:
0x88: {  	s2 =	sld [smem:$0x3FD9]  }
0x89: {  	s3 =	sld [smem:$0x3FFE];
	_ =	sdelay $0x1  }
0x8a: {  	s1 =	srdreg.scid  }
0x8b: {  	s0 =	sand.u32 $0x1, s1  }
0x8c: {  	s17 =	sshll.u32 s0, $0xA;
	s2 =	sadd.s32 s3, s2  }
0x8d: {  	s2 =	sadd.s32 s2, s17  }
0x8e: {  	[smem:$0x3FC0] =	sst s2  }
0x8f: {  	_ = 	snop  }
0x90: {  	s2 =	sld [smem:$0x3FD0];
	(tm) =	ssettm $0x1  }
0x91: {  	s18 =	sld [smem:$0x3FFB];
	_ =	sdelay $0x3  }
0x92: {  	_ =	strace s18  }
0x93: {  	s3 =	sld [smem:$0x3FFC];
	_ =	sdelay $0x3  }
0x94: {  	_ =	strace s3  }
0x95: {  	s3 =	sld [smem:$0x3FFD];
	_ =	sdelay $0x3  }
0x96: {  	_ =	strace s3  }
0x97: {  	_ =	strace $0x8FFFFFFF  }
0x98: {  	s19 =	sld [smem:$0x3FDB];
	_ =	sdelay $0x1  }
0x99: {  	s4 =	simm.s32 $_scs_section_size  }
0x9a: {  	s5 =	simm.s32 $_size__tile_overlayer_lowered;
	s6 =	simm.s32 $_tile_overlayer_lowered  }
0x9b: {  	s22 =	simm.s32 $0x1BFF;
	s21 =	sshll.u32 s6, $0x1;
	s3 =	sadd.s32 s4, s19  }
0x9c: {  	s7 =	simm.s32 $0x0;
	s20 =	sshll.u32 s5, $0x1;
	s5 =	sadd.s32 s21, s3  }
0x9d: {  	[timem:s7], [sflag:s22] =	dma.local [hbm:s5], s20  }
0x9e: {  	_ =	swait.ge [sflag:s22], s20  }
0x9f: {  	s4 =	ssub.s32 $0x0, s20;
	[sflag:s22] =	ssyncset.done $0x0  }
0xa0: {  	[sflag:s22] =	ssyncadd.s32 s4;
	_ =	sdelay $0x1  }
0xa1: {  	s23 =	simm.s32 $0x1B8B  }
0xa2: {  	_ =	swait.ge [sflag:s23], $0x1  }
0xa3: {  	[sflag:s23] =	ssyncset.done $0x0  }
0xa4: {  	s25 =	simm.s32 $0x1B8E;
	s24 =	sld [smem:$0x3FFE];
	[sflag:s23] =	ssyncadd.s32 $0xFFFFFFFF  }
0xa5: {  	s26 =	simm.s32 $execute0_lowered;
	[smem:$0x3FD2] =	sst s25  }
0xa6: {  	s5 =	sshll.u32 s26, $0x1;
	_ =	strace $0x8000004C;
	[dreg:$0x1] =	wrdreg $0xFFFFFFFF  }
0xa7: {  	s28 =	simm.s32 $_size_execute0_lowered;
	s3 =	sadd.s32 s3, s5;
	[dreg:$0x0] =	wrdreg $0x0  }
0xa8: {  	s5 =	sshll.u32 s28, $0x1;
	[dreg:$0x2] =	wrdreg s3  }
0xa9: {  	[dreg:$0x3] =	wrdreg s5  }
0xaa: {  	[dreg:$0x4] =	wrdreg $0xC0  }
0xab: {  	_ =	task [dreg:s7], $0x5FFFF  }
0xac: {  	[dreg:$0x1] =	wrdreg $0xFFFFFFFF  }
0xad: {  	[dreg:$0x0] =	wrdreg $0x60  }
0xae: {  	[dreg:$0x2] =	wrdreg s2  }
0xaf: {  	[dreg:$0x3] =	wrdreg s24  }
0xb0: {  	[dreg:$0x4] =	wrdreg $0x9E000  }
0xb1: {  	[dreg:$0x5] =	wrdreg $0x9  }
0xb2: {  	_ =	task.clear_ibuf [dreg:s7], $0x6FFFF;
	_ =	strace $0x9000004C  }
0xb3: {  	s29 =	simm.s32 $0x9;
	_ =	strace $0x8000004E  }
0xb4: {  	_ =	swait.ge [sflag:s29], $0x1  }
0xb5: {  	[sflag:s29] =	ssyncadd.s32 $0xFFFFFFFF  }
0xb6: {  	_ =	strace $0x9000004E  }
0xb7: {  	_ =	sfence  }
0xb8: {  	s30 =	sld [smem:$0x0];
	_ =	sdelay $0x2  }
0xb9: {  	s31 =	sshll.u32 s1, $0xD;
	s1 =	sshrl.u32 s1, $0x2  }
0xba: {  	s3 =	sand.u32 $0x4000, s31;
	s1 =	sadd.s32 s1, s30  }
0xbb: {  	s0 =	sor.u32 s3, s0;
	s1 =	sshll.u32 s1, $0x11  }
0xbc: {  	s0 =	sor.u32 s1, s0  }
0xbd: {  	s0 =	sadd.s32 $0x8F2B, s0  }
0xbe: {  	[sflag:s0] =	ssyncadd.remote.s32 $0x1  }
0xbf: {  	_ =	sfence.sel $0xFFFF  }
0xc0: {  	[dreg:$0x0] =	wrdreg $0xFFFFFFFF;
	(pc) =	sbr.abs _section_cstart, $3  }
0xc1: {  	[dreg:$0x1] =	wrdreg $0xFFFFFFFF  }
0xc2: {  	_ =	task.clear_ibuf [dreg:s7], $0x2FFFF;
	_ =	strace $0x9FFFFFFF  }
0xc3: {  	(tm) =	ssettm $0x7FFFFFFF  }
tec
execute0_lowered:
.L_overlay_start_1:
0x0: {  	(tag) =	ssettag $0x1  }
0x1: {  	s1 =	rddreg [dreg:$0x0]  }
0x2: {  	s0 =	srdreg.scid;
	s8 =	rddreg [dreg:$0x1]  }
0x3: {  	s14 =	stileid.u32;
	s3 =	rddreg [dreg:$0x2];
	s5 =	simm.s32 $0x0  }
0x4: {  	s29 =	simm.s32 $0x6A00;
	s30 =	simm.s32 $0x3480;
	s31 =	simm.s32 $0x3580  }
0x5: {  	s28 =	simm.s32 $0x1;
	s0 =	sand.u32 $0x1, s0;
	[smem:$0x7FF] =	sst s5  }
0x6: {  	s9 =	smul.u32 $0x14000, s14;
	s6 =	sadd.s32 $0x23C00, s8;
	s7 =	sadd.s32 $0x16C00, s8  }
0x7: {  	s15 =	smul.u32 $0x50000, s14;
	s18 =	sshll.u32 s14, $0x6;
	s2 =	sshll.u32 s0, $0x4  }
0x8: {  	_ =	strace $0x8000004D;
	s11 =	smul.u32 $0x140000, s0;
	s0 =	ssub.s32 $0x2, s0  }
0x9: {  	s2 =	sor.u32 s14, s2;
	s12 =	sshrl.u32 s9, $0x3;
	s13 =	sshrl.u32 s0, $0x1  }
0xa: {  	s16 =	sshrl.u32 s15, $0x2;
	s15 =	sor.u32 $0x1C09, s18;
	s14 =	simm.s32 $0x0  }
0xb: {  	s4 =	smul.u32 $0x3400, s2;
	s9 =	sadd.s32 s9, s11;
	s12 =	sadd.s32 s12, s8  }
0xc: {  	s0 =	ssub.s32 s0, s13;
	s11 =	simm.s32 $0x4;
	s13 =	simm.s32 $0x8  }
0xd: {  	[dreg:$0x5] =	wrdreg s15;
	s9 =	sshrl.u32 s9, $0x3;
	s17 =	sadd.s32 $0x3DC00, s12  }
0xe: {  	s0 =	smax.u32 s0, $0x1;
	s12 =	simm.s32 $0x2;
	[dreg:$0x4] =	wrdreg s17  }
0xf: {  	s2 =	sshrl.u32 s4, $0x3;
	[dreg:$0x10] =	wrdreg s0;
	s0 =	simm.s32 $0x3  }
0x10: {  	s10 =	sadd.s32 s2, s8;
	s8 =	sadd.s32 s9, s8;
	s20 =	sadd.s32 s6, s2  }
0x11: {  	s9 =	sadd.s32 s16, s3;
	s21 =	sadd.s32 s7, s2;
	[dreg:$0x7] =	wrdreg s20  }
0x12: {  	s19 =	sor.u32 $0x10, s2;
	s10 =	sadd.s32 $0x30C00, s10;
	[dreg:$0x8] =	wrdreg s21  }
0x13: {  	s23 =	sor.u32 $0x20, s2;
	s22 =	sadd.s32 s6, s19;
	[dreg:$0x6] =	wrdreg s10  }
0x14: {  	s2 =	sadd.s32 $0x630, s2;
	s24 =	sadd.s32 s6, s23;
	[dreg:$0x9] =	wrdreg s22  }
0x15: {  	s25 =	sadd.s32 s6, s2;
	s2 =	sadd.s32 s7, s2;
	[dreg:$0xb] =	wrdreg s24  }
0x16: {  	s26 =	sadd.s32 $0x65C00, s8;
	s16 =	sshrl.u32 s9, $0x3;
	[dreg:$0xd] =	wrdreg s25  }
0x17: {  	s8 =	simm.s32 $0x7;
	s10 =	sadd.s32 s7, s19;
	[dreg:$0xe] =	wrdreg s2  }
0x18: {  	[dreg:$0xf] =	wrdreg s26;
	s22 =	simm.s32 $0x9;
	s24 =	simm.s32 $0x3600  }
0x19: {  	s25 =	simm.s32 $0x3400;
	s26 =	simm.s32 $0x3500;
	[dreg:$0x11] =	wrdreg s16  }
0x1a: {  	s2 =	simm.s32 $0x5;
	[dreg:$0xa] =	wrdreg s10;
	s10 =	sadd.s32 s7, s23  }
0x1b: {  	s23 =	simm.s32 $0x64;
	[dreg:$0xc] =	wrdreg s10;
	s10 =	simm.s32 $0x6  }
.LBB2_1:
0x1c: {  	s9 =	rddreg [dreg:$0x4]  }
0x1d: {  	[spmem:s16], [sflag:s15] =	dma.local [hbm:s9], $0x2800  }
0x1e: {  	_ =	swait.ge [sflag:s22], $0x2800  }
0x1f: {  	[sflag:s22] =	ssyncset.done $0x0  }
0x20: {  	s15 =	rddreg [dreg:$0x6];
	[sflag:s22] =	ssyncadd.s32 $0xFFFFD800  }
0x21: {  	[tilespmem:s5], [sflag:$0x9] =	stream.linear.gather [hbm4b:s15+s5], $0x3200, $0x38;
	[tilespmem:$0x1DE00] =	vst v63  }
0x22: {  	_ =	swait.ge [sflag:s22], $0x3200  }
0x23: {  	[sflag:s22] =	ssyncset.done $0x0  }
0x24: {  	[sflag:s22] =	ssyncadd.s32 $0xFFFFCE00  }
0x25: {  	[bflag:$0x0] =	sbarrier.arrive $0xFFFF  }
0x26: {  	[tilespmem:s24], [sflag:$0x5] =	stream.indirect.gather [hbm4b:s1+s23], $0x80, s5, s23, $0xb8;
	[tilespmem:$0x1DE00] =	vst v63  }
0x27: {  	s16 =	rddreg [dreg:$0x7]  }
0x28: {  	[tilespmem:s25], [sflag:$0x1] =	stream.linear.gather [hbm4b:s16+s5], $0x80, $0x38;
	[tilespmem:$0x1DE00] =	vst v63  }
0x29: {  	s17 =	rddreg [dreg:$0x8]  }
0x2a: {  	[tilespmem:s26], [sflag:$0x3] =	stream.linear.gather [hbm4b:s17+s5], $0x80, $0x38;
	[tilespmem:$0x1DE00] =	vst v63  }
0x2b: {  	s18 =	simm.s32 $0x80  }
0x2c: {  	[tilespmem:s29], [sflag:$0x6] =	stream.indirect.gather [hbm4b:s1+s23], $0x80, s18, s23, $0xb8;
	[tilespmem:$0x1DE00] =	vst v63  }
0x2d: {  	s19 =	rddreg [dreg:$0x9]  }
0x2e: {  	[tilespmem:s30], [sflag:$0x2] =	stream.linear.gather [hbm4b:s19+s5], $0x80, $0x38;
	[tilespmem:$0x1DE00] =	vst v63  }
0x2f: {  	v0 =	vmov s5;
	s20 =	rddreg [dreg:$0xa]  }
0x30: {  	v0 =	vand.u32 $0xFFFFFFFE, v0;
	[tilespmem:s31], [sflag:$0x4] =	stream.linear.gather [hbm4b:s20+s5], $0x80, $0x38;
	[tilespmem:$0x1DE00] =	vst v63  }
0x31: {  	v0 =	vbroadcast v0, $0x0;
	_ =	swait.ge [sflag:s2], $0x3200  }
0x32: {  	[sflag:s2] =	ssyncset.done $0x0  }
0x33: {  	[sflag:s2] =	ssyncadd.s32 $0xFFFFCE00  }
0x34: {  	_ =	swait.ge [sflag:s0], $0x80  }
0x35: {  	[sflag:s0] =	ssyncset.done $0x0  }
0x36: {  	[sflag:s0] =	ssyncadd.s32 $0xFFFFFF80  }
0x37: {  	s15 =	simm.s32 $0x3680;
	v1 =	vld.idx.msk [tilespmem:v0+s26+$0x0], $0xffff  }
0x38: {  	v0 =	vld [tilespmem:s15+$0xFFFFFFF0]  }
0x39: {  	v2 =	vld [tilespmem:s15+$0xFFFFFF80]  }
0x3a: {  	s21 =	simm.s32 $0x1;
	v5 =	vld [tilespmem:s15+$0xFFFFFF90]  }
0x3b: {  	v6 =	vmov s21;
	v7 =	vld [tilespmem:s15+$0xFFFFFFA0]  }
0x3c: {  	v10 =	vld [tilespmem:s15+$0xFFFFFFB0]  }
0x3d: {  	v4 =	vld [tilespmem:s15+$0xFFFFFFC0]  }
0x3e: {  	v3 =	vld [tilespmem:s15+$0xFFFFFFD0];
	v8 =	vmul.f32 v0, v1  }
0x3f: {  	v9 =	vmul.f32 v2, v1;
	v2 =	vld [tilespmem:s15+$0xFFFFFFE0]  }
0x40: {  	v0 =	vld.idx.msk [tilespmem:v6+s26+$0x0], $0xffff;
	v5 =	vmul.f32 v5, v1;
	[tilespmem:s15+$0xFFFFFFF0] =	vst v8  }
0x41: {  	s17 =	simm.s32 $0x2;
	v6 =	vld [tilespmem:s15+$0x0];
	[tilespmem:s15+$0xFFFFFF80] =	vst v9;
	v8 =	vmul.f32 v7, v1  }
0x42: {  	s16 =	simm.s32 $0x3680;
	s18 =	simm.s32 $0x4;
	v9 =	vmov s17;
	[tilespmem:s15+$0xFFFFFF90] =	vst v5;
	v7 =	vmul.f32 v10, v1;
	v5 =	vld [tilespmem:s15+$0x10]  }
.LBB2_2:
0x43: {  	p0 =	slt.u32 s18, $0x62;
	v9 =	vand.u32 $0xFFFFFFFE, v9;
	s9 =	sadd.s32 $0x1, s17;
	[tilespmem:s15+$0xFFFFFFA0] =	vst v8;
	v4 =	vmul.f32 v4, v1;
	v8 =	vld [tilespmem:s15+$0x20];
	s17 =	smov.u32 s18  }
0x44: {  	v9 =	vbroadcast v9, $0x0;
	v10 =	vmov s9;
	[tilespmem:s15+$0xFFFFFFB0] =	vst v7;
	v3 =	vmul.f32 v3, v1;
	v7 =	vld [tilespmem:s15+$0x30]  }
0x45: {  	[tilespmem:s15+$0xFFFFFFC0] =	vst v4;
	v1 =	vmul.f32 v2, v1;
	v2 =	vld [tilespmem:s15+$0x40]  }
0x46: {  	[tilespmem:s15+$0xFFFFFFD0] =	vst v3;
	v3 =	vmul.f32 v6, v0;
	v4 =	vld [tilespmem:s15+$0x50]  }
0x47: {  	[tilespmem:s15+$0xFFFFFFE0] =	vst v1;
	v1 =	vmul.f32 v5, v0;
	v5 =	vld [tilespmem:s15+$0x60]  }
0x48: {  	[tilespmem:s15+$0x0] =	vst v3;
	v3 =	vmul.f32 v8, v0;
	v6 =	vld [tilespmem:s15+$0x70]  }
0x49: {  	v8 =	vld.idx.msk [tilespmem:v10+s26+$0x0], $0xffff;
	[tilespmem:s15+$0x10] =	vst v1;
	v7 =	vmul.f32 v7, v0  }
0x4a: {  	s15 =	sadd.s32 $0x100, s15;
	v1 =	vld.idx.msk [tilespmem:v9+s26+$0x0], $0xffff;
	[tilespmem:s16+$0x20] =	vst v3;
	v2 =	vmul.f32 v2, v0  }
0x4b: {  	v3 =	vld [tilespmem:s15+$0xFFFFFFF0];
	[tilespmem:s16+$0x30] =	vst v7;
	v4 =	vmul.f32 v4, v0  }
0x4c: {  	v7 =	vld [tilespmem:s15+$0xFFFFFF80];
	[tilespmem:s16+$0x40] =	vst v2;
	v2 =	vmul.f32 v5, v0  }
0x4d: {  	v5 =	vld [tilespmem:s15+$0xFFFFFF90];
	[tilespmem:s16+$0x50] =	vst v4;
	v4 =	vmul.f32 v6, v0  }
0x4e: {  	v6 =	vld [tilespmem:s15+$0xFFFFFFA0];
	[tilespmem:s16+$0x60] =	vst v2  }
0x4f: {  	v0 =	vmov v8;
	v10 =	vld [tilespmem:s15+$0xFFFFFFB0];
	[tilespmem:s16+$0x70] =	vst v4;
	s16 =	smov.u32 s15  }
.Ltmp0:
0x50: {  	v4 =	vld [tilespmem:s15+$0xFFFFFFC0];
	v8 =	vmul.f32 v3, v1;
	(pc) =	sbr.rel @p0 .LBB2_2-.Ltmp0, $4  }
0x51: {  	v7 =	vmul.f32 v7, v1;
	v3 =	vld [tilespmem:s15+$0xFFFFFFD0]  }
0x52: {  	v5 =	vmul.f32 v5, v1;
	v2 =	vld [tilespmem:s15+$0xFFFFFFE0];
	[tilespmem:s15+$0xFFFFFFF0] =	vst v8  }
0x53: {  	[tilespmem:s15+$0xFFFFFF80] =	vst v7;
	v8 =	vmul.f32 v6, v1;
	v6 =	vld [tilespmem:s15+$0x0]  }
0x54: {  	s18 =	sadd.s32 $0x2, s18;
	v9 =	vmov s17;
	[tilespmem:s15+$0xFFFFFF90] =	vst v5;
	v7 =	vmul.f32 v10, v1;
	v5 =	vld [tilespmem:s15+$0x10]  }
0x55: {  	v10 =	vld [tilespmem:s15+$0x20]  }
0x56: {  	v9 =	vand.u32 $0xFFFFFFFE, v9;
	s9 =	sadd.s32 $0x1, s17;
	v11 =	vld [tilespmem:s15+$0x30]  }
0x57: {  	v13 =	vld [tilespmem:s15+$0x40];
	[tilespmem:s15+$0xFFFFFFA0] =	vst v8;
	v4 =	vmul.f32 v4, v1;
	v9 =	vbroadcast v9, $0x0;
	v12 =	vmov s9  }
0x58: {  	v8 =	vld [tilespmem:s15+$0x50];
	[tilespmem:s15+$0xFFFFFFB0] =	vst v7;
	v3 =	vmul.f32 v3, v1  }
0x59: {  	v7 =	vld [tilespmem:s15+$0x60];
	[tilespmem:s15+$0xFFFFFFC0] =	vst v4;
	v6 =	vmul.f32 v6, v0  }
0x5a: {  	s21 =	sadd.s32 $0x100, s15;
	v1 =	vmul.f32 v2, v1;
	v2 =	vld [tilespmem:s15+$0x70];
	[tilespmem:s15+$0xFFFFFFD0] =	vst v3  }
0x5b: {  	v3 =	vmul.f32 v5, v0;
	[tilespmem:s15+$0x0] =	vst v6;
	v6 =	vld [tilespmem:s21+$0xFFFFFFF0]  }
0x5c: {  	[tilespmem:s15+$0xFFFFFFE0] =	vst v1;
	v1 =	vmul.f32 v10, v0;
	v4 =	vld.idx.msk [tilespmem:v12+s26+$0x0], $0xffff  }
0x5d: {  	[tilespmem:s15+$0x10] =	vst v3;
	v3 =	vmul.f32 v11, v0;
	v5 =	vld.idx.msk [tilespmem:v9+s26+$0x0], $0xffff  }
0x5e: {  	[tilespmem:s16+$0x20] =	vst v1;
	v1 =	vmul.f32 v13, v0;
	v9 =	vld [tilespmem:s21+$0xFFFFFF80]  }
0x5f: {  	[tilespmem:s16+$0x30] =	vst v3;
	v3 =	vmul.f32 v8, v0;
	v8 =	vld [tilespmem:s21+$0xFFFFFF90]  }
0x60: {  	[tilespmem:s16+$0x40] =	vst v1;
	v1 =	vmul.f32 v7, v0;
	v7 =	vld [tilespmem:s21+$0xFFFFFFA0]  }
0x61: {  	v0 =	vmul.f32 v2, v0;
	v2 =	vld [tilespmem:s21+$0xFFFFFFB0];
	[tilespmem:s16+$0x50] =	vst v3  }
0x62: {  	[tilespmem:s16+$0x60] =	vst v1;
	v1 =	vld [tilespmem:s21+$0xFFFFFFC0];
	v3 =	vmul.f32 v6, v5  }
0x63: {  	[tilespmem:s16+$0x70] =	vst v0;
	v0 =	vmul.f32 v9, v5;
	v6 =	vld [tilespmem:s21+$0xFFFFFFD0]  }
0x64: {  	v9 =	vld [tilespmem:s21+$0xFFFFFFE0];
	v8 =	vmul.f32 v8, v5;
	[tilespmem:s21+$0xFFFFFFF0] =	vst v3  }
0x65: {  	[tilespmem:s21+$0xFFFFFF80] =	vst v0;
	v0 =	vmul.f32 v7, v5;
	v3 =	vld [tilespmem:s21+$0x0]  }
0x66: {  	v2 =	vmul.f32 v2, v5;
	v7 =	vld [tilespmem:s21+$0x10];
	[tilespmem:s21+$0xFFFFFF90] =	vst v8  }
0x67: {  	[tilespmem:s21+$0xFFFFFFA0] =	vst v0;
	v0 =	vmul.f32 v1, v5;
	v1 =	vld [tilespmem:s21+$0x20]  }
0x68: {  	[tilespmem:s21+$0xFFFFFFB0] =	vst v2;
	v2 =	vmul.f32 v6, v5;
	v6 =	vld [tilespmem:s21+$0x30]  }
0x69: {  	[tilespmem:s21+$0xFFFFFFC0] =	vst v0;
	v0 =	vmul.f32 v9, v5;
	v5 =	vld [tilespmem:s21+$0x40]  }
0x6a: {  	[tilespmem:s21+$0xFFFFFFD0] =	vst v2;
	v2 =	vmul.f32 v3, v4;
	v3 =	vld [tilespmem:s21+$0x50]  }
0x6b: {  	[tilespmem:s21+$0xFFFFFFE0] =	vst v0;
	v0 =	vmul.f32 v7, v4;
	v7 =	vld [tilespmem:s21+$0x60]  }
0x6c: {  	[tilespmem:s21+$0x0] =	vst v2;
	v1 =	vmul.f32 v1, v4;
	v2 =	vld [tilespmem:s21+$0x70]  }
0x6d: {  	[tilespmem:s21+$0x10] =	vst v0;
	v0 =	vmul.f32 v6, v4  }
0x6e: {  	[tilespmem:s21+$0x20] =	vst v1;
	v1 =	vmul.f32 v5, v4  }
0x6f: {  	[tilespmem:s21+$0x30] =	vst v0;
	v0 =	vmul.f32 v3, v4  }
0x70: {  	[tilespmem:s21+$0x40] =	vst v1;
	v1 =	vmul.f32 v7, v4  }
0x71: {  	[tilespmem:s21+$0x50] =	vst v0;
	v0 =	vmul.f32 v2, v4  }
0x72: {  	[tilespmem:s21+$0x60] =	vst v1  }
0x73: {  	[tilespmem:s21+$0x70] =	vst v0  }
0x74: {  	_ =	swait.ge [sflag:s28], $0x80  }
0x75: {  	[sflag:s28] =	ssyncset.done $0x0  }
0x76: {  	[sflag:s28] =	ssyncadd.s32 $0xFFFFFF80  }
0x77: {  	[spmem:s3] =	stream.indirect.scatter.add.f32 [tilespmem:s24], [sflag:$0x7], $0x80, s25, s23, $0xb8;
	[tilespmem:$0x1DE00] =	vst v63  }
0x78: {  	_ =	swait.ge [sflag:s8], $0x3200  }
0x79: {  	[sflag:s8] =	ssyncset.done $0x0  }
0x7a: {  	s17 =	simm.s32 $0x100;
	[sflag:s8] =	ssyncadd.s32 $0xFFFFCE00  }
0x7b: {  	[tilespmem:s24], [sflag:$0x5] =	stream.indirect.gather [hbm4b:s1+s23], $0x80, s17, s23, $0xb8;
	[tilespmem:$0x1DE00] =	vst v63  }
0x7c: {  	s18 =	simm.s32 $0x0;
	s19 =	rddreg [dreg:$0xb]  }
0x7d: {  	[tilespmem:s25], [sflag:$0x1] =	stream.linear.gather [hbm4b:s19+s18], $0x80, $0x38;
	[tilespmem:$0x1DE00] =	vst v63  }
0x7e: {  	v0 =	vmov s18;
	s20 =	rddreg [dreg:$0xc]  }
0x7f: {  	v0 =	vand.u32 $0xFFFFFFFE, v0;
	[tilespmem:s26], [sflag:$0x3] =	stream.linear.gather [hbm4b:s20+s18], $0x80, $0x38;
	[tilespmem:$0x1DE00] =	vst v63  }
0x80: {  	v0 =	vbroadcast v0, $0x0;
	_ =	swait.ge [sflag:s10], $0x3200  }
0x81: {  	[sflag:s10] =	ssyncset.done $0x0  }
0x82: {  	[sflag:s10] =	ssyncadd.s32 $0xFFFFCE00  }
0x83: {  	_ =	swait.ge [sflag:s11], $0x80  }
0x84: {  	[sflag:s11] =	ssyncset.done $0x0  }
0x85: {  	[sflag:s11] =	ssyncadd.s32 $0xFFFFFF80  }
0x86: {  	s15 =	simm.s32 $0x6A80;
	v1 =	vld.idx.msk [tilespmem:v0+s31+$0x0], $0xffff  }
0x87: {  	v0 =	vld [tilespmem:s15+$0xFFFFFFF0]  }
0x88: {  	v2 =	vld [tilespmem:s15+$0xFFFFFF80]  }
0x89: {  	s21 =	simm.s32 $0x1;
	v5 =	vld [tilespmem:s15+$0xFFFFFF90]  }
0x8a: {  	v6 =	vmov s21;
	v7 =	vld [tilespmem:s15+$0xFFFFFFA0]  }
0x8b: {  	v10 =	vld [tilespmem:s15+$0xFFFFFFB0]  }
0x8c: {  	v4 =	vld [tilespmem:s15+$0xFFFFFFC0]  }
0x8d: {  	v3 =	vld [tilespmem:s15+$0xFFFFFFD0];
	v8 =	vmul.f32 v0, v1  }
0x8e: {  	v9 =	vmul.f32 v2, v1;
	v2 =	vld [tilespmem:s15+$0xFFFFFFE0]  }
0x8f: {  	v0 =	vld.idx.msk [tilespmem:v6+s31+$0x0], $0xffff;
	v5 =	vmul.f32 v5, v1;
	[tilespmem:s15+$0xFFFFFFF0] =	vst v8  }
0x90: {  	s17 =	simm.s32 $0x2;
	v6 =	vld [tilespmem:s15+$0x0];
	[tilespmem:s15+$0xFFFFFF80] =	vst v9;
	v8 =	vmul.f32 v7, v1  }
0x91: {  	s16 =	simm.s32 $0x6A80;
	s18 =	simm.s32 $0x4;
	v9 =	vmov s17;
	[tilespmem:s15+$0xFFFFFF90] =	vst v5;
	v7 =	vmul.f32 v10, v1;
	v5 =	vld [tilespmem:s15+$0x10]  }
.LBB2_4:
0x92: {  	p0 =	slt.u32 s18, $0x62;
	v9 =	vand.u32 $0xFFFFFFFE, v9;
	s9 =	sadd.s32 $0x1, s17;
	[tilespmem:s15+$0xFFFFFFA0] =	vst v8;
	v4 =	vmul.f32 v4, v1;
	v8 =	vld [tilespmem:s15+$0x20];
	s17 =	smov.u32 s18  }
0x93: {  	v9 =	vbroadcast v9, $0x0;
	v10 =	vmov s9;
	[tilespmem:s15+$0xFFFFFFB0] =	vst v7;
	v3 =	vmul.f32 v3, v1;
	v7 =	vld [tilespmem:s15+$0x30]  }
0x94: {  	[tilespmem:s15+$0xFFFFFFC0] =	vst v4;
	v1 =	vmul.f32 v2, v1;
	v2 =	vld [tilespmem:s15+$0x40]  }
0x95: {  	[tilespmem:s15+$0xFFFFFFD0] =	vst v3;
	v3 =	vmul.f32 v6, v0;
	v4 =	vld [tilespmem:s15+$0x50]  }
0x96: {  	[tilespmem:s15+$0xFFFFFFE0] =	vst v1;
	v1 =	vmul.f32 v5, v0;
	v5 =	vld [tilespmem:s15+$0x60]  }
0x97: {  	[tilespmem:s15+$0x0] =	vst v3;
	v3 =	vmul.f32 v8, v0;
	v6 =	vld [tilespmem:s15+$0x70]  }
0x98: {  	v8 =	vld.idx.msk [tilespmem:v10+s31+$0x0], $0xffff;
	[tilespmem:s15+$0x10] =	vst v1;
	v7 =	vmul.f32 v7, v0  }
0x99: {  	s15 =	sadd.s32 $0x100, s15;
	v1 =	vld.idx.msk [tilespmem:v9+s31+$0x0], $0xffff;
	[tilespmem:s16+$0x20] =	vst v3;
	v2 =	vmul.f32 v2, v0  }
0x9a: {  	v3 =	vld [tilespmem:s15+$0xFFFFFFF0];
	[tilespmem:s16+$0x30] =	vst v7;
	v4 =	vmul.f32 v4, v0  }
0x9b: {  	v7 =	vld [tilespmem:s15+$0xFFFFFF80];
	[tilespmem:s16+$0x40] =	vst v2;
	v2 =	vmul.f32 v5, v0  }
0x9c: {  	v5 =	vld [tilespmem:s15+$0xFFFFFF90];
	[tilespmem:s16+$0x50] =	vst v4;
	v4 =	vmul.f32 v6, v0  }
0x9d: {  	v6 =	vld [tilespmem:s15+$0xFFFFFFA0];
	[tilespmem:s16+$0x60] =	vst v2  }
0x9e: {  	v0 =	vmov v8;
	v10 =	vld [tilespmem:s15+$0xFFFFFFB0];
	[tilespmem:s16+$0x70] =	vst v4;
	s16 =	smov.u32 s15  }
.Ltmp1:
0x9f: {  	v4 =	vld [tilespmem:s15+$0xFFFFFFC0];
	v8 =	vmul.f32 v3, v1;
	(pc) =	sbr.rel @p0 .LBB2_4-.Ltmp1, $4  }
0xa0: {  	v7 =	vmul.f32 v7, v1;
	v3 =	vld [tilespmem:s15+$0xFFFFFFD0]  }
0xa1: {  	v5 =	vmul.f32 v5, v1;
	v2 =	vld [tilespmem:s15+$0xFFFFFFE0];
	[tilespmem:s15+$0xFFFFFFF0] =	vst v8  }
0xa2: {  	[tilespmem:s15+$0xFFFFFF80] =	vst v7;
	v8 =	vmul.f32 v6, v1;
	v6 =	vld [tilespmem:s15+$0x0]  }
0xa3: {  	s18 =	sadd.s32 $0x2, s18;
	v9 =	vmov s17;
	[tilespmem:s15+$0xFFFFFF90] =	vst v5;
	v7 =	vmul.f32 v10, v1;
	v5 =	vld [tilespmem:s15+$0x10]  }
0xa4: {  	v10 =	vld [tilespmem:s15+$0x20]  }
0xa5: {  	v11 =	vld [tilespmem:s15+$0x30]  }
0xa6: {  	s9 =	sadd.s32 $0x1, s17;
	v13 =	vld [tilespmem:s15+$0x40];
	[tilespmem:s15+$0xFFFFFFA0] =	vst v8;
	v4 =	vmul.f32 v4, v1  }
0xa7: {  	v22 =	vld [tilespmem:s15+$0x50];
	v12 =	vmov s9;
	[tilespmem:s15+$0xFFFFFFB0] =	vst v7;
	v3 =	vmul.f32 v3, v1  }
0xa8: {  	v23 =	vld [tilespmem:s15+$0x60];
	[tilespmem:s15+$0xFFFFFFC0] =	vst v4;
	v24 =	vmul.f32 v2, v1  }
0xa9: {  	v25 =	vld [tilespmem:s15+$0x70];
	s21 =	sadd.s32 $0x100, s15;
	v6 =	vmul.f32 v6, v0;
	[tilespmem:s15+$0xFFFFFFD0] =	vst v3  }
0xaa: {  	v31 =	vld [tilespmem:s21+$0xFFFFFFF0];
	v26 =	vmul.f32 v5, v0;
	[tilespmem:s15+$0xFFFFFFE0] =	vst v24  }
0xab: {  	v46 =	vld [tilespmem:s21+$0x0];
	[tilespmem:s15+$0x0] =	vst v6;
	v28 =	vmul.f32 v10, v0  }
0xac: {  	v30 =	vmul.f32 v11, v0;
	v27 =	vld.idx.msk [tilespmem:v12+s31+$0x0], $0xffff;
	[tilespmem:s15+$0x10] =	vst v26  }
0xad: {  	v9 =	vand.u32 $0xFFFFFFFE, v9;
	v47 =	vld [tilespmem:s21+$0x10];
	v32 =	vmul.f32 v13, v0;
	[tilespmem:s16+$0x20] =	vst v28  }
0xae: {  	v9 =	vbroadcast v9, $0x0;
	v49 =	vld [tilespmem:s21+$0x20];
	v34 =	vmul.f32 v22, v0;
	[tilespmem:s16+$0x30] =	vst v30  }
0xaf: {  	v51 =	vld [tilespmem:s21+$0x30];
	v36 =	vmul.f32 v23, v0;
	[tilespmem:s16+$0x40] =	vst v32  }
0xb0: {  	v53 =	vld [tilespmem:s21+$0x40];
	v38 =	vmul.f32 v25, v0;
	[tilespmem:s16+$0x50] =	vst v34  }
0xb1: {  	v55 =	vld [tilespmem:s21+$0x50];
	[tilespmem:s16+$0x60] =	vst v36;
	v54 =	vmul.f32 v46, v27  }
0xb2: {  	v57 =	vld [tilespmem:s21+$0x60];
	[tilespmem:s16+$0x70] =	vst v38;
	v56 =	vmul.f32 v47, v27  }
0xb3: {  	v58 =	vld [tilespmem:s21+$0x70];
	v1 =	vmul.f32 v49, v27;
	[tilespmem:s21+$0x0] =	vst v54  }
0xb4: {  	v29 =	vld.idx.msk [tilespmem:v9+s31+$0x0], $0xffff;
	v59 =	vmul.f32 v51, v27;
	[tilespmem:s21+$0x10] =	vst v56  }
0xb5: {  	v33 =	vld [tilespmem:s21+$0xFFFFFF80];
	v60 =	vmul.f32 v53, v27;
	[tilespmem:s21+$0x20] =	vst v1  }
0xb6: {  	v35 =	vld [tilespmem:s21+$0xFFFFFF90];
	v61 =	vmul.f32 v55, v27;
	[tilespmem:s21+$0x30] =	vst v59  }
0xb7: {  	v37 =	vld [tilespmem:s21+$0xFFFFFFA0];
	v62 =	vmul.f32 v57, v27;
	[tilespmem:s21+$0x40] =	vst v60  }
0xb8: {  	v39 =	vld [tilespmem:s21+$0xFFFFFFB0];
	v63 =	vmul.f32 v58, v27;
	[tilespmem:s21+$0x50] =	vst v61  }
0xb9: {  	v40 =	vld [tilespmem:s21+$0xFFFFFFC0];
	v41 =	vmul.f32 v31, v29;
	[tilespmem:s21+$0x60] =	vst v62  }
0xba: {  	v43 =	vld [tilespmem:s21+$0xFFFFFFD0];
	v42 =	vmul.f32 v33, v29;
	[tilespmem:s21+$0x70] =	vst v63  }
0xbb: {  	v44 =	vld [tilespmem:s21+$0xFFFFFFE0];
	v8 =	vmul.f32 v35, v29;
	[tilespmem:s21+$0xFFFFFFF0] =	vst v41  }
0xbc: {  	v45 =	vmul.f32 v37, v29;
	[tilespmem:s21+$0xFFFFFF80] =	vst v42  }
0xbd: {  	v2 =	vmul.f32 v39, v29;
	[tilespmem:s21+$0xFFFFFF90] =	vst v8  }
0xbe: {  	v48 =	vmul.f32 v40, v29;
	[tilespmem:s21+$0xFFFFFFA0] =	vst v45  }
0xbf: {  	v50 =	vmul.f32 v43, v29;
	[tilespmem:s21+$0xFFFFFFB0] =	vst v2  }
0xc0: {  	v52 =	vmul.f32 v44, v29;
	[tilespmem:s21+$0xFFFFFFC0] =	vst v48  }
0xc1: {  	[tilespmem:s21+$0xFFFFFFD0] =	vst v50  }
0xc2: {  	[tilespmem:s21+$0xFFFFFFE0] =	vst v52  }
0xc3: {  	_ =	swait.ge [sflag:s12], $0x80  }
0xc4: {  	[sflag:s12] =	ssyncset.done $0x0  }
0xc5: {  	s15 =	simm.s32 $0x0;
	s16 =	simm.s32 $0x0;
	[sflag:s12] =	ssyncadd.s32 $0xFFFFFF80  }
0xc6: {  	[spmem:s3] =	stream.indirect.scatter.add.f32 [tilespmem:s29], [sflag:$0x8], $0x80, s30, s23, $0xb8;
	[tilespmem:$0x1DE00] =	vst v63  }
.LBB2_6:
0xc7: {  	_ =	swait.ge [sflag:s13], $0x3200;
	s9 =	sshll.u32 s16, $0x8  }
0xc8: {  	[sflag:s13] =	ssyncset.done $0x0;
	s9 =	sadd.s32 $0x180, s9  }
0xc9: {  	[sflag:s13] =	ssyncadd.s32 $0xFFFFCE00;
	s17 =	sand.u32 $0x3FFFFF80, s9;
	s19 =	sand.u32 $0x7C00, s9  }
0xca: {  	[tilespmem:s29], [sflag:$0x6] =	stream.indirect.gather [hbm4b:s1+s23], $0x80, s17, s23, $0xb8;
	[tilespmem:$0x1DE00] =	vst v63  }
0xcb: {  	s9 =	sand.u32 $0x380, s9;
	s17 =	sadd.s32 s4, s19  }
0xcc: {  	s9 =	sor.u32 s9, s17  }
0xcd: {  	s9 =	sshrl.u32 s9, $0x3  }
0xce: {  	s20 =	sadd.s32 s6, s9  }
0xcf: {  	[tilespmem:s30], [sflag:$0x2] =	stream.linear.gather [hbm4b:s20+s15], $0x80, $0x38;
	[tilespmem:$0x1DE00] =	vst v63  }
0xd0: {  	v0 =	vmov s15;
	s9 =	sadd.s32 s7, s9  }
0xd1: {  	v0 =	vand.u32 $0xFFFFFFFE, v0;
	[tilespmem:s31], [sflag:$0x4] =	stream.linear.gather [hbm4b:s9+s15], $0x80, $0x38;
	[tilespmem:$0x1DE00] =	vst v63  }
0xd2: {  	v0 =	vbroadcast v0, $0x0;
	_ =	swait.ge [sflag:s2], $0x3200  }
0xd3: {  	[sflag:s2] =	ssyncset.done $0x0  }
0xd4: {  	[sflag:s2] =	ssyncadd.s32 $0xFFFFCE00  }
0xd5: {  	_ =	swait.ge [sflag:s0], $0x80  }
0xd6: {  	[sflag:s0] =	ssyncset.done $0x0  }
0xd7: {  	[sflag:s0] =	ssyncadd.s32 $0xFFFFFF80  }
0xd8: {  	s18 =	simm.s32 $0x3680;
	v1 =	vld.idx.msk [tilespmem:v0+s26+$0x0], $0xffff  }
0xd9: {  	v0 =	vld [tilespmem:s18+$0xFFFFFFF0]  }
0xda: {  	v2 =	vld [tilespmem:s18+$0xFFFFFF80]  }
0xdb: {  	s21 =	simm.s32 $0x1;
	v5 =	vld [tilespmem:s18+$0xFFFFFF90]  }
0xdc: {  	v6 =	vmov s21;
	v7 =	vld [tilespmem:s18+$0xFFFFFFA0]  }
0xdd: {  	v10 =	vld [tilespmem:s18+$0xFFFFFFB0]  }
0xde: {  	v4 =	vld [tilespmem:s18+$0xFFFFFFC0]  }
0xdf: {  	v3 =	vld [tilespmem:s18+$0xFFFFFFD0];
	v8 =	vmul.f32 v0, v1  }
0xe0: {  	v9 =	vmul.f32 v2, v1;
	v2 =	vld [tilespmem:s18+$0xFFFFFFE0]  }
0xe1: {  	v0 =	vld.idx.msk [tilespmem:v6+s26+$0x0], $0xffff;
	v5 =	vmul.f32 v5, v1;
	[tilespmem:s18+$0xFFFFFFF0] =	vst v8  }
0xe2: {  	s20 =	simm.s32 $0x2;
	v6 =	vld [tilespmem:s18+$0x0];
	[tilespmem:s18+$0xFFFFFF80] =	vst v9;
	v8 =	vmul.f32 v7, v1  }
0xe3: {  	s19 =	simm.s32 $0x3680;
	s17 =	sshll.u32 s16, $0x1;
	s9 =	simm.s32 $0x4;
	v9 =	vmov s20;
	[tilespmem:s18+$0xFFFFFF90] =	vst v5;
	v7 =	vmul.f32 v10, v1;
	v5 =	vld [tilespmem:s18+$0x10]  }
.LBB2_7:
0xe4: {  	p0 =	slt.u32 s9, $0x62;
	v9 =	vand.u32 $0xFFFFFFFE, v9;
	s21 =	sadd.s32 $0x1, s20;
	[tilespmem:s18+$0xFFFFFFA0] =	vst v8;
	v4 =	vmul.f32 v4, v1;
	v8 =	vld [tilespmem:s18+$0x20];
	s20 =	smov.u32 s9  }
0xe5: {  	v9 =	vbroadcast v9, $0x0;
	v10 =	vmov s21;
	[tilespmem:s18+$0xFFFFFFB0] =	vst v7;
	v3 =	vmul.f32 v3, v1;
	v7 =	vld [tilespmem:s18+$0x30]  }
0xe6: {  	[tilespmem:s18+$0xFFFFFFC0] =	vst v4;
	v1 =	vmul.f32 v2, v1;
	v2 =	vld [tilespmem:s18+$0x40]  }
0xe7: {  	[tilespmem:s18+$0xFFFFFFD0] =	vst v3;
	v3 =	vmul.f32 v6, v0;
	v4 =	vld [tilespmem:s18+$0x50]  }
0xe8: {  	[tilespmem:s18+$0xFFFFFFE0] =	vst v1;
	v1 =	vmul.f32 v5, v0;
	v5 =	vld [tilespmem:s18+$0x60]  }
0xe9: {  	[tilespmem:s18+$0x0] =	vst v3;
	v3 =	vmul.f32 v8, v0;
	v6 =	vld [tilespmem:s18+$0x70]  }
0xea: {  	v8 =	vld.idx.msk [tilespmem:v10+s26+$0x0], $0xffff;
	[tilespmem:s18+$0x10] =	vst v1;
	v7 =	vmul.f32 v7, v0  }
0xeb: {  	s18 =	sadd.s32 $0x100, s18;
	v1 =	vld.idx.msk [tilespmem:v9+s26+$0x0], $0xffff;
	[tilespmem:s19+$0x20] =	vst v3;
	v2 =	vmul.f32 v2, v0  }
0xec: {  	v3 =	vld [tilespmem:s18+$0xFFFFFFF0];
	[tilespmem:s19+$0x30] =	vst v7;
	v4 =	vmul.f32 v4, v0  }
0xed: {  	v7 =	vld [tilespmem:s18+$0xFFFFFF80];
	[tilespmem:s19+$0x40] =	vst v2;
	v2 =	vmul.f32 v5, v0  }
0xee: {  	v5 =	vld [tilespmem:s18+$0xFFFFFF90];
	[tilespmem:s19+$0x50] =	vst v4;
	v4 =	vmul.f32 v6, v0  }
0xef: {  	v6 =	vld [tilespmem:s18+$0xFFFFFFA0];
	[tilespmem:s19+$0x60] =	vst v2  }
0xf0: {  	v0 =	vmov v8;
	v10 =	vld [tilespmem:s18+$0xFFFFFFB0];
	[tilespmem:s19+$0x70] =	vst v4;
	s19 =	smov.u32 s18  }
.Ltmp2:
0xf1: {  	v4 =	vld [tilespmem:s18+$0xFFFFFFC0];
	v8 =	vmul.f32 v3, v1;
	(pc) =	sbr.rel @p0 .LBB2_7-.Ltmp2, $4  }
0xf2: {  	v7 =	vmul.f32 v7, v1;
	v3 =	vld [tilespmem:s18+$0xFFFFFFD0]  }
0xf3: {  	v5 =	vmul.f32 v5, v1;
	v2 =	vld [tilespmem:s18+$0xFFFFFFE0];
	[tilespmem:s18+$0xFFFFFFF0] =	vst v8  }
0xf4: {  	[tilespmem:s18+$0xFFFFFF80] =	vst v7;
	v8 =	vmul.f32 v6, v1;
	v6 =	vld [tilespmem:s18+$0x0]  }
0xf5: {  	s9 =	sadd.s32 $0x2, s9;
	v9 =	vmov s20;
	[tilespmem:s18+$0xFFFFFF90] =	vst v5;
	v7 =	vmul.f32 v10, v1;
	v5 =	vld [tilespmem:s18+$0x10]  }
0xf6: {  	v10 =	vld [tilespmem:s18+$0x20]  }
0xf7: {  	v9 =	vand.u32 $0xFFFFFFFE, v9;
	s9 =	sadd.s32 $0x1, s20;
	v11 =	vld [tilespmem:s18+$0x30]  }
0xf8: {  	v13 =	vld [tilespmem:s18+$0x40];
	[tilespmem:s18+$0xFFFFFFA0] =	vst v8;
	v4 =	vmul.f32 v4, v1;
	v9 =	vbroadcast v9, $0x0;
	v12 =	vmov s9  }
0xf9: {  	v8 =	vld [tilespmem:s18+$0x50];
	[tilespmem:s18+$0xFFFFFFB0] =	vst v7;
	v3 =	vmul.f32 v3, v1  }
0xfa: {  	v7 =	vld [tilespmem:s18+$0x60];
	[tilespmem:s18+$0xFFFFFFC0] =	vst v4;
	v6 =	vmul.f32 v6, v0  }
0xfb: {  	s21 =	sadd.s32 $0x100, s18;
	v1 =	vmul.f32 v2, v1;
	v2 =	vld [tilespmem:s18+$0x70];
	[tilespmem:s18+$0xFFFFFFD0] =	vst v3  }
0xfc: {  	v3 =	vmul.f32 v5, v0;
	[tilespmem:s18+$0x0] =	vst v6;
	v6 =	vld [tilespmem:s21+$0xFFFFFFF0]  }
0xfd: {  	[tilespmem:s18+$0xFFFFFFE0] =	vst v1;
	v1 =	vmul.f32 v10, v0;
	v4 =	vld.idx.msk [tilespmem:v12+s26+$0x0], $0xffff  }
0xfe: {  	[tilespmem:s18+$0x10] =	vst v3;
	v3 =	vmul.f32 v11, v0;
	v5 =	vld.idx.msk [tilespmem:v9+s26+$0x0], $0xffff  }
0xff: {  	[tilespmem:s19+$0x20] =	vst v1;
	v1 =	vmul.f32 v13, v0;
	v9 =	vld [tilespmem:s21+$0xFFFFFF80]  }
0x100: {  	[tilespmem:s19+$0x30] =	vst v3;
	v3 =	vmul.f32 v8, v0;
	v8 =	vld [tilespmem:s21+$0xFFFFFF90]  }
0x101: {  	[tilespmem:s19+$0x40] =	vst v1;
	v1 =	vmul.f32 v7, v0;
	v7 =	vld [tilespmem:s21+$0xFFFFFFA0]  }
0x102: {  	v0 =	vmul.f32 v2, v0;
	v2 =	vld [tilespmem:s21+$0xFFFFFFB0];
	[tilespmem:s19+$0x50] =	vst v3  }
0x103: {  	[tilespmem:s19+$0x60] =	vst v1;
	v1 =	vld [tilespmem:s21+$0xFFFFFFC0];
	v3 =	vmul.f32 v6, v5  }
0x104: {  	[tilespmem:s19+$0x70] =	vst v0;
	v0 =	vmul.f32 v9, v5;
	v6 =	vld [tilespmem:s21+$0xFFFFFFD0]  }
0x105: {  	v9 =	vld [tilespmem:s21+$0xFFFFFFE0];
	v8 =	vmul.f32 v8, v5;
	[tilespmem:s21+$0xFFFFFFF0] =	vst v3  }
0x106: {  	[tilespmem:s21+$0xFFFFFF80] =	vst v0;
	v0 =	vmul.f32 v7, v5;
	v3 =	vld [tilespmem:s21+$0x0]  }
0x107: {  	v2 =	vmul.f32 v2, v5;
	v7 =	vld [tilespmem:s21+$0x10];
	[tilespmem:s21+$0xFFFFFF90] =	vst v8  }
0x108: {  	[tilespmem:s21+$0xFFFFFFA0] =	vst v0;
	v0 =	vmul.f32 v1, v5;
	v1 =	vld [tilespmem:s21+$0x20]  }
0x109: {  	[tilespmem:s21+$0xFFFFFFB0] =	vst v2;
	v2 =	vmul.f32 v6, v5;
	v6 =	vld [tilespmem:s21+$0x30]  }
0x10a: {  	[tilespmem:s21+$0xFFFFFFC0] =	vst v0;
	v0 =	vmul.f32 v9, v5;
	v5 =	vld [tilespmem:s21+$0x40]  }
0x10b: {  	[tilespmem:s21+$0xFFFFFFD0] =	vst v2;
	v2 =	vmul.f32 v3, v4;
	v3 =	vld [tilespmem:s21+$0x50]  }
0x10c: {  	[tilespmem:s21+$0xFFFFFFE0] =	vst v0;
	v0 =	vmul.f32 v7, v4;
	v7 =	vld [tilespmem:s21+$0x60]  }
0x10d: {  	[tilespmem:s21+$0x0] =	vst v2;
	v1 =	vmul.f32 v1, v4;
	v2 =	vld [tilespmem:s21+$0x70]  }
0x10e: {  	[tilespmem:s21+$0x10] =	vst v0;
	v0 =	vmul.f32 v6, v4  }
0x10f: {  	[tilespmem:s21+$0x20] =	vst v1;
	v1 =	vmul.f32 v5, v4  }
0x110: {  	[tilespmem:s21+$0x30] =	vst v0;
	v0 =	vmul.f32 v3, v4  }
0x111: {  	[tilespmem:s21+$0x40] =	vst v1;
	v1 =	vmul.f32 v7, v4  }
0x112: {  	[tilespmem:s21+$0x50] =	vst v0;
	v0 =	vmul.f32 v2, v4  }
0x113: {  	[tilespmem:s21+$0x60] =	vst v1  }
0x114: {  	s20 =	sshll.u32 s17, $0x7;
	[tilespmem:s21+$0x70] =	vst v0  }
0x115: {  	s9 =	sadd.s32 $0x200, s20;
	_ =	swait.ge [sflag:s28], $0x80  }
0x116: {  	s18 =	sand.u32 $0x7C00, s9;
	[sflag:s28] =	ssyncset.done $0x0  }
0x117: {  	s17 =	sadd.s32 s4, s18;
	[sflag:s28] =	ssyncadd.s32 $0xFFFFFF80  }
0x118: {  	[spmem:s3] =	stream.indirect.scatter.add.f32 [tilespmem:s24], [sflag:$0x7], $0x80, s25, s23, $0xb8;
	[tilespmem:$0x1DE00] =	vst v63  }
0x119: {  	s21 =	sand.u32 $0x3FFFFF80, s9;
	s9 =	sand.u32 $0x300, s9;
	_ =	swait.ge [sflag:s8], $0x3200  }
0x11a: {  	s9 =	sor.u32 s9, s17;
	[sflag:s8] =	ssyncset.done $0x0  }
0x11b: {  	s9 =	sshrl.u32 s9, $0x3;
	[sflag:s8] =	ssyncadd.s32 $0xFFFFCE00  }
0x11c: {  	[tilespmem:s24], [sflag:$0x5] =	stream.indirect.gather [hbm4b:s1+s23], $0x80, s21, s23, $0xb8;
	[tilespmem:$0x1DE00] =	vst v63  }
0x11d: {  	s20 =	simm.s32 $0x0;
	s19 =	sadd.s32 s6, s9  }
0x11e: {  	[tilespmem:s25], [sflag:$0x1] =	stream.linear.gather [hbm4b:s19+s20], $0x80, $0x38;
	[tilespmem:$0x1DE00] =	vst v63  }
0x11f: {  	v0 =	vmov s20;
	s9 =	sadd.s32 s7, s9  }
0x120: {  	v0 =	vand.u32 $0xFFFFFFFE, v0;
	[tilespmem:s26], [sflag:$0x3] =	stream.linear.gather [hbm4b:s9+s20], $0x80, $0x38;
	[tilespmem:$0x1DE00] =	vst v63  }
0x121: {  	v0 =	vbroadcast v0, $0x0;
	_ =	swait.ge [sflag:s10], $0x3200  }
0x122: {  	[sflag:s10] =	ssyncset.done $0x0  }
0x123: {  	[sflag:s10] =	ssyncadd.s32 $0xFFFFCE00  }
0x124: {  	_ =	swait.ge [sflag:s11], $0x80  }
0x125: {  	[sflag:s11] =	ssyncset.done $0x0  }
0x126: {  	[sflag:s11] =	ssyncadd.s32 $0xFFFFFF80  }
0x127: {  	s17 =	simm.s32 $0x6A80;
	v1 =	vld.idx.msk [tilespmem:v0+s31+$0x0], $0xffff  }
0x128: {  	v0 =	vld [tilespmem:s17+$0xFFFFFFF0]  }
0x129: {  	v2 =	vld [tilespmem:s17+$0xFFFFFF80]  }
0x12a: {  	s21 =	simm.s32 $0x1;
	v5 =	vld [tilespmem:s17+$0xFFFFFF90]  }
0x12b: {  	v6 =	vmov s21;
	v7 =	vld [tilespmem:s17+$0xFFFFFFA0]  }
0x12c: {  	v10 =	vld [tilespmem:s17+$0xFFFFFFB0]  }
0x12d: {  	v4 =	vld [tilespmem:s17+$0xFFFFFFC0]  }
0x12e: {  	v3 =	vld [tilespmem:s17+$0xFFFFFFD0];
	v8 =	vmul.f32 v0, v1  }
0x12f: {  	v9 =	vmul.f32 v2, v1;
	v2 =	vld [tilespmem:s17+$0xFFFFFFE0]  }
0x130: {  	v0 =	vld.idx.msk [tilespmem:v6+s31+$0x0], $0xffff;
	v5 =	vmul.f32 v5, v1;
	[tilespmem:s17+$0xFFFFFFF0] =	vst v8  }
0x131: {  	s19 =	simm.s32 $0x2;
	v6 =	vld [tilespmem:s17+$0x0];
	[tilespmem:s17+$0xFFFFFF80] =	vst v9;
	v8 =	vmul.f32 v7, v1  }
0x132: {  	s18 =	simm.s32 $0x6A80;
	s9 =	simm.s32 $0x4;
	v9 =	vmov s19;
	[tilespmem:s17+$0xFFFFFF90] =	vst v5;
	v7 =	vmul.f32 v10, v1;
	v5 =	vld [tilespmem:s17+$0x10]  }
.LBB2_9:
0x133: {  	p0 =	slt.u32 s9, $0x62;
	v9 =	vand.u32 $0xFFFFFFFE, v9;
	s20 =	sadd.s32 $0x1, s19;
	[tilespmem:s17+$0xFFFFFFA0] =	vst v8;
	v4 =	vmul.f32 v4, v1;
	v8 =	vld [tilespmem:s17+$0x20];
	s19 =	smov.u32 s9  }
0x134: {  	v9 =	vbroadcast v9, $0x0;
	v10 =	vmov s20;
	[tilespmem:s17+$0xFFFFFFB0] =	vst v7;
	v3 =	vmul.f32 v3, v1;
	v7 =	vld [tilespmem:s17+$0x30]  }
0x135: {  	[tilespmem:s17+$0xFFFFFFC0] =	vst v4;
	v1 =	vmul.f32 v2, v1;
	v2 =	vld [tilespmem:s17+$0x40]  }
0x136: {  	[tilespmem:s17+$0xFFFFFFD0] =	vst v3;
	v3 =	vmul.f32 v6, v0;
	v4 =	vld [tilespmem:s17+$0x50]  }
0x137: {  	[tilespmem:s17+$0xFFFFFFE0] =	vst v1;
	v1 =	vmul.f32 v5, v0;
	v5 =	vld [tilespmem:s17+$0x60]  }
0x138: {  	[tilespmem:s17+$0x0] =	vst v3;
	v3 =	vmul.f32 v8, v0;
	v6 =	vld [tilespmem:s17+$0x70]  }
0x139: {  	v8 =	vld.idx.msk [tilespmem:v10+s31+$0x0], $0xffff;
	[tilespmem:s17+$0x10] =	vst v1;
	v7 =	vmul.f32 v7, v0  }
0x13a: {  	s17 =	sadd.s32 $0x100, s17;
	v1 =	vld.idx.msk [tilespmem:v9+s31+$0x0], $0xffff;
	[tilespmem:s18+$0x20] =	vst v3;
	v2 =	vmul.f32 v2, v0  }
0x13b: {  	v3 =	vld [tilespmem:s17+$0xFFFFFFF0];
	[tilespmem:s18+$0x30] =	vst v7;
	v4 =	vmul.f32 v4, v0  }
0x13c: {  	v7 =	vld [tilespmem:s17+$0xFFFFFF80];
	[tilespmem:s18+$0x40] =	vst v2;
	v2 =	vmul.f32 v5, v0  }
0x13d: {  	v5 =	vld [tilespmem:s17+$0xFFFFFF90];
	[tilespmem:s18+$0x50] =	vst v4;
	v4 =	vmul.f32 v6, v0  }
0x13e: {  	v6 =	vld [tilespmem:s17+$0xFFFFFFA0];
	[tilespmem:s18+$0x60] =	vst v2  }
0x13f: {  	v0 =	vmov v8;
	v10 =	vld [tilespmem:s17+$0xFFFFFFB0];
	[tilespmem:s18+$0x70] =	vst v4;
	s18 =	smov.u32 s17  }
.Ltmp3:
0x140: {  	v4 =	vld [tilespmem:s17+$0xFFFFFFC0];
	v8 =	vmul.f32 v3, v1;
	(pc) =	sbr.rel @p0 .LBB2_9-.Ltmp3, $4  }
0x141: {  	v7 =	vmul.f32 v7, v1;
	v3 =	vld [tilespmem:s17+$0xFFFFFFD0]  }
0x142: {  	v5 =	vmul.f32 v5, v1;
	v2 =	vld [tilespmem:s17+$0xFFFFFFE0];
	[tilespmem:s17+$0xFFFFFFF0] =	vst v8  }
0x143: {  	[tilespmem:s17+$0xFFFFFF80] =	vst v7;
	v8 =	vmul.f32 v6, v1;
	v6 =	vld [tilespmem:s17+$0x0]  }
0x144: {  	s9 =	sadd.s32 $0x2, s9;
	v9 =	vmov s19;
	[tilespmem:s17+$0xFFFFFF90] =	vst v5;
	v7 =	vmul.f32 v10, v1;
	v5 =	vld [tilespmem:s17+$0x10]  }
0x145: {  	v10 =	vld [tilespmem:s17+$0x20]  }
0x146: {  	v11 =	vld [tilespmem:s17+$0x30]  }
0x147: {  	s9 =	sadd.s32 $0x1, s19;
	v13 =	vld [tilespmem:s17+$0x40];
	[tilespmem:s17+$0xFFFFFFA0] =	vst v8;
	v4 =	vmul.f32 v4, v1  }
0x148: {  	v22 =	vld [tilespmem:s17+$0x50];
	v12 =	vmov s9;
	[tilespmem:s17+$0xFFFFFFB0] =	vst v7;
	v3 =	vmul.f32 v3, v1  }
0x149: {  	v23 =	vld [tilespmem:s17+$0x60];
	[tilespmem:s17+$0xFFFFFFC0] =	vst v4;
	v24 =	vmul.f32 v2, v1  }
0x14a: {  	v25 =	vld [tilespmem:s17+$0x70];
	s21 =	sadd.s32 $0x100, s17;
	v6 =	vmul.f32 v6, v0;
	[tilespmem:s17+$0xFFFFFFD0] =	vst v3  }
0x14b: {  	v31 =	vld [tilespmem:s21+$0xFFFFFFF0];
	v26 =	vmul.f32 v5, v0;
	[tilespmem:s17+$0xFFFFFFE0] =	vst v24  }
0x14c: {  	v46 =	vld [tilespmem:s21+$0x0];
	[tilespmem:s17+$0x0] =	vst v6;
	v28 =	vmul.f32 v10, v0  }
0x14d: {  	v30 =	vmul.f32 v11, v0;
	v27 =	vld.idx.msk [tilespmem:v12+s31+$0x0], $0xffff;
	[tilespmem:s17+$0x10] =	vst v26  }
0x14e: {  	v9 =	vand.u32 $0xFFFFFFFE, v9;
	v47 =	vld [tilespmem:s21+$0x10];
	v32 =	vmul.f32 v13, v0;
	[tilespmem:s18+$0x20] =	vst v28  }
0x14f: {  	v9 =	vbroadcast v9, $0x0;
	v49 =	vld [tilespmem:s21+$0x20];
	v34 =	vmul.f32 v22, v0;
	[tilespmem:s18+$0x30] =	vst v30  }
0x150: {  	v51 =	vld [tilespmem:s21+$0x30];
	v36 =	vmul.f32 v23, v0;
	[tilespmem:s18+$0x40] =	vst v32  }
0x151: {  	v53 =	vld [tilespmem:s21+$0x40];
	v38 =	vmul.f32 v25, v0;
	[tilespmem:s18+$0x50] =	vst v34  }
0x152: {  	v55 =	vld [tilespmem:s21+$0x50];
	[tilespmem:s18+$0x60] =	vst v36;
	v54 =	vmul.f32 v46, v27  }
0x153: {  	v57 =	vld [tilespmem:s21+$0x60];
	[tilespmem:s18+$0x70] =	vst v38;
	v56 =	vmul.f32 v47, v27  }
0x154: {  	v58 =	vld [tilespmem:s21+$0x70];
	v1 =	vmul.f32 v49, v27;
	[tilespmem:s21+$0x0] =	vst v54  }
0x155: {  	v29 =	vld.idx.msk [tilespmem:v9+s31+$0x0], $0xffff;
	v59 =	vmul.f32 v51, v27;
	[tilespmem:s21+$0x10] =	vst v56  }
0x156: {  	v33 =	vld [tilespmem:s21+$0xFFFFFF80];
	v60 =	vmul.f32 v53, v27;
	[tilespmem:s21+$0x20] =	vst v1  }
0x157: {  	v35 =	vld [tilespmem:s21+$0xFFFFFF90];
	v61 =	vmul.f32 v55, v27;
	[tilespmem:s21+$0x30] =	vst v59  }
0x158: {  	v37 =	vld [tilespmem:s21+$0xFFFFFFA0];
	v62 =	vmul.f32 v57, v27;
	[tilespmem:s21+$0x40] =	vst v60  }
0x159: {  	v39 =	vld [tilespmem:s21+$0xFFFFFFB0];
	v63 =	vmul.f32 v58, v27;
	[tilespmem:s21+$0x50] =	vst v61  }
0x15a: {  	v40 =	vld [tilespmem:s21+$0xFFFFFFC0];
	v41 =	vmul.f32 v31, v29;
	[tilespmem:s21+$0x60] =	vst v62  }
0x15b: {  	v43 =	vld [tilespmem:s21+$0xFFFFFFD0];
	v42 =	vmul.f32 v33, v29;
	[tilespmem:s21+$0x70] =	vst v63  }
0x15c: {  	v44 =	vld [tilespmem:s21+$0xFFFFFFE0];
	v8 =	vmul.f32 v35, v29;
	[tilespmem:s21+$0xFFFFFFF0] =	vst v41  }
0x15d: {  	v45 =	vmul.f32 v37, v29;
	[tilespmem:s21+$0xFFFFFF80] =	vst v42  }
0x15e: {  	v2 =	vmul.f32 v39, v29;
	[tilespmem:s21+$0xFFFFFF90] =	vst v8  }
0x15f: {  	v48 =	vmul.f32 v40, v29;
	[tilespmem:s21+$0xFFFFFFA0] =	vst v45  }
0x160: {  	v50 =	vmul.f32 v43, v29;
	[tilespmem:s21+$0xFFFFFFB0] =	vst v2  }
0x161: {  	s16 =	sadd.s32 $0x1, s16;
	v52 =	vmul.f32 v44, v29;
	[tilespmem:s21+$0xFFFFFFC0] =	vst v48  }
0x162: {  	p0 =	sne.s32 s16, $0x30;
	[tilespmem:s21+$0xFFFFFFD0] =	vst v50  }
.Ltmp4:
0x163: {  	[tilespmem:s21+$0xFFFFFFE0] =	vst v52;
	(pc) =	sbr.rel @p0 .LBB2_6-.Ltmp4, $4  }
0x164: {  	_ =	swait.ge [sflag:s12], $0x80  }
0x165: {  	[sflag:s12] =	ssyncset.done $0x0  }
0x166: {  	[sflag:s12] =	ssyncadd.s32 $0xFFFFFF80  }
0x167: {  	[spmem:s3] =	stream.indirect.scatter.add.f32 [tilespmem:s29], [sflag:$0x8], $0x80, s30, s23, $0xb8;
	[tilespmem:$0x1DE00] =	vst v63  }
0x168: {  	_ =	swait.ge [sflag:s13], $0x3200  }
0x169: {  	[sflag:s13] =	ssyncset.done $0x0  }
0x16a: {  	s9 =	simm.s32 $0x3180;
	[sflag:s13] =	ssyncadd.s32 $0xFFFFCE00  }
0x16b: {  	[tilespmem:s29], [sflag:$0x6] =	stream.indirect.gather [hbm4b:s1+s23], $0x80, s9, s23, $0xb8;
	[tilespmem:$0x1DE00] =	vst v63  }
0x16c: {  	s19 =	simm.s32 $0x0;
	s15 =	rddreg [dreg:$0xd]  }
0x16d: {  	[tilespmem:s30], [sflag:$0x2] =	stream.linear.gather [hbm4b:s15+s19], $0x80, $0x38;
	[tilespmem:$0x1DE00] =	vst v63  }
0x16e: {  	v0 =	vmov s19;
	s20 =	rddreg [dreg:$0xe]  }
0x16f: {  	v0 =	vand.u32 $0xFFFFFFFE, v0;
	[tilespmem:s31], [sflag:$0x4] =	stream.linear.gather [hbm4b:s20+s19], $0x80, $0x38;
	[tilespmem:$0x1DE00] =	vst v63  }
0x170: {  	v0 =	vbroadcast v0, $0x0;
	_ =	swait.ge [sflag:s2], $0x3200  }
0x171: {  	[sflag:s2] =	ssyncset.done $0x0  }
0x172: {  	[sflag:s2] =	ssyncadd.s32 $0xFFFFCE00  }
0x173: {  	_ =	swait.ge [sflag:s0], $0x80  }
0x174: {  	[sflag:s0] =	ssyncset.done $0x0  }
0x175: {  	[sflag:s0] =	ssyncadd.s32 $0xFFFFFF80  }
0x176: {  	s15 =	simm.s32 $0x3680;
	v1 =	vld.idx.msk [tilespmem:v0+s26+$0x0], $0xffff  }
0x177: {  	v0 =	vld [tilespmem:s15+$0xFFFFFFF0]  }
0x178: {  	v2 =	vld [tilespmem:s15+$0xFFFFFF80]  }
0x179: {  	s21 =	simm.s32 $0x1;
	v5 =	vld [tilespmem:s15+$0xFFFFFF90]  }
0x17a: {  	v6 =	vmov s21;
	v7 =	vld [tilespmem:s15+$0xFFFFFFA0]  }
0x17b: {  	v10 =	vld [tilespmem:s15+$0xFFFFFFB0]  }
0x17c: {  	v4 =	vld [tilespmem:s15+$0xFFFFFFC0]  }
0x17d: {  	v3 =	vld [tilespmem:s15+$0xFFFFFFD0];
	v8 =	vmul.f32 v0, v1  }
0x17e: {  	v9 =	vmul.f32 v2, v1;
	v2 =	vld [tilespmem:s15+$0xFFFFFFE0]  }
0x17f: {  	v0 =	vld.idx.msk [tilespmem:v6+s26+$0x0], $0xffff;
	v5 =	vmul.f32 v5, v1;
	[tilespmem:s15+$0xFFFFFFF0] =	vst v8  }
0x180: {  	s17 =	simm.s32 $0x2;
	v6 =	vld [tilespmem:s15+$0x0];
	[tilespmem:s15+$0xFFFFFF80] =	vst v9;
	v8 =	vmul.f32 v7, v1  }
0x181: {  	s16 =	simm.s32 $0x3680;
	s9 =	simm.s32 $0x4;
	v9 =	vmov s17;
	[tilespmem:s15+$0xFFFFFF90] =	vst v5;
	v7 =	vmul.f32 v10, v1;
	v5 =	vld [tilespmem:s15+$0x10]  }
.LBB2_12:
0x182: {  	p0 =	slt.u32 s9, $0x62;
	v9 =	vand.u32 $0xFFFFFFFE, v9;
	s18 =	sadd.s32 $0x1, s17;
	[tilespmem:s15+$0xFFFFFFA0] =	vst v8;
	v4 =	vmul.f32 v4, v1;
	v8 =	vld [tilespmem:s15+$0x20];
	s17 =	smov.u32 s9  }
0x183: {  	v9 =	vbroadcast v9, $0x0;
	v10 =	vmov s18;
	[tilespmem:s15+$0xFFFFFFB0] =	vst v7;
	v3 =	vmul.f32 v3, v1;
	v7 =	vld [tilespmem:s15+$0x30]  }
0x184: {  	[tilespmem:s15+$0xFFFFFFC0] =	vst v4;
	v1 =	vmul.f32 v2, v1;
	v2 =	vld [tilespmem:s15+$0x40]  }
0x185: {  	[tilespmem:s15+$0xFFFFFFD0] =	vst v3;
	v3 =	vmul.f32 v6, v0;
	v4 =	vld [tilespmem:s15+$0x50]  }
0x186: {  	[tilespmem:s15+$0xFFFFFFE0] =	vst v1;
	v1 =	vmul.f32 v5, v0;
	v5 =	vld [tilespmem:s15+$0x60]  }
0x187: {  	[tilespmem:s15+$0x0] =	vst v3;
	v3 =	vmul.f32 v8, v0;
	v6 =	vld [tilespmem:s15+$0x70]  }
0x188: {  	v8 =	vld.idx.msk [tilespmem:v10+s26+$0x0], $0xffff;
	[tilespmem:s15+$0x10] =	vst v1;
	v7 =	vmul.f32 v7, v0  }
0x189: {  	s15 =	sadd.s32 $0x100, s15;
	v1 =	vld.idx.msk [tilespmem:v9+s26+$0x0], $0xffff;
	[tilespmem:s16+$0x20] =	vst v3;
	v2 =	vmul.f32 v2, v0  }
0x18a: {  	v3 =	vld [tilespmem:s15+$0xFFFFFFF0];
	[tilespmem:s16+$0x30] =	vst v7;
	v4 =	vmul.f32 v4, v0  }
0x18b: {  	v7 =	vld [tilespmem:s15+$0xFFFFFF80];
	[tilespmem:s16+$0x40] =	vst v2;
	v2 =	vmul.f32 v5, v0  }
0x18c: {  	v5 =	vld [tilespmem:s15+$0xFFFFFF90];
	[tilespmem:s16+$0x50] =	vst v4;
	v4 =	vmul.f32 v6, v0  }
0x18d: {  	v6 =	vld [tilespmem:s15+$0xFFFFFFA0];
	[tilespmem:s16+$0x60] =	vst v2  }
0x18e: {  	v0 =	vmov v8;
	v10 =	vld [tilespmem:s15+$0xFFFFFFB0];
	[tilespmem:s16+$0x70] =	vst v4;
	s16 =	smov.u32 s15  }
.Ltmp5:
0x18f: {  	v4 =	vld [tilespmem:s15+$0xFFFFFFC0];
	v8 =	vmul.f32 v3, v1;
	(pc) =	sbr.rel @p0 .LBB2_12-.Ltmp5, $4  }
0x190: {  	v7 =	vmul.f32 v7, v1;
	v3 =	vld [tilespmem:s15+$0xFFFFFFD0]  }
0x191: {  	v5 =	vmul.f32 v5, v1;
	v2 =	vld [tilespmem:s15+$0xFFFFFFE0];
	[tilespmem:s15+$0xFFFFFFF0] =	vst v8  }
0x192: {  	[tilespmem:s15+$0xFFFFFF80] =	vst v7;
	v8 =	vmul.f32 v6, v1;
	v6 =	vld [tilespmem:s15+$0x0]  }
0x193: {  	s9 =	sadd.s32 $0x2, s9;
	v9 =	vmov s17;
	[tilespmem:s15+$0xFFFFFF90] =	vst v5;
	v7 =	vmul.f32 v10, v1;
	v5 =	vld [tilespmem:s15+$0x10]  }
0x194: {  	v10 =	vld [tilespmem:s15+$0x20]  }
0x195: {  	v9 =	vand.u32 $0xFFFFFFFE, v9;
	s9 =	sadd.s32 $0x1, s17;
	v11 =	vld [tilespmem:s15+$0x30]  }
0x196: {  	v13 =	vld [tilespmem:s15+$0x40];
	[tilespmem:s15+$0xFFFFFFA0] =	vst v8;
	v4 =	vmul.f32 v4, v1;
	v9 =	vbroadcast v9, $0x0;
	v12 =	vmov s9  }
0x197: {  	v8 =	vld [tilespmem:s15+$0x50];
	[tilespmem:s15+$0xFFFFFFB0] =	vst v7;
	v3 =	vmul.f32 v3, v1  }
0x198: {  	v7 =	vld [tilespmem:s15+$0x60];
	[tilespmem:s15+$0xFFFFFFC0] =	vst v4;
	v6 =	vmul.f32 v6, v0  }
0x199: {  	s19 =	sadd.s32 $0x100, s15;
	v1 =	vmul.f32 v2, v1;
	v2 =	vld [tilespmem:s15+$0x70];
	[tilespmem:s15+$0xFFFFFFD0] =	vst v3  }
0x19a: {  	v3 =	vmul.f32 v5, v0;
	[tilespmem:s15+$0x0] =	vst v6;
	v6 =	vld [tilespmem:s19+$0xFFFFFFF0]  }
0x19b: {  	[tilespmem:s15+$0xFFFFFFE0] =	vst v1;
	v1 =	vmul.f32 v10, v0;
	v4 =	vld.idx.msk [tilespmem:v12+s26+$0x0], $0xffff  }
0x19c: {  	[tilespmem:s15+$0x10] =	vst v3;
	v3 =	vmul.f32 v11, v0;
	v5 =	vld.idx.msk [tilespmem:v9+s26+$0x0], $0xffff  }
0x19d: {  	[tilespmem:s16+$0x20] =	vst v1;
	v1 =	vmul.f32 v13, v0;
	v9 =	vld [tilespmem:s19+$0xFFFFFF80]  }
0x19e: {  	[tilespmem:s16+$0x30] =	vst v3;
	v3 =	vmul.f32 v8, v0;
	v8 =	vld [tilespmem:s19+$0xFFFFFF90]  }
0x19f: {  	[tilespmem:s16+$0x40] =	vst v1;
	v1 =	vmul.f32 v7, v0;
	v7 =	vld [tilespmem:s19+$0xFFFFFFA0]  }
0x1a0: {  	v0 =	vmul.f32 v2, v0;
	v2 =	vld [tilespmem:s19+$0xFFFFFFB0];
	[tilespmem:s16+$0x50] =	vst v3  }
0x1a1: {  	[tilespmem:s16+$0x60] =	vst v1;
	v1 =	vld [tilespmem:s19+$0xFFFFFFC0];
	v3 =	vmul.f32 v6, v5  }
0x1a2: {  	[tilespmem:s16+$0x70] =	vst v0;
	v0 =	vmul.f32 v9, v5;
	v6 =	vld [tilespmem:s19+$0xFFFFFFD0]  }
0x1a3: {  	v9 =	vld [tilespmem:s19+$0xFFFFFFE0];
	v8 =	vmul.f32 v8, v5;
	[tilespmem:s19+$0xFFFFFFF0] =	vst v3  }
0x1a4: {  	[tilespmem:s19+$0xFFFFFF80] =	vst v0;
	v0 =	vmul.f32 v7, v5;
	v3 =	vld [tilespmem:s19+$0x0]  }
0x1a5: {  	v2 =	vmul.f32 v2, v5;
	v7 =	vld [tilespmem:s19+$0x10];
	[tilespmem:s19+$0xFFFFFF90] =	vst v8  }
0x1a6: {  	[tilespmem:s19+$0xFFFFFFA0] =	vst v0;
	v0 =	vmul.f32 v1, v5;
	v1 =	vld [tilespmem:s19+$0x20]  }
0x1a7: {  	[tilespmem:s19+$0xFFFFFFB0] =	vst v2;
	v2 =	vmul.f32 v6, v5;
	v6 =	vld [tilespmem:s19+$0x30]  }
0x1a8: {  	[tilespmem:s19+$0xFFFFFFC0] =	vst v0;
	v0 =	vmul.f32 v9, v5;
	v5 =	vld [tilespmem:s19+$0x40]  }
0x1a9: {  	[tilespmem:s19+$0xFFFFFFD0] =	vst v2;
	v2 =	vmul.f32 v3, v4;
	v3 =	vld [tilespmem:s19+$0x50]  }
0x1aa: {  	[tilespmem:s19+$0xFFFFFFE0] =	vst v0;
	v0 =	vmul.f32 v7, v4;
	v7 =	vld [tilespmem:s19+$0x60]  }
0x1ab: {  	[tilespmem:s19+$0x0] =	vst v2;
	v1 =	vmul.f32 v1, v4;
	v2 =	vld [tilespmem:s19+$0x70]  }
0x1ac: {  	[tilespmem:s19+$0x10] =	vst v0;
	v0 =	vmul.f32 v6, v4  }
0x1ad: {  	[tilespmem:s19+$0x20] =	vst v1;
	v1 =	vmul.f32 v5, v4  }
0x1ae: {  	[tilespmem:s19+$0x30] =	vst v0;
	v0 =	vmul.f32 v3, v4  }
0x1af: {  	[tilespmem:s19+$0x40] =	vst v1;
	v1 =	vmul.f32 v7, v4  }
0x1b0: {  	[tilespmem:s19+$0x50] =	vst v0;
	v0 =	vmul.f32 v2, v4  }
0x1b1: {  	[tilespmem:s19+$0x60] =	vst v1  }
0x1b2: {  	[tilespmem:s19+$0x70] =	vst v0  }
0x1b3: {  	_ =	swait.ge [sflag:s28], $0x80  }
0x1b4: {  	[sflag:s28] =	ssyncset.done $0x0  }
0x1b5: {  	[sflag:s28] =	ssyncadd.s32 $0xFFFFFF80  }
0x1b6: {  	[spmem:s3] =	stream.indirect.scatter.add.f32 [tilespmem:s24], [sflag:$0x7], $0x80, s25, s23, $0xb8;
	[tilespmem:$0x1DE00] =	vst v63  }
0x1b7: {  	s20 =	simm.s32 $0x0;
	_ =	swait.ge [sflag:s8], $0x3200  }
0x1b8: {  	v0 =	vmov s20;
	[sflag:s8] =	ssyncset.done $0x0  }
0x1b9: {  	v0 =	vand.u32 $0xFFFFFFFE, v0;
	[sflag:s8] =	ssyncadd.s32 $0xFFFFCE00  }
0x1ba: {  	v0 =	vbroadcast v0, $0x0;
	_ =	swait.ge [sflag:s10], $0x3200  }
0x1bb: {  	[sflag:s10] =	ssyncset.done $0x0  }
0x1bc: {  	[sflag:s10] =	ssyncadd.s32 $0xFFFFCE00  }
0x1bd: {  	_ =	swait.ge [sflag:s11], $0x80  }
0x1be: {  	[sflag:s11] =	ssyncset.done $0x0  }
0x1bf: {  	[sflag:s11] =	ssyncadd.s32 $0xFFFFFF80  }
0x1c0: {  	s15 =	simm.s32 $0x6A80;
	v1 =	vld.idx.msk [tilespmem:v0+s31+$0x0], $0xffff  }
0x1c1: {  	v0 =	vld [tilespmem:s15+$0xFFFFFFF0]  }
0x1c2: {  	v2 =	vld [tilespmem:s15+$0xFFFFFF80]  }
0x1c3: {  	s21 =	simm.s32 $0x1;
	v5 =	vld [tilespmem:s15+$0xFFFFFF90]  }
0x1c4: {  	v6 =	vmov s21;
	v7 =	vld [tilespmem:s15+$0xFFFFFFA0]  }
0x1c5: {  	v10 =	vld [tilespmem:s15+$0xFFFFFFB0]  }
0x1c6: {  	v4 =	vld [tilespmem:s15+$0xFFFFFFC0]  }
0x1c7: {  	v3 =	vld [tilespmem:s15+$0xFFFFFFD0];
	v8 =	vmul.f32 v0, v1  }
0x1c8: {  	v9 =	vmul.f32 v2, v1;
	v2 =	vld [tilespmem:s15+$0xFFFFFFE0]  }
0x1c9: {  	v0 =	vld.idx.msk [tilespmem:v6+s31+$0x0], $0xffff;
	v5 =	vmul.f32 v5, v1;
	[tilespmem:s15+$0xFFFFFFF0] =	vst v8  }
0x1ca: {  	s17 =	simm.s32 $0x2;
	v6 =	vld [tilespmem:s15+$0x0];
	[tilespmem:s15+$0xFFFFFF80] =	vst v9;
	v8 =	vmul.f32 v7, v1  }
0x1cb: {  	s9 =	simm.s32 $0x4;
	s16 =	simm.s32 $0x6A80;
	v9 =	vmov s17;
	[tilespmem:s15+$0xFFFFFF90] =	vst v5;
	v7 =	vmul.f32 v10, v1;
	v5 =	vld [tilespmem:s15+$0x10]  }
.LBB2_14:
0x1cc: {  	p0 =	slt.u32 s9, $0x62;
	v9 =	vand.u32 $0xFFFFFFFE, v9;
	s18 =	sadd.s32 $0x1, s17;
	[tilespmem:s15+$0xFFFFFFA0] =	vst v8;
	v4 =	vmul.f32 v4, v1;
	v8 =	vld [tilespmem:s15+$0x20];
	s17 =	smov.u32 s9  }
0x1cd: {  	v9 =	vbroadcast v9, $0x0;
	v10 =	vmov s18;
	[tilespmem:s15+$0xFFFFFFB0] =	vst v7;
	v3 =	vmul.f32 v3, v1;
	v7 =	vld [tilespmem:s15+$0x30]  }
0x1ce: {  	[tilespmem:s15+$0xFFFFFFC0] =	vst v4;
	v1 =	vmul.f32 v2, v1;
	v2 =	vld [tilespmem:s15+$0x40]  }
0x1cf: {  	[tilespmem:s15+$0xFFFFFFD0] =	vst v3;
	v3 =	vmul.f32 v6, v0;
	v4 =	vld [tilespmem:s15+$0x50]  }
0x1d0: {  	[tilespmem:s15+$0xFFFFFFE0] =	vst v1;
	v1 =	vmul.f32 v5, v0;
	v5 =	vld [tilespmem:s15+$0x60]  }
0x1d1: {  	[tilespmem:s15+$0x0] =	vst v3;
	v3 =	vmul.f32 v8, v0;
	v6 =	vld [tilespmem:s15+$0x70]  }
0x1d2: {  	v8 =	vld.idx.msk [tilespmem:v10+s31+$0x0], $0xffff;
	[tilespmem:s15+$0x10] =	vst v1;
	v7 =	vmul.f32 v7, v0  }
0x1d3: {  	s15 =	sadd.s32 $0x100, s15;
	v1 =	vld.idx.msk [tilespmem:v9+s31+$0x0], $0xffff;
	[tilespmem:s16+$0x20] =	vst v3;
	v2 =	vmul.f32 v2, v0  }
0x1d4: {  	v3 =	vld [tilespmem:s15+$0xFFFFFFF0];
	[tilespmem:s16+$0x30] =	vst v7;
	v4 =	vmul.f32 v4, v0  }
0x1d5: {  	v7 =	vld [tilespmem:s15+$0xFFFFFF80];
	[tilespmem:s16+$0x40] =	vst v2;
	v2 =	vmul.f32 v5, v0  }
0x1d6: {  	v5 =	vld [tilespmem:s15+$0xFFFFFF90];
	[tilespmem:s16+$0x50] =	vst v4;
	v4 =	vmul.f32 v6, v0  }
0x1d7: {  	v6 =	vld [tilespmem:s15+$0xFFFFFFA0];
	[tilespmem:s16+$0x60] =	vst v2  }
0x1d8: {  	v0 =	vmov v8;
	v10 =	vld [tilespmem:s15+$0xFFFFFFB0];
	[tilespmem:s16+$0x70] =	vst v4;
	s16 =	smov.u32 s15  }
.Ltmp6:
0x1d9: {  	v4 =	vld [tilespmem:s15+$0xFFFFFFC0];
	v8 =	vmul.f32 v3, v1;
	(pc) =	sbr.rel @p0 .LBB2_14-.Ltmp6, $4  }
0x1da: {  	v7 =	vmul.f32 v7, v1;
	v3 =	vld [tilespmem:s15+$0xFFFFFFD0]  }
0x1db: {  	v5 =	vmul.f32 v5, v1;
	v2 =	vld [tilespmem:s15+$0xFFFFFFE0];
	[tilespmem:s15+$0xFFFFFFF0] =	vst v8  }
0x1dc: {  	[tilespmem:s15+$0xFFFFFF80] =	vst v7;
	v8 =	vmul.f32 v6, v1;
	v6 =	vld [tilespmem:s15+$0x0]  }
0x1dd: {  	s9 =	sadd.s32 $0x2, s9;
	v9 =	vmov s17;
	[tilespmem:s15+$0xFFFFFF90] =	vst v5;
	v7 =	vmul.f32 v10, v1;
	v5 =	vld [tilespmem:s15+$0x10]  }
0x1de: {  	v10 =	vld [tilespmem:s15+$0x20]  }
0x1df: {  	v11 =	vld [tilespmem:s15+$0x30]  }
0x1e0: {  	s9 =	sadd.s32 $0x1, s17;
	v13 =	vld [tilespmem:s15+$0x40];
	[tilespmem:s15+$0xFFFFFFA0] =	vst v8;
	v4 =	vmul.f32 v4, v1  }
0x1e1: {  	v22 =	vld [tilespmem:s15+$0x50];
	v12 =	vmov s9;
	[tilespmem:s15+$0xFFFFFFB0] =	vst v7;
	v3 =	vmul.f32 v3, v1  }
0x1e2: {  	v23 =	vld [tilespmem:s15+$0x60];
	[tilespmem:s15+$0xFFFFFFC0] =	vst v4;
	v24 =	vmul.f32 v2, v1  }
0x1e3: {  	v25 =	vld [tilespmem:s15+$0x70];
	s19 =	sadd.s32 $0x100, s15;
	v6 =	vmul.f32 v6, v0;
	[tilespmem:s15+$0xFFFFFFD0] =	vst v3  }
0x1e4: {  	v31 =	vld [tilespmem:s19+$0xFFFFFFF0];
	v26 =	vmul.f32 v5, v0;
	[tilespmem:s15+$0xFFFFFFE0] =	vst v24  }
0x1e5: {  	v46 =	vld [tilespmem:s19+$0x0];
	[tilespmem:s15+$0x0] =	vst v6;
	v28 =	vmul.f32 v10, v0  }
0x1e6: {  	v30 =	vmul.f32 v11, v0;
	v27 =	vld.idx.msk [tilespmem:v12+s31+$0x0], $0xffff;
	[tilespmem:s15+$0x10] =	vst v26  }
0x1e7: {  	v9 =	vand.u32 $0xFFFFFFFE, v9;
	v47 =	vld [tilespmem:s19+$0x10];
	v32 =	vmul.f32 v13, v0;
	[tilespmem:s16+$0x20] =	vst v28  }
0x1e8: {  	v9 =	vbroadcast v9, $0x0;
	v49 =	vld [tilespmem:s19+$0x20];
	v34 =	vmul.f32 v22, v0;
	[tilespmem:s16+$0x30] =	vst v30  }
0x1e9: {  	v51 =	vld [tilespmem:s19+$0x30];
	v36 =	vmul.f32 v23, v0;
	[tilespmem:s16+$0x40] =	vst v32  }
0x1ea: {  	v53 =	vld [tilespmem:s19+$0x40];
	v38 =	vmul.f32 v25, v0;
	[tilespmem:s16+$0x50] =	vst v34  }
0x1eb: {  	v55 =	vld [tilespmem:s19+$0x50];
	[tilespmem:s16+$0x60] =	vst v36;
	v54 =	vmul.f32 v46, v27  }
0x1ec: {  	v57 =	vld [tilespmem:s19+$0x60];
	[tilespmem:s16+$0x70] =	vst v38;
	v56 =	vmul.f32 v47, v27  }
0x1ed: {  	v58 =	vld [tilespmem:s19+$0x70];
	v1 =	vmul.f32 v49, v27;
	[tilespmem:s19+$0x0] =	vst v54  }
0x1ee: {  	v29 =	vld.idx.msk [tilespmem:v9+s31+$0x0], $0xffff;
	v59 =	vmul.f32 v51, v27;
	[tilespmem:s19+$0x10] =	vst v56  }
0x1ef: {  	v33 =	vld [tilespmem:s19+$0xFFFFFF80];
	v60 =	vmul.f32 v53, v27;
	[tilespmem:s19+$0x20] =	vst v1  }
0x1f0: {  	v35 =	vld [tilespmem:s19+$0xFFFFFF90];
	v61 =	vmul.f32 v55, v27;
	[tilespmem:s19+$0x30] =	vst v59  }
0x1f1: {  	v37 =	vld [tilespmem:s19+$0xFFFFFFA0];
	v62 =	vmul.f32 v57, v27;
	[tilespmem:s19+$0x40] =	vst v60  }
0x1f2: {  	v39 =	vld [tilespmem:s19+$0xFFFFFFB0];
	v63 =	vmul.f32 v58, v27;
	[tilespmem:s19+$0x50] =	vst v61  }
0x1f3: {  	v40 =	vld [tilespmem:s19+$0xFFFFFFC0];
	v41 =	vmul.f32 v31, v29;
	[tilespmem:s19+$0x60] =	vst v62  }
0x1f4: {  	v43 =	vld [tilespmem:s19+$0xFFFFFFD0];
	v42 =	vmul.f32 v33, v29;
	[tilespmem:s19+$0x70] =	vst v63  }
0x1f5: {  	v44 =	vld [tilespmem:s19+$0xFFFFFFE0];
	v8 =	vmul.f32 v35, v29;
	[tilespmem:s19+$0xFFFFFFF0] =	vst v41  }
0x1f6: {  	v45 =	vmul.f32 v37, v29;
	[tilespmem:s19+$0xFFFFFF80] =	vst v42  }
0x1f7: {  	v2 =	vmul.f32 v39, v29;
	[tilespmem:s19+$0xFFFFFF90] =	vst v8  }
0x1f8: {  	v48 =	vmul.f32 v40, v29;
	[tilespmem:s19+$0xFFFFFFA0] =	vst v45  }
0x1f9: {  	v50 =	vmul.f32 v43, v29;
	[tilespmem:s19+$0xFFFFFFB0] =	vst v2  }
0x1fa: {  	v52 =	vmul.f32 v44, v29;
	[tilespmem:s19+$0xFFFFFFC0] =	vst v48  }
0x1fb: {  	[tilespmem:s19+$0xFFFFFFD0] =	vst v50  }
0x1fc: {  	[tilespmem:s19+$0xFFFFFFE0] =	vst v52  }
0x1fd: {  	_ =	swait.ge [sflag:s12], $0x80  }
0x1fe: {  	[sflag:s12] =	ssyncset.done $0x0  }
0x1ff: {  	[sflag:s12] =	ssyncadd.s32 $0xFFFFFF80  }
0x200: {  	[spmem:s3] =	stream.indirect.scatter.add.f32 [tilespmem:s29], [sflag:$0x8], $0x80, s30, s23, $0xb8;
	[tilespmem:$0x1DE00] =	vst v63  }
0x201: {  	_ =	swait.ge [sflag:s13], $0x3200  }
0x202: {  	[sflag:s13] =	ssyncset.done $0x0  }
0x203: {  	[sflag:s13] =	ssyncadd.s32 $0xFFFFCE00  }
0x204: {  	[bflag:$0x0] =	sbarrier.arrive $0xFFFF  }
0x205: {  	s15 =	rddreg [dreg:$0x5]  }
0x206: {  	s20 =	rddreg [dreg:$0xf]  }
0x207: {  	s16 =	rddreg [dreg:$0x11]  }
0x208: {  	[hbm:s20], [sflag:s15] =	dma.local [spmem:s16], $0x2800  }
0x209: {  	_ =	swait.ge [sflag:s22], $0x2800  }
0x20a: {  	s14 =	sadd.s32 $0x1, s14;
	s21 =	rddreg [dreg:$0x10]  }
0x20b: {  	p0 =	sne.s32 s14, s21  }
.Ltmp7:
0x20c: {  	_ = 	snop;
	(pc) =	sbr.rel @p0 .LBB2_1-.Ltmp7, $3  }
0x20d: {  	_ =	sdelay $0x1  }
0x20e: {  	[sflag:s22] =	ssyncset.done $0x0  }
0x20f: {  	[sflag:s22] =	ssyncadd.s32 $0xFFFFD800  }
0x210: {  	_ =	sfence.sel $0x180000  }
0x211: {  	[bflag:$0x0] =	sbarrier.arrive $0xFFFF  }
0x212: {  	_ =	strace $0x9000004D  }
0x213: {  	s0 =	stileid.u32;
	[bflag:$0x2] =	sbarrier.arrive $0xFFFF  }
0x214: {  	p0 =	sne.s32 s0, $0x0;
	s0 =	rddreg [dreg:$0x3]  }
0x215: {  	s0 =	sadd.s32 @!p0 $0x100000, s0  }
0x216: {  	[sflag:s0] =	ssyncadd.tile.s32 @!p0 $0x1;
	_ =	shalt  }
.Lfunc_end2:
_tile_overlayer_lowered:
.L_overlay_start_2:
0x217: {  	(tag) =	ssettag $0x2  }
0x218: {  	s0 =	rddreg [dreg:$0x0];
	s2 =	stileid.u32  }
0x219: {  	s1 =	rddreg [dreg:$0x1];
	p0 =	sne.s32 s2, $0x0  }
0x21a: {  	s3 =	rddreg [dreg:$0x2];
	[bflag:$0x3] =	sbarrier.arrive $0xFFFF;
	s2 =	simm.s32 @!p0 $0x1C09  }
0x21b: {  	[timem:s3], [sflag:s2] =	dma.local @!p0 [hbm:s0], s1  }
0x21c: {  	s0 =	simm.s32 @!p0 $0x9  }
0x21d: {  	_ =	swait.ge @!p0 [sflag:s0], s1  }
0x21e: {  	s1 =	ssub.s32 @!p0 $0x0, s1;
	[sflag:s0] =	ssyncset.done @!p0 $0x0  }
0x21f: {  	[sflag:s0] =	ssyncadd.s32 @!p0 s1  }
0x220: {  	[bflag:$0x3] =	sbarrier.arrive $0xFFFF  }
0x221: {  	_ =	shalt  }

// kernel: kernel.8.cloned.1.call-start
scs
__scs_entry_jumppad:
0x0: {  	(pc) =	sbr.rel $0x88, $3  }
0x1: {  	(tag) =	ssettag $0x0;
	lr =	simm.s32 $0x1  }
0x2: {  	[smem:$0x3F99] =	sst lr;
	_ =	strace $0xD0000000  }
0x3: {  	_ = 	snop  }
0x4: {  	_ = 	snop  }
0x5: {  	_ = 	snop  }
0x6: {  	_ = 	snop  }
0x7: {  	_ = 	snop  }
__scs_overlays_trampoline_lowered:
0x8: {  	[smem:$0x3FA8] =	sst s0  }
0x9: {  	[smem:$0x3FA9] =	sst s1  }
0xa: {  	[smem:$0x3FAA] =	sst s2  }
0xb: {  	[smem:$0x3FAB] =	sst s3  }
0xc: {  	[smem:$0x3FAC] =	sst s4  }
0xd: {  	[smem:$0x3FAD] =	sst s5  }
0xe: {  	[smem:$0x3FAE] =	sst s6  }
0xf: {  	[smem:$0x3FAF] =	sst s7  }
0x10: {  	[smem:$0x3FB0] =	sst s8  }
0x11: {  	[smem:$0x3FB1] =	sst s9;
	s0 =	simm.s32 @!p0 $0x0  }
0x12: {  	s1 =	sld [smem:$0x3F97];
	s0 =	simm.s32 @p0 $0x1  }
0x13: {  	[smem:$0x3FB2] =	sst s0;
	s0 =	simm.s32 @!p1 $0x0  }
0x14: {  	s2 =	sld [smem:$0x3F96];
	s0 =	simm.s32 @p1 $0x1  }
0x15: {  	[smem:$0x3FB3] =	sst s0;
	s0 =	simm.s32 @!p2 $0x0  }
0x16: {  	s3 =	sld [smem:$0x3FDB];
	s0 =	simm.s32 @p2 $0x1  }
0x17: {  	s4 =	simm.s32 $0x1BF5;
	[smem:$0x3FB5] =	sst s0  }
0x18: {  	s0 =	sld [smem:$0x3F98];
	_ =	swait.ge [sflag:s4], $0x0  }
0x19: {  	s7 =	sld [smem:$0x3F99]  }
0x1a: {  	s8 =	sadd.s32 $0xFFFFE003, lr  }
0x1b: {  	s9 =	sadd.s32 $0xFFFFFEF7, lr;
	s5 =	simm.s32 $0xFFFFFFFF;
	p2 =	slt.u32 s8, $0xFFFFF086  }
0x1c: {  	p1 =	slt.u32 s9, $0xF7A;
	s5 =	simm.s32 @!p2 $0x0  }
0x1d: {  	s5 =	simm.s32 @p1 $0x1;
	p0 =	seq.s32 s7, s2  }
0x1e: {  	s7 =	smul.u32 @!p0 $0xF7A, s2;
	p2 =	seq.s32 @!p0 s5, $0x0  }
0x1f: {  	s9 =	smul.u32 $0xF7A, s1;
	s8 =	simm.s32 @!p0 $0x1BF5;
	p2 =	por !p2, p0  }
0x20: {  	[sflag:s8] =	ssyncset.s32 @!p0 $0xFFFFF086;
	s6 =	sadd.s32 @!p0 s3, s7;
	s7 =	simm.s32 @!p0 $0x108  }
0x21: {  	s3 =	sadd.s32 s3, s9;
	s6 =	sadd.s32 @!p0 $0x88, s6;
	s7 =	simm.s32 @p2 $0x1082  }
0x22: {  	[simem:s7], [sflag:s8] =	dma.local @!p0 [hbm:s6], $0xF7A  }
0x23: {  	s9 =	sor.u32 $0xD0000000, s2;
	s6 =	simm.s32 $0x108;
	_ =	swait.ge @!p0 [sflag:s8], $0x0  }
0x24: {  	s3 =	sadd.s32 $0x88, s3;
	s6 =	simm.s32 @!p1 $0x1082;
	[sflag:s4] =	ssyncset.s32 $0xFFFFF086  }
0x25: {  	[simem:s6], [sflag:s4] =	dma.local [hbm:s3], $0xF7A  }
0x26: {  	[smem:$0x3F99] =	sst s1;
	(tag) =	ssettag s2;
	_ =	strace s9  }
0x27: {  	s1 =	sld [smem:$0x3FA9]  }
0x28: {  	s2 =	sld [smem:$0x3FAA]  }
0x29: {  	s4 =	sld [smem:$0x3FAC]  }
0x2a: {  	p0 =	seq.s32 s5, $0x0;
	s5 =	sld [smem:$0x3FAD]  }
0x2b: {  	s6 =	sld [smem:$0x3FAE]  }
0x2c: {  	s7 =	sld [smem:$0x3FAF]  }
0x2d: {  	s3 =	simm.s32 $0x108;
	s8 =	sld [smem:$0x3FB0]  }
0x2e: {  	s3 =	simm.s32 @!p0 $0x1082;
	s9 =	sld [smem:$0x3FB1]  }
0x2f: {  	lr =	sadd.s32 s0, s3;
	s0 =	sld [smem:$0x3FA8]  }
0x30: {  	s3 =	sld [smem:$0x3FAB]  }
0x31: {  	[smem:$0x3FB4] =	sst s10  }
0x32: {  	s10 =	sld [smem:$0x3FB2];
	_ =	sdelay $0x3  }
0x33: {  	p0 =	seq.s32 s10, $0x1;
	s10 =	sld [smem:$0x3FB4];
	_ =	sdelay $0x3  }
0x34: {  	[smem:$0x3FB4] =	sst s10  }
0x35: {  	s10 =	sld [smem:$0x3FB3];
	_ =	sdelay $0x3  }
0x36: {  	p1 =	seq.s32 s10, $0x1;
	s10 =	sld [smem:$0x3FB4];
	_ =	sdelay $0x3  }
0x37: {  	[smem:$0x3FB4] =	sst s10  }
0x38: {  	s10 =	sld [smem:$0x3FB5]  }
0x39: {  	_ = 	snop;
	(pc) =	sbr.ind lr, $3  }
0x3a: {  	_ = 	snop  }
0x3b: {  	_ = 	snop  }
0x3c: {  	p2 =	seq.s32 s10, $0x1;
	s10 =	sld [smem:$0x3FB4]  }
0x3d: {  	_ =	shalt  }
0x3e: {  	_ =	shalt  }
0x3f: {  	_ =	shalt  }
0x40: {  	_ =	shalt  }
0x41: {  	_ =	shalt  }
0x42: {  	_ =	shalt  }
0x43: {  	_ =	shalt  }
0x44: {  	_ =	shalt  }
0x45: {  	_ =	shalt  }
0x46: {  	_ =	shalt  }
0x47: {  	_ =	shalt  }
0x48: {  	_ =	shalt  }
0x49: {  	_ =	shalt  }
0x4a: {  	_ =	shalt  }
0x4b: {  	_ =	shalt  }
0x4c: {  	_ =	shalt  }
0x4d: {  	_ =	shalt  }
0x4e: {  	_ =	shalt  }
0x4f: {  	_ =	shalt  }
0x50: {  	_ =	shalt  }
0x51: {  	_ =	shalt  }
0x52: {  	_ =	shalt  }
0x53: {  	_ =	shalt  }
0x54: {  	_ =	shalt  }
0x55: {  	_ =	shalt  }
0x56: {  	_ =	shalt  }
0x57: {  	_ =	shalt  }
0x58: {  	_ =	shalt  }
0x59: {  	_ =	shalt  }
0x5a: {  	_ =	shalt  }
0x5b: {  	_ =	shalt  }
0x5c: {  	_ =	shalt  }
0x5d: {  	_ =	shalt  }
0x5e: {  	_ =	shalt  }
0x5f: {  	_ =	shalt  }
0x60: {  	_ =	shalt  }
0x61: {  	_ =	shalt  }
0x62: {  	_ =	shalt  }
0x63: {  	_ =	shalt  }
0x64: {  	_ =	shalt  }
0x65: {  	_ =	shalt  }
0x66: {  	_ =	shalt  }
0x67: {  	_ =	shalt  }
0x68: {  	_ =	shalt  }
0x69: {  	_ =	shalt  }
0x6a: {  	_ =	shalt  }
0x6b: {  	_ =	shalt  }
0x6c: {  	_ =	shalt  }
0x6d: {  	_ =	shalt  }
0x6e: {  	_ =	shalt  }
0x6f: {  	_ =	shalt  }
0x70: {  	_ =	shalt  }
0x71: {  	_ =	shalt  }
0x72: {  	_ =	shalt  }
0x73: {  	_ =	shalt  }
0x74: {  	_ =	shalt  }
0x75: {  	_ =	shalt  }
0x76: {  	_ =	shalt  }
0x77: {  	_ =	shalt  }
0x78: {  	_ =	shalt  }
0x79: {  	_ =	shalt  }
0x7a: {  	_ =	shalt  }
0x7b: {  	_ =	shalt  }
0x7c: {  	_ =	shalt  }
0x7d: {  	_ =	shalt  }
0x7e: {  	_ =	shalt  }
0x7f: {  	_ =	shalt  }
0x80: {  	_ =	shalt  }
0x81: {  	_ =	shalt  }
0x82: {  	_ =	shalt  }
0x83: {  	_ =	shalt  }
0x84: {  	_ =	shalt  }
0x85: {  	_ =	shalt  }
0x86: {  	_ =	shalt  }
0x87: {  	_ =	shalt  }
.Lfunc_end0:
.L_simem_size_0:
called_computation_lowered:
.L_overlay_start_0:
0x88: {  	s2 =	sld [smem:$0x3FD9]  }
0x89: {  	s3 =	sld [smem:$0x3FFE];
	_ =	sdelay $0x1  }
0x8a: {  	s1 =	srdreg.scid  }
0x8b: {  	s0 =	sand.u32 $0x1, s1  }
0x8c: {  	s17 =	sshll.u32 s0, $0xA;
	s2 =	sadd.s32 s3, s2  }
0x8d: {  	s2 =	sadd.s32 s2, s17  }
0x8e: {  	[smem:$0x3FC0] =	sst s2  }
0x8f: {  	_ = 	snop  }
0x90: {  	s2 =	sld [smem:$0x3FD0];
	(tm) =	ssettm $0x1  }
0x91: {  	s18 =	sld [smem:$0x3FFB];
	_ =	sdelay $0x3  }
0x92: {  	_ =	strace s18  }
0x93: {  	s3 =	sld [smem:$0x3FFC];
	_ =	sdelay $0x3  }
0x94: {  	_ =	strace s3  }
0x95: {  	s3 =	sld [smem:$0x3FFD];
	_ =	sdelay $0x3  }
0x96: {  	_ =	strace s3  }
0x97: {  	_ =	strace $0x8FFFFFFF  }
0x98: {  	s19 =	sld [smem:$0x3FDB];
	_ =	sdelay $0x1  }
0x99: {  	s4 =	simm.s32 $_scs_section_size  }
0x9a: {  	s5 =	simm.s32 $_size__tile_overlayer_lowered;
	s6 =	simm.s32 $_tile_overlayer_lowered  }
0x9b: {  	s22 =	simm.s32 $0x1BFF;
	s21 =	sshll.u32 s6, $0x1;
	s3 =	sadd.s32 s4, s19  }
0x9c: {  	s7 =	simm.s32 $0x0;
	s20 =	sshll.u32 s5, $0x1;
	s5 =	sadd.s32 s21, s3  }
0x9d: {  	[timem:s7], [sflag:s22] =	dma.local [hbm:s5], s20  }
0x9e: {  	_ =	swait.ge [sflag:s22], s20  }
0x9f: {  	s4 =	ssub.s32 $0x0, s20;
	[sflag:s22] =	ssyncset.done $0x0  }
0xa0: {  	[sflag:s22] =	ssyncadd.s32 s4;
	_ =	sdelay $0x1  }
0xa1: {  	s23 =	simm.s32 $0x1B8B  }
0xa2: {  	_ =	swait.ge [sflag:s23], $0x1  }
0xa3: {  	[sflag:s23] =	ssyncset.done $0x0  }
0xa4: {  	s25 =	simm.s32 $0x1B8E;
	s24 =	sld [smem:$0x3FFE];
	[sflag:s23] =	ssyncadd.s32 $0xFFFFFFFF  }
0xa5: {  	s26 =	simm.s32 $execute0_lowered;
	[smem:$0x3FD2] =	sst s25  }
0xa6: {  	s5 =	sshll.u32 s26, $0x1;
	_ =	strace $0x80000046;
	[dreg:$0x1] =	wrdreg $0xFFFFFFFF  }
0xa7: {  	s28 =	simm.s32 $_size_execute0_lowered;
	s3 =	sadd.s32 s3, s5;
	[dreg:$0x0] =	wrdreg $0x0  }
0xa8: {  	s5 =	sshll.u32 s28, $0x1;
	[dreg:$0x2] =	wrdreg s3  }
0xa9: {  	[dreg:$0x3] =	wrdreg s5  }
0xaa: {  	[dreg:$0x4] =	wrdreg $0xC0  }
0xab: {  	_ =	task [dreg:s7], $0x5FFFF  }
0xac: {  	[dreg:$0x1] =	wrdreg $0xFFFFFFFF  }
0xad: {  	[dreg:$0x0] =	wrdreg $0x60  }
0xae: {  	[dreg:$0x2] =	wrdreg s24  }
0xaf: {  	[dreg:$0x3] =	wrdreg s2  }
0xb0: {  	[dreg:$0x4] =	wrdreg $0x9  }
0xb1: {  	_ =	task.clear_ibuf [dreg:s7], $0x5FFFF;
	_ =	strace $0x90000046  }
0xb2: {  	s29 =	simm.s32 $0x9;
	_ =	strace $0x80000048  }
0xb3: {  	_ =	swait.ge [sflag:s29], $0x1  }
0xb4: {  	[sflag:s29] =	ssyncadd.s32 $0xFFFFFFFF  }
0xb5: {  	_ =	strace $0x90000048  }
0xb6: {  	_ =	sfence  }
0xb7: {  	s30 =	sld [smem:$0x0];
	_ =	sdelay $0x2  }
0xb8: {  	s31 =	sshll.u32 s1, $0xD;
	s1 =	sshrl.u32 s1, $0x2  }
0xb9: {  	s3 =	sand.u32 $0x4000, s31;
	s1 =	sadd.s32 s1, s30  }
0xba: {  	s0 =	sor.u32 s3, s0;
	s1 =	sshll.u32 s1, $0x11  }
0xbb: {  	s0 =	sor.u32 s1, s0  }
0xbc: {  	s0 =	sadd.s32 $0x8F2B, s0  }
0xbd: {  	[sflag:s0] =	ssyncadd.remote.s32 $0x1  }
0xbe: {  	_ =	sfence.sel $0xFFFF  }
0xbf: {  	[dreg:$0x0] =	wrdreg $0xFFFFFFFF;
	(pc) =	sbr.abs _section_cstart, $3  }
0xc0: {  	[dreg:$0x1] =	wrdreg $0xFFFFFFFF  }
0xc1: {  	_ =	task.clear_ibuf [dreg:s7], $0x2FFFF;
	_ =	strace $0x9FFFFFFF  }
0xc2: {  	(tm) =	ssettm $0x7FFFFFFF  }
0xc3: {  	_ =	shalt  }
tec
execute0_lowered:
.L_overlay_start_1:
0x0: {  	(tag) =	ssettag $0x1  }
0x1: {  	s0 =	srdreg.scid;
	s5 =	rddreg [dreg:$0x0]  }
0x2: {  	s7 =	rddreg [dreg:$0x1];
	s2 =	simm.s32 $0x0;
	s3 =	sand.u32 $0x1, s0  }
0x3: {  	s10 =	simm.s32 $0x400;
	s0 =	stileid.u32;
	s1 =	sshll.u32 s3, $0x4  }
0x4: {  	s11 =	simm.s32 $0x2800;
	s12 =	simm.s32 $0x4F80;
	s1 =	sor.u32 s0, s1  }
0x5: {  	s13 =	simm.s32 $0x0;
	[smem:$0x7FF] =	sst s2;
	s4 =	sshrl.u32 s1, $0x3  }
0x6: {  	s30 =	sshll.u32 s0, $0x7;
	s9 =	ssub.s32 $0x2, s3;
	s6 =	smul.u32 $0x13C00, s4  }
0x7: {  	s3 =	sadd.s32 $0x16600, s5;
	s8 =	sand.u32 $0x380, s30;
	s4 =	smul.u32 $0x14000, s4  }
0x8: {  	s31 =	sshrl.u32 s9, $0x1;
	s1 =	rddreg [dreg:$0x2];
	s6 =	sor.u32 s8, s6  }
0x9: {  	_ =	strace $0x80000047;
	s8 =	sor.u32 s8, s4;
	s6 =	sshrl.u32 s6, $0x3  }
0xa: {  	s9 =	ssub.s32 s9, s31;
	s8 =	sshrl.u32 s8, $0x3;
	s6 =	sadd.s32 s6, s5  }
0xb: {  	s4 =	sadd.s32 $0xC800, s6;
	s5 =	sadd.s32 $0x2A00, s6;
	s6 =	sadd.s32 s7, s8  }
0xc: {  	s7 =	smax.u32 s9, $0x1;
	s8 =	simm.s32 $0x1;
	s9 =	simm.s32 $0x80  }
.LBB2_1:
0xd: {  	[tilespmem:s2], [sflag:$0x1] =	stream.linear.gather [hbm4b:s3+s2], $0x2800, $0x38;
	[tilespmem:$0x7700] =	vst v63  }
0xe: {  	_ =	swait.ge [sflag:s8], $0x2800  }
0xf: {  	[sflag:s8] =	ssyncset.done $0x0  }
0x10: {  	[sflag:s8] =	ssyncadd.s32 $0xFFFFD800  }
0x11: {  	[tilespmem:s11], [sflag:$0x1] =	stream.strided.gather [hbm4b:s4+s9], $0x2780, s10, s9, $0x38;
	[tilespmem:$0x7700] =	vst v63  }
0x12: {  	_ =	swait.ge [sflag:s8], $0x2780  }
0x13: {  	[sflag:s8] =	ssyncset.done $0x0  }
0x14: {  	[sflag:s8] =	ssyncadd.s32 $0xFFFFD880  }
0x15: {  	[tilespmem:s12], [sflag:$0x1] =	stream.strided.gather [hbm4b:s5+s9], $0x2780, s10, s9, $0x38;
	[tilespmem:$0x7700] =	vst v63  }
0x16: {  	_ =	swait.ge [sflag:s8], $0x2780  }
0x17: {  	[sflag:s8] =	ssyncset.done $0x0  }
0x18: {  	s15 =	simm.s32 $0x0;
	s14 =	simm.s32 $0x40;
	[sflag:s8] =	ssyncadd.s32 $0xFFFFD880  }
.LBB2_2:
0x19: {  	p0 =	sne.s32 s14, $0x9C00;
	v0 =	vld [tilespmem:s15+$0x2800];
	_ =	sdelay $0x2  }
0x1a: {  	v1 =	vld [tilespmem:s15+$0x4F80]  }
.Ltmp0:
0x1b: {  	(pc) =	sbr.rel @p0 .LBB2_2-.Ltmp0, $2  }
0x1c: {  	_ =	sdelay $0x2  }
0x1d: {  	s15 =	sshra.s32 s14, $0x2;
	s14 =	sadd.s32 $0x40, s14;
	[tilespmem:v0+s2+$0x0] =	vst.idx.add.f32.msk $0xffff, v1  }
0x1e: {  	v0 =	vld [tilespmem:s15+$0x2800];
	_ =	sdelay $0x2  }
0x1f: {  	v1 =	vld [tilespmem:s15+$0x4F80];
	_ =	sdelay $0x2  }
0x20: {  	s13 =	sadd.s32 $0x1, s13  }
0x21: {  	p0 =	sne.s32 s13, s7  }
.Ltmp1:
0x22: {  	[tilespmem:v0+s2+$0x0] =	vst.idx.add.f32.msk $0xffff, v1;
	(pc) =	sbr.rel @p0 .LBB2_1-.Ltmp1, $4  }
0x23: {  	[hbm4b:s6+s9] =	stream.strided.scatter [tilespmem:s2], [sflag:$0x1], $0x2800, s10, s9, $0x38;
	[tilespmem:$0x7700] =	vst v63  }
0x24: {  	_ =	swait.ge [sflag:s8], $0x2800  }
0x25: {  	[sflag:s8] =	ssyncset.done $0x0  }
0x26: {  	[sflag:s8] =	ssyncadd.s32 $0xFFFFD800  }
0x27: {  	_ =	sfence.sel $0x180000  }
0x28: {  	[bflag:$0x0] =	sbarrier.arrive $0xFFFF  }
0x29: {  	p0 =	sne.s32 s0, $0x0;
	_ =	strace $0x90000047  }
0x2a: {  	s0 =	sadd.s32 @!p0 $0x100000, s1;
	[bflag:$0x2] =	sbarrier.arrive $0xFFFF  }
0x2b: {  	[sflag:s0] =	ssyncadd.tile.s32 @!p0 $0x1;
	_ =	shalt  }
.Lfunc_end2:
_tile_overlayer_lowered:
.L_overlay_start_2:
0x2c: {  	(tag) =	ssettag $0x2  }
0x2d: {  	s0 =	rddreg [dreg:$0x0];
	s2 =	stileid.u32  }
0x2e: {  	s1 =	rddreg [dreg:$0x1];
	p0 =	sne.s32 s2, $0x0  }
0x2f: {  	s3 =	rddreg [dreg:$0x2];
	[bflag:$0x3] =	sbarrier.arrive $0xFFFF;
	s2 =	simm.s32 @!p0 $0x1C01  }
0x30: {  	[timem:s3], [sflag:s2] =	dma.local @!p0 [hbm:s0], s1  }
0x31: {  	s0 =	simm.s32 @!p0 $0x1  }
0x32: {  	_ =	swait.ge @!p0 [sflag:s0], s1  }
0x33: {  	s1 =	ssub.s32 @!p0 $0x0, s1;
	[sflag:s0] =	ssyncset.done @!p0 $0x0  }
0x34: {  	[sflag:s0] =	ssyncadd.s32 @!p0 s1  }
0x35: {  	[bflag:$0x3] =	sbarrier.arrive $0xFFFF  }
0x36: {  	_ =	shalt  }

</sc_bundles>
